<compile_context>
chip_gen: v7x
topology: tpu7x:2x2x1
jax: 0.10.2.dev20260603
libtpu: 0.0.44.dev20260713+nightly
codegen_flags: <defaults>
</compile_context>

<pallas_src>
import functools
import jax
import jax.numpy as jnp
from jax import lax
from jax.experimental import pallas as pl
from jax.experimental.pallas import tpu as pltpu
from jax.experimental.pallas import tpu_sc as plsc

B = 2
NG = 2000
NR = 10000
GE = 16
RE = 128
L = 2
E_GR = 80000
E_RR = 160000

E_GR_PAD = 81920
SUBS = 16
ROWS_PER_SUB = NR // SUBS

_MESH = plsc.VectorSubcoreMesh(core_axis_name="c", subcore_axis_name="s")


def _stripe(sub):
    start = sub * 640
    nchunks = jnp.where(sub < 15, 8, 5)
    return start, nchunks


def _zero_stripe(acc, zbuf, sub, width):
    zrows = zbuf.shape[0]

    def zloop(i, _):
        for j in range(width // 16):
            zbuf[i, pl.ds(j * 16, 16)] = jnp.zeros((16,), jnp.float32)
        return 0

    lax.fori_loop(0, zrows, zloop, 0)
    start, nchunks = _stripe(sub)

    def cp(i, _):
        pltpu.sync_copy(zbuf, acc.at[pl.ds(start + i * 80, 80)])
        return 0

    lax.fori_loop(0, nchunks, cp, 0)


def _write_stripe(acc, out_hbm, sub, row_off):
    start, nchunks = _stripe(sub)

    def cp(i, _):
        pltpu.sync_copy(acc.at[pl.ds(start + i * 80, 80)],
                        out_hbm.at[pl.ds(row_off + start + i * 80, 80)])
        return 0

    lax.fori_loop(0, nchunks, cp, 0)


def _deg_body(dst_hbm, out_hbm, dst_v, ones_v, zbuf, hist, sem):
    cidx = lax.axis_index("c")
    sub = lax.axis_index("s")
    C = 80
    nchunks = E_RR // (SUBS * C)

    _zero_stripe(hist, zbuf, sub, RE)

    def oloop(i, _):
        for j in range(RE // 16):
            ones_v[i, pl.ds(j * 16, 16)] = jnp.ones((16,), jnp.float32)
        return 0

    lax.fori_loop(0, C, oloop, 0)
    plsc.subcore_barrier()

    def chunk(i, _):
        base = sub * (E_RR // SUBS) + i * C
        pltpu.sync_copy(dst_hbm.at[pl.ds(base, C)], dst_v)
        pltpu.sync_copy(ones_v, hist.at[dst_v], add=True)
        return 0

    lax.fori_loop(0, nchunks, chunk, 0)
    plsc.subcore_barrier()
    _write_stripe(hist, out_hbm, sub, cidx * NR)


_deg_kernel = pl.kernel(
    _deg_body,
    out_type=jax.ShapeDtypeStruct((B * NR, RE), jnp.float32),
    mesh=_MESH,
    scratch_types=[
        pltpu.VMEM((80,), jnp.int32),
        pltpu.VMEM((80, RE), jnp.float32),
        pltpu.VMEM((80, RE), jnp.float32),
        pltpu.VMEM_SHARED((NR, RE), jnp.float32),
        pltpu.SemaphoreType.DMA,
    ],
)


def _rr_body(y_hbm, src_hbm, dst_hbm, out_hbm,
             src_v, dst_v, ybuf, zbuf, acc, sem):
    cidx = lax.axis_index("c")
    sub = lax.axis_index("s")
    C = 80
    nchunks = E_RR // (SUBS * C)

    _zero_stripe(acc, zbuf, sub, RE)
    plsc.subcore_barrier()

    def chunk(i, _):
        base = sub * (E_RR // SUBS) + i * C
        pltpu.sync_copy(src_hbm.at[pl.ds(cidx * E_RR + base, C)], src_v)
        pltpu.sync_copy(dst_hbm.at[pl.ds(base, C)], dst_v)
        pltpu.async_copy(y_hbm.at[src_v], ybuf, sem).wait()
        pltpu.sync_copy(ybuf, acc.at[dst_v], add=True)
        return 0

    lax.fori_loop(0, nchunks, chunk, 0)
    plsc.subcore_barrier()
    _write_stripe(acc, out_hbm, sub, cidx * NR)


_rr_kernel = pl.kernel(
    _rr_body,
    out_type=jax.ShapeDtypeStruct((B * NR, RE), jnp.float32),
    mesh=_MESH,
    scratch_types=[
        pltpu.VMEM((80,), jnp.int32),
        pltpu.VMEM((80,), jnp.int32),
        pltpu.VMEM((80, RE), jnp.float32),
        pltpu.VMEM((80, RE), jnp.float32),
        pltpu.VMEM_SHARED((NR, RE), jnp.float32),
        pltpu.SemaphoreType.DMA,
    ],
)


def _gr_body(k_hbm, q_hbm, v_hbm, kidx_hbm, qidx_hbm, dst_hbm, out_hbm,
             kidx_v, qidx_v, dst_v, kbuf, qbuf, vbuf, zbuf, acc, sem):
    cidx = lax.axis_index("c")
    sub = lax.axis_index("s")
    C = 80
    nchunks = E_GR_PAD // (SUBS * C)

    _zero_stripe(acc, zbuf, sub, RE)
    plsc.subcore_barrier()

    def chunk(i, _):
        base = sub * (E_GR_PAD // SUBS) + i * C
        pltpu.sync_copy(kidx_hbm.at[pl.ds(cidx * E_GR_PAD + base, C)], kidx_v)
        pltpu.sync_copy(qidx_hbm.at[pl.ds(cidx * E_GR_PAD + base, C)], qidx_v)
        pltpu.sync_copy(dst_hbm.at[pl.ds(base, C)], dst_v)
        cp_k = pltpu.async_copy(k_hbm.at[kidx_v], kbuf, sem)
        cp_q = pltpu.async_copy(q_hbm.at[qidx_v], qbuf, sem)
        cp_v = pltpu.async_copy(v_hbm.at[qidx_v], vbuf, sem)
        cp_k.wait()
        cp_q.wait()
        cp_v.wait()

        def edge(e, _):
            for j in range(RE // 16):
                sl = pl.ds(j * 16, 16)
                x = kbuf[e, sl] + qbuf[e, sl]
                kbuf[e, sl] = vbuf[e, sl] / (1.0 + jnp.exp(-x))
            return 0

        lax.fori_loop(0, C, edge, 0)
        pltpu.sync_copy(kbuf, acc.at[dst_v], add=True)
        return 0

    lax.fori_loop(0, nchunks, chunk, 0)
    plsc.subcore_barrier()
    _write_stripe(acc, out_hbm, sub, cidx * NR)


_gr_kernel = pl.kernel(
    _gr_body,
    out_type=jax.ShapeDtypeStruct((B * NR, RE), jnp.float32),
    mesh=_MESH,
    scratch_types=[
        pltpu.VMEM((80,), jnp.int32),
        pltpu.VMEM((80,), jnp.int32),
        pltpu.VMEM((80,), jnp.int32),
        pltpu.VMEM((80, RE), jnp.float32),
        pltpu.VMEM((80, RE), jnp.float32),
        pltpu.VMEM((80, RE), jnp.float32),
        pltpu.VMEM((80, RE), jnp.float32),
        pltpu.VMEM_SHARED((NR + 8, RE), jnp.float32),
        pltpu.SemaphoreType.DMA,
    ],
)


def _qv_body(xg_ref, wq_ref, bq_ref, wv_ref, bv_ref, q_ref, v_ref):
    x = xg_ref[...]
    for l in range(L):
        q_ref[l] = jnp.dot(x, wq_ref[l], preferred_element_type=jnp.float32) + bq_ref[l]
        v_ref[l] = jnp.dot(x, wv_ref[l], preferred_element_type=jnp.float32) + bv_ref[l]


def _qv_call(xg2, Wq, bq, Wv, bv):
    return pl.pallas_call(
        _qv_body,
        out_shape=[jax.ShapeDtypeStruct((L, B * NG, RE), jnp.float32),
                   jax.ShapeDtypeStruct((L, B * NG, RE), jnp.float32)],
    )(xg2, Wq, bq, Wv, bv)


_RB = 1000
_NBLK = (B * NR) // _RB


def _prep0_body(lw_ref, x_ref, hist_ref, wk_ref, bk_ref, wg_ref, ws_ref, bsg_ref,
                k_ref, y_ref, s_ref, dis_ref, rr_ref):
    x = x_ref[...]
    deg = hist_ref[0, :, 0:1] + 1.0
    dis = lax.rsqrt(jnp.maximum(deg, 1e-12))
    dis_ref[...] = dis
    k_ref[...] = jnp.dot(x, wk_ref[...], preferred_element_type=jnp.float32) + bk_ref[...]
    y = jnp.dot(x, wg_ref[...], preferred_element_type=jnp.float32) * dis
    y_ref[...] = y
    s_ref[...] = (jnp.dot(x, ws_ref[...], preferred_element_type=jnp.float32)
                  + bsg_ref[...] + y * dis)
    rr_ref[...] = lw_ref[0] * x


def _prep0_call(lwts, x2, hist2, Wk0, bk0, Wg0, Ws0, bsg0):
    row_spec = pl.BlockSpec((_RB, RE), lambda i: (i, 0))
    full128 = pl.BlockSpec((RE, RE), lambda i: (0, 0))
    bias = pl.BlockSpec((1, RE), lambda i: (0, 0))
    return pl.pallas_call(
        _prep0_body,
        grid=(_NBLK,),
        in_specs=[
            pl.BlockSpec(memory_space=pltpu.SMEM),
            row_spec,
            pl.BlockSpec((B, _RB, RE), lambda i: (0, i % (NR // _RB), 0)),
            full128, bias, full128, full128, bias,
        ],
        out_specs=[
            row_spec, row_spec, row_spec,
            pl.BlockSpec((_RB, 1), lambda i: (i, 0)),
            row_spec,
        ],
        out_shape=[
            jax.ShapeDtypeStruct((B * NR, RE), jnp.float32),
            jax.ShapeDtypeStruct((B * NR, RE), jnp.float32),
            jax.ShapeDtypeStruct((B * NR, RE), jnp.float32),
            jax.ShapeDtypeStruct((B * NR, 1), jnp.float32),
            jax.ShapeDtypeStruct((B * NR, RE), jnp.float32),
        ],
    )(lwts, x2, hist2, Wk0, bk0, Wg0, Ws0, bsg0)


def _gelu_ln(pre, gamma, beta):
    g = 0.5 * pre * (1.0 + lax.erf(pre * 0.7071067811865476))
    mu = jnp.mean(g, axis=-1, keepdims=True)
    d = g - mu
    var = jnp.mean(d * d, axis=-1, keepdims=True)
    return d * lax.rsqrt(var + 1e-5) * gamma + beta


def _comb0_body(lw_ref, agg_ref, acc_ref, skip_ref, dis_ref, gam_ref, bet_ref,
                rrp_ref, wk_ref, bk_ref, wg_ref, ws_ref, bsg_ref,
                rr_ref, k_ref, y_ref, s_ref):
    dis = dis_ref[...]
    pre = agg_ref[...] + acc_ref[...] * dis + skip_ref[...]
    x1 = _gelu_ln(pre, gam_ref[...], bet_ref[...])
    rr_ref[...] = rrp_ref[...] + lw_ref[1] * x1
    k_ref[...] = jnp.dot(x1, wk_ref[...], preferred_element_type=jnp.float32) + bk_ref[...]
    y = jnp.dot(x1, wg_ref[...], preferred_element_type=jnp.float32) * dis
    y_ref[...] = y
    s_ref[...] = (jnp.dot(x1, ws_ref[...], preferred_element_type=jnp.float32)
                  + bsg_ref[...] + y * dis)


def _comb0_call(lwts, agg, acc, skip, dis, gam, bet, rrp, Wk1, bk1, Wg1, Ws1, bsg1):
    row_spec = pl.BlockSpec((_RB, RE), lambda i: (i, 0))
    full128 = pl.BlockSpec((RE, RE), lambda i: (0, 0))
    bias = pl.BlockSpec((1, RE), lambda i: (0, 0))
    dis_spec = pl.BlockSpec((_RB, 1), lambda i: (i, 0))
    return pl.pallas_call(
        _comb0_body,
        grid=(_NBLK,),
        in_specs=[
            pl.BlockSpec(memory_space=pltpu.SMEM),
            row_spec, row_spec, row_spec, dis_spec, bias, bias, row_spec,
            full128, bias, full128, full128, bias,
        ],
        out_specs=[row_spec, row_spec, row_spec, row_spec],
        out_shape=[
            jax.ShapeDtypeStruct((B * NR, RE), jnp.float32),
            jax.ShapeDtypeStruct((B * NR, RE), jnp.float32),
            jax.ShapeDtypeStruct((B * NR, RE), jnp.float32),
            jax.ShapeDtypeStruct((B * NR, RE), jnp.float32),
        ],
    )(lwts, agg, acc, skip, dis, gam, bet, rrp, Wk1, bk1, Wg1, Ws1, bsg1)


def _final_body(lw_ref, agg_ref, acc_ref, skip_ref, dis_ref, gam_ref, bet_ref,
                rrp_ref, m_ref, flx_ref):
    dis = dis_ref[...]
    pre = agg_ref[...] + acc_ref[...] * dis + skip_ref[...]
    x2 = _gelu_ln(pre, gam_ref[...], bet_ref[...])
    rr = rrp_ref[...] + lw_ref[2] * x2
    t1 = rr[:, : RE // 2]
    t2 = rr[:, RE // 2:]
    m = m_ref[...]
    a = jnp.sum(t1 * lax.dot_general(t2, m, (((1,), (1,)), ((), ())),
                                     preferred_element_type=jnp.float32),
                axis=-1, keepdims=True)
    b = jnp.sum(t2 * lax.dot_general(t1, m, (((1,), (1,)), ((), ())),
                                     preferred_element_type=jnp.float32),
                axis=-1, keepdims=True)
    flx_ref[...] = a - b


def _final_call(lwts, agg, acc, skip, dis, gam, bet, rrp, M):
    row_spec = pl.BlockSpec((_RB, RE), lambda i: (i, 0))
    bias = pl.BlockSpec((1, RE), lambda i: (0, 0))
    dis_spec = pl.BlockSpec((_RB, 1), lambda i: (i, 0))
    return pl.pallas_call(
        _final_body,
        grid=(_NBLK,),
        in_specs=[
            pl.BlockSpec(memory_space=pltpu.SMEM),
            row_spec, row_spec, row_spec, dis_spec, bias, bias, row_spec,
            pl.BlockSpec((RE // 2, RE // 2), lambda i: (0, 0)),
        ],
        out_specs=pl.BlockSpec((_RB, 1), lambda i: (i, 0)),
        out_shape=jax.ShapeDtypeStruct((B * NR, 1), jnp.float32),
    )(lwts, agg, acc, skip, dis, gam, bet, rrp, M)


def kernel(x_G, x_R, src_GR, dst_GR, ei_RR, Wk, bk, Wq, bq, Wv, bv, Ws, bs,
           Wg, bg, gamma, beta, layer_weights, M):
    lwts = jax.nn.softmax(layer_weights)
    src_RR = ei_RR[0]
    dst_RR = ei_RR[1]

    npad = E_GR_PAD - E_GR
    src_gr = jnp.concatenate([src_GR, jnp.zeros((npad,), jnp.int32)])
    dst_gr = jnp.concatenate([dst_GR, jnp.full((npad,), NR, jnp.int32)])
    dstk = jnp.minimum(dst_gr, NR - 1)
    kidx_gr = jnp.concatenate([dstk, dstk + NR])
    qidx_gr = jnp.concatenate([src_gr, src_gr + NG])
    srcall_RR = jnp.concatenate([src_RR, src_RR + NR])

    x2 = x_R.reshape(B * NR, RE)
    xg2 = x_G.reshape(B * NG, GE)

    hist = _deg_kernel(dst_RR)
    hist2 = hist.reshape(B, NR, RE)

    q_all, v_all = _qv_call(xg2, Wq, bq.reshape(L, 1, RE), Wv, bv.reshape(L, 1, RE))

    bsg = [(bs[l] + bg[l]).reshape(1, RE) for l in range(L)]
    k0, y0, s0, dis, rr0 = _prep0_call(
        lwts, x2, hist2, Wk[0], bk[0].reshape(1, RE), Wg[0], Ws[0], bsg[0])

    agg0 = _gr_kernel(k0, q_all[0], v_all[0], kidx_gr, qidx_gr, dst_gr)
    acc0 = _rr_kernel(y0, srcall_RR, dst_RR)

    rr1, k1, y1, s1 = _comb0_call(
        lwts, agg0, acc0, s0, dis, gamma[0].reshape(1, RE), beta[0].reshape(1, RE),
        rr0, Wk[1], bk[1].reshape(1, RE), Wg[1], Ws[1], bsg[1])

    agg1 = _gr_kernel(k1, q_all[1], v_all[1], kidx_gr, qidx_gr, dst_gr)
    acc1 = _rr_kernel(y1, srcall_RR, dst_RR)

    flx = _final_call(lwts, agg1, acc1, s1, dis, gamma[1].reshape(1, RE),
                      beta[1].reshape(1, RE), rr1, M)
    return flx.reshape(B, NR)

# --- scband reference (transcript-rebuilt; emitter-appended) ---
"""Pipeline reference for scband-flex-gnn-gcnconv-ggconv-lw-50818053046930 (READ-ONLY COPY).

The authoritative reference and input builder live on the scoring server;
editing this copy changes nothing except your own understanding.
"""

import jax, jax.numpy as jnp
import numpy as np

B = 2
NG = 2000
NR = 10000
GE = 16
RE = 128
L = 2
E_GR = 80000
E_RR = 160000


def setup_inputs(seed: int = 0) -> dict:
    key = jax.random.key(seed)
    ks = jax.random.split(key, 24)
    x_G = jax.random.normal(ks[0], (B, NG, GE), jnp.float32)
    x_R = jax.random.normal(ks[1], (B, NR, RE), jnp.float32)
    src_GR = jax.random.randint(ks[2], (E_GR,), 0, NG, jnp.int32)
    dst_GR = jax.random.randint(ks[3], (E_GR,), 0, NR, jnp.int32)
    ei_RR = jax.random.randint(ks[4], (2, E_RR), 0, NR, jnp.int32)
    s = 0.1
    Wk = s * jax.random.normal(ks[5], (L, RE, RE), jnp.float32)
    bk = 0.01 * jax.random.normal(ks[6], (L, RE), jnp.float32)
    Wq = s * jax.random.normal(ks[7], (L, GE, RE), jnp.float32)
    bq = 0.01 * jax.random.normal(ks[8], (L, RE), jnp.float32)
    Wv = s * jax.random.normal(ks[9], (L, GE, RE), jnp.float32)
    bv = 0.01 * jax.random.normal(ks[10], (L, RE), jnp.float32)
    Ws = s * jax.random.normal(ks[11], (L, RE, RE), jnp.float32)
    bs = 0.01 * jax.random.normal(ks[12], (L, RE), jnp.float32)
    Wg = s * jax.random.normal(ks[13], (L, RE, RE), jnp.float32)
    bg = 0.01 * jax.random.normal(ks[14], (L, RE), jnp.float32)
    gamma = jnp.ones((L, RE), jnp.float32)
    beta = jnp.zeros((L, RE), jnp.float32)
    layer_weights = jnp.zeros((L + 1,), jnp.float32).at[-1].set(10.0)
    M = s * jax.random.normal(ks[15], (RE // 2, RE // 2), jnp.float32)
    return {"x_G": x_G, "x_R": x_R, "src_GR": src_GR, "dst_GR": dst_GR,
            "ei_RR": ei_RR, "Wk": Wk, "bk": bk, "Wq": Wq, "bq": bq,
            "Wv": Wv, "bv": bv, "Ws": Ws, "bs": bs, "Wg": Wg, "bg": bg,
            "gamma": gamma, "beta": beta, "layer_weights": layer_weights, "M": M}


def _gcn(x, src, dst, W, b, n):
    # PyG GCNConv: add self loops, symmetric normalization, linear then scatter-add, plus bias
    xw = jnp.einsum('bnd,de->bne', x, W)
    loops = jnp.arange(n, dtype=src.dtype)
    s_full = jnp.concatenate([src, loops])
    d_full = jnp.concatenate([dst, loops])
    deg = jnp.zeros((n,), x.dtype).at[d_full].add(1.0)
    dis = jax.lax.rsqrt(jnp.maximum(deg, 1e-12))
    norm = dis[s_full] * dis[d_full]
    msg = xw[:, s_full, :] * norm[None, :, None]
    out = jnp.zeros_like(xw).at[:, d_full, :].add(msg)
    return out + b


def _resgated(x_src, x_dst, src, dst, Wk, bk, Wq, bq, Wv, bv, Ws, bs):
    # PyG ResGatedGraphConv (bipartite): eta_ij = sigmoid(k_i + q_j); out_i = sum eta_ij * v_j + lin_skip(x_dst_i)
    k = jnp.einsum('bnd,de->bne', x_dst, Wk) + bk
    q = jnp.einsum('bnd,de->bne', x_src, Wq) + bq
    v = jnp.einsum('bnd,de->bne', x_src, Wv) + bv
    gate = jax.nn.sigmoid(k[:, dst, :] + q[:, src, :])
    msg = gate * v[:, src, :]
    agg = jnp.zeros_like(k).at[:, dst, :].add(msg)
    return agg + jnp.einsum('bnd,de->bne', x_dst, Ws) + bs


def _layer_norm(x, g, b):
    mu = x.mean(-1, keepdims=True)
    var = ((x - mu) ** 2).mean(-1, keepdims=True)
    return (x - mu) * jax.lax.rsqrt(var + 1e-5) * g + b


def reference(x_G, x_R, src_GR, dst_GR, ei_RR, Wk, bk, Wq, bq, Wv, bv, Ws, bs, Wg, bg, gamma, beta, layer_weights, M):
    ge = x_G  # detach().clone() in torch (fwd value identical)
    src_RR = ei_RR[0]
    dst_RR = ei_RR[1]
    lwts = jax.nn.softmax(layer_weights)
    rr = lwts[0] * x_R
    xG, xR = x_G, x_R
    for l in range(L):
        out_gr = _resgated(xG, xR, src_GR, dst_GR, Wk[l], bk[l], Wq[l], bq[l], Wv[l], bv[l], Ws[l], bs[l])
        out_rr = _gcn(xR, src_RR, dst_RR, Wg[l], bg[l], NR)
        xR = out_gr + out_rr  # HeteroConv aggr='sum' over both edge types into 'R'
        xG = ge
        xR = jax.nn.gelu(xR, approximate=False)
        xR = _layer_norm(xR, gamma[l], beta[l])
        rr = rr + lwts[l + 1] * xR
    t1 = rr[:, :, : RE // 2]
    t2 = rr[:, :, RE // 2 :]
    # BiLinAntisymmetricFunc: antisymmetric bilinear form f(a,b) = aMb^T - bMa^T, squeezed
    flx = jnp.einsum('bni,ij,bnj->bn', t1, M, t2) - jnp.einsum('bni,ij,bnj->bn', t2, M, t1)
    return flx

if __name__ == "__main__":
    import jax
    _d = setup_inputs()
    print(jax.jit(kernel)(*tuple(_d.values())))

</pallas_src>

<mosaic_0001>
#map = affine_map<(d0, d1) -> (0)>
#map1 = affine_map<(d0, d1) -> (0, 0)>
module attributes {stable_mosaic.version = 14 : i64} {
  func.func @_deg_body(%arg0: i32, %arg1: i32, %arg2: memref<160000xi32, #tpu.memory_space<hbm>>, %arg3: memref<20000x128xf32, #tpu.memory_space<hbm>>, %arg4: memref<80xi32, #tpu.memory_space<vmem>>, %arg5: memref<80x128xf32, #tpu.memory_space<vmem>>, %arg6: memref<80x128xf32, #tpu.memory_space<vmem>>, %arg7: memref<10000x128xf32, #tpu.memory_space<vmem_shared>>, %arg8: memref<!tpu.dma_semaphore, #tpu.memory_space<semaphore_mem>>) attributes {dimension_semantics = [#tpu.dimension_semantics<core_parallel>, #tpu.dimension_semantics<subcore_parallel>], iteration_bounds = array<i64: 2, 16>, scalar_prefetch = 0 : i64, scratch_operands = 5 : i64, tpu.core_type = #tpu.core_type<sc_vector_subcore>, window_params = [{transform_indices = #map}, {transform_indices = #map1}]} {
    %scan3A = arith.constant 0 : i32
    %scan3A_0 = arith.constant 0 : i32
    %scan3A_1 = arith.constant 80 : i32
    %scan3A_2 = arith.addi %scan3A_0, %scan3A_1 : i32
    %scan3A_3 = arith.constant 1 : i32
    %scan3A_4 = scf.for %scan3A_56 = %scan3A_0 to %scan3A_2 step %scan3A_3 iter_args(%scan3A_57 = %scan3A) -> (i32)  : i32 {
      %broadcast_in_dim3A = arith.constant 0.000000e+00 : f32
      %broadcast_in_dim3A_58 = vector.broadcast %broadcast_in_dim3A : f32 to vector<16xf32>
      %swap3A = arith.index_cast %scan3A_56 : i32 to index
      %swap3A_59 = arith.constant 0 : index
      %swap3A_60 = tpu.vector_load %arg6[%swap3A, %swap3A_59] {strides = array<i32>} : memref<80x128xf32, #tpu.memory_space<vmem>>, vector<1x16xf32>,
      %swap3A_61 = vector.shape_cast %swap3A_60 : vector<1x16xf32> to vector<16xf32>
      %swap3A_62 = vector.shape_cast %broadcast_in_dim3A_58 : vector<16xf32> to vector<1x16xf32>
      tpu.vector_store %arg6[%swap3A, %swap3A_59], %swap3A_62 {strides = array<i32>} : memref<80x128xf32, #tpu.memory_space<vmem>>, vector<1x16xf32>,
      %broadcast_in_dim3A_63 = arith.constant 0.000000e+00 : f32
      %broadcast_in_dim3A_64 = vector.broadcast %broadcast_in_dim3A_63 : f32 to vector<16xf32>
      %swap3A_65 = arith.index_cast %scan3A_56 : i32 to index
      %swap3A_66 = arith.constant 16 : index
      %swap3A_67 = tpu.vector_load %arg6[%swap3A_65, %swap3A_66] {strides = array<i32>} : memref<80x128xf32, #tpu.memory_space<vmem>>, vector<1x16xf32>,
      %swap3A_68 = vector.shape_cast %swap3A_67 : vector<1x16xf32> to vector<16xf32>
      %swap3A_69 = vector.shape_cast %broadcast_in_dim3A_64 : vector<16xf32> to vector<1x16xf32>
      tpu.vector_store %arg6[%swap3A_65, %swap3A_66], %swap3A_69 {strides = array<i32>} : memref<80x128xf32, #tpu.memory_space<vmem>>, vector<1x16xf32>,
      %broadcast_in_dim3A_70 = arith.constant 0.000000e+00 : f32
      %broadcast_in_dim3A_71 = vector.broadcast %broadcast_in_dim3A_70 : f32 to vector<16xf32>
      %swap3A_72 = arith.index_cast %scan3A_56 : i32 to index
      %swap3A_73 = arith.constant 32 : index
      %swap3A_74 = tpu.vector_load %arg6[%swap3A_72, %swap3A_73] {strides = array<i32>} : memref<80x128xf32, #tpu.memory_space<vmem>>, vector<1x16xf32>,
      %swap3A_75 = vector.shape_cast %swap3A_74 : vector<1x16xf32> to vector<16xf32>
      %swap3A_76 = vector.shape_cast %broadcast_in_dim3A_71 : vector<16xf32> to vector<1x16xf32>
      tpu.vector_store %arg6[%swap3A_72, %swap3A_73], %swap3A_76 {strides = array<i32>} : memref<80x128xf32, #tpu.memory_space<vmem>>, vector<1x16xf32>,
      %broadcast_in_dim3A_77 = arith.constant 0.000000e+00 : f32
      %broadcast_in_dim3A_78 = vector.broadcast %broadcast_in_dim3A_77 : f32 to vector<16xf32>
      %swap3A_79 = arith.index_cast %scan3A_56 : i32 to index
      %swap3A_80 = arith.constant 48 : index
      %swap3A_81 = tpu.vector_load %arg6[%swap3A_79, %swap3A_80] {strides = array<i32>} : memref<80x128xf32, #tpu.memory_space<vmem>>, vector<1x16xf32>,
      %swap3A_82 = vector.shape_cast %swap3A_81 : vector<1x16xf32> to vector<16xf32>
      %swap3A_83 = vector.shape_cast %broadcast_in_dim3A_78 : vector<16xf32> to vector<1x16xf32>
      tpu.vector_store %arg6[%swap3A_79, %swap3A_80], %swap3A_83 {strides = array<i32>} : memref<80x128xf32, #tpu.memory_space<vmem>>, vector<1x16xf32>,
      %broadcast_in_dim3A_84 = arith.constant 0.000000e+00 : f32
      %broadcast_in_dim3A_85 = vector.broadcast %broadcast_in_dim3A_84 : f32 to vector<16xf32>
      %swap3A_86 = arith.index_cast %scan3A_56 : i32 to index
      %swap3A_87 = arith.constant 64 : index
      %swap3A_88 = tpu.vector_load %arg6[%swap3A_86, %swap3A_87] {strides = array<i32>} : memref<80x128xf32, #tpu.memory_space<vmem>>, vector<1x16xf32>,
      %swap3A_89 = vector.shape_cast %swap3A_88 : vector<1x16xf32> to vector<16xf32>
      %swap3A_90 = vector.shape_cast %broadcast_in_dim3A_85 : vector<16xf32> to vector<1x16xf32>
      tpu.vector_store %arg6[%swap3A_86, %swap3A_87], %swap3A_90 {strides = array<i32>} : memref<80x128xf32, #tpu.memory_space<vmem>>, vector<1x16xf32>,
      %broadcast_in_dim3A_91 = arith.constant 0.000000e+00 : f32
      %broadcast_in_dim3A_92 = vector.broadcast %broadcast_in_dim3A_91 : f32 to vector<16xf32>
      %swap3A_93 = arith.index_cast %scan3A_56 : i32 to index
      %swap3A_94 = arith.constant 80 : index
      %swap3A_95 = tpu.vector_load %arg6[%swap3A_93, %swap3A_94] {strides = array<i32>} : memref<80x128xf32, #tpu.memory_space<vmem>>, vector<1x16xf32>,
      %swap3A_96 = vector.shape_cast %swap3A_95 : vector<1x16xf32> to vector<16xf32>
      %swap3A_97 = vector.shape_cast %broadcast_in_dim3A_92 : vector<16xf32> to vector<1x16xf32>
      tpu.vector_store %arg6[%swap3A_93, %swap3A_94], %swap3A_97 {strides = array<i32>} : memref<80x128xf32, #tpu.memory_space<vmem>>, vector<1x16xf32>,
      %broadcast_in_dim3A_98 = arith.constant 0.000000e+00 : f32
      %broadcast_in_dim3A_99 = vector.broadcast %broadcast_in_dim3A_98 : f32 to vector<16xf32>
      %swap3A_100 = arith.index_cast %scan3A_56 : i32 to index
      %swap3A_101 = arith.constant 96 : index
      %swap3A_102 = tpu.vector_load %arg6[%swap3A_100, %swap3A_101] {strides = array<i32>} : memref<80x128xf32, #tpu.memory_space<vmem>>, vector<1x16xf32>,
      %swap3A_103 = vector.shape_cast %swap3A_102 : vector<1x16xf32> to vector<16xf32>
      %swap3A_104 = vector.shape_cast %broadcast_in_dim3A_99 : vector<16xf32> to vector<1x16xf32>
      tpu.vector_store %arg6[%swap3A_100, %swap3A_101], %swap3A_104 {strides = array<i32>} : memref<80x128xf32, #tpu.memory_space<vmem>>, vector<1x16xf32>,
      %broadcast_in_dim3A_105 = arith.constant 0.000000e+00 : f32
      %broadcast_in_dim3A_106 = vector.broadcast %broadcast_in_dim3A_105 : f32 to vector<16xf32>
      %swap3A_107 = arith.index_cast %scan3A_56 : i32 to index
      %swap3A_108 = arith.constant 112 : index
      %swap3A_109 = tpu.vector_load %arg6[%swap3A_107, %swap3A_108] {strides = array<i32>} : memref<80x128xf32, #tpu.memory_space<vmem>>, vector<1x16xf32>,
      %swap3A_110 = vector.shape_cast %swap3A_109 : vector<1x16xf32> to vector<16xf32>
      %swap3A_111 = vector.shape_cast %broadcast_in_dim3A_106 : vector<16xf32> to vector<1x16xf32>
      tpu.vector_store %arg6[%swap3A_107, %swap3A_108], %swap3A_111 {strides = array<i32>} : memref<80x128xf32, #tpu.memory_space<vmem>>, vector<1x16xf32>,
      %scan3A_112 = arith.constant 0 : i32
      scf.yield %scan3A_112 : i32
    }
    %scan3A_5 = arith.constant 80 : i32
    %mul3A = arith.constant 640 : i32
    %mul3A_6 = arith.muli %arg1, %mul3A : i32
    %lt3A = arith.constant 15 : i32
    %lt3A_7 = arith.cmpi slt, %arg1, %lt3A : i32
    %jit3A = arith.constant 8 : i32
    %jit3A_8 = arith.constant 5 : i32
    %select_n3A = arith.select %lt3A_7, %jit3A, %jit3A_8 : i32
    %while3A = arith.constant 0 : i32
    %while3A_9 = arith.constant 0 : i32
    %while3A_10 = arith.subi %select_n3A, %while3A : i32
    %while3A_11 = arith.addi %while3A, %while3A_10 : i32
    %while3A_12 = arith.constant 1 : i32
    %while3A_13 = arith.divsi %while3A_10, %while3A_12 : i32
    %while3A_14 = arith.muli %while3A_13, %while3A_12 : i32
    %while3A_15 = arith.addi %while3A, %while3A_14 : i32
    %while3A_16 = arith.constant 1 : i32
    %while3A_17 = scf.for %while3A_56 = %while3A to %while3A_15 step %while3A_16 iter_args(%while3A_57 = %while3A_9) -> (i32)  : i32 {
      %mul3A_58 = arith.constant 80 : i32
      %mul3A_59 = arith.muli %while3A_56, %mul3A_58 : i32
      %add3A = arith.addi %mul3A_6, %mul3A_59 : i32
      "tpu.region"() ({
        %run_scoped3A = tpu.sem_alloc : memref<!tpu.dma_semaphore, #tpu.memory_space<semaphore_mem>>
        %dma_start3A = arith.constant 0 : i32
        %dma_start3A_61 = tpu.memref_slice %arg7[%add3A, %dma_start3A] : memref<10000x128xf32, #tpu.memory_space<vmem_shared>> -> memref<80x128xf32, #tpu.memory_space<vmem_shared>>
        %dma_start3A_62 = arith.constant 0 : i32
        %dma_start3A_63 = tpu.memref_slice %arg7[%add3A, %dma_start3A_62] : memref<10000x128xf32, #tpu.memory_space<vmem_shared>> -> memref<80x128xf32, #tpu.memory_space<vmem_shared>>
        tpu.enqueue_dma source(%arg6 : memref<80x128xf32, #tpu.memory_space<vmem>>) target(%dma_start3A_63 : memref<80x128xf32, #tpu.memory_space<vmem_shared>>) target_semaphore(%run_scoped3A : memref<!tpu.dma_semaphore, #tpu.memory_space<semaphore_mem>>)
        %dma_wait3A = arith.constant 0 : i32
        %dma_wait3A_64 = tpu.memref_slice %arg7[%add3A, %dma_wait3A] : memref<10000x128xf32, #tpu.memory_space<vmem_shared>> -> memref<80x128xf32, #tpu.memory_space<vmem_shared>>
        %dma_wait3A_65 = arith.constant 0 : i32
        %dma_wait3A_66 = tpu.memref_slice %arg7[%add3A, %dma_wait3A_65] : memref<10000x128xf32, #tpu.memory_space<vmem_shared>> -> memref<80x128xf32, #tpu.memory_space<vmem_shared>>
        tpu.wait_dma2 semaphore(%run_scoped3A : memref<!tpu.dma_semaphore, #tpu.memory_space<semaphore_mem>>) src(%arg6 : memref<80x128xf32, #tpu.memory_space<vmem>>) dst(%dma_wait3A_66 : memref<80x128xf32, #tpu.memory_space<vmem_shared>>)
        tpu.yield
      }) : () -> ()
      %while3A_60 = arith.constant 0 : i32
      scf.yield %while3A_60 : i32
    }
    %while3A_18 = arith.constant 1 : i32
    %while3A_19 = scf.for %while3A_56 = %while3A_15 to %while3A_11 step %while3A_18 iter_args(%while3A_57 = %while3A_17) -> (i32)  : i32 {
      %mul3A_58 = arith.constant 80 : i32
      %mul3A_59 = arith.muli %while3A_56, %mul3A_58 : i32
      %add3A = arith.addi %mul3A_6, %mul3A_59 : i32
      "tpu.region"() ({
        %run_scoped3A = tpu.sem_alloc : memref<!tpu.dma_semaphore, #tpu.memory_space<semaphore_mem>>
        %dma_start3A = arith.constant 0 : i32
        %dma_start3A_61 = tpu.memref_slice %arg7[%add3A, %dma_start3A] : memref<10000x128xf32, #tpu.memory_space<vmem_shared>> -> memref<80x128xf32, #tpu.memory_space<vmem_shared>>
        %dma_start3A_62 = arith.constant 0 : i32
        %dma_start3A_63 = tpu.memref_slice %arg7[%add3A, %dma_start3A_62] : memref<10000x128xf32, #tpu.memory_space<vmem_shared>> -> memref<80x128xf32, #tpu.memory_space<vmem_shared>>
        tpu.enqueue_dma source(%arg6 : memref<80x128xf32, #tpu.memory_space<vmem>>) target(%dma_start3A_63 : memref<80x128xf32, #tpu.memory_space<vmem_shared>>) target_semaphore(%run_scoped3A : memref<!tpu.dma_semaphore, #tpu.memory_space<semaphore_mem>>)
        %dma_wait3A = arith.constant 0 : i32
        %dma_wait3A_64 = tpu.memref_slice %arg7[%add3A, %dma_wait3A] : memref<10000x128xf32, #tpu.memory_space<vmem_shared>> -> memref<80x128xf32, #tpu.memory_space<vmem_shared>>
        %dma_wait3A_65 = arith.constant 0 : i32
        %dma_wait3A_66 = tpu.memref_slice %arg7[%add3A, %dma_wait3A_65] : memref<10000x128xf32, #tpu.memory_space<vmem_shared>> -> memref<80x128xf32, #tpu.memory_space<vmem_shared>>
        tpu.wait_dma2 semaphore(%run_scoped3A : memref<!tpu.dma_semaphore, #tpu.memory_space<semaphore_mem>>) src(%arg6 : memref<80x128xf32, #tpu.memory_space<vmem>>) dst(%dma_wait3A_66 : memref<80x128xf32, #tpu.memory_space<vmem_shared>>)
        tpu.yield
      }) : () -> ()
      %while3A_60 = arith.constant 0 : i32
      scf.yield %while3A_60 : i32
    }
    %scan3A_20 = arith.constant 0 : i32
    %scan3A_21 = arith.constant 0 : i32
    %scan3A_22 = arith.constant 80 : i32
    %scan3A_23 = arith.addi %scan3A_21, %scan3A_22 : i32
    %scan3A_24 = arith.constant 1 : i32
    %scan3A_25 = scf.for %scan3A_56 = %scan3A_21 to %scan3A_23 step %scan3A_24 iter_args(%scan3A_57 = %scan3A_20) -> (i32)  : i32 {
      %broadcast_in_dim3A = arith.constant 1.000000e+00 : f32
      %broadcast_in_dim3A_58 = vector.broadcast %broadcast_in_dim3A : f32 to vector<16xf32>
      %swap3A = arith.index_cast %scan3A_56 : i32 to index
      %swap3A_59 = arith.constant 0 : index
      %swap3A_60 = tpu.vector_load %arg5[%swap3A, %swap3A_59] {strides = array<i32>} : memref<80x128xf32, #tpu.memory_space<vmem>>, vector<1x16xf32>,
      %swap3A_61 = vector.shape_cast %swap3A_60 : vector<1x16xf32> to vector<16xf32>
      %swap3A_62 = vector.shape_cast %broadcast_in_dim3A_58 : vector<16xf32> to vector<1x16xf32>
      tpu.vector_store %arg5[%swap3A, %swap3A_59], %swap3A_62 {strides = array<i32>} : memref<80x128xf32, #tpu.memory_space<vmem>>, vector<1x16xf32>,
      %broadcast_in_dim3A_63 = arith.constant 1.000000e+00 : f32
      %broadcast_in_dim3A_64 = vector.broadcast %broadcast_in_dim3A_63 : f32 to vector<16xf32>
      %swap3A_65 = arith.index_cast %scan3A_56 : i32 to index
      %swap3A_66 = arith.constant 16 : index
      %swap3A_67 = tpu.vector_load %arg5[%swap3A_65, %swap3A_66] {strides = array<i32>} : memref<80x128xf32, #tpu.memory_space<vmem>>, vector<1x16xf32>,
      %swap3A_68 = vector.shape_cast %swap3A_67 : vector<1x16xf32> to vector<16xf32>
      %swap3A_69 = vector.shape_cast %broadcast_in_dim3A_64 : vector<16xf32> to vector<1x16xf32>
      tpu.vector_store %arg5[%swap3A_65, %swap3A_66], %swap3A_69 {strides = array<i32>} : memref<80x128xf32, #tpu.memory_space<vmem>>, vector<1x16xf32>,
      %broadcast_in_dim3A_70 = arith.constant 1.000000e+00 : f32
      %broadcast_in_dim3A_71 = vector.broadcast %broadcast_in_dim3A_70 : f32 to vector<16xf32>
      %swap3A_72 = arith.index_cast %scan3A_56 : i32 to index
      %swap3A_73 = arith.constant 32 : index
      %swap3A_74 = tpu.vector_load %arg5[%swap3A_72, %swap3A_73] {strides = array<i32>} : memref<80x128xf32, #tpu.memory_space<vmem>>, vector<1x16xf32>,
      %swap3A_75 = vector.shape_cast %swap3A_74 : vector<1x16xf32> to vector<16xf32>
      %swap3A_76 = vector.shape_cast %broadcast_in_dim3A_71 : vector<16xf32> to vector<1x16xf32>
      tpu.vector_store %arg5[%swap3A_72, %swap3A_73], %swap3A_76 {strides = array<i32>} : memref<80x128xf32, #tpu.memory_space<vmem>>, vector<1x16xf32>,
      %broadcast_in_dim3A_77 = arith.constant 1.000000e+00 : f32
      %broadcast_in_dim3A_78 = vector.broadcast %broadcast_in_dim3A_77 : f32 to vector<16xf32>
      %swap3A_79 = arith.index_cast %scan3A_56 : i32 to index
      %swap3A_80 = arith.constant 48 : index
      %swap3A_81 = tpu.vector_load %arg5[%swap3A_79, %swap3A_80] {strides = array<i32>} : memref<80x128xf32, #tpu.memory_space<vmem>>, vector<1x16xf32>,
      %swap3A_82 = vector.shape_cast %swap3A_81 : vector<1x16xf32> to vector<16xf32>
      %swap3A_83 = vector.shape_cast %broadcast_in_dim3A_78 : vector<16xf32> to vector<1x16xf32>
      tpu.vector_store %arg5[%swap3A_79, %swap3A_80], %swap3A_83 {strides = array<i32>} : memref<80x128xf32, #tpu.memory_space<vmem>>, vector<1x16xf32>,
      %broadcast_in_dim3A_84 = arith.constant 1.000000e+00 : f32
      %broadcast_in_dim3A_85 = vector.broadcast %broadcast_in_dim3A_84 : f32 to vector<16xf32>
      %swap3A_86 = arith.index_cast %scan3A_56 : i32 to index
      %swap3A_87 = arith.constant 64 : index
      %swap3A_88 = tpu.vector_load %arg5[%swap3A_86, %swap3A_87] {strides = array<i32>} : memref<80x128xf32, #tpu.memory_space<vmem>>, vector<1x16xf32>,
      %swap3A_89 = vector.shape_cast %swap3A_88 : vector<1x16xf32> to vector<16xf32>
      %swap3A_90 = vector.shape_cast %broadcast_in_dim3A_85 : vector<16xf32> to vector<1x16xf32>
      tpu.vector_store %arg5[%swap3A_86, %swap3A_87], %swap3A_90 {strides = array<i32>} : memref<80x128xf32, #tpu.memory_space<vmem>>, vector<1x16xf32>,
      %broadcast_in_dim3A_91 = arith.constant 1.000000e+00 : f32
      %broadcast_in_dim3A_92 = vector.broadcast %broadcast_in_dim3A_91 : f32 to vector<16xf32>
      %swap3A_93 = arith.index_cast %scan3A_56 : i32 to index
      %swap3A_94 = arith.constant 80 : index
      %swap3A_95 = tpu.vector_load %arg5[%swap3A_93, %swap3A_94] {strides = array<i32>} : memref<80x128xf32, #tpu.memory_space<vmem>>, vector<1x16xf32>,
      %swap3A_96 = vector.shape_cast %swap3A_95 : vector<1x16xf32> to vector<16xf32>
      %swap3A_97 = vector.shape_cast %broadcast_in_dim3A_92 : vector<16xf32> to vector<1x16xf32>
      tpu.vector_store %arg5[%swap3A_93, %swap3A_94], %swap3A_97 {strides = array<i32>} : memref<80x128xf32, #tpu.memory_space<vmem>>, vector<1x16xf32>,
      %broadcast_in_dim3A_98 = arith.constant 1.000000e+00 : f32
      %broadcast_in_dim3A_99 = vector.broadcast %broadcast_in_dim3A_98 : f32 to vector<16xf32>
      %swap3A_100 = arith.index_cast %scan3A_56 : i32 to index
      %swap3A_101 = arith.constant 96 : index
      %swap3A_102 = tpu.vector_load %arg5[%swap3A_100, %swap3A_101] {strides = array<i32>} : memref<80x128xf32, #tpu.memory_space<vmem>>, vector<1x16xf32>,
      %swap3A_103 = vector.shape_cast %swap3A_102 : vector<1x16xf32> to vector<16xf32>
      %swap3A_104 = vector.shape_cast %broadcast_in_dim3A_99 : vector<16xf32> to vector<1x16xf32>
      tpu.vector_store %arg5[%swap3A_100, %swap3A_101], %swap3A_104 {strides = array<i32>} : memref<80x128xf32, #tpu.memory_space<vmem>>, vector<1x16xf32>,
      %broadcast_in_dim3A_105 = arith.constant 1.000000e+00 : f32
      %broadcast_in_dim3A_106 = vector.broadcast %broadcast_in_dim3A_105 : f32 to vector<16xf32>
      %swap3A_107 = arith.index_cast %scan3A_56 : i32 to index
      %swap3A_108 = arith.constant 112 : index
      %swap3A_109 = tpu.vector_load %arg5[%swap3A_107, %swap3A_108] {strides = array<i32>} : memref<80x128xf32, #tpu.memory_space<vmem>>, vector<1x16xf32>,
      %swap3A_110 = vector.shape_cast %swap3A_109 : vector<1x16xf32> to vector<16xf32>
      %swap3A_111 = vector.shape_cast %broadcast_in_dim3A_106 : vector<16xf32> to vector<1x16xf32>
      tpu.vector_store %arg5[%swap3A_107, %swap3A_108], %swap3A_111 {strides = array<i32>} : memref<80x128xf32, #tpu.memory_space<vmem>>, vector<1x16xf32>,
      %scan3A_112 = arith.constant 0 : i32
      scf.yield %scan3A_112 : i32
    }
    %scan3A_26 = arith.constant 80 : i32
    %barrier3A = arith.constant 0 : index
    tpu.barrier barrier_id(%barrier3A)
    %scan3A_27 = arith.constant 0 : i32
    %scan3A_28 = arith.constant 0 : i32
    %scan3A_29 = arith.constant 125 : i32
    %scan3A_30 = arith.addi %scan3A_28, %scan3A_29 : i32
    %scan3A_31 = arith.constant 1 : i32
    %scan3A_32 = scf.for %scan3A_56 = %scan3A_28 to %scan3A_30 step %scan3A_31 iter_args(%scan3A_57 = %scan3A_27) -> (i32)  : i32 {
      %mul3A_58 = arith.constant 10000 : i32
      %mul3A_59 = arith.muli %arg1, %mul3A_58 : i32
      %mul3A_60 = arith.constant 80 : i32
      %mul3A_61 = arith.muli %scan3A_56, %mul3A_60 : i32
      %add3A = arith.addi %mul3A_59, %mul3A_61 : i32
      "tpu.region"() ({
        %run_scoped3A = tpu.sem_alloc : memref<!tpu.dma_semaphore, #tpu.memory_space<semaphore_mem>>
        %dma_start3A = tpu.memref_slice %arg2[%add3A] : memref<160000xi32, #tpu.memory_space<hbm>> -> memref<80xi32, #tpu.memory_space<hbm>>
        %dma_start3A_63 = tpu.memref_slice %arg2[%add3A] : memref<160000xi32, #tpu.memory_space<hbm>> -> memref<80xi32, #tpu.memory_space<hbm>>
        tpu.enqueue_dma source(%dma_start3A_63 : memref<80xi32, #tpu.memory_space<hbm>>) target(%arg4 : memref<80xi32, #tpu.memory_space<vmem>>) target_semaphore(%run_scoped3A : memref<!tpu.dma_semaphore, #tpu.memory_space<semaphore_mem>>)
        %dma_wait3A = tpu.memref_slice %arg2[%add3A] : memref<160000xi32, #tpu.memory_space<hbm>> -> memref<80xi32, #tpu.memory_space<hbm>>
        %dma_wait3A_64 = tpu.memref_slice %arg2[%add3A] : memref<160000xi32, #tpu.memory_space<hbm>> -> memref<80xi32, #tpu.memory_space<hbm>>
        tpu.wait_dma2 semaphore(%run_scoped3A : memref<!tpu.dma_semaphore, #tpu.memory_space<semaphore_mem>>) src(%dma_wait3A_64 : memref<80xi32, #tpu.memory_space<hbm>>) dst(%arg4 : memref<80xi32, #tpu.memory_space<vmem>>)
        tpu.yield
      }) : () -> ()
      "tpu.region"() ({
        %run_scoped3A = tpu.sem_alloc : memref<!tpu.dma_semaphore, #tpu.memory_space<semaphore_mem>>
        %dma_start3A = arith.constant 0 : i32
        %dma_start3A_63 = arith.constant 0 : i32
        %dma_start3A_64 = tpu.memref_slice %arg7[%dma_start3A, %dma_start3A_63] : memref<10000x128xf32, #tpu.memory_space<vmem_shared>> -> memref<10000x128xf32, #tpu.memory_space<vmem_shared>>
        tpu.enqueue_indirect_dma source(%arg5 : memref<80x128xf32, #tpu.memory_space<vmem>>) target(%dma_start3A_64 : memref<10000x128xf32, #tpu.memory_space<vmem_shared>>) offsets(%arg4 : memref<80xi32, #tpu.memory_space<vmem>>) semaphore(%run_scoped3A : memref<!tpu.dma_semaphore, #tpu.memory_space<semaphore_mem>>) {add = true}
        %dma_wait3A = arith.constant 0 : i32
        %dma_wait3A_65 = arith.constant 0 : i32
        %dma_wait3A_66 = tpu.memref_slice %arg7[%dma_wait3A, %dma_wait3A_65] : memref<10000x128xf32, #tpu.memory_space<vmem_shared>> -> memref<10000x128xf32, #tpu.memory_space<vmem_shared>>
        tpu.wait_indirect_dma semaphore(%run_scoped3A : memref<!tpu.dma_semaphore, #tpu.memory_space<semaphore_mem>>) src(%arg5 : memref<80x128xf32, #tpu.memory_space<vmem>>) dst(%dma_wait3A_66 : memref<10000x128xf32, #tpu.memory_space<vmem_shared>>)
        tpu.yield
      }) : () -> ()
      %scan3A_62 = arith.constant 0 : i32
      scf.yield %scan3A_62 : i32
    }
    %scan3A_33 = arith.constant 125 : i32
    %barrier3A_34 = arith.constant 0 : index
    tpu.barrier barrier_id(%barrier3A_34)
    %mul3A_35 = arith.constant 10000 : i32
    %mul3A_36 = arith.muli %arg0, %mul3A_35 : i32
    %mul3A_37 = arith.constant 640 : i32
    %mul3A_38 = arith.muli %arg1, %mul3A_37 : i32
    %lt3A_39 = arith.constant 15 : i32
    %lt3A_40 = arith.cmpi slt, %arg1, %lt3A_39 : i32
    %jit3A_41 = arith.constant 8 : i32
    %jit3A_42 = arith.constant 5 : i32
    %select_n3A_43 = arith.select %lt3A_40, %jit3A_41, %jit3A_42 : i32
    %while3A_44 = arith.constant 0 : i32
    %while3A_45 = arith.constant 0 : i32
    %while3A_46 = arith.subi %select_n3A_43, %while3A_44 : i32
    %while3A_47 = arith.addi %while3A_44, %while3A_46 : i32
    %while3A_48 = arith.constant 1 : i32
    %while3A_49 = arith.divsi %while3A_46, %while3A_48 : i32
    %while3A_50 = arith.muli %while3A_49, %while3A_48 : i32
    %while3A_51 = arith.addi %while3A_44, %while3A_50 : i32
    %while3A_52 = arith.constant 1 : i32
    %while3A_53 = scf.for %while3A_56 = %while3A_44 to %while3A_51 step %while3A_52 iter_args(%while3A_57 = %while3A_45) -> (i32)  : i32 {
      %mul3A_58 = arith.constant 80 : i32
      %mul3A_59 = arith.muli %while3A_56, %mul3A_58 : i32
      %add3A = arith.addi %mul3A_38, %mul3A_59 : i32
      %add3A_60 = arith.addi %mul3A_36, %mul3A_38 : i32
      %mul3A_61 = arith.constant 80 : i32
      %mul3A_62 = arith.muli %while3A_56, %mul3A_61 : i32
      %add3A_63 = arith.addi %add3A_60, %mul3A_62 : i32
      "tpu.region"() ({
        %run_scoped3A = tpu.sem_alloc : memref<!tpu.dma_semaphore, #tpu.memory_space<semaphore_mem>>
        %dma_start3A = arith.constant 0 : i32
        %dma_start3A_65 = tpu.memref_slice %arg3[%add3A_63, %dma_start3A] : memref<20000x128xf32, #tpu.memory_space<hbm>> -> memref<80x128xf32, #tpu.memory_space<hbm>>
        %dma_start3A_66 = arith.constant 0 : i32
        %dma_start3A_67 = tpu.memref_slice %arg7[%add3A, %dma_start3A_66] : memref<10000x128xf32, #tpu.memory_space<vmem_shared>> -> memref<80x128xf32, #tpu.memory_space<vmem_shared>>
        tpu.enqueue_dma source(%dma_start3A_67 : memref<80x128xf32, #tpu.memory_space<vmem_shared>>) target(%dma_start3A_65 : memref<80x128xf32, #tpu.memory_space<hbm>>) target_semaphore(%run_scoped3A : memref<!tpu.dma_semaphore, #tpu.memory_space<semaphore_mem>>)
        %dma_wait3A = arith.constant 0 : i32
        %dma_wait3A_68 = tpu.memref_slice %arg3[%add3A_63, %dma_wait3A] : memref<20000x128xf32, #tpu.memory_space<hbm>> -> memref<80x128xf32, #tpu.memory_space<hbm>>
        %dma_wait3A_69 = arith.constant 0 : i32
        %dma_wait3A_70 = tpu.memref_slice %arg7[%add3A, %dma_wait3A_69] : memref<10000x128xf32, #tpu.memory_space<vmem_shared>> -> memref<80x128xf32, #tpu.memory_space<vmem_shared>>
        tpu.wait_dma2 semaphore(%run_scoped3A : memref<!tpu.dma_semaphore, #tpu.memory_space<semaphore_mem>>) src(%dma_wait3A_70 : memref<80x128xf32, #tpu.memory_space<vmem_shared>>) dst(%dma_wait3A_68 : memref<80x128xf32, #tpu.memory_space<hbm>>)
        tpu.yield
      }) : () -> ()
      %while3A_64 = arith.constant 0 : i32
      scf.yield %while3A_64 : i32
    }
    %while3A_54 = arith.constant 1 : i32
    %while3A_55 = scf.for %while3A_56 = %while3A_51 to %while3A_47 step %while3A_54 iter_args(%while3A_57 = %while3A_53) -> (i32)  : i32 {
      %mul3A_58 = arith.constant 80 : i32
      %mul3A_59 = arith.muli %while3A_56, %mul3A_58 : i32
      %add3A = arith.addi %mul3A_38, %mul3A_59 : i32
      %add3A_60 = arith.addi %mul3A_36, %mul3A_38 : i32
      %mul3A_61 = arith.constant 80 : i32
      %mul3A_62 = arith.muli %while3A_56, %mul3A_61 : i32
      %add3A_63 = arith.addi %add3A_60, %mul3A_62 : i32
      "tpu.region"() ({
        %run_scoped3A = tpu.sem_alloc : memref<!tpu.dma_semaphore, #tpu.memory_space<semaphore_mem>>
        %dma_start3A = arith.constant 0 : i32
        %dma_start3A_65 = tpu.memref_slice %arg3[%add3A_63, %dma_start3A] : memref<20000x128xf32, #tpu.memory_space<hbm>> -> memref<80x128xf32, #tpu.memory_space<hbm>>
        %dma_start3A_66 = arith.constant 0 : i32
        %dma_start3A_67 = tpu.memref_slice %arg7[%add3A, %dma_start3A_66] : memref<10000x128xf32, #tpu.memory_space<vmem_shared>> -> memref<80x128xf32, #tpu.memory_space<vmem_shared>>
        tpu.enqueue_dma source(%dma_start3A_67 : memref<80x128xf32, #tpu.memory_space<vmem_shared>>) target(%dma_start3A_65 : memref<80x128xf32, #tpu.memory_space<hbm>>) target_semaphore(%run_scoped3A : memref<!tpu.dma_semaphore, #tpu.memory_space<semaphore_mem>>)
        %dma_wait3A = arith.constant 0 : i32
        %dma_wait3A_68 = tpu.memref_slice %arg3[%add3A_63, %dma_wait3A] : memref<20000x128xf32, #tpu.memory_space<hbm>> -> memref<80x128xf32, #tpu.memory_space<hbm>>
        %dma_wait3A_69 = arith.constant 0 : i32
        %dma_wait3A_70 = tpu.memref_slice %arg7[%add3A, %dma_wait3A_69] : memref<10000x128xf32, #tpu.memory_space<vmem_shared>> -> memref<80x128xf32, #tpu.memory_space<vmem_shared>>
        tpu.wait_dma2 semaphore(%run_scoped3A : memref<!tpu.dma_semaphore, #tpu.memory_space<semaphore_mem>>) src(%dma_wait3A_70 : memref<80x128xf32, #tpu.memory_space<vmem_shared>>) dst(%dma_wait3A_68 : memref<80x128xf32, #tpu.memory_space<hbm>>)
        tpu.yield
      }) : () -> ()
      %while3A_64 = arith.constant 0 : i32
      scf.yield %while3A_64 : i32
    }
    return
  }
}

#map = affine_map<(d0, d1) -> (0, 0)>
#map1 = affine_map<(d0, d1) -> (0)>
module attributes {stable_mosaic.version = 14 : i64} {
  func.func @_gr_body(%arg0: i32, %arg1: i32, %arg2: memref<20000x128xf32, #tpu.memory_space<hbm>>, %arg3: memref<4000x128xf32, #tpu.memory_space<hbm>>, %arg4: memref<4000x128xf32, #tpu.memory_space<hbm>>, %arg5: memref<163840xi32, #tpu.memory_space<hbm>>, %arg6: memref<163840xi32, #tpu.memory_space<hbm>>, %arg7: memref<81920xi32, #tpu.memory_space<hbm>>, %arg8: memref<20000x128xf32, #tpu.memory_space<hbm>>, %arg9: memref<80xi32, #tpu.memory_space<vmem>>, %arg10: memref<80xi32, #tpu.memory_space<vmem>>, %arg11: memref<80xi32, #tpu.memory_space<vmem>>, %arg12: memref<80x128xf32, #tpu.memory_space<vmem>>, %arg13: memref<80x128xf32, #tpu.memory_space<vmem>>, %arg14: memref<80x128xf32, #tpu.memory_space<vmem>>, %arg15: memref<80x128xf32, #tpu.memory_space<vmem>>, %arg16: memref<10008x128xf32, #tpu.memory_space<vmem_shared>>, %arg17: memref<!tpu.dma_semaphore, #tpu.memory_space<semaphore_mem>>) attributes {dimension_semantics = [#tpu.dimension_semantics<core_parallel>, #tpu.dimension_semantics<subcore_parallel>], iteration_bounds = array<i64: 2, 16>, scalar_prefetch = 0 : i64, scratch_operands = 9 : i64, tpu.core_type = #tpu.core_type<sc_vector_subcore>, window_params = [{transform_indices = #map}, {transform_indices = #map}, {transform_indices = #map}, {transform_indices = #map1}, {transform_indices = #map1}, {transform_indices = #map1}, {transform_indices = #map}]} {
    %scan3A = arith.constant 0 : i32
    %scan3A_0 = arith.constant 0 : i32
    %scan3A_1 = arith.constant 80 : i32
    %scan3A_2 = arith.addi %scan3A_0, %scan3A_1 : i32
    %scan3A_3 = arith.constant 1 : i32
    %scan3A_4 = scf.for %scan3A_49 = %scan3A_0 to %scan3A_2 step %scan3A_3 iter_args(%scan3A_50 = %scan3A) -> (i32)  : i32 {
      %broadcast_in_dim3A = arith.constant 0.000000e+00 : f32
      %broadcast_in_dim3A_51 = vector.broadcast %broadcast_in_dim3A : f32 to vector<16xf32>
      %swap3A = arith.index_cast %scan3A_49 : i32 to index
      %swap3A_52 = arith.constant 0 : index
      %swap3A_53 = tpu.vector_load %arg15[%swap3A, %swap3A_52] {strides = array<i32>} : memref<80x128xf32, #tpu.memory_space<vmem>>, vector<1x16xf32>,
      %swap3A_54 = vector.shape_cast %swap3A_53 : vector<1x16xf32> to vector<16xf32>
      %swap3A_55 = vector.shape_cast %broadcast_in_dim3A_51 : vector<16xf32> to vector<1x16xf32>
      tpu.vector_store %arg15[%swap3A, %swap3A_52], %swap3A_55 {strides = array<i32>} : memref<80x128xf32, #tpu.memory_space<vmem>>, vector<1x16xf32>,
      %broadcast_in_dim3A_56 = arith.constant 0.000000e+00 : f32
      %broadcast_in_dim3A_57 = vector.broadcast %broadcast_in_dim3A_56 : f32 to vector<16xf32>
      %swap3A_58 = arith.index_cast %scan3A_49 : i32 to index
      %swap3A_59 = arith.constant 16 : index
      %swap3A_60 = tpu.vector_load %arg15[%swap3A_58, %swap3A_59] {strides = array<i32>} : memref<80x128xf32, #tpu.memory_space<vmem>>, vector<1x16xf32>,
      %swap3A_61 = vector.shape_cast %swap3A_60 : vector<1x16xf32> to vector<16xf32>
      %swap3A_62 = vector.shape_cast %broadcast_in_dim3A_57 : vector<16xf32> to vector<1x16xf32>
      tpu.vector_store %arg15[%swap3A_58, %swap3A_59], %swap3A_62 {strides = array<i32>} : memref<80x128xf32, #tpu.memory_space<vmem>>, vector<1x16xf32>,
      %broadcast_in_dim3A_63 = arith.constant 0.000000e+00 : f32
      %broadcast_in_dim3A_64 = vector.broadcast %broadcast_in_dim3A_63 : f32 to vector<16xf32>
      %swap3A_65 = arith.index_cast %scan3A_49 : i32 to index
      %swap3A_66 = arith.constant 32 : index
      %swap3A_67 = tpu.vector_load %arg15[%swap3A_65, %swap3A_66] {strides = array<i32>} : memref<80x128xf32, #tpu.memory_space<vmem>>, vector<1x16xf32>,
      %swap3A_68 = vector.shape_cast %swap3A_67 : vector<1x16xf32> to vector<16xf32>
      %swap3A_69 = vector.shape_cast %broadcast_in_dim3A_64 : vector<16xf32> to vector<1x16xf32>
      tpu.vector_store %arg15[%swap3A_65, %swap3A_66], %swap3A_69 {strides = array<i32>} : memref<80x128xf32, #tpu.memory_space<vmem>>, vector<1x16xf32>,
      %broadcast_in_dim3A_70 = arith.constant 0.000000e+00 : f32
      %broadcast_in_dim3A_71 = vector.broadcast %broadcast_in_dim3A_70 : f32 to vector<16xf32>
      %swap3A_72 = arith.index_cast %scan3A_49 : i32 to index
      %swap3A_73 = arith.constant 48 : index
      %swap3A_74 = tpu.vector_load %arg15[%swap3A_72, %swap3A_73] {strides = array<i32>} : memref<80x128xf32, #tpu.memory_space<vmem>>, vector<1x16xf32>,
      %swap3A_75 = vector.shape_cast %swap3A_74 : vector<1x16xf32> to vector<16xf32>
      %swap3A_76 = vector.shape_cast %broadcast_in_dim3A_71 : vector<16xf32> to vector<1x16xf32>
      tpu.vector_store %arg15[%swap3A_72, %swap3A_73], %swap3A_76 {strides = array<i32>} : memref<80x128xf32, #tpu.memory_space<vmem>>, vector<1x16xf32>,
      %broadcast_in_dim3A_77 = arith.constant 0.000000e+00 : f32
      %broadcast_in_dim3A_78 = vector.broadcast %broadcast_in_dim3A_77 : f32 to vector<16xf32>
      %swap3A_79 = arith.index_cast %scan3A_49 : i32 to index
      %swap3A_80 = arith.constant 64 : index
      %swap3A_81 = tpu.vector_load %arg15[%swap3A_79, %swap3A_80] {strides = array<i32>} : memref<80x128xf32, #tpu.memory_space<vmem>>, vector<1x16xf32>,
      %swap3A_82 = vector.shape_cast %swap3A_81 : vector<1x16xf32> to vector<16xf32>
      %swap3A_83 = vector.shape_cast %broadcast_in_dim3A_78 : vector<16xf32> to vector<1x16xf32>
      tpu.vector_store %arg15[%swap3A_79, %swap3A_80], %swap3A_83 {strides = array<i32>} : memref<80x128xf32, #tpu.memory_space<vmem>>, vector<1x16xf32>,
      %broadcast_in_dim3A_84 = arith.constant 0.000000e+00 : f32
      %broadcast_in_dim3A_85 = vector.broadcast %broadcast_in_dim3A_84 : f32 to vector<16xf32>
      %swap3A_86 = arith.index_cast %scan3A_49 : i32 to index
      %swap3A_87 = arith.constant 80 : index
      %swap3A_88 = tpu.vector_load %arg15[%swap3A_86, %swap3A_87] {strides = array<i32>} : memref<80x128xf32, #tpu.memory_space<vmem>>, vector<1x16xf32>,
      %swap3A_89 = vector.shape_cast %swap3A_88 : vector<1x16xf32> to vector<16xf32>
      %swap3A_90 = vector.shape_cast %broadcast_in_dim3A_85 : vector<16xf32> to vector<1x16xf32>
      tpu.vector_store %arg15[%swap3A_86, %swap3A_87], %swap3A_90 {strides = array<i32>} : memref<80x128xf32, #tpu.memory_space<vmem>>, vector<1x16xf32>,
      %broadcast_in_dim3A_91 = arith.constant 0.000000e+00 : f32
      %broadcast_in_dim3A_92 = vector.broadcast %broadcast_in_dim3A_91 : f32 to vector<16xf32>
      %swap3A_93 = arith.index_cast %scan3A_49 : i32 to index
      %swap3A_94 = arith.constant 96 : index
      %swap3A_95 = tpu.vector_load %arg15[%swap3A_93, %swap3A_94] {strides = array<i32>} : memref<80x128xf32, #tpu.memory_space<vmem>>, vector<1x16xf32>,
      %swap3A_96 = vector.shape_cast %swap3A_95 : vector<1x16xf32> to vector<16xf32>
      %swap3A_97 = vector.shape_cast %broadcast_in_dim3A_92 : vector<16xf32> to vector<1x16xf32>
      tpu.vector_store %arg15[%swap3A_93, %swap3A_94], %swap3A_97 {strides = array<i32>} : memref<80x128xf32, #tpu.memory_space<vmem>>, vector<1x16xf32>,
      %broadcast_in_dim3A_98 = arith.constant 0.000000e+00 : f32
      %broadcast_in_dim3A_99 = vector.broadcast %broadcast_in_dim3A_98 : f32 to vector<16xf32>
      %swap3A_100 = arith.index_cast %scan3A_49 : i32 to index
      %swap3A_101 = arith.constant 112 : index
      %swap3A_102 = tpu.vector_load %arg15[%swap3A_100, %swap3A_101] {strides = array<i32>} : memref<80x128xf32, #tpu.memory_space<vmem>>, vector<1x16xf32>,
      %swap3A_103 = vector.shape_cast %swap3A_102 : vector<1x16xf32> to vector<16xf32>
      %swap3A_104 = vector.shape_cast %broadcast_in_dim3A_99 : vector<16xf32> to vector<1x16xf32>
      tpu.vector_store %arg15[%swap3A_100, %swap3A_101], %swap3A_104 {strides = array<i32>} : memref<80x128xf32, #tpu.memory_space<vmem>>, vector<1x16xf32>,
      %scan3A_105 = arith.constant 0 : i32
      scf.yield %scan3A_105 : i32
    }
    %scan3A_5 = arith.constant 80 : i32
    %mul3A = arith.constant 640 : i32
    %mul3A_6 = arith.muli %arg1, %mul3A : i32
    %lt3A = arith.constant 15 : i32
    %lt3A_7 = arith.cmpi slt, %arg1, %lt3A : i32
    %jit3A = arith.constant 8 : i32
    %jit3A_8 = arith.constant 5 : i32
    %select_n3A = arith.select %lt3A_7, %jit3A, %jit3A_8 : i32
    %while3A = arith.constant 0 : i32
    %while3A_9 = arith.constant 0 : i32
    %while3A_10 = arith.subi %select_n3A, %while3A : i32
    %while3A_11 = arith.addi %while3A, %while3A_10 : i32
    %while3A_12 = arith.constant 1 : i32
    %while3A_13 = arith.divsi %while3A_10, %while3A_12 : i32
    %while3A_14 = arith.muli %while3A_13, %while3A_12 : i32
    %while3A_15 = arith.addi %while3A, %while3A_14 : i32
    %while3A_16 = arith.constant 1 : i32
    %while3A_17 = scf.for %while3A_49 = %while3A to %while3A_15 step %while3A_16 iter_args(%while3A_50 = %while3A_9) -> (i32)  : i32 {
      %mul3A_51 = arith.constant 80 : i32
      %mul3A_52 = arith.muli %while3A_49, %mul3A_51 : i32
      %add3A = arith.addi %mul3A_6, %mul3A_52 : i32
      "tpu.region"() ({
        %run_scoped3A = tpu.sem_alloc : memref<!tpu.dma_semaphore, #tpu.memory_space<semaphore_mem>>
        %dma_start3A = arith.constant 0 : i32
        %dma_start3A_54 = tpu.memref_slice %arg16[%add3A, %dma_start3A] : memref<10008x128xf32, #tpu.memory_space<vmem_shared>> -> memref<80x128xf32, #tpu.memory_space<vmem_shared>>
        %dma_start3A_55 = arith.constant 0 : i32
        %dma_start3A_56 = tpu.memref_slice %arg16[%add3A, %dma_start3A_55] : memref<10008x128xf32, #tpu.memory_space<vmem_shared>> -> memref<80x128xf32, #tpu.memory_space<vmem_shared>>
        tpu.enqueue_dma source(%arg15 : memref<80x128xf32, #tpu.memory_space<vmem>>) target(%dma_start3A_56 : memref<80x128xf32, #tpu.memory_space<vmem_shared>>) target_semaphore(%run_scoped3A : memref<!tpu.dma_semaphore, #tpu.memory_space<semaphore_mem>>)
        %dma_wait3A = arith.constant 0 : i32
        %dma_wait3A_57 = tpu.memref_slice %arg16[%add3A, %dma_wait3A] : memref<10008x128xf32, #tpu.memory_space<vmem_shared>> -> memref<80x128xf32, #tpu.memory_space<vmem_shared>>
        %dma_wait3A_58 = arith.constant 0 : i32
        %dma_wait3A_59 = tpu.memref_slice %arg16[%add3A, %dma_wait3A_58] : memref<10008x128xf32, #tpu.memory_space<vmem_shared>> -> memref<80x128xf32, #tpu.memory_space<vmem_shared>>
        tpu.wait_dma2 semaphore(%run_scoped3A : memref<!tpu.dma_semaphore, #tpu.memory_space<semaphore_mem>>) src(%arg15 : memref<80x128xf32, #tpu.memory_space<vmem>>) dst(%dma_wait3A_59 : memref<80x128xf32, #tpu.memory_space<vmem_shared>>)
        tpu.yield
      }) : () -> ()
      %while3A_53 = arith.constant 0 : i32
      scf.yield %while3A_53 : i32
    }
    %while3A_18 = arith.constant 1 : i32
    %while3A_19 = scf.for %while3A_49 = %while3A_15 to %while3A_11 step %while3A_18 iter_args(%while3A_50 = %while3A_17) -> (i32)  : i32 {
      %mul3A_51 = arith.constant 80 : i32
      %mul3A_52 = arith.muli %while3A_49, %mul3A_51 : i32
      %add3A = arith.addi %mul3A_6, %mul3A_52 : i32
      "tpu.region"() ({
        %run_scoped3A = tpu.sem_alloc : memref<!tpu.dma_semaphore, #tpu.memory_space<semaphore_mem>>
        %dma_start3A = arith.constant 0 : i32
        %dma_start3A_54 = tpu.memref_slice %arg16[%add3A, %dma_start3A] : memref<10008x128xf32, #tpu.memory_space<vmem_shared>> -> memref<80x128xf32, #tpu.memory_space<vmem_shared>>
        %dma_start3A_55 = arith.constant 0 : i32
        %dma_start3A_56 = tpu.memref_slice %arg16[%add3A, %dma_start3A_55] : memref<10008x128xf32, #tpu.memory_space<vmem_shared>> -> memref<80x128xf32, #tpu.memory_space<vmem_shared>>
        tpu.enqueue_dma source(%arg15 : memref<80x128xf32, #tpu.memory_space<vmem>>) target(%dma_start3A_56 : memref<80x128xf32, #tpu.memory_space<vmem_shared>>) target_semaphore(%run_scoped3A : memref<!tpu.dma_semaphore, #tpu.memory_space<semaphore_mem>>)
        %dma_wait3A = arith.constant 0 : i32
        %dma_wait3A_57 = tpu.memref_slice %arg16[%add3A, %dma_wait3A] : memref<10008x128xf32, #tpu.memory_space<vmem_shared>> -> memref<80x128xf32, #tpu.memory_space<vmem_shared>>
        %dma_wait3A_58 = arith.constant 0 : i32
        %dma_wait3A_59 = tpu.memref_slice %arg16[%add3A, %dma_wait3A_58] : memref<10008x128xf32, #tpu.memory_space<vmem_shared>> -> memref<80x128xf32, #tpu.memory_space<vmem_shared>>
        tpu.wait_dma2 semaphore(%run_scoped3A : memref<!tpu.dma_semaphore, #tpu.memory_space<semaphore_mem>>) src(%arg15 : memref<80x128xf32, #tpu.memory_space<vmem>>) dst(%dma_wait3A_59 : memref<80x128xf32, #tpu.memory_space<vmem_shared>>)
        tpu.yield
      }) : () -> ()
      %while3A_53 = arith.constant 0 : i32
      scf.yield %while3A_53 : i32
    }
    %barrier3A = arith.constant 0 : index
    tpu.barrier barrier_id(%barrier3A)
    %scan3A_20 = arith.constant 0 : i32
    %scan3A_21 = arith.constant 0 : i32
    %scan3A_22 = arith.constant 64 : i32
    %scan3A_23 = arith.addi %scan3A_21, %scan3A_22 : i32
    %scan3A_24 = arith.constant 1 : i32
    %scan3A_25 = scf.for %scan3A_49 = %scan3A_21 to %scan3A_23 step %scan3A_24 iter_args(%scan3A_50 = %scan3A_20) -> (i32)  : i32 {
      %mul3A_51 = arith.constant 5120 : i32
      %mul3A_52 = arith.muli %arg1, %mul3A_51 : i32
      %mul3A_53 = arith.constant 80 : i32
      %mul3A_54 = arith.muli %scan3A_49, %mul3A_53 : i32
      %add3A = arith.addi %mul3A_52, %mul3A_54 : i32
      %mul3A_55 = arith.constant 81920 : i32
      %mul3A_56 = arith.muli %arg0, %mul3A_55 : i32
      %add3A_57 = arith.addi %mul3A_56, %add3A : i32
      "tpu.region"() ({
        %run_scoped3A = tpu.sem_alloc : memref<!tpu.dma_semaphore, #tpu.memory_space<semaphore_mem>>
        %dma_start3A_85 = tpu.memref_slice %arg5[%add3A_57] : memref<163840xi32, #tpu.memory_space<hbm>> -> memref<80xi32, #tpu.memory_space<hbm>>
        %dma_start3A_86 = tpu.memref_slice %arg5[%add3A_57] : memref<163840xi32, #tpu.memory_space<hbm>> -> memref<80xi32, #tpu.memory_space<hbm>>
        tpu.enqueue_dma source(%dma_start3A_86 : memref<80xi32, #tpu.memory_space<hbm>>) target(%arg9 : memref<80xi32, #tpu.memory_space<vmem>>) target_semaphore(%run_scoped3A : memref<!tpu.dma_semaphore, #tpu.memory_space<semaphore_mem>>)
        %dma_wait3A_87 = tpu.memref_slice %arg5[%add3A_57] : memref<163840xi32, #tpu.memory_space<hbm>> -> memref<80xi32, #tpu.memory_space<hbm>>
        %dma_wait3A_88 = tpu.memref_slice %arg5[%add3A_57] : memref<163840xi32, #tpu.memory_space<hbm>> -> memref<80xi32, #tpu.memory_space<hbm>>
        tpu.wait_dma2 semaphore(%run_scoped3A : memref<!tpu.dma_semaphore, #tpu.memory_space<semaphore_mem>>) src(%dma_wait3A_88 : memref<80xi32, #tpu.memory_space<hbm>>) dst(%arg9 : memref<80xi32, #tpu.memory_space<vmem>>)
        tpu.yield
      }) : () -> ()
      %mul3A_58 = arith.constant 81920 : i32
      %mul3A_59 = arith.muli %arg0, %mul3A_58 : i32
      %add3A_60 = arith.addi %mul3A_59, %add3A : i32
      "tpu.region"() ({
        %run_scoped3A = tpu.sem_alloc : memref<!tpu.dma_semaphore, #tpu.memory_space<semaphore_mem>>
        %dma_start3A_85 = tpu.memref_slice %arg6[%add3A_60] : memref<163840xi32, #tpu.memory_space<hbm>> -> memref<80xi32, #tpu.memory_space<hbm>>
        %dma_start3A_86 = tpu.memref_slice %arg6[%add3A_60] : memref<163840xi32, #tpu.memory_space<hbm>> -> memref<80xi32, #tpu.memory_space<hbm>>
        tpu.enqueue_dma source(%dma_start3A_86 : memref<80xi32, #tpu.memory_space<hbm>>) target(%arg10 : memref<80xi32, #tpu.memory_space<vmem>>) target_semaphore(%run_scoped3A : memref<!tpu.dma_semaphore, #tpu.memory_space<semaphore_mem>>)
        %dma_wait3A_87 = tpu.memref_slice %arg6[%add3A_60] : memref<163840xi32, #tpu.memory_space<hbm>> -> memref<80xi32, #tpu.memory_space<hbm>>
        %dma_wait3A_88 = tpu.memref_slice %arg6[%add3A_60] : memref<163840xi32, #tpu.memory_space<hbm>> -> memref<80xi32, #tpu.memory_space<hbm>>
        tpu.wait_dma2 semaphore(%run_scoped3A : memref<!tpu.dma_semaphore, #tpu.memory_space<semaphore_mem>>) src(%dma_wait3A_88 : memref<80xi32, #tpu.memory_space<hbm>>) dst(%arg10 : memref<80xi32, #tpu.memory_space<vmem>>)
        tpu.yield
      }) : () -> ()
      "tpu.region"() ({
        %run_scoped3A = tpu.sem_alloc : memref<!tpu.dma_semaphore, #tpu.memory_space<semaphore_mem>>
        %dma_start3A_85 = tpu.memref_slice %arg7[%add3A] : memref<81920xi32, #tpu.memory_space<hbm>> -> memref<80xi32, #tpu.memory_space<hbm>>
        %dma_start3A_86 = tpu.memref_slice %arg7[%add3A] : memref<81920xi32, #tpu.memory_space<hbm>> -> memref<80xi32, #tpu.memory_space<hbm>>
        tpu.enqueue_dma source(%dma_start3A_86 : memref<80xi32, #tpu.memory_space<hbm>>) target(%arg11 : memref<80xi32, #tpu.memory_space<vmem>>) target_semaphore(%run_scoped3A : memref<!tpu.dma_semaphore, #tpu.memory_space<semaphore_mem>>)
        %dma_wait3A_87 = tpu.memref_slice %arg7[%add3A] : memref<81920xi32, #tpu.memory_space<hbm>> -> memref<80xi32, #tpu.memory_space<hbm>>
        %dma_wait3A_88 = tpu.memref_slice %arg7[%add3A] : memref<81920xi32, #tpu.memory_space<hbm>> -> memref<80xi32, #tpu.memory_space<hbm>>
        tpu.wait_dma2 semaphore(%run_scoped3A : memref<!tpu.dma_semaphore, #tpu.memory_space<semaphore_mem>>) src(%dma_wait3A_88 : memref<80xi32, #tpu.memory_space<hbm>>) dst(%arg11 : memref<80xi32, #tpu.memory_space<vmem>>)
        tpu.yield
      }) : () -> ()
      %dma_start3A = arith.constant 0 : i32
      %dma_start3A_61 = arith.constant 0 : i32
      %dma_start3A_62 = tpu.memref_slice %arg2[%dma_start3A, %dma_start3A_61] : memref<20000x128xf32, #tpu.memory_space<hbm>> -> memref<20000x128xf32, #tpu.memory_space<hbm>>
      tpu.enqueue_indirect_dma source(%dma_start3A_62 : memref<20000x128xf32, #tpu.memory_space<hbm>>) target(%arg12 : memref<80x128xf32, #tpu.memory_space<vmem>>) offsets(%arg9 : memref<80xi32, #tpu.memory_space<vmem>>) semaphore(%arg17 : memref<!tpu.dma_semaphore, #tpu.memory_space<semaphore_mem>>)
      %dma_start3A_63 = arith.constant 0 : i32
      %dma_start3A_64 = arith.constant 0 : i32
      %dma_start3A_65 = tpu.memref_slice %arg3[%dma_start3A_63, %dma_start3A_64] : memref<4000x128xf32, #tpu.memory_space<hbm>> -> memref<4000x128xf32, #tpu.memory_space<hbm>>
      tpu.enqueue_indirect_dma source(%dma_start3A_65 : memref<4000x128xf32, #tpu.memory_space<hbm>>) target(%arg13 : memref<80x128xf32, #tpu.memory_space<vmem>>) offsets(%arg10 : memref<80xi32, #tpu.memory_space<vmem>>) semaphore(%arg17 : memref<!tpu.dma_semaphore, #tpu.memory_space<semaphore_mem>>)
      %dma_start3A_66 = arith.constant 0 : i32
      %dma_start3A_67 = arith.constant 0 : i32
      %dma_start3A_68 = tpu.memref_slice %arg4[%dma_start3A_66, %dma_start3A_67] : memref<4000x128xf32, #tpu.memory_space<hbm>> -> memref<4000x128xf32, #tpu.memory_space<hbm>>
      tpu.enqueue_indirect_dma source(%dma_start3A_68 : memref<4000x128xf32, #tpu.memory_space<hbm>>) target(%arg14 : memref<80x128xf32, #tpu.memory_space<vmem>>) offsets(%arg10 : memref<80xi32, #tpu.memory_space<vmem>>) semaphore(%arg17 : memref<!tpu.dma_semaphore, #tpu.memory_space<semaphore_mem>>)
      %dma_wait3A = arith.constant 0 : i32
      %dma_wait3A_69 = arith.constant 0 : i32
      %dma_wait3A_70 = tpu.memref_slice %arg2[%dma_wait3A, %dma_wait3A_69] : memref<20000x128xf32, #tpu.memory_space<hbm>> -> memref<20000x128xf32, #tpu.memory_space<hbm>>
      tpu.wait_indirect_dma semaphore(%arg17 : memref<!tpu.dma_semaphore, #tpu.memory_space<semaphore_mem>>) src(%dma_wait3A_70 : memref<20000x128xf32, #tpu.memory_space<hbm>>) dst(%arg12 : memref<80x128xf32, #tpu.memory_space<vmem>>)
      %dma_wait3A_71 = arith.constant 0 : i32
      %dma_wait3A_72 = arith.constant 0 : i32
      %dma_wait3A_73 = tpu.memref_slice %arg3[%dma_wait3A_71, %dma_wait3A_72] : memref<4000x128xf32, #tpu.memory_space<hbm>> -> memref<4000x128xf32, #tpu.memory_space<hbm>>
      tpu.wait_indirect_dma semaphore(%arg17 : memref<!tpu.dma_semaphore, #tpu.memory_space<semaphore_mem>>) src(%dma_wait3A_73 : memref<4000x128xf32, #tpu.memory_space<hbm>>) dst(%arg13 : memref<80x128xf32, #tpu.memory_space<vmem>>)
      %dma_wait3A_74 = arith.constant 0 : i32
      %dma_wait3A_75 = arith.constant 0 : i32
      %dma_wait3A_76 = tpu.memref_slice %arg4[%dma_wait3A_74, %dma_wait3A_75] : memref<4000x128xf32, #tpu.memory_space<hbm>> -> memref<4000x128xf32, #tpu.memory_space<hbm>>
      tpu.wait_indirect_dma semaphore(%arg17 : memref<!tpu.dma_semaphore, #tpu.memory_space<semaphore_mem>>) src(%dma_wait3A_76 : memref<4000x128xf32, #tpu.memory_space<hbm>>) dst(%arg14 : memref<80x128xf32, #tpu.memory_space<vmem>>)
      %scan3A_77 = arith.constant 0 : i32
      %scan3A_78 = arith.constant 0 : i32
      %scan3A_79 = arith.constant 80 : i32
      %scan3A_80 = arith.addi %scan3A_78, %scan3A_79 : i32
      %scan3A_81 = arith.constant 1 : i32
      %scan3A_82 = scf.for %scan3A_85 = %scan3A_78 to %scan3A_80 step %scan3A_81 iter_args(%scan3A_86 = %scan3A_77) -> (i32)  : i32 {
        %get3A = arith.index_cast %scan3A_85 : i32 to index
        %get3A_87 = arith.constant 0 : index
        %get3A_88 = tpu.vector_load %arg12[%get3A, %get3A_87] {strides = array<i32>} : memref<80x128xf32, #tpu.memory_space<vmem>>, vector<1x16xf32>,
        %get3A_89 = vector.shape_cast %get3A_88 : vector<1x16xf32> to vector<16xf32>
        %get3A_90 = arith.index_cast %scan3A_85 : i32 to index
        %get3A_91 = arith.constant 0 : index
        %get3A_92 = tpu.vector_load %arg13[%get3A_90, %get3A_91] {strides = array<i32>} : memref<80x128xf32, #tpu.memory_space<vmem>>, vector<1x16xf32>,
        %get3A_93 = vector.shape_cast %get3A_92 : vector<1x16xf32> to vector<16xf32>
        %add3A_94 = arith.addf %get3A_89, %get3A_93 : vector<16xf32>
        %get3A_95 = arith.index_cast %scan3A_85 : i32 to index
        %get3A_96 = arith.constant 0 : index
        %get3A_97 = tpu.vector_load %arg14[%get3A_95, %get3A_96] {strides = array<i32>} : memref<80x128xf32, #tpu.memory_space<vmem>>, vector<1x16xf32>,
        %get3A_98 = vector.shape_cast %get3A_97 : vector<1x16xf32> to vector<16xf32>
        %neg3A = arith.constant 0.000000e+00 : f32
        %neg3A_99 = vector.broadcast %neg3A : f32 to vector<16xf32>
        %neg3A_100 = arith.subf %neg3A_99, %add3A_94 : vector<16xf32>
        %exp3A = math.exp %neg3A_100 : vector<16xf32>
        %add3A_101 = arith.constant 1.000000e+00 : f32
        %add3A_102 = vector.broadcast %add3A_101 : f32 to vector<16xf32>
        %add3A_103 = arith.addf %add3A_102, %exp3A : vector<16xf32>
        %div3A = arith.divf %get3A_98, %add3A_103 : vector<16xf32>
        %swap3A = arith.index_cast %scan3A_85 : i32 to index
        %swap3A_104 = arith.constant 0 : index
        %swap3A_105 = tpu.vector_load %arg12[%swap3A, %swap3A_104] {strides = array<i32>} : memref<80x128xf32, #tpu.memory_space<vmem>>, vector<1x16xf32>,
        %swap3A_106 = vector.shape_cast %swap3A_105 : vector<1x16xf32> to vector<16xf32>
        %swap3A_107 = vector.shape_cast %div3A : vector<16xf32> to vector<1x16xf32>
        tpu.vector_store %arg12[%swap3A, %swap3A_104], %swap3A_107 {strides = array<i32>} : memref<80x128xf32, #tpu.memory_space<vmem>>, vector<1x16xf32>,
        %get3A_108 = arith.index_cast %scan3A_85 : i32 to index
        %get3A_109 = arith.constant 16 : index
        %get3A_110 = tpu.vector_load %arg12[%get3A_108, %get3A_109] {strides = array<i32>} : memref<80x128xf32, #tpu.memory_space<vmem>>, vector<1x16xf32>,
        %get3A_111 = vector.shape_cast %get3A_110 : vector<1x16xf32> to vector<16xf32>
        %get3A_112 = arith.index_cast %scan3A_85 : i32 to index
        %get3A_113 = arith.constant 16 : index
        %get3A_114 = tpu.vector_load %arg13[%get3A_112, %get3A_113] {strides = array<i32>} : memref<80x128xf32, #tpu.memory_space<vmem>>, vector<1x16xf32>,
        %get3A_115 = vector.shape_cast %get3A_114 : vector<1x16xf32> to vector<16xf32>
        %add3A_116 = arith.addf %get3A_111, %get3A_115 : vector<16xf32>
        %get3A_117 = arith.index_cast %scan3A_85 : i32 to index
        %get3A_118 = arith.constant 16 : index
        %get3A_119 = tpu.vector_load %arg14[%get3A_117, %get3A_118] {strides = array<i32>} : memref<80x128xf32, #tpu.memory_space<vmem>>, vector<1x16xf32>,
        %get3A_120 = vector.shape_cast %get3A_119 : vector<1x16xf32> to vector<16xf32>
        %neg3A_121 = arith.constant 0.000000e+00 : f32
        %neg3A_122 = vector.broadcast %neg3A_121 : f32 to vector<16xf32>
        %neg3A_123 = arith.subf %neg3A_122, %add3A_116 : vector<16xf32>
        %exp3A_124 = math.exp %neg3A_123 : vector<16xf32>
        %add3A_125 = arith.constant 1.000000e+00 : f32
        %add3A_126 = vector.broadcast %add3A_125 : f32 to vector<16xf32>
        %add3A_127 = arith.addf %add3A_126, %exp3A_124 : vector<16xf32>
        %div3A_128 = arith.divf %get3A_120, %add3A_127 : vector<16xf32>
        %swap3A_129 = arith.index_cast %scan3A_85 : i32 to index
        %swap3A_130 = arith.constant 16 : index
        %swap3A_131 = tpu.vector_load %arg12[%swap3A_129, %swap3A_130] {strides = array<i32>} : memref<80x128xf32, #tpu.memory_space<vmem>>, vector<1x16xf32>,
        %swap3A_132 = vector.shape_cast %swap3A_131 : vector<1x16xf32> to vector<16xf32>
        %swap3A_133 = vector.shape_cast %div3A_128 : vector<16xf32> to vector<1x16xf32>
        tpu.vector_store %arg12[%swap3A_129, %swap3A_130], %swap3A_133 {strides = array<i32>} : memref<80x128xf32, #tpu.memory_space<vmem>>, vector<1x16xf32>,
        %get3A_134 = arith.index_cast %scan3A_85 : i32 to index
        %get3A_135 = arith.constant 32 : index
        %get3A_136 = tpu.vector_load %arg12[%get3A_134, %get3A_135] {strides = array<i32>} : memref<80x128xf32, #tpu.memory_space<vmem>>, vector<1x16xf32>,
        %get3A_137 = vector.shape_cast %get3A_136 : vector<1x16xf32> to vector<16xf32>
        %get3A_138 = arith.index_cast %scan3A_85 : i32 to index
        %get3A_139 = arith.constant 32 : index
        %get3A_140 = tpu.vector_load %arg13[%get3A_138, %get3A_139] {strides = array<i32>} : memref<80x128xf32, #tpu.memory_space<vmem>>, vector<1x16xf32>,
        %get3A_141 = vector.shape_cast %get3A_140 : vector<1x16xf32> to vector<16xf32>
        %add3A_142 = arith.addf %get3A_137, %get3A_141 : vector<16xf32>
        %get3A_143 = arith.index_cast %scan3A_85 : i32 to index
        %get3A_144 = arith.constant 32 : index
        %get3A_145 = tpu.vector_load %arg14[%get3A_143, %get3A_144] {strides = array<i32>} : memref<80x128xf32, #tpu.memory_space<vmem>>, vector<1x16xf32>,
        %get3A_146 = vector.shape_cast %get3A_145 : vector<1x16xf32> to vector<16xf32>
        %neg3A_147 = arith.constant 0.000000e+00 : f32
        %neg3A_148 = vector.broadcast %neg3A_147 : f32 to vector<16xf32>
        %neg3A_149 = arith.subf %neg3A_148, %add3A_142 : vector<16xf32>
        %exp3A_150 = math.exp %neg3A_149 : vector<16xf32>
        %add3A_151 = arith.constant 1.000000e+00 : f32
        %add3A_152 = vector.broadcast %add3A_151 : f32 to vector<16xf32>
        %add3A_153 = arith.addf %add3A_152, %exp3A_150 : vector<16xf32>
        %div3A_154 = arith.divf %get3A_146, %add3A_153 : vector<16xf32>
        %swap3A_155 = arith.index_cast %scan3A_85 : i32 to index
        %swap3A_156 = arith.constant 32 : index
        %swap3A_157 = tpu.vector_load %arg12[%swap3A_155, %swap3A_156] {strides = array<i32>} : memref<80x128xf32, #tpu.memory_space<vmem>>, vector<1x16xf32>,
        %swap3A_158 = vector.shape_cast %swap3A_157 : vector<1x16xf32> to vector<16xf32>
        %swap3A_159 = vector.shape_cast %div3A_154 : vector<16xf32> to vector<1x16xf32>
        tpu.vector_store %arg12[%swap3A_155, %swap3A_156], %swap3A_159 {strides = array<i32>} : memref<80x128xf32, #tpu.memory_space<vmem>>, vector<1x16xf32>,
        %get3A_160 = arith.index_cast %scan3A_85 : i32 to index
        %get3A_161 = arith.constant 48 : index
        %get3A_162 = tpu.vector_load %arg12[%get3A_160, %get3A_161] {strides = array<i32>} : memref<80x128xf32, #tpu.memory_space<vmem>>, vector<1x16xf32>,
        %get3A_163 = vector.shape_cast %get3A_162 : vector<1x16xf32> to vector<16xf32>
        %get3A_164 = arith.index_cast %scan3A_85 : i32 to index
        %get3A_165 = arith.constant 48 : index
        %get3A_166 = tpu.vector_load %arg13[%get3A_164, %get3A_165] {strides = array<i32>} : memref<80x128xf32, #tpu.memory_space<vmem>>, vector<1x16xf32>,
        %get3A_167 = vector.shape_cast %get3A_166 : vector<1x16xf32> to vector<16xf32>
        %add3A_168 = arith.addf %get3A_163, %get3A_167 : vector<16xf32>
        %get3A_169 = arith.index_cast %scan3A_85 : i32 to index
        %get3A_170 = arith.constant 48 : index
        %get3A_171 = tpu.vector_load %arg14[%get3A_169, %get3A_170] {strides = array<i32>} : memref<80x128xf32, #tpu.memory_space<vmem>>, vector<1x16xf32>,
        %get3A_172 = vector.shape_cast %get3A_171 : vector<1x16xf32> to vector<16xf32>
        %neg3A_173 = arith.constant 0.000000e+00 : f32
        %neg3A_174 = vector.broadcast %neg3A_173 : f32 to vector<16xf32>
        %neg3A_175 = arith.subf %neg3A_174, %add3A_168 : vector<16xf32>
        %exp3A_176 = math.exp %neg3A_175 : vector<16xf32>
        %add3A_177 = arith.constant 1.000000e+00 : f32
        %add3A_178 = vector.broadcast %add3A_177 : f32 to vector<16xf32>
        %add3A_179 = arith.addf %add3A_178, %exp3A_176 : vector<16xf32>
        %div3A_180 = arith.divf %get3A_172, %add3A_179 : vector<16xf32>
        %swap3A_181 = arith.index_cast %scan3A_85 : i32 to index
        %swap3A_182 = arith.constant 48 : index
        %swap3A_183 = tpu.vector_load %arg12[%swap3A_181, %swap3A_182] {strides = array<i32>} : memref<80x128xf32, #tpu.memory_space<vmem>>, vector<1x16xf32>,
        %swap3A_184 = vector.shape_cast %swap3A_183 : vector<1x16xf32> to vector<16xf32>
        %swap3A_185 = vector.shape_cast %div3A_180 : vector<16xf32> to vector<1x16xf32>
        tpu.vector_store %arg12[%swap3A_181, %swap3A_182], %swap3A_185 {strides = array<i32>} : memref<80x128xf32, #tpu.memory_space<vmem>>, vector<1x16xf32>,
        %get3A_186 = arith.index_cast %scan3A_85 : i32 to index
        %get3A_187 = arith.constant 64 : index
        %get3A_188 = tpu.vector_load %arg12[%get3A_186, %get3A_187] {strides = array<i32>} : memref<80x128xf32, #tpu.memory_space<vmem>>, vector<1x16xf32>,
        %get3A_189 = vector.shape_cast %get3A_188 : vector<1x16xf32> to vector<16xf32>
        %get3A_190 = arith.index_cast %scan3A_85 : i32 to index
        %get3A_191 = arith.constant 64 : index
        %get3A_192 = tpu.vector_load %arg13[%get3A_190, %get3A_191] {strides = array<i32>} : memref<80x128xf32, #tpu.memory_space<vmem>>, vector<1x16xf32>,
        %get3A_193 = vector.shape_cast %get3A_192 : vector<1x16xf32> to vector<16xf32>
        %add3A_194 = arith.addf %get3A_189, %get3A_193 : vector<16xf32>
        %get3A_195 = arith.index_cast %scan3A_85 : i32 to index
        %get3A_196 = arith.constant 64 : index
        %get3A_197 = tpu.vector_load %arg14[%get3A_195, %get3A_196] {strides = array<i32>} : memref<80x128xf32, #tpu.memory_space<vmem>>, vector<1x16xf32>,
        %get3A_198 = vector.shape_cast %get3A_197 : vector<1x16xf32> to vector<16xf32>
        %neg3A_199 = arith.constant 0.000000e+00 : f32
        %neg3A_200 = vector.broadcast %neg3A_199 : f32 to vector<16xf32>
        %neg3A_201 = arith.subf %neg3A_200, %add3A_194 : vector<16xf32>
        %exp3A_202 = math.exp %neg3A_201 : vector<16xf32>
        %add3A_203 = arith.constant 1.000000e+00 : f32
        %add3A_204 = vector.broadcast %add3A_203 : f32 to vector<16xf32>
        %add3A_205 = arith.addf %add3A_204, %exp3A_202 : vector<16xf32>
        %div3A_206 = arith.divf %get3A_198, %add3A_205 : vector<16xf32>
        %swap3A_207 = arith.index_cast %scan3A_85 : i32 to index
        %swap3A_208 = arith.constant 64 : index
        %swap3A_209 = tpu.vector_load %arg12[%swap3A_207, %swap3A_208] {strides = array<i32>} : memref<80x128xf32, #tpu.memory_space<vmem>>, vector<1x16xf32>,
        %swap3A_210 = vector.shape_cast %swap3A_209 : vector<1x16xf32> to vector<16xf32>
        %swap3A_211 = vector.shape_cast %div3A_206 : vector<16xf32> to vector<1x16xf32>
        tpu.vector_store %arg12[%swap3A_207, %swap3A_208], %swap3A_211 {strides = array<i32>} : memref<80x128xf32, #tpu.memory_space<vmem>>, vector<1x16xf32>,
        %get3A_212 = arith.index_cast %scan3A_85 : i32 to index
        %get3A_213 = arith.constant 80 : index
        %get3A_214 = tpu.vector_load %arg12[%get3A_212, %get3A_213] {strides = array<i32>} : memref<80x128xf32, #tpu.memory_space<vmem>>, vector<1x16xf32>,
        %get3A_215 = vector.shape_cast %get3A_214 : vector<1x16xf32> to vector<16xf32>
        %get3A_216 = arith.index_cast %scan3A_85 : i32 to index
        %get3A_217 = arith.constant 80 : index
        %get3A_218 = tpu.vector_load %arg13[%get3A_216, %get3A_217] {strides = array<i32>} : memref<80x128xf32, #tpu.memory_space<vmem>>, vector<1x16xf32>,
        %get3A_219 = vector.shape_cast %get3A_218 : vector<1x16xf32> to vector<16xf32>
        %add3A_220 = arith.addf %get3A_215, %get3A_219 : vector<16xf32>
        %get3A_221 = arith.index_cast %scan3A_85 : i32 to index
        %get3A_222 = arith.constant 80 : index
        %get3A_223 = tpu.vector_load %arg14[%get3A_221, %get3A_222] {strides = array<i32>} : memref<80x128xf32, #tpu.memory_space<vmem>>, vector<1x16xf32>,
        %get3A_224 = vector.shape_cast %get3A_223 : vector<1x16xf32> to vector<16xf32>
        %neg3A_225 = arith.constant 0.000000e+00 : f32
        %neg3A_226 = vector.broadcast %neg3A_225 : f32 to vector<16xf32>
        %neg3A_227 = arith.subf %neg3A_226, %add3A_220 : vector<16xf32>
        %exp3A_228 = math.exp %neg3A_227 : vector<16xf32>
        %add3A_229 = arith.constant 1.000000e+00 : f32
        %add3A_230 = vector.broadcast %add3A_229 : f32 to vector<16xf32>
        %add3A_231 = arith.addf %add3A_230, %exp3A_228 : vector<16xf32>
        %div3A_232 = arith.divf %get3A_224, %add3A_231 : vector<16xf32>
        %swap3A_233 = arith.index_cast %scan3A_85 : i32 to index
        %swap3A_234 = arith.constant 80 : index
        %swap3A_235 = tpu.vector_load %arg12[%swap3A_233, %swap3A_234] {strides = array<i32>} : memref<80x128xf32, #tpu.memory_space<vmem>>, vector<1x16xf32>,
        %swap3A_236 = vector.shape_cast %swap3A_235 : vector<1x16xf32> to vector<16xf32>
        %swap3A_237 = vector.shape_cast %div3A_232 : vector<16xf32> to vector<1x16xf32>
        tpu.vector_store %arg12[%swap3A_233, %swap3A_234], %swap3A_237 {strides = array<i32>} : memref<80x128xf32, #tpu.memory_space<vmem>>, vector<1x16xf32>,
        %get3A_238 = arith.index_cast %scan3A_85 : i32 to index
        %get3A_239 = arith.constant 96 : index
        %get3A_240 = tpu.vector_load %arg12[%get3A_238, %get3A_239] {strides = array<i32>} : memref<80x128xf32, #tpu.memory_space<vmem>>, vector<1x16xf32>,
        %get3A_241 = vector.shape_cast %get3A_240 : vector<1x16xf32> to vector<16xf32>
        %get3A_242 = arith.index_cast %scan3A_85 : i32 to index
        %get3A_243 = arith.constant 96 : index
        %get3A_244 = tpu.vector_load %arg13[%get3A_242, %get3A_243] {strides = array<i32>} : memref<80x128xf32, #tpu.memory_space<vmem>>, vector<1x16xf32>,
        %get3A_245 = vector.shape_cast %get3A_244 : vector<1x16xf32> to vector<16xf32>
        %add3A_246 = arith.addf %get3A_241, %get3A_245 : vector<16xf32>
        %get3A_247 = arith.index_cast %scan3A_85 : i32 to index
        %get3A_248 = arith.constant 96 : index
        %get3A_249 = tpu.vector_load %arg14[%get3A_247, %get3A_248] {strides = array<i32>} : memref<80x128xf32, #tpu.memory_space<vmem>>, vector<1x16xf32>,
        %get3A_250 = vector.shape_cast %get3A_249 : vector<1x16xf32> to vector<16xf32>
        %neg3A_251 = arith.constant 0.000000e+00 : f32
        %neg3A_252 = vector.broadcast %neg3A_251 : f32 to vector<16xf32>
        %neg3A_253 = arith.subf %neg3A_252, %add3A_246 : vector<16xf32>
        %exp3A_254 = math.exp %neg3A_253 : vector<16xf32>
        %add3A_255 = arith.constant 1.000000e+00 : f32
        %add3A_256 = vector.broadcast %add3A_255 : f32 to vector<16xf32>
        %add3A_257 = arith.addf %add3A_256, %exp3A_254 : vector<16xf32>
        %div3A_258 = arith.divf %get3A_250, %add3A_257 : vector<16xf32>
        %swap3A_259 = arith.index_cast %scan3A_85 : i32 to index
        %swap3A_260 = arith.constant 96 : index
        %swap3A_261 = tpu.vector_load %arg12[%swap3A_259, %swap3A_260] {strides = array<i32>} : memref<80x128xf32, #tpu.memory_space<vmem>>, vector<1x16xf32>,
        %swap3A_262 = vector.shape_cast %swap3A_261 : vector<1x16xf32> to vector<16xf32>
        %swap3A_263 = vector.shape_cast %div3A_258 : vector<16xf32> to vector<1x16xf32>
        tpu.vector_store %arg12[%swap3A_259, %swap3A_260], %swap3A_263 {strides = array<i32>} : memref<80x128xf32, #tpu.memory_space<vmem>>, vector<1x16xf32>,
        %get3A_264 = arith.index_cast %scan3A_85 : i32 to index
        %get3A_265 = arith.constant 112 : index
        %get3A_266 = tpu.vector_load %arg12[%get3A_264, %get3A_265] {strides = array<i32>} : memref<80x128xf32, #tpu.memory_space<vmem>>, vector<1x16xf32>,
        %get3A_267 = vector.shape_cast %get3A_266 : vector<1x16xf32> to vector<16xf32>
        %get3A_268 = arith.index_cast %scan3A_85 : i32 to index
        %get3A_269 = arith.constant 112 : index
        %get3A_270 = tpu.vector_load %arg13[%get3A_268, %get3A_269] {strides = array<i32>} : memref<80x128xf32, #tpu.memory_space<vmem>>, vector<1x16xf32>,
        %get3A_271 = vector.shape_cast %get3A_270 : vector<1x16xf32> to vector<16xf32>
        %add3A_272 = arith.addf %get3A_267, %get3A_271 : vector<16xf32>
        %get3A_273 = arith.index_cast %scan3A_85 : i32 to index
        %get3A_274 = arith.constant 112 : index
        %get3A_275 = tpu.vector_load %arg14[%get3A_273, %get3A_274] {strides = array<i32>} : memref<80x128xf32, #tpu.memory_space<vmem>>, vector<1x16xf32>,
        %get3A_276 = vector.shape_cast %get3A_275 : vector<1x16xf32> to vector<16xf32>
        %neg3A_277 = arith.constant 0.000000e+00 : f32
        %neg3A_278 = vector.broadcast %neg3A_277 : f32 to vector<16xf32>
        %neg3A_279 = arith.subf %neg3A_278, %add3A_272 : vector<16xf32>
        %exp3A_280 = math.exp %neg3A_279 : vector<16xf32>
        %add3A_281 = arith.constant 1.000000e+00 : f32
        %add3A_282 = vector.broadcast %add3A_281 : f32 to vector<16xf32>
        %add3A_283 = arith.addf %add3A_282, %exp3A_280 : vector<16xf32>
        %div3A_284 = arith.divf %get3A_276, %add3A_283 : vector<16xf32>
        %swap3A_285 = arith.index_cast %scan3A_85 : i32 to index
        %swap3A_286 = arith.constant 112 : index
        %swap3A_287 = tpu.vector_load %arg12[%swap3A_285, %swap3A_286] {strides = array<i32>} : memref<80x128xf32, #tpu.memory_space<vmem>>, vector<1x16xf32>,
        %swap3A_288 = vector.shape_cast %swap3A_287 : vector<1x16xf32> to vector<16xf32>
        %swap3A_289 = vector.shape_cast %div3A_284 : vector<16xf32> to vector<1x16xf32>
        tpu.vector_store %arg12[%swap3A_285, %swap3A_286], %swap3A_289 {strides = array<i32>} : memref<80x128xf32, #tpu.memory_space<vmem>>, vector<1x16xf32>,
        %scan3A_290 = arith.constant 0 : i32
        scf.yield %scan3A_290 : i32
      }
      %scan3A_83 = arith.constant 80 : i32
      "tpu.region"() ({
        %run_scoped3A = tpu.sem_alloc : memref<!tpu.dma_semaphore, #tpu.memory_space<semaphore_mem>>
        %dma_start3A_85 = arith.constant 0 : i32
        %dma_start3A_86 = arith.constant 0 : i32
        %dma_start3A_87 = tpu.memref_slice %arg16[%dma_start3A_85, %dma_start3A_86] : memref<10008x128xf32, #tpu.memory_space<vmem_shared>> -> memref<10008x128xf32, #tpu.memory_space<vmem_shared>>
        tpu.enqueue_indirect_dma source(%arg12 : memref<80x128xf32, #tpu.memory_space<vmem>>) target(%dma_start3A_87 : memref<10008x128xf32, #tpu.memory_space<vmem_shared>>) offsets(%arg11 : memref<80xi32, #tpu.memory_space<vmem>>) semaphore(%run_scoped3A : memref<!tpu.dma_semaphore, #tpu.memory_space<semaphore_mem>>) {add = true}
        %dma_wait3A_88 = arith.constant 0 : i32
        %dma_wait3A_89 = arith.constant 0 : i32
        %dma_wait3A_90 = tpu.memref_slice %arg16[%dma_wait3A_88, %dma_wait3A_89] : memref<10008x128xf32, #tpu.memory_space<vmem_shared>> -> memref<10008x128xf32, #tpu.memory_space<vmem_shared>>
        tpu.wait_indirect_dma semaphore(%run_scoped3A : memref<!tpu.dma_semaphore, #tpu.memory_space<semaphore_mem>>) src(%arg12 : memref<80x128xf32, #tpu.memory_space<vmem>>) dst(%dma_wait3A_90 : memref<10008x128xf32, #tpu.memory_space<vmem_shared>>)
        tpu.yield
      }) : () -> ()
      %scan3A_84 = arith.constant 0 : i32
      scf.yield %scan3A_84 : i32
    }
    %scan3A_26 = arith.constant 64 : i32
    %barrier3A_27 = arith.constant 0 : index
    tpu.barrier barrier_id(%barrier3A_27)
    %mul3A_28 = arith.constant 10000 : i32
    %mul3A_29 = arith.muli %arg0, %mul3A_28 : i32
    %mul3A_30 = arith.constant 640 : i32
    %mul3A_31 = arith.muli %arg1, %mul3A_30 : i32
    %lt3A_32 = arith.constant 15 : i32
    %lt3A_33 = arith.cmpi slt, %arg1, %lt3A_32 : i32
    %jit3A_34 = arith.constant 8 : i32
    %jit3A_35 = arith.constant 5 : i32
    %select_n3A_36 = arith.select %lt3A_33, %jit3A_34, %jit3A_35 : i32
    %while3A_37 = arith.constant 0 : i32
    %while3A_38 = arith.constant 0 : i32
    %while3A_39 = arith.subi %select_n3A_36, %while3A_37 : i32
    %while3A_40 = arith.addi %while3A_37, %while3A_39 : i32
    %while3A_41 = arith.constant 1 : i32
    %while3A_42 = arith.divsi %while3A_39, %while3A_41 : i32
    %while3A_43 = arith.muli %while3A_42, %while3A_41 : i32
    %while3A_44 = arith.addi %while3A_37, %while3A_43 : i32
    %while3A_45 = arith.constant 1 : i32
    %while3A_46 = scf.for %while3A_49 = %while3A_37 to %while3A_44 step %while3A_45 iter_args(%while3A_50 = %while3A_38) -> (i32)  : i32 {
      %mul3A_51 = arith.constant 80 : i32
      %mul3A_52 = arith.muli %while3A_49, %mul3A_51 : i32
      %add3A = arith.addi %mul3A_31, %mul3A_52 : i32
      %add3A_53 = arith.addi %mul3A_29, %mul3A_31 : i32
      %mul3A_54 = arith.constant 80 : i32
      %mul3A_55 = arith.muli %while3A_49, %mul3A_54 : i32
      %add3A_56 = arith.addi %add3A_53, %mul3A_55 : i32
      "tpu.region"() ({
        %run_scoped3A = tpu.sem_alloc : memref<!tpu.dma_semaphore, #tpu.memory_space<semaphore_mem>>
        %dma_start3A = arith.constant 0 : i32
        %dma_start3A_58 = tpu.memref_slice %arg8[%add3A_56, %dma_start3A] : memref<20000x128xf32, #tpu.memory_space<hbm>> -> memref<80x128xf32, #tpu.memory_space<hbm>>
        %dma_start3A_59 = arith.constant 0 : i32
        %dma_start3A_60 = tpu.memref_slice %arg16[%add3A, %dma_start3A_59] : memref<10008x128xf32, #tpu.memory_space<vmem_shared>> -> memref<80x128xf32, #tpu.memory_space<vmem_shared>>
        tpu.enqueue_dma source(%dma_start3A_60 : memref<80x128xf32, #tpu.memory_space<vmem_shared>>) target(%dma_start3A_58 : memref<80x128xf32, #tpu.memory_space<hbm>>) target_semaphore(%run_scoped3A : memref<!tpu.dma_semaphore, #tpu.memory_space<semaphore_mem>>)
        %dma_wait3A = arith.constant 0 : i32
        %dma_wait3A_61 = tpu.memref_slice %arg8[%add3A_56, %dma_wait3A] : memref<20000x128xf32, #tpu.memory_space<hbm>> -> memref<80x128xf32, #tpu.memory_space<hbm>>
        %dma_wait3A_62 = arith.constant 0 : i32
        %dma_wait3A_63 = tpu.memref_slice %arg16[%add3A, %dma_wait3A_62] : memref<10008x128xf32, #tpu.memory_space<vmem_shared>> -> memref<80x128xf32, #tpu.memory_space<vmem_shared>>
        tpu.wait_dma2 semaphore(%run_scoped3A : memref<!tpu.dma_semaphore, #tpu.memory_space<semaphore_mem>>) src(%dma_wait3A_63 : memref<80x128xf32, #tpu.memory_space<vmem_shared>>) dst(%dma_wait3A_61 : memref<80x128xf32, #tpu.memory_space<hbm>>)
        tpu.yield
      }) : () -> ()
      %while3A_57 = arith.constant 0 : i32
      scf.yield %while3A_57 : i32
    }
    %while3A_47 = arith.constant 1 : i32
    %while3A_48 = scf.for %while3A_49 = %while3A_44 to %while3A_40 step %while3A_47 iter_args(%while3A_50 = %while3A_46) -> (i32)  : i32 {
      %mul3A_51 = arith.constant 80 : i32
      %mul3A_52 = arith.muli %while3A_49, %mul3A_51 : i32
      %add3A = arith.addi %mul3A_31, %mul3A_52 : i32
      %add3A_53 = arith.addi %mul3A_29, %mul3A_31 : i32
      %mul3A_54 = arith.constant 80 : i32
      %mul3A_55 = arith.muli %while3A_49, %mul3A_54 : i32
      %add3A_56 = arith.addi %add3A_53, %mul3A_55 : i32
      "tpu.region"() ({
        %run_scoped3A = tpu.sem_alloc : memref<!tpu.dma_semaphore, #tpu.memory_space<semaphore_mem>>
        %dma_start3A = arith.constant 0 : i32
        %dma_start3A_58 = tpu.memref_slice %arg8[%add3A_56, %dma_start3A] : memref<20000x128xf32, #tpu.memory_space<hbm>> -> memref<80x128xf32, #tpu.memory_space<hbm>>
        %dma_start3A_59 = arith.constant 0 : i32
        %dma_start3A_60 = tpu.memref_slice %arg16[%add3A, %dma_start3A_59] : memref<10008x128xf32, #tpu.memory_space<vmem_shared>> -> memref<80x128xf32, #tpu.memory_space<vmem_shared>>
        tpu.enqueue_dma source(%dma_start3A_60 : memref<80x128xf32, #tpu.memory_space<vmem_shared>>) target(%dma_start3A_58 : memref<80x128xf32, #tpu.memory_space<hbm>>) target_semaphore(%run_scoped3A : memref<!tpu.dma_semaphore, #tpu.memory_space<semaphore_mem>>)
        %dma_wait3A = arith.constant 0 : i32
        %dma_wait3A_61 = tpu.memref_slice %arg8[%add3A_56, %dma_wait3A] : memref<20000x128xf32, #tpu.memory_space<hbm>> -> memref<80x128xf32, #tpu.memory_space<hbm>>
        %dma_wait3A_62 = arith.constant 0 : i32
        %dma_wait3A_63 = tpu.memref_slice %arg16[%add3A, %dma_wait3A_62] : memref<10008x128xf32, #tpu.memory_space<vmem_shared>> -> memref<80x128xf32, #tpu.memory_space<vmem_shared>>
        tpu.wait_dma2 semaphore(%run_scoped3A : memref<!tpu.dma_semaphore, #tpu.memory_space<semaphore_mem>>) src(%dma_wait3A_63 : memref<80x128xf32, #tpu.memory_space<vmem_shared>>) dst(%dma_wait3A_61 : memref<80x128xf32, #tpu.memory_space<hbm>>)
        tpu.yield
      }) : () -> ()
      %while3A_57 = arith.constant 0 : i32
      scf.yield %while3A_57 : i32
    }
    return
  }
}

#map = affine_map<(d0, d1) -> (0, 0)>
#map1 = affine_map<(d0, d1) -> (0)>
module attributes {stable_mosaic.version = 14 : i64} {
  func.func @_gr_body(%arg0: i32, %arg1: i32, %arg2: memref<20000x128xf32, #tpu.memory_space<hbm>>, %arg3: memref<4000x128xf32, #tpu.memory_space<hbm>>, %arg4: memref<4000x128xf32, #tpu.memory_space<hbm>>, %arg5: memref<163840xi32, #tpu.memory_space<hbm>>, %arg6: memref<163840xi32, #tpu.memory_space<hbm>>, %arg7: memref<81920xi32, #tpu.memory_space<hbm>>, %arg8: memref<20000x128xf32, #tpu.memory_space<hbm>>, %arg9: memref<80xi32, #tpu.memory_space<vmem>>, %arg10: memref<80xi32, #tpu.memory_space<vmem>>, %arg11: memref<80xi32, #tpu.memory_space<vmem>>, %arg12: memref<80x128xf32, #tpu.memory_space<vmem>>, %arg13: memref<80x128xf32, #tpu.memory_space<vmem>>, %arg14: memref<80x128xf32, #tpu.memory_space<vmem>>, %arg15: memref<80x128xf32, #tpu.memory_space<vmem>>, %arg16: memref<10008x128xf32, #tpu.memory_space<vmem_shared>>, %arg17: memref<!tpu.dma_semaphore, #tpu.memory_space<semaphore_mem>>) attributes {dimension_semantics = [#tpu.dimension_semantics<core_parallel>, #tpu.dimension_semantics<subcore_parallel>], iteration_bounds = array<i64: 2, 16>, scalar_prefetch = 0 : i64, scratch_operands = 9 : i64, tpu.core_type = #tpu.core_type<sc_vector_subcore>, window_params = [{transform_indices = #map}, {transform_indices = #map}, {transform_indices = #map}, {transform_indices = #map1}, {transform_indices = #map1}, {transform_indices = #map1}, {transform_indices = #map}]} {
    %scan3A = arith.constant 0 : i32
    %scan3A_0 = arith.constant 0 : i32
    %scan3A_1 = arith.constant 80 : i32
    %scan3A_2 = arith.addi %scan3A_0, %scan3A_1 : i32
    %scan3A_3 = arith.constant 1 : i32
    %scan3A_4 = scf.for %scan3A_49 = %scan3A_0 to %scan3A_2 step %scan3A_3 iter_args(%scan3A_50 = %scan3A) -> (i32)  : i32 {
      %broadcast_in_dim3A = arith.constant 0.000000e+00 : f32
      %broadcast_in_dim3A_51 = vector.broadcast %broadcast_in_dim3A : f32 to vector<16xf32>
      %swap3A = arith.index_cast %scan3A_49 : i32 to index
      %swap3A_52 = arith.constant 0 : index
      %swap3A_53 = tpu.vector_load %arg15[%swap3A, %swap3A_52] {strides = array<i32>} : memref<80x128xf32, #tpu.memory_space<vmem>>, vector<1x16xf32>,
      %swap3A_54 = vector.shape_cast %swap3A_53 : vector<1x16xf32> to vector<16xf32>
      %swap3A_55 = vector.shape_cast %broadcast_in_dim3A_51 : vector<16xf32> to vector<1x16xf32>
      tpu.vector_store %arg15[%swap3A, %swap3A_52], %swap3A_55 {strides = array<i32>} : memref<80x128xf32, #tpu.memory_space<vmem>>, vector<1x16xf32>,
      %broadcast_in_dim3A_56 = arith.constant 0.000000e+00 : f32
      %broadcast_in_dim3A_57 = vector.broadcast %broadcast_in_dim3A_56 : f32 to vector<16xf32>
      %swap3A_58 = arith.index_cast %scan3A_49 : i32 to index
      %swap3A_59 = arith.constant 16 : index
      %swap3A_60 = tpu.vector_load %arg15[%swap3A_58, %swap3A_59] {strides = array<i32>} : memref<80x128xf32, #tpu.memory_space<vmem>>, vector<1x16xf32>,
      %swap3A_61 = vector.shape_cast %swap3A_60 : vector<1x16xf32> to vector<16xf32>
      %swap3A_62 = vector.shape_cast %broadcast_in_dim3A_57 : vector<16xf32> to vector<1x16xf32>
      tpu.vector_store %arg15[%swap3A_58, %swap3A_59], %swap3A_62 {strides = array<i32>} : memref<80x128xf32, #tpu.memory_space<vmem>>, vector<1x16xf32>,
      %broadcast_in_dim3A_63 = arith.constant 0.000000e+00 : f32
      %broadcast_in_dim3A_64 = vector.broadcast %broadcast_in_dim3A_63 : f32 to vector<16xf32>
      %swap3A_65 = arith.index_cast %scan3A_49 : i32 to index
      %swap3A_66 = arith.constant 32 : index
      %swap3A_67 = tpu.vector_load %arg15[%swap3A_65, %swap3A_66] {strides = array<i32>} : memref<80x128xf32, #tpu.memory_space<vmem>>, vector<1x16xf32>,
      %swap3A_68 = vector.shape_cast %swap3A_67 : vector<1x16xf32> to vector<16xf32>
      %swap3A_69 = vector.shape_cast %broadcast_in_dim3A_64 : vector<16xf32> to vector<1x16xf32>
      tpu.vector_store %arg15[%swap3A_65, %swap3A_66], %swap3A_69 {strides = array<i32>} : memref<80x128xf32, #tpu.memory_space<vmem>>, vector<1x16xf32>,
      %broadcast_in_dim3A_70 = arith.constant 0.000000e+00 : f32
      %broadcast_in_dim3A_71 = vector.broadcast %broadcast_in_dim3A_70 : f32 to vector<16xf32>
      %swap3A_72 = arith.index_cast %scan3A_49 : i32 to index
      %swap3A_73 = arith.constant 48 : index
      %swap3A_74 = tpu.vector_load %arg15[%swap3A_72, %swap3A_73] {strides = array<i32>} : memref<80x128xf32, #tpu.memory_space<vmem>>, vector<1x16xf32>,
      %swap3A_75 = vector.shape_cast %swap3A_74 : vector<1x16xf32> to vector<16xf32>
      %swap3A_76 = vector.shape_cast %broadcast_in_dim3A_71 : vector<16xf32> to vector<1x16xf32>
      tpu.vector_store %arg15[%swap3A_72, %swap3A_73], %swap3A_76 {strides = array<i32>} : memref<80x128xf32, #tpu.memory_space<vmem>>, vector<1x16xf32>,
      %broadcast_in_dim3A_77 = arith.constant 0.000000e+00 : f32
      %broadcast_in_dim3A_78 = vector.broadcast %broadcast_in_dim3A_77 : f32 to vector<16xf32>
      %swap3A_79 = arith.index_cast %scan3A_49 : i32 to index
      %swap3A_80 = arith.constant 64 : index
      %swap3A_81 = tpu.vector_load %arg15[%swap3A_79, %swap3A_80] {strides = array<i32>} : memref<80x128xf32, #tpu.memory_space<vmem>>, vector<1x16xf32>,
      %swap3A_82 = vector.shape_cast %swap3A_81 : vector<1x16xf32> to vector<16xf32>
      %swap3A_83 = vector.shape_cast %broadcast_in_dim3A_78 : vector<16xf32> to vector<1x16xf32>
      tpu.vector_store %arg15[%swap3A_79, %swap3A_80], %swap3A_83 {strides = array<i32>} : memref<80x128xf32, #tpu.memory_space<vmem>>, vector<1x16xf32>,
      %broadcast_in_dim3A_84 = arith.constant 0.000000e+00 : f32
      %broadcast_in_dim3A_85 = vector.broadcast %broadcast_in_dim3A_84 : f32 to vector<16xf32>
      %swap3A_86 = arith.index_cast %scan3A_49 : i32 to index
      %swap3A_87 = arith.constant 80 : index
      %swap3A_88 = tpu.vector_load %arg15[%swap3A_86, %swap3A_87] {strides = array<i32>} : memref<80x128xf32, #tpu.memory_space<vmem>>, vector<1x16xf32>,
      %swap3A_89 = vector.shape_cast %swap3A_88 : vector<1x16xf32> to vector<16xf32>
      %swap3A_90 = vector.shape_cast %broadcast_in_dim3A_85 : vector<16xf32> to vector<1x16xf32>
      tpu.vector_store %arg15[%swap3A_86, %swap3A_87], %swap3A_90 {strides = array<i32>} : memref<80x128xf32, #tpu.memory_space<vmem>>, vector<1x16xf32>,
      %broadcast_in_dim3A_91 = arith.constant 0.000000e+00 : f32
      %broadcast_in_dim3A_92 = vector.broadcast %broadcast_in_dim3A_91 : f32 to vector<16xf32>
      %swap3A_93 = arith.index_cast %scan3A_49 : i32 to index
      %swap3A_94 = arith.constant 96 : index
      %swap3A_95 = tpu.vector_load %arg15[%swap3A_93, %swap3A_94] {strides = array<i32>} : memref<80x128xf32, #tpu.memory_space<vmem>>, vector<1x16xf32>,
      %swap3A_96 = vector.shape_cast %swap3A_95 : vector<1x16xf32> to vector<16xf32>
      %swap3A_97 = vector.shape_cast %broadcast_in_dim3A_92 : vector<16xf32> to vector<1x16xf32>
      tpu.vector_store %arg15[%swap3A_93, %swap3A_94], %swap3A_97 {strides = array<i32>} : memref<80x128xf32, #tpu.memory_space<vmem>>, vector<1x16xf32>,
      %broadcast_in_dim3A_98 = arith.constant 0.000000e+00 : f32
      %broadcast_in_dim3A_99 = vector.broadcast %broadcast_in_dim3A_98 : f32 to vector<16xf32>
      %swap3A_100 = arith.index_cast %scan3A_49 : i32 to index
      %swap3A_101 = arith.constant 112 : index
      %swap3A_102 = tpu.vector_load %arg15[%swap3A_100, %swap3A_101] {strides = array<i32>} : memref<80x128xf32, #tpu.memory_space<vmem>>, vector<1x16xf32>,
      %swap3A_103 = vector.shape_cast %swap3A_102 : vector<1x16xf32> to vector<16xf32>
      %swap3A_104 = vector.shape_cast %broadcast_in_dim3A_99 : vector<16xf32> to vector<1x16xf32>
      tpu.vector_store %arg15[%swap3A_100, %swap3A_101], %swap3A_104 {strides = array<i32>} : memref<80x128xf32, #tpu.memory_space<vmem>>, vector<1x16xf32>,
      %scan3A_105 = arith.constant 0 : i32
      scf.yield %scan3A_105 : i32
    }
    %scan3A_5 = arith.constant 80 : i32
    %mul3A = arith.constant 640 : i32
    %mul3A_6 = arith.muli %arg1, %mul3A : i32
    %lt3A = arith.constant 15 : i32
    %lt3A_7 = arith.cmpi slt, %arg1, %lt3A : i32
    %jit3A = arith.constant 8 : i32
    %jit3A_8 = arith.constant 5 : i32
    %select_n3A = arith.select %lt3A_7, %jit3A, %jit3A_8 : i32
    %while3A = arith.constant 0 : i32
    %while3A_9 = arith.constant 0 : i32
    %while3A_10 = arith.subi %select_n3A, %while3A : i32
    %while3A_11 = arith.addi %while3A, %while3A_10 : i32
    %while3A_12 = arith.constant 1 : i32
    %while3A_13 = arith.divsi %while3A_10, %while3A_12 : i32
    %while3A_14 = arith.muli %while3A_13, %while3A_12 : i32
    %while3A_15 = arith.addi %while3A, %while3A_14 : i32
    %while3A_16 = arith.constant 1 : i32
    %while3A_17 = scf.for %while3A_49 = %while3A to %while3A_15 step %while3A_16 iter_args(%while3A_50 = %while3A_9) -> (i32)  : i32 {
      %mul3A_51 = arith.constant 80 : i32
      %mul3A_52 = arith.muli %while3A_49, %mul3A_51 : i32
      %add3A = arith.addi %mul3A_6, %mul3A_52 : i32
      "tpu.region"() ({
        %run_scoped3A = tpu.sem_alloc : memref<!tpu.dma_semaphore, #tpu.memory_space<semaphore_mem>>
        %dma_start3A = arith.constant 0 : i32
        %dma_start3A_54 = tpu.memref_slice %arg16[%add3A, %dma_start3A] : memref<10008x128xf32, #tpu.memory_space<vmem_shared>> -> memref<80x128xf32, #tpu.memory_space<vmem_shared>>
        %dma_start3A_55 = arith.constant 0 : i32
        %dma_start3A_56 = tpu.memref_slice %arg16[%add3A, %dma_start3A_55] : memref<10008x128xf32, #tpu.memory_space<vmem_shared>> -> memref<80x128xf32, #tpu.memory_space<vmem_shared>>
        tpu.enqueue_dma source(%arg15 : memref<80x128xf32, #tpu.memory_space<vmem>>) target(%dma_start3A_56 : memref<80x128xf32, #tpu.memory_space<vmem_shared>>) target_semaphore(%run_scoped3A : memref<!tpu.dma_semaphore, #tpu.memory_space<semaphore_mem>>)
        %dma_wait3A = arith.constant 0 : i32
        %dma_wait3A_57 = tpu.memref_slice %arg16[%add3A, %dma_wait3A] : memref<10008x128xf32, #tpu.memory_space<vmem_shared>> -> memref<80x128xf32, #tpu.memory_space<vmem_shared>>
        %dma_wait3A_58 = arith.constant 0 : i32
        %dma_wait3A_59 = tpu.memref_slice %arg16[%add3A, %dma_wait3A_58] : memref<10008x128xf32, #tpu.memory_space<vmem_shared>> -> memref<80x128xf32, #tpu.memory_space<vmem_shared>>
        tpu.wait_dma2 semaphore(%run_scoped3A : memref<!tpu.dma_semaphore, #tpu.memory_space<semaphore_mem>>) src(%arg15 : memref<80x128xf32, #tpu.memory_space<vmem>>) dst(%dma_wait3A_59 : memref<80x128xf32, #tpu.memory_space<vmem_shared>>)
        tpu.yield
      }) : () -> ()
      %while3A_53 = arith.constant 0 : i32
      scf.yield %while3A_53 : i32
    }
    %while3A_18 = arith.constant 1 : i32
    %while3A_19 = scf.for %while3A_49 = %while3A_15 to %while3A_11 step %while3A_18 iter_args(%while3A_50 = %while3A_17) -> (i32)  : i32 {
      %mul3A_51 = arith.constant 80 : i32
      %mul3A_52 = arith.muli %while3A_49, %mul3A_51 : i32
      %add3A = arith.addi %mul3A_6, %mul3A_52 : i32
      "tpu.region"() ({
        %run_scoped3A = tpu.sem_alloc : memref<!tpu.dma_semaphore, #tpu.memory_space<semaphore_mem>>
        %dma_start3A = arith.constant 0 : i32
        %dma_start3A_54 = tpu.memref_slice %arg16[%add3A, %dma_start3A] : memref<10008x128xf32, #tpu.memory_space<vmem_shared>> -> memref<80x128xf32, #tpu.memory_space<vmem_shared>>
        %dma_start3A_55 = arith.constant 0 : i32
        %dma_start3A_56 = tpu.memref_slice %arg16[%add3A, %dma_start3A_55] : memref<10008x128xf32, #tpu.memory_space<vmem_shared>> -> memref<80x128xf32, #tpu.memory_space<vmem_shared>>
        tpu.enqueue_dma source(%arg15 : memref<80x128xf32, #tpu.memory_space<vmem>>) target(%dma_start3A_56 : memref<80x128xf32, #tpu.memory_space<vmem_shared>>) target_semaphore(%run_scoped3A : memref<!tpu.dma_semaphore, #tpu.memory_space<semaphore_mem>>)
        %dma_wait3A = arith.constant 0 : i32
        %dma_wait3A_57 = tpu.memref_slice %arg16[%add3A, %dma_wait3A] : memref<10008x128xf32, #tpu.memory_space<vmem_shared>> -> memref<80x128xf32, #tpu.memory_space<vmem_shared>>
        %dma_wait3A_58 = arith.constant 0 : i32
        %dma_wait3A_59 = tpu.memref_slice %arg16[%add3A, %dma_wait3A_58] : memref<10008x128xf32, #tpu.memory_space<vmem_shared>> -> memref<80x128xf32, #tpu.memory_space<vmem_shared>>
        tpu.wait_dma2 semaphore(%run_scoped3A : memref<!tpu.dma_semaphore, #tpu.memory_space<semaphore_mem>>) src(%arg15 : memref<80x128xf32, #tpu.memory_space<vmem>>) dst(%dma_wait3A_59 : memref<80x128xf32, #tpu.memory_space<vmem_shared>>)
        tpu.yield
      }) : () -> ()
      %while3A_53 = arith.constant 0 : i32
      scf.yield %while3A_53 : i32
    }
    %barrier3A = arith.constant 0 : index
    tpu.barrier barrier_id(%barrier3A)
    %scan3A_20 = arith.constant 0 : i32
    %scan3A_21 = arith.constant 0 : i32
    %scan3A_22 = arith.constant 64 : i32
    %scan3A_23 = arith.addi %scan3A_21, %scan3A_22 : i32
    %scan3A_24 = arith.constant 1 : i32
    %scan3A_25 = scf.for %scan3A_49 = %scan3A_21 to %scan3A_23 step %scan3A_24 iter_args(%scan3A_50 = %scan3A_20) -> (i32)  : i32 {
      %mul3A_51 = arith.constant 5120 : i32
      %mul3A_52 = arith.muli %arg1, %mul3A_51 : i32
      %mul3A_53 = arith.constant 80 : i32
      %mul3A_54 = arith.muli %scan3A_49, %mul3A_53 : i32
      %add3A = arith.addi %mul3A_52, %mul3A_54 : i32
      %mul3A_55 = arith.constant 81920 : i32
      %mul3A_56 = arith.muli %arg0, %mul3A_55 : i32
      %add3A_57 = arith.addi %mul3A_56, %add3A : i32
      "tpu.region"() ({
        %run_scoped3A = tpu.sem_alloc : memref<!tpu.dma_semaphore, #tpu.memory_space<semaphore_mem>>
        %dma_start3A_85 = tpu.memref_slice %arg5[%add3A_57] : memref<163840xi32, #tpu.memory_space<hbm>> -> memref<80xi32, #tpu.memory_space<hbm>>
        %dma_start3A_86 = tpu.memref_slice %arg5[%add3A_57] : memref<163840xi32, #tpu.memory_space<hbm>> -> memref<80xi32, #tpu.memory_space<hbm>>
        tpu.enqueue_dma source(%dma_start3A_86 : memref<80xi32, #tpu.memory_space<hbm>>) target(%arg9 : memref<80xi32, #tpu.memory_space<vmem>>) target_semaphore(%run_scoped3A : memref<!tpu.dma_semaphore, #tpu.memory_space<semaphore_mem>>)
        %dma_wait3A_87 = tpu.memref_slice %arg5[%add3A_57] : memref<163840xi32, #tpu.memory_space<hbm>> -> memref<80xi32, #tpu.memory_space<hbm>>
        %dma_wait3A_88 = tpu.memref_slice %arg5[%add3A_57] : memref<163840xi32, #tpu.memory_space<hbm>> -> memref<80xi32, #tpu.memory_space<hbm>>
        tpu.wait_dma2 semaphore(%run_scoped3A : memref<!tpu.dma_semaphore, #tpu.memory_space<semaphore_mem>>) src(%dma_wait3A_88 : memref<80xi32, #tpu.memory_space<hbm>>) dst(%arg9 : memref<80xi32, #tpu.memory_space<vmem>>)
        tpu.yield
      }) : () -> ()
      %mul3A_58 = arith.constant 81920 : i32
      %mul3A_59 = arith.muli %arg0, %mul3A_58 : i32
      %add3A_60 = arith.addi %mul3A_59, %add3A : i32
      "tpu.region"() ({
        %run_scoped3A = tpu.sem_alloc : memref<!tpu.dma_semaphore, #tpu.memory_space<semaphore_mem>>
        %dma_start3A_85 = tpu.memref_slice %arg6[%add3A_60] : memref<163840xi32, #tpu.memory_space<hbm>> -> memref<80xi32, #tpu.memory_space<hbm>>
        %dma_start3A_86 = tpu.memref_slice %arg6[%add3A_60] : memref<163840xi32, #tpu.memory_space<hbm>> -> memref<80xi32, #tpu.memory_space<hbm>>
        tpu.enqueue_dma source(%dma_start3A_86 : memref<80xi32, #tpu.memory_space<hbm>>) target(%arg10 : memref<80xi32, #tpu.memory_space<vmem>>) target_semaphore(%run_scoped3A : memref<!tpu.dma_semaphore, #tpu.memory_space<semaphore_mem>>)
        %dma_wait3A_87 = tpu.memref_slice %arg6[%add3A_60] : memref<163840xi32, #tpu.memory_space<hbm>> -> memref<80xi32, #tpu.memory_space<hbm>>
        %dma_wait3A_88 = tpu.memref_slice %arg6[%add3A_60] : memref<163840xi32, #tpu.memory_space<hbm>> -> memref<80xi32, #tpu.memory_space<hbm>>
        tpu.wait_dma2 semaphore(%run_scoped3A : memref<!tpu.dma_semaphore, #tpu.memory_space<semaphore_mem>>) src(%dma_wait3A_88 : memref<80xi32, #tpu.memory_space<hbm>>) dst(%arg10 : memref<80xi32, #tpu.memory_space<vmem>>)
        tpu.yield
      }) : () -> ()
      "tpu.region"() ({
        %run_scoped3A = tpu.sem_alloc : memref<!tpu.dma_semaphore, #tpu.memory_space<semaphore_mem>>
        %dma_start3A_85 = tpu.memref_slice %arg7[%add3A] : memref<81920xi32, #tpu.memory_space<hbm>> -> memref<80xi32, #tpu.memory_space<hbm>>
        %dma_start3A_86 = tpu.memref_slice %arg7[%add3A] : memref<81920xi32, #tpu.memory_space<hbm>> -> memref<80xi32, #tpu.memory_space<hbm>>
        tpu.enqueue_dma source(%dma_start3A_86 : memref<80xi32, #tpu.memory_space<hbm>>) target(%arg11 : memref<80xi32, #tpu.memory_space<vmem>>) target_semaphore(%run_scoped3A : memref<!tpu.dma_semaphore, #tpu.memory_space<semaphore_mem>>)
        %dma_wait3A_87 = tpu.memref_slice %arg7[%add3A] : memref<81920xi32, #tpu.memory_space<hbm>> -> memref<80xi32, #tpu.memory_space<hbm>>
        %dma_wait3A_88 = tpu.memref_slice %arg7[%add3A] : memref<81920xi32, #tpu.memory_space<hbm>> -> memref<80xi32, #tpu.memory_space<hbm>>
        tpu.wait_dma2 semaphore(%run_scoped3A : memref<!tpu.dma_semaphore, #tpu.memory_space<semaphore_mem>>) src(%dma_wait3A_88 : memref<80xi32, #tpu.memory_space<hbm>>) dst(%arg11 : memref<80xi32, #tpu.memory_space<vmem>>)
        tpu.yield
      }) : () -> ()
      %dma_start3A = arith.constant 0 : i32
      %dma_start3A_61 = arith.constant 0 : i32
      %dma_start3A_62 = tpu.memref_slice %arg2[%dma_start3A, %dma_start3A_61] : memref<20000x128xf32, #tpu.memory_space<hbm>> -> memref<20000x128xf32, #tpu.memory_space<hbm>>
      tpu.enqueue_indirect_dma source(%dma_start3A_62 : memref<20000x128xf32, #tpu.memory_space<hbm>>) target(%arg12 : memref<80x128xf32, #tpu.memory_space<vmem>>) offsets(%arg9 : memref<80xi32, #tpu.memory_space<vmem>>) semaphore(%arg17 : memref<!tpu.dma_semaphore, #tpu.memory_space<semaphore_mem>>)
      %dma_start3A_63 = arith.constant 0 : i32
      %dma_start3A_64 = arith.constant 0 : i32
      %dma_start3A_65 = tpu.memref_slice %arg3[%dma_start3A_63, %dma_start3A_64] : memref<4000x128xf32, #tpu.memory_space<hbm>> -> memref<4000x128xf32, #tpu.memory_space<hbm>>
      tpu.enqueue_indirect_dma source(%dma_start3A_65 : memref<4000x128xf32, #tpu.memory_space<hbm>>) target(%arg13 : memref<80x128xf32, #tpu.memory_space<vmem>>) offsets(%arg10 : memref<80xi32, #tpu.memory_space<vmem>>) semaphore(%arg17 : memref<!tpu.dma_semaphore, #tpu.memory_space<semaphore_mem>>)
      %dma_start3A_66 = arith.constant 0 : i32
      %dma_start3A_67 = arith.constant 0 : i32
      %dma_start3A_68 = tpu.memref_slice %arg4[%dma_start3A_66, %dma_start3A_67] : memref<4000x128xf32, #tpu.memory_space<hbm>> -> memref<4000x128xf32, #tpu.memory_space<hbm>>
      tpu.enqueue_indirect_dma source(%dma_start3A_68 : memref<4000x128xf32, #tpu.memory_space<hbm>>) target(%arg14 : memref<80x128xf32, #tpu.memory_space<vmem>>) offsets(%arg10 : memref<80xi32, #tpu.memory_space<vmem>>) semaphore(%arg17 : memref<!tpu.dma_semaphore, #tpu.memory_space<semaphore_mem>>)
      %dma_wait3A = arith.constant 0 : i32
      %dma_wait3A_69 = arith.constant 0 : i32
      %dma_wait3A_70 = tpu.memref_slice %arg2[%dma_wait3A, %dma_wait3A_69] : memref<20000x128xf32, #tpu.memory_space<hbm>> -> memref<20000x128xf32, #tpu.memory_space<hbm>>
      tpu.wait_indirect_dma semaphore(%arg17 : memref<!tpu.dma_semaphore, #tpu.memory_space<semaphore_mem>>) src(%dma_wait3A_70 : memref<20000x128xf32, #tpu.memory_space<hbm>>) dst(%arg12 : memref<80x128xf32, #tpu.memory_space<vmem>>)
      %dma_wait3A_71 = arith.constant 0 : i32
      %dma_wait3A_72 = arith.constant 0 : i32
      %dma_wait3A_73 = tpu.memref_slice %arg3[%dma_wait3A_71, %dma_wait3A_72] : memref<4000x128xf32, #tpu.memory_space<hbm>> -> memref<4000x128xf32, #tpu.memory_space<hbm>>
      tpu.wait_indirect_dma semaphore(%arg17 : memref<!tpu.dma_semaphore, #tpu.memory_space<semaphore_mem>>) src(%dma_wait3A_73 : memref<4000x128xf32, #tpu.memory_space<hbm>>) dst(%arg13 : memref<80x128xf32, #tpu.memory_space<vmem>>)
      %dma_wait3A_74 = arith.constant 0 : i32
      %dma_wait3A_75 = arith.constant 0 : i32
      %dma_wait3A_76 = tpu.memref_slice %arg4[%dma_wait3A_74, %dma_wait3A_75] : memref<4000x128xf32, #tpu.memory_space<hbm>> -> memref<4000x128xf32, #tpu.memory_space<hbm>>
      tpu.wait_indirect_dma semaphore(%arg17 : memref<!tpu.dma_semaphore, #tpu.memory_space<semaphore_mem>>) src(%dma_wait3A_76 : memref<4000x128xf32, #tpu.memory_space<hbm>>) dst(%arg14 : memref<80x128xf32, #tpu.memory_space<vmem>>)
      %scan3A_77 = arith.constant 0 : i32
      %scan3A_78 = arith.constant 0 : i32
      %scan3A_79 = arith.constant 80 : i32
      %scan3A_80 = arith.addi %scan3A_78, %scan3A_79 : i32
      %scan3A_81 = arith.constant 1 : i32
      %scan3A_82 = scf.for %scan3A_85 = %scan3A_78 to %scan3A_80 step %scan3A_81 iter_args(%scan3A_86 = %scan3A_77) -> (i32)  : i32 {
        %get3A = arith.index_cast %scan3A_85 : i32 to index
        %get3A_87 = arith.constant 0 : index
        %get3A_88 = tpu.vector_load %arg12[%get3A, %get3A_87] {strides = array<i32>} : memref<80x128xf32, #tpu.memory_space<vmem>>, vector<1x16xf32>,
        %get3A_89 = vector.shape_cast %get3A_88 : vector<1x16xf32> to vector<16xf32>
        %get3A_90 = arith.index_cast %scan3A_85 : i32 to index
        %get3A_91 = arith.constant 0 : index
        %get3A_92 = tpu.vector_load %arg13[%get3A_90, %get3A_91] {strides = array<i32>} : memref<80x128xf32, #tpu.memory_space<vmem>>, vector<1x16xf32>,
        %get3A_93 = vector.shape_cast %get3A_92 : vector<1x16xf32> to vector<16xf32>
        %add3A_94 = arith.addf %get3A_89, %get3A_93 : vector<16xf32>
        %get3A_95 = arith.index_cast %scan3A_85 : i32 to index
        %get3A_96 = arith.constant 0 : index
        %get3A_97 = tpu.vector_load %arg14[%get3A_95, %get3A_96] {strides = array<i32>} : memref<80x128xf32, #tpu.memory_space<vmem>>, vector<1x16xf32>,
        %get3A_98 = vector.shape_cast %get3A_97 : vector<1x16xf32> to vector<16xf32>
        %neg3A = arith.constant 0.000000e+00 : f32
        %neg3A_99 = vector.broadcast %neg3A : f32 to vector<16xf32>
        %neg3A_100 = arith.subf %neg3A_99, %add3A_94 : vector<16xf32>
        %exp3A = math.exp %neg3A_100 : vector<16xf32>
        %add3A_101 = arith.constant 1.000000e+00 : f32
        %add3A_102 = vector.broadcast %add3A_101 : f32 to vector<16xf32>
        %add3A_103 = arith.addf %add3A_102, %exp3A : vector<16xf32>
        %div3A = arith.divf %get3A_98, %add3A_103 : vector<16xf32>
        %swap3A = arith.index_cast %scan3A_85 : i32 to index
        %swap3A_104 = arith.constant 0 : index
        %swap3A_105 = tpu.vector_load %arg12[%swap3A, %swap3A_104] {strides = array<i32>} : memref<80x128xf32, #tpu.memory_space<vmem>>, vector<1x16xf32>,
        %swap3A_106 = vector.shape_cast %swap3A_105 : vector<1x16xf32> to vector<16xf32>
        %swap3A_107 = vector.shape_cast %div3A : vector<16xf32> to vector<1x16xf32>
        tpu.vector_store %arg12[%swap3A, %swap3A_104], %swap3A_107 {strides = array<i32>} : memref<80x128xf32, #tpu.memory_space<vmem>>, vector<1x16xf32>,
        %get3A_108 = arith.index_cast %scan3A_85 : i32 to index
        %get3A_109 = arith.constant 16 : index
        %get3A_110 = tpu.vector_load %arg12[%get3A_108, %get3A_109] {strides = array<i32>} : memref<80x128xf32, #tpu.memory_space<vmem>>, vector<1x16xf32>,
        %get3A_111 = vector.shape_cast %get3A_110 : vector<1x16xf32> to vector<16xf32>
        %get3A_112 = arith.index_cast %scan3A_85 : i32 to index
        %get3A_113 = arith.constant 16 : index
        %get3A_114 = tpu.vector_load %arg13[%get3A_112, %get3A_113] {strides = array<i32>} : memref<80x128xf32, #tpu.memory_space<vmem>>, vector<1x16xf32>,
        %get3A_115 = vector.shape_cast %get3A_114 : vector<1x16xf32> to vector<16xf32>
        %add3A_116 = arith.addf %get3A_111, %get3A_115 : vector<16xf32>
        %get3A_117 = arith.index_cast %scan3A_85 : i32 to index
        %get3A_118 = arith.constant 16 : index
        %get3A_119 = tpu.vector_load %arg14[%get3A_117, %get3A_118] {strides = array<i32>} : memref<80x128xf32, #tpu.memory_space<vmem>>, vector<1x16xf32>,
        %get3A_120 = vector.shape_cast %get3A_119 : vector<1x16xf32> to vector<16xf32>
        %neg3A_121 = arith.constant 0.000000e+00 : f32
        %neg3A_122 = vector.broadcast %neg3A_121 : f32 to vector<16xf32>
        %neg3A_123 = arith.subf %neg3A_122, %add3A_116 : vector<16xf32>
        %exp3A_124 = math.exp %neg3A_123 : vector<16xf32>
        %add3A_125 = arith.constant 1.000000e+00 : f32
        %add3A_126 = vector.broadcast %add3A_125 : f32 to vector<16xf32>
        %add3A_127 = arith.addf %add3A_126, %exp3A_124 : vector<16xf32>
        %div3A_128 = arith.divf %get3A_120, %add3A_127 : vector<16xf32>
        %swap3A_129 = arith.index_cast %scan3A_85 : i32 to index
        %swap3A_130 = arith.constant 16 : index
        %swap3A_131 = tpu.vector_load %arg12[%swap3A_129, %swap3A_130] {strides = array<i32>} : memref<80x128xf32, #tpu.memory_space<vmem>>, vector<1x16xf32>,
        %swap3A_132 = vector.shape_cast %swap3A_131 : vector<1x16xf32> to vector<16xf32>
        %swap3A_133 = vector.shape_cast %div3A_128 : vector<16xf32> to vector<1x16xf32>
        tpu.vector_store %arg12[%swap3A_129, %swap3A_130], %swap3A_133 {strides = array<i32>} : memref<80x128xf32, #tpu.memory_space<vmem>>, vector<1x16xf32>,
        %get3A_134 = arith.index_cast %scan3A_85 : i32 to index
        %get3A_135 = arith.constant 32 : index
        %get3A_136 = tpu.vector_load %arg12[%get3A_134, %get3A_135] {strides = array<i32>} : memref<80x128xf32, #tpu.memory_space<vmem>>, vector<1x16xf32>,
        %get3A_137 = vector.shape_cast %get3A_136 : vector<1x16xf32> to vector<16xf32>
        %get3A_138 = arith.index_cast %scan3A_85 : i32 to index
        %get3A_139 = arith.constant 32 : index
        %get3A_140 = tpu.vector_load %arg13[%get3A_138, %get3A_139] {strides = array<i32>} : memref<80x128xf32, #tpu.memory_space<vmem>>, vector<1x16xf32>,
        %get3A_141 = vector.shape_cast %get3A_140 : vector<1x16xf32> to vector<16xf32>
        %add3A_142 = arith.addf %get3A_137, %get3A_141 : vector<16xf32>
        %get3A_143 = arith.index_cast %scan3A_85 : i32 to index
        %get3A_144 = arith.constant 32 : index
        %get3A_145 = tpu.vector_load %arg14[%get3A_143, %get3A_144] {strides = array<i32>} : memref<80x128xf32, #tpu.memory_space<vmem>>, vector<1x16xf32>,
        %get3A_146 = vector.shape_cast %get3A_145 : vector<1x16xf32> to vector<16xf32>
        %neg3A_147 = arith.constant 0.000000e+00 : f32
        %neg3A_148 = vector.broadcast %neg3A_147 : f32 to vector<16xf32>
        %neg3A_149 = arith.subf %neg3A_148, %add3A_142 : vector<16xf32>
        %exp3A_150 = math.exp %neg3A_149 : vector<16xf32>
        %add3A_151 = arith.constant 1.000000e+00 : f32
        %add3A_152 = vector.broadcast %add3A_151 : f32 to vector<16xf32>
        %add3A_153 = arith.addf %add3A_152, %exp3A_150 : vector<16xf32>
        %div3A_154 = arith.divf %get3A_146, %add3A_153 : vector<16xf32>
        %swap3A_155 = arith.index_cast %scan3A_85 : i32 to index
        %swap3A_156 = arith.constant 32 : index
        %swap3A_157 = tpu.vector_load %arg12[%swap3A_155, %swap3A_156] {strides = array<i32>} : memref<80x128xf32, #tpu.memory_space<vmem>>, vector<1x16xf32>,
        %swap3A_158 = vector.shape_cast %swap3A_157 : vector<1x16xf32> to vector<16xf32>
        %swap3A_159 = vector.shape_cast %div3A_154 : vector<16xf32> to vector<1x16xf32>
        tpu.vector_store %arg12[%swap3A_155, %swap3A_156], %swap3A_159 {strides = array<i32>} : memref<80x128xf32, #tpu.memory_space<vmem>>, vector<1x16xf32>,
        %get3A_160 = arith.index_cast %scan3A_85 : i32 to index
        %get3A_161 = arith.constant 48 : index
        %get3A_162 = tpu.vector_load %arg12[%get3A_160, %get3A_161] {strides = array<i32>} : memref<80x128xf32, #tpu.memory_space<vmem>>, vector<1x16xf32>,
        %get3A_163 = vector.shape_cast %get3A_162 : vector<1x16xf32> to vector<16xf32>
        %get3A_164 = arith.index_cast %scan3A_85 : i32 to index
        %get3A_165 = arith.constant 48 : index
        %get3A_166 = tpu.vector_load %arg13[%get3A_164, %get3A_165] {strides = array<i32>} : memref<80x128xf32, #tpu.memory_space<vmem>>, vector<1x16xf32>,
        %get3A_167 = vector.shape_cast %get3A_166 : vector<1x16xf32> to vector<16xf32>
        %add3A_168 = arith.addf %get3A_163, %get3A_167 : vector<16xf32>
        %get3A_169 = arith.index_cast %scan3A_85 : i32 to index
        %get3A_170 = arith.constant 48 : index
        %get3A_171 = tpu.vector_load %arg14[%get3A_169, %get3A_170] {strides = array<i32>} : memref<80x128xf32, #tpu.memory_space<vmem>>, vector<1x16xf32>,
        %get3A_172 = vector.shape_cast %get3A_171 : vector<1x16xf32> to vector<16xf32>
        %neg3A_173 = arith.constant 0.000000e+00 : f32
        %neg3A_174 = vector.broadcast %neg3A_173 : f32 to vector<16xf32>
        %neg3A_175 = arith.subf %neg3A_174, %add3A_168 : vector<16xf32>
        %exp3A_176 = math.exp %neg3A_175 : vector<16xf32>
        %add3A_177 = arith.constant 1.000000e+00 : f32
        %add3A_178 = vector.broadcast %add3A_177 : f32 to vector<16xf32>
        %add3A_179 = arith.addf %add3A_178, %exp3A_176 : vector<16xf32>
        %div3A_180 = arith.divf %get3A_172, %add3A_179 : vector<16xf32>
        %swap3A_181 = arith.index_cast %scan3A_85 : i32 to index
        %swap3A_182 = arith.constant 48 : index
        %swap3A_183 = tpu.vector_load %arg12[%swap3A_181, %swap3A_182] {strides = array<i32>} : memref<80x128xf32, #tpu.memory_space<vmem>>, vector<1x16xf32>,
        %swap3A_184 = vector.shape_cast %swap3A_183 : vector<1x16xf32> to vector<16xf32>
        %swap3A_185 = vector.shape_cast %div3A_180 : vector<16xf32> to vector<1x16xf32>
        tpu.vector_store %arg12[%swap3A_181, %swap3A_182], %swap3A_185 {strides = array<i32>} : memref<80x128xf32, #tpu.memory_space<vmem>>, vector<1x16xf32>,
        %get3A_186 = arith.index_cast %scan3A_85 : i32 to index
        %get3A_187 = arith.constant 64 : index
        %get3A_188 = tpu.vector_load %arg12[%get3A_186, %get3A_187] {strides = array<i32>} : memref<80x128xf32, #tpu.memory_space<vmem>>, vector<1x16xf32>,
        %get3A_189 = vector.shape_cast %get3A_188 : vector<1x16xf32> to vector<16xf32>
        %get3A_190 = arith.index_cast %scan3A_85 : i32 to index
        %get3A_191 = arith.constant 64 : index
        %get3A_192 = tpu.vector_load %arg13[%get3A_190, %get3A_191] {strides = array<i32>} : memref<80x128xf32, #tpu.memory_space<vmem>>, vector<1x16xf32>,
        %get3A_193 = vector.shape_cast %get3A_192 : vector<1x16xf32> to vector<16xf32>
        %add3A_194 = arith.addf %get3A_189, %get3A_193 : vector<16xf32>
        %get3A_195 = arith.index_cast %scan3A_85 : i32 to index
        %get3A_196 = arith.constant 64 : index
        %get3A_197 = tpu.vector_load %arg14[%get3A_195, %get3A_196] {strides = array<i32>} : memref<80x128xf32, #tpu.memory_space<vmem>>, vector<1x16xf32>,
        %get3A_198 = vector.shape_cast %get3A_197 : vector<1x16xf32> to vector<16xf32>
        %neg3A_199 = arith.constant 0.000000e+00 : f32
        %neg3A_200 = vector.broadcast %neg3A_199 : f32 to vector<16xf32>
        %neg3A_201 = arith.subf %neg3A_200, %add3A_194 : vector<16xf32>
        %exp3A_202 = math.exp %neg3A_201 : vector<16xf32>
        %add3A_203 = arith.constant 1.000000e+00 : f32
        %add3A_204 = vector.broadcast %add3A_203 : f32 to vector<16xf32>
        %add3A_205 = arith.addf %add3A_204, %exp3A_202 : vector<16xf32>
        %div3A_206 = arith.divf %get3A_198, %add3A_205 : vector<16xf32>
        %swap3A_207 = arith.index_cast %scan3A_85 : i32 to index
        %swap3A_208 = arith.constant 64 : index
        %swap3A_209 = tpu.vector_load %arg12[%swap3A_207, %swap3A_208] {strides = array<i32>} : memref<80x128xf32, #tpu.memory_space<vmem>>, vector<1x16xf32>,
        %swap3A_210 = vector.shape_cast %swap3A_209 : vector<1x16xf32> to vector<16xf32>
        %swap3A_211 = vector.shape_cast %div3A_206 : vector<16xf32> to vector<1x16xf32>
        tpu.vector_store %arg12[%swap3A_207, %swap3A_208], %swap3A_211 {strides = array<i32>} : memref<80x128xf32, #tpu.memory_space<vmem>>, vector<1x16xf32>,
        %get3A_212 = arith.index_cast %scan3A_85 : i32 to index
        %get3A_213 = arith.constant 80 : index
        %get3A_214 = tpu.vector_load %arg12[%get3A_212, %get3A_213] {strides = array<i32>} : memref<80x128xf32, #tpu.memory_space<vmem>>, vector<1x16xf32>,
        %get3A_215 = vector.shape_cast %get3A_214 : vector<1x16xf32> to vector<16xf32>
        %get3A_216 = arith.index_cast %scan3A_85 : i32 to index
        %get3A_217 = arith.constant 80 : index
        %get3A_218 = tpu.vector_load %arg13[%get3A_216, %get3A_217] {strides = array<i32>} : memref<80x128xf32, #tpu.memory_space<vmem>>, vector<1x16xf32>,
        %get3A_219 = vector.shape_cast %get3A_218 : vector<1x16xf32> to vector<16xf32>
        %add3A_220 = arith.addf %get3A_215, %get3A_219 : vector<16xf32>
        %get3A_221 = arith.index_cast %scan3A_85 : i32 to index
        %get3A_222 = arith.constant 80 : index
        %get3A_223 = tpu.vector_load %arg14[%get3A_221, %get3A_222] {strides = array<i32>} : memref<80x128xf32, #tpu.memory_space<vmem>>, vector<1x16xf32>,
        %get3A_224 = vector.shape_cast %get3A_223 : vector<1x16xf32> to vector<16xf32>
        %neg3A_225 = arith.constant 0.000000e+00 : f32
        %neg3A_226 = vector.broadcast %neg3A_225 : f32 to vector<16xf32>
        %neg3A_227 = arith.subf %neg3A_226, %add3A_220 : vector<16xf32>
        %exp3A_228 = math.exp %neg3A_227 : vector<16xf32>
        %add3A_229 = arith.constant 1.000000e+00 : f32
        %add3A_230 = vector.broadcast %add3A_229 : f32 to vector<16xf32>
        %add3A_231 = arith.addf %add3A_230, %exp3A_228 : vector<16xf32>
        %div3A_232 = arith.divf %get3A_224, %add3A_231 : vector<16xf32>
        %swap3A_233 = arith.index_cast %scan3A_85 : i32 to index
        %swap3A_234 = arith.constant 80 : index
        %swap3A_235 = tpu.vector_load %arg12[%swap3A_233, %swap3A_234] {strides = array<i32>} : memref<80x128xf32, #tpu.memory_space<vmem>>, vector<1x16xf32>,
        %swap3A_236 = vector.shape_cast %swap3A_235 : vector<1x16xf32> to vector<16xf32>
        %swap3A_237 = vector.shape_cast %div3A_232 : vector<16xf32> to vector<1x16xf32>
        tpu.vector_store %arg12[%swap3A_233, %swap3A_234], %swap3A_237 {strides = array<i32>} : memref<80x128xf32, #tpu.memory_space<vmem>>, vector<1x16xf32>,
        %get3A_238 = arith.index_cast %scan3A_85 : i32 to index
        %get3A_239 = arith.constant 96 : index
        %get3A_240 = tpu.vector_load %arg12[%get3A_238, %get3A_239] {strides = array<i32>} : memref<80x128xf32, #tpu.memory_space<vmem>>, vector<1x16xf32>,
        %get3A_241 = vector.shape_cast %get3A_240 : vector<1x16xf32> to vector<16xf32>
        %get3A_242 = arith.index_cast %scan3A_85 : i32 to index
        %get3A_243 = arith.constant 96 : index
        %get3A_244 = tpu.vector_load %arg13[%get3A_242, %get3A_243] {strides = array<i32>} : memref<80x128xf32, #tpu.memory_space<vmem>>, vector<1x16xf32>,
        %get3A_245 = vector.shape_cast %get3A_244 : vector<1x16xf32> to vector<16xf32>
        %add3A_246 = arith.addf %get3A_241, %get3A_245 : vector<16xf32>
        %get3A_247 = arith.index_cast %scan3A_85 : i32 to index
        %get3A_248 = arith.constant 96 : index
        %get3A_249 = tpu.vector_load %arg14[%get3A_247, %get3A_248] {strides = array<i32>} : memref<80x128xf32, #tpu.memory_space<vmem>>, vector<1x16xf32>,
        %get3A_250 = vector.shape_cast %get3A_249 : vector<1x16xf32> to vector<16xf32>
        %neg3A_251 = arith.constant 0.000000e+00 : f32
        %neg3A_252 = vector.broadcast %neg3A_251 : f32 to vector<16xf32>
        %neg3A_253 = arith.subf %neg3A_252, %add3A_246 : vector<16xf32>
        %exp3A_254 = math.exp %neg3A_253 : vector<16xf32>
        %add3A_255 = arith.constant 1.000000e+00 : f32
        %add3A_256 = vector.broadcast %add3A_255 : f32 to vector<16xf32>
        %add3A_257 = arith.addf %add3A_256, %exp3A_254 : vector<16xf32>
        %div3A_258 = arith.divf %get3A_250, %add3A_257 : vector<16xf32>
        %swap3A_259 = arith.index_cast %scan3A_85 : i32 to index
        %swap3A_260 = arith.constant 96 : index
        %swap3A_261 = tpu.vector_load %arg12[%swap3A_259, %swap3A_260] {strides = array<i32>} : memref<80x128xf32, #tpu.memory_space<vmem>>, vector<1x16xf32>,
        %swap3A_262 = vector.shape_cast %swap3A_261 : vector<1x16xf32> to vector<16xf32>
        %swap3A_263 = vector.shape_cast %div3A_258 : vector<16xf32> to vector<1x16xf32>
        tpu.vector_store %arg12[%swap3A_259, %swap3A_260], %swap3A_263 {strides = array<i32>} : memref<80x128xf32, #tpu.memory_space<vmem>>, vector<1x16xf32>,
        %get3A_264 = arith.index_cast %scan3A_85 : i32 to index
        %get3A_265 = arith.constant 112 : index
        %get3A_266 = tpu.vector_load %arg12[%get3A_264, %get3A_265] {strides = array<i32>} : memref<80x128xf32, #tpu.memory_space<vmem>>, vector<1x16xf32>,
        %get3A_267 = vector.shape_cast %get3A_266 : vector<1x16xf32> to vector<16xf32>
        %get3A_268 = arith.index_cast %scan3A_85 : i32 to index
        %get3A_269 = arith.constant 112 : index
        %get3A_270 = tpu.vector_load %arg13[%get3A_268, %get3A_269] {strides = array<i32>} : memref<80x128xf32, #tpu.memory_space<vmem>>, vector<1x16xf32>,
        %get3A_271 = vector.shape_cast %get3A_270 : vector<1x16xf32> to vector<16xf32>
        %add3A_272 = arith.addf %get3A_267, %get3A_271 : vector<16xf32>
        %get3A_273 = arith.index_cast %scan3A_85 : i32 to index
        %get3A_274 = arith.constant 112 : index
        %get3A_275 = tpu.vector_load %arg14[%get3A_273, %get3A_274] {strides = array<i32>} : memref<80x128xf32, #tpu.memory_space<vmem>>, vector<1x16xf32>,
        %get3A_276 = vector.shape_cast %get3A_275 : vector<1x16xf32> to vector<16xf32>
        %neg3A_277 = arith.constant 0.000000e+00 : f32
        %neg3A_278 = vector.broadcast %neg3A_277 : f32 to vector<16xf32>
        %neg3A_279 = arith.subf %neg3A_278, %add3A_272 : vector<16xf32>
        %exp3A_280 = math.exp %neg3A_279 : vector<16xf32>
        %add3A_281 = arith.constant 1.000000e+00 : f32
        %add3A_282 = vector.broadcast %add3A_281 : f32 to vector<16xf32>
        %add3A_283 = arith.addf %add3A_282, %exp3A_280 : vector<16xf32>
        %div3A_284 = arith.divf %get3A_276, %add3A_283 : vector<16xf32>
        %swap3A_285 = arith.index_cast %scan3A_85 : i32 to index
        %swap3A_286 = arith.constant 112 : index
        %swap3A_287 = tpu.vector_load %arg12[%swap3A_285, %swap3A_286] {strides = array<i32>} : memref<80x128xf32, #tpu.memory_space<vmem>>, vector<1x16xf32>,
        %swap3A_288 = vector.shape_cast %swap3A_287 : vector<1x16xf32> to vector<16xf32>
        %swap3A_289 = vector.shape_cast %div3A_284 : vector<16xf32> to vector<1x16xf32>
        tpu.vector_store %arg12[%swap3A_285, %swap3A_286], %swap3A_289 {strides = array<i32>} : memref<80x128xf32, #tpu.memory_space<vmem>>, vector<1x16xf32>,
        %scan3A_290 = arith.constant 0 : i32
        scf.yield %scan3A_290 : i32
      }
      %scan3A_83 = arith.constant 80 : i32
      "tpu.region"() ({
        %run_scoped3A = tpu.sem_alloc : memref<!tpu.dma_semaphore, #tpu.memory_space<semaphore_mem>>
        %dma_start3A_85 = arith.constant 0 : i32
        %dma_start3A_86 = arith.constant 0 : i32
        %dma_start3A_87 = tpu.memref_slice %arg16[%dma_start3A_85, %dma_start3A_86] : memref<10008x128xf32, #tpu.memory_space<vmem_shared>> -> memref<10008x128xf32, #tpu.memory_space<vmem_shared>>
        tpu.enqueue_indirect_dma source(%arg12 : memref<80x128xf32, #tpu.memory_space<vmem>>) target(%dma_start3A_87 : memref<10008x128xf32, #tpu.memory_space<vmem_shared>>) offsets(%arg11 : memref<80xi32, #tpu.memory_space<vmem>>) semaphore(%run_scoped3A : memref<!tpu.dma_semaphore, #tpu.memory_space<semaphore_mem>>) {add = true}
        %dma_wait3A_88 = arith.constant 0 : i32
        %dma_wait3A_89 = arith.constant 0 : i32
        %dma_wait3A_90 = tpu.memref_slice %arg16[%dma_wait3A_88, %dma_wait3A_89] : memref<10008x128xf32, #tpu.memory_space<vmem_shared>> -> memref<10008x128xf32, #tpu.memory_space<vmem_shared>>
        tpu.wait_indirect_dma semaphore(%run_scoped3A : memref<!tpu.dma_semaphore, #tpu.memory_space<semaphore_mem>>) src(%arg12 : memref<80x128xf32, #tpu.memory_space<vmem>>) dst(%dma_wait3A_90 : memref<10008x128xf32, #tpu.memory_space<vmem_shared>>)
        tpu.yield
      }) : () -> ()
      %scan3A_84 = arith.constant 0 : i32
      scf.yield %scan3A_84 : i32
    }
    %scan3A_26 = arith.constant 64 : i32
    %barrier3A_27 = arith.constant 0 : index
    tpu.barrier barrier_id(%barrier3A_27)
    %mul3A_28 = arith.constant 10000 : i32
    %mul3A_29 = arith.muli %arg0, %mul3A_28 : i32
    %mul3A_30 = arith.constant 640 : i32
    %mul3A_31 = arith.muli %arg1, %mul3A_30 : i32
    %lt3A_32 = arith.constant 15 : i32
    %lt3A_33 = arith.cmpi slt, %arg1, %lt3A_32 : i32
    %jit3A_34 = arith.constant 8 : i32
    %jit3A_35 = arith.constant 5 : i32
    %select_n3A_36 = arith.select %lt3A_33, %jit3A_34, %jit3A_35 : i32
    %while3A_37 = arith.constant 0 : i32
    %while3A_38 = arith.constant 0 : i32
    %while3A_39 = arith.subi %select_n3A_36, %while3A_37 : i32
    %while3A_40 = arith.addi %while3A_37, %while3A_39 : i32
    %while3A_41 = arith.constant 1 : i32
    %while3A_42 = arith.divsi %while3A_39, %while3A_41 : i32
    %while3A_43 = arith.muli %while3A_42, %while3A_41 : i32
    %while3A_44 = arith.addi %while3A_37, %while3A_43 : i32
    %while3A_45 = arith.constant 1 : i32
    %while3A_46 = scf.for %while3A_49 = %while3A_37 to %while3A_44 step %while3A_45 iter_args(%while3A_50 = %while3A_38) -> (i32)  : i32 {
      %mul3A_51 = arith.constant 80 : i32
      %mul3A_52 = arith.muli %while3A_49, %mul3A_51 : i32
      %add3A = arith.addi %mul3A_31, %mul3A_52 : i32
      %add3A_53 = arith.addi %mul3A_29, %mul3A_31 : i32
      %mul3A_54 = arith.constant 80 : i32
      %mul3A_55 = arith.muli %while3A_49, %mul3A_54 : i32
      %add3A_56 = arith.addi %add3A_53, %mul3A_55 : i32
      "tpu.region"() ({
        %run_scoped3A = tpu.sem_alloc : memref<!tpu.dma_semaphore, #tpu.memory_space<semaphore_mem>>
        %dma_start3A = arith.constant 0 : i32
        %dma_start3A_58 = tpu.memref_slice %arg8[%add3A_56, %dma_start3A] : memref<20000x128xf32, #tpu.memory_space<hbm>> -> memref<80x128xf32, #tpu.memory_space<hbm>>
        %dma_start3A_59 = arith.constant 0 : i32
        %dma_start3A_60 = tpu.memref_slice %arg16[%add3A, %dma_start3A_59] : memref<10008x128xf32, #tpu.memory_space<vmem_shared>> -> memref<80x128xf32, #tpu.memory_space<vmem_shared>>
        tpu.enqueue_dma source(%dma_start3A_60 : memref<80x128xf32, #tpu.memory_space<vmem_shared>>) target(%dma_start3A_58 : memref<80x128xf32, #tpu.memory_space<hbm>>) target_semaphore(%run_scoped3A : memref<!tpu.dma_semaphore, #tpu.memory_space<semaphore_mem>>)
        %dma_wait3A = arith.constant 0 : i32
        %dma_wait3A_61 = tpu.memref_slice %arg8[%add3A_56, %dma_wait3A] : memref<20000x128xf32, #tpu.memory_space<hbm>> -> memref<80x128xf32, #tpu.memory_space<hbm>>
        %dma_wait3A_62 = arith.constant 0 : i32
        %dma_wait3A_63 = tpu.memref_slice %arg16[%add3A, %dma_wait3A_62] : memref<10008x128xf32, #tpu.memory_space<vmem_shared>> -> memref<80x128xf32, #tpu.memory_space<vmem_shared>>
        tpu.wait_dma2 semaphore(%run_scoped3A : memref<!tpu.dma_semaphore, #tpu.memory_space<semaphore_mem>>) src(%dma_wait3A_63 : memref<80x128xf32, #tpu.memory_space<vmem_shared>>) dst(%dma_wait3A_61 : memref<80x128xf32, #tpu.memory_space<hbm>>)
        tpu.yield
      }) : () -> ()
      %while3A_57 = arith.constant 0 : i32
      scf.yield %while3A_57 : i32
    }
    %while3A_47 = arith.constant 1 : i32
    %while3A_48 = scf.for %while3A_49 = %while3A_44 to %while3A_40 step %while3A_47 iter_args(%while3A_50 = %while3A_46) -> (i32)  : i32 {
      %mul3A_51 = arith.constant 80 : i32
      %mul3A_52 = arith.muli %while3A_49, %mul3A_51 : i32
      %add3A = arith.addi %mul3A_31, %mul3A_52 : i32
      %add3A_53 = arith.addi %mul3A_29, %mul3A_31 : i32
      %mul3A_54 = arith.constant 80 : i32
      %mul3A_55 = arith.muli %while3A_49, %mul3A_54 : i32
      %add3A_56 = arith.addi %add3A_53, %mul3A_55 : i32
      "tpu.region"() ({
        %run_scoped3A = tpu.sem_alloc : memref<!tpu.dma_semaphore, #tpu.memory_space<semaphore_mem>>
        %dma_start3A = arith.constant 0 : i32
        %dma_start3A_58 = tpu.memref_slice %arg8[%add3A_56, %dma_start3A] : memref<20000x128xf32, #tpu.memory_space<hbm>> -> memref<80x128xf32, #tpu.memory_space<hbm>>
        %dma_start3A_59 = arith.constant 0 : i32
        %dma_start3A_60 = tpu.memref_slice %arg16[%add3A, %dma_start3A_59] : memref<10008x128xf32, #tpu.memory_space<vmem_shared>> -> memref<80x128xf32, #tpu.memory_space<vmem_shared>>
        tpu.enqueue_dma source(%dma_start3A_60 : memref<80x128xf32, #tpu.memory_space<vmem_shared>>) target(%dma_start3A_58 : memref<80x128xf32, #tpu.memory_space<hbm>>) target_semaphore(%run_scoped3A : memref<!tpu.dma_semaphore, #tpu.memory_space<semaphore_mem>>)
        %dma_wait3A = arith.constant 0 : i32
        %dma_wait3A_61 = tpu.memref_slice %arg8[%add3A_56, %dma_wait3A] : memref<20000x128xf32, #tpu.memory_space<hbm>> -> memref<80x128xf32, #tpu.memory_space<hbm>>
        %dma_wait3A_62 = arith.constant 0 : i32
        %dma_wait3A_63 = tpu.memref_slice %arg16[%add3A, %dma_wait3A_62] : memref<10008x128xf32, #tpu.memory_space<vmem_shared>> -> memref<80x128xf32, #tpu.memory_space<vmem_shared>>
        tpu.wait_dma2 semaphore(%run_scoped3A : memref<!tpu.dma_semaphore, #tpu.memory_space<semaphore_mem>>) src(%dma_wait3A_63 : memref<80x128xf32, #tpu.memory_space<vmem_shared>>) dst(%dma_wait3A_61 : memref<80x128xf32, #tpu.memory_space<hbm>>)
        tpu.yield
      }) : () -> ()
      %while3A_57 = arith.constant 0 : i32
      scf.yield %while3A_57 : i32
    }
    return
  }
}

#map = affine_map<(d0, d1) -> (0, 0)>
#map1 = affine_map<(d0, d1) -> (0)>
module attributes {stable_mosaic.version = 14 : i64} {
  func.func @_rr_body(%arg0: i32, %arg1: i32, %arg2: memref<20000x128xf32, #tpu.memory_space<hbm>>, %arg3: memref<320000xi32, #tpu.memory_space<hbm>>, %arg4: memref<160000xi32, #tpu.memory_space<hbm>>, %arg5: memref<20000x128xf32, #tpu.memory_space<hbm>>, %arg6: memref<80xi32, #tpu.memory_space<vmem>>, %arg7: memref<80xi32, #tpu.memory_space<vmem>>, %arg8: memref<80x128xf32, #tpu.memory_space<vmem>>, %arg9: memref<80x128xf32, #tpu.memory_space<vmem>>, %arg10: memref<10000x128xf32, #tpu.memory_space<vmem_shared>>, %arg11: memref<!tpu.dma_semaphore, #tpu.memory_space<semaphore_mem>>) attributes {dimension_semantics = [#tpu.dimension_semantics<core_parallel>, #tpu.dimension_semantics<subcore_parallel>], iteration_bounds = array<i64: 2, 16>, scalar_prefetch = 0 : i64, scratch_operands = 6 : i64, tpu.core_type = #tpu.core_type<sc_vector_subcore>, window_params = [{transform_indices = #map}, {transform_indices = #map1}, {transform_indices = #map1}, {transform_indices = #map}]} {
    %scan3A = arith.constant 0 : i32
    %scan3A_0 = arith.constant 0 : i32
    %scan3A_1 = arith.constant 80 : i32
    %scan3A_2 = arith.addi %scan3A_0, %scan3A_1 : i32
    %scan3A_3 = arith.constant 1 : i32
    %scan3A_4 = scf.for %scan3A_49 = %scan3A_0 to %scan3A_2 step %scan3A_3 iter_args(%scan3A_50 = %scan3A) -> (i32)  : i32 {
      %broadcast_in_dim3A = arith.constant 0.000000e+00 : f32
      %broadcast_in_dim3A_51 = vector.broadcast %broadcast_in_dim3A : f32 to vector<16xf32>
      %swap3A = arith.index_cast %scan3A_49 : i32 to index
      %swap3A_52 = arith.constant 0 : index
      %swap3A_53 = tpu.vector_load %arg9[%swap3A, %swap3A_52] {strides = array<i32>} : memref<80x128xf32, #tpu.memory_space<vmem>>, vector<1x16xf32>,
      %swap3A_54 = vector.shape_cast %swap3A_53 : vector<1x16xf32> to vector<16xf32>
      %swap3A_55 = vector.shape_cast %broadcast_in_dim3A_51 : vector<16xf32> to vector<1x16xf32>
      tpu.vector_store %arg9[%swap3A, %swap3A_52], %swap3A_55 {strides = array<i32>} : memref<80x128xf32, #tpu.memory_space<vmem>>, vector<1x16xf32>,
      %broadcast_in_dim3A_56 = arith.constant 0.000000e+00 : f32
      %broadcast_in_dim3A_57 = vector.broadcast %broadcast_in_dim3A_56 : f32 to vector<16xf32>
      %swap3A_58 = arith.index_cast %scan3A_49 : i32 to index
      %swap3A_59 = arith.constant 16 : index
      %swap3A_60 = tpu.vector_load %arg9[%swap3A_58, %swap3A_59] {strides = array<i32>} : memref<80x128xf32, #tpu.memory_space<vmem>>, vector<1x16xf32>,
      %swap3A_61 = vector.shape_cast %swap3A_60 : vector<1x16xf32> to vector<16xf32>
      %swap3A_62 = vector.shape_cast %broadcast_in_dim3A_57 : vector<16xf32> to vector<1x16xf32>
      tpu.vector_store %arg9[%swap3A_58, %swap3A_59], %swap3A_62 {strides = array<i32>} : memref<80x128xf32, #tpu.memory_space<vmem>>, vector<1x16xf32>,
      %broadcast_in_dim3A_63 = arith.constant 0.000000e+00 : f32
      %broadcast_in_dim3A_64 = vector.broadcast %broadcast_in_dim3A_63 : f32 to vector<16xf32>
      %swap3A_65 = arith.index_cast %scan3A_49 : i32 to index
      %swap3A_66 = arith.constant 32 : index
      %swap3A_67 = tpu.vector_load %arg9[%swap3A_65, %swap3A_66] {strides = array<i32>} : memref<80x128xf32, #tpu.memory_space<vmem>>, vector<1x16xf32>,
      %swap3A_68 = vector.shape_cast %swap3A_67 : vector<1x16xf32> to vector<16xf32>
      %swap3A_69 = vector.shape_cast %broadcast_in_dim3A_64 : vector<16xf32> to vector<1x16xf32>
      tpu.vector_store %arg9[%swap3A_65, %swap3A_66], %swap3A_69 {strides = array<i32>} : memref<80x128xf32, #tpu.memory_space<vmem>>, vector<1x16xf32>,
      %broadcast_in_dim3A_70 = arith.constant 0.000000e+00 : f32
      %broadcast_in_dim3A_71 = vector.broadcast %broadcast_in_dim3A_70 : f32 to vector<16xf32>
      %swap3A_72 = arith.index_cast %scan3A_49 : i32 to index
      %swap3A_73 = arith.constant 48 : index
      %swap3A_74 = tpu.vector_load %arg9[%swap3A_72, %swap3A_73] {strides = array<i32>} : memref<80x128xf32, #tpu.memory_space<vmem>>, vector<1x16xf32>,
      %swap3A_75 = vector.shape_cast %swap3A_74 : vector<1x16xf32> to vector<16xf32>
      %swap3A_76 = vector.shape_cast %broadcast_in_dim3A_71 : vector<16xf32> to vector<1x16xf32>
      tpu.vector_store %arg9[%swap3A_72, %swap3A_73], %swap3A_76 {strides = array<i32>} : memref<80x128xf32, #tpu.memory_space<vmem>>, vector<1x16xf32>,
      %broadcast_in_dim3A_77 = arith.constant 0.000000e+00 : f32
      %broadcast_in_dim3A_78 = vector.broadcast %broadcast_in_dim3A_77 : f32 to vector<16xf32>
      %swap3A_79 = arith.index_cast %scan3A_49 : i32 to index
      %swap3A_80 = arith.constant 64 : index
      %swap3A_81 = tpu.vector_load %arg9[%swap3A_79, %swap3A_80] {strides = array<i32>} : memref<80x128xf32, #tpu.memory_space<vmem>>, vector<1x16xf32>,
      %swap3A_82 = vector.shape_cast %swap3A_81 : vector<1x16xf32> to vector<16xf32>
      %swap3A_83 = vector.shape_cast %broadcast_in_dim3A_78 : vector<16xf32> to vector<1x16xf32>
      tpu.vector_store %arg9[%swap3A_79, %swap3A_80], %swap3A_83 {strides = array<i32>} : memref<80x128xf32, #tpu.memory_space<vmem>>, vector<1x16xf32>,
      %broadcast_in_dim3A_84 = arith.constant 0.000000e+00 : f32
      %broadcast_in_dim3A_85 = vector.broadcast %broadcast_in_dim3A_84 : f32 to vector<16xf32>
      %swap3A_86 = arith.index_cast %scan3A_49 : i32 to index
      %swap3A_87 = arith.constant 80 : index
      %swap3A_88 = tpu.vector_load %arg9[%swap3A_86, %swap3A_87] {strides = array<i32>} : memref<80x128xf32, #tpu.memory_space<vmem>>, vector<1x16xf32>,
      %swap3A_89 = vector.shape_cast %swap3A_88 : vector<1x16xf32> to vector<16xf32>
      %swap3A_90 = vector.shape_cast %broadcast_in_dim3A_85 : vector<16xf32> to vector<1x16xf32>
      tpu.vector_store %arg9[%swap3A_86, %swap3A_87], %swap3A_90 {strides = array<i32>} : memref<80x128xf32, #tpu.memory_space<vmem>>, vector<1x16xf32>,
      %broadcast_in_dim3A_91 = arith.constant 0.000000e+00 : f32
      %broadcast_in_dim3A_92 = vector.broadcast %broadcast_in_dim3A_91 : f32 to vector<16xf32>
      %swap3A_93 = arith.index_cast %scan3A_49 : i32 to index
      %swap3A_94 = arith.constant 96 : index
      %swap3A_95 = tpu.vector_load %arg9[%swap3A_93, %swap3A_94] {strides = array<i32>} : memref<80x128xf32, #tpu.memory_space<vmem>>, vector<1x16xf32>,
      %swap3A_96 = vector.shape_cast %swap3A_95 : vector<1x16xf32> to vector<16xf32>
      %swap3A_97 = vector.shape_cast %broadcast_in_dim3A_92 : vector<16xf32> to vector<1x16xf32>
      tpu.vector_store %arg9[%swap3A_93, %swap3A_94], %swap3A_97 {strides = array<i32>} : memref<80x128xf32, #tpu.memory_space<vmem>>, vector<1x16xf32>,
      %broadcast_in_dim3A_98 = arith.constant 0.000000e+00 : f32
      %broadcast_in_dim3A_99 = vector.broadcast %broadcast_in_dim3A_98 : f32 to vector<16xf32>
      %swap3A_100 = arith.index_cast %scan3A_49 : i32 to index
      %swap3A_101 = arith.constant 112 : index
      %swap3A_102 = tpu.vector_load %arg9[%swap3A_100, %swap3A_101] {strides = array<i32>} : memref<80x128xf32, #tpu.memory_space<vmem>>, vector<1x16xf32>,
      %swap3A_103 = vector.shape_cast %swap3A_102 : vector<1x16xf32> to vector<16xf32>
      %swap3A_104 = vector.shape_cast %broadcast_in_dim3A_99 : vector<16xf32> to vector<1x16xf32>
      tpu.vector_store %arg9[%swap3A_100, %swap3A_101], %swap3A_104 {strides = array<i32>} : memref<80x128xf32, #tpu.memory_space<vmem>>, vector<1x16xf32>,
      %scan3A_105 = arith.constant 0 : i32
      scf.yield %scan3A_105 : i32
    }
    %scan3A_5 = arith.constant 80 : i32
    %mul3A = arith.constant 640 : i32
    %mul3A_6 = arith.muli %arg1, %mul3A : i32
    %lt3A = arith.constant 15 : i32
    %lt3A_7 = arith.cmpi slt, %arg1, %lt3A : i32
    %jit3A = arith.constant 8 : i32
    %jit3A_8 = arith.constant 5 : i32
    %select_n3A = arith.select %lt3A_7, %jit3A, %jit3A_8 : i32
    %while3A = arith.constant 0 : i32
    %while3A_9 = arith.constant 0 : i32
    %while3A_10 = arith.subi %select_n3A, %while3A : i32
    %while3A_11 = arith.addi %while3A, %while3A_10 : i32
    %while3A_12 = arith.constant 1 : i32
    %while3A_13 = arith.divsi %while3A_10, %while3A_12 : i32
    %while3A_14 = arith.muli %while3A_13, %while3A_12 : i32
    %while3A_15 = arith.addi %while3A, %while3A_14 : i32
    %while3A_16 = arith.constant 1 : i32
    %while3A_17 = scf.for %while3A_49 = %while3A to %while3A_15 step %while3A_16 iter_args(%while3A_50 = %while3A_9) -> (i32)  : i32 {
      %mul3A_51 = arith.constant 80 : i32
      %mul3A_52 = arith.muli %while3A_49, %mul3A_51 : i32
      %add3A = arith.addi %mul3A_6, %mul3A_52 : i32
      "tpu.region"() ({
        %run_scoped3A = tpu.sem_alloc : memref<!tpu.dma_semaphore, #tpu.memory_space<semaphore_mem>>
        %dma_start3A = arith.constant 0 : i32
        %dma_start3A_54 = tpu.memref_slice %arg10[%add3A, %dma_start3A] : memref<10000x128xf32, #tpu.memory_space<vmem_shared>> -> memref<80x128xf32, #tpu.memory_space<vmem_shared>>
        %dma_start3A_55 = arith.constant 0 : i32
        %dma_start3A_56 = tpu.memref_slice %arg10[%add3A, %dma_start3A_55] : memref<10000x128xf32, #tpu.memory_space<vmem_shared>> -> memref<80x128xf32, #tpu.memory_space<vmem_shared>>
        tpu.enqueue_dma source(%arg9 : memref<80x128xf32, #tpu.memory_space<vmem>>) target(%dma_start3A_56 : memref<80x128xf32, #tpu.memory_space<vmem_shared>>) target_semaphore(%run_scoped3A : memref<!tpu.dma_semaphore, #tpu.memory_space<semaphore_mem>>)
        %dma_wait3A = arith.constant 0 : i32
        %dma_wait3A_57 = tpu.memref_slice %arg10[%add3A, %dma_wait3A] : memref<10000x128xf32, #tpu.memory_space<vmem_shared>> -> memref<80x128xf32, #tpu.memory_space<vmem_shared>>
        %dma_wait3A_58 = arith.constant 0 : i32
        %dma_wait3A_59 = tpu.memref_slice %arg10[%add3A, %dma_wait3A_58] : memref<10000x128xf32, #tpu.memory_space<vmem_shared>> -> memref<80x128xf32, #tpu.memory_space<vmem_shared>>
        tpu.wait_dma2 semaphore(%run_scoped3A : memref<!tpu.dma_semaphore, #tpu.memory_space<semaphore_mem>>) src(%arg9 : memref<80x128xf32, #tpu.memory_space<vmem>>) dst(%dma_wait3A_59 : memref<80x128xf32, #tpu.memory_space<vmem_shared>>)
        tpu.yield
      }) : () -> ()
      %while3A_53 = arith.constant 0 : i32
      scf.yield %while3A_53 : i32
    }
    %while3A_18 = arith.constant 1 : i32
    %while3A_19 = scf.for %while3A_49 = %while3A_15 to %while3A_11 step %while3A_18 iter_args(%while3A_50 = %while3A_17) -> (i32)  : i32 {
      %mul3A_51 = arith.constant 80 : i32
      %mul3A_52 = arith.muli %while3A_49, %mul3A_51 : i32
      %add3A = arith.addi %mul3A_6, %mul3A_52 : i32
      "tpu.region"() ({
        %run_scoped3A = tpu.sem_alloc : memref<!tpu.dma_semaphore, #tpu.memory_space<semaphore_mem>>
        %dma_start3A = arith.constant 0 : i32
        %dma_start3A_54 = tpu.memref_slice %arg10[%add3A, %dma_start3A] : memref<10000x128xf32, #tpu.memory_space<vmem_shared>> -> memref<80x128xf32, #tpu.memory_space<vmem_shared>>
        %dma_start3A_55 = arith.constant 0 : i32
        %dma_start3A_56 = tpu.memref_slice %arg10[%add3A, %dma_start3A_55] : memref<10000x128xf32, #tpu.memory_space<vmem_shared>> -> memref<80x128xf32, #tpu.memory_space<vmem_shared>>
        tpu.enqueue_dma source(%arg9 : memref<80x128xf32, #tpu.memory_space<vmem>>) target(%dma_start3A_56 : memref<80x128xf32, #tpu.memory_space<vmem_shared>>) target_semaphore(%run_scoped3A : memref<!tpu.dma_semaphore, #tpu.memory_space<semaphore_mem>>)
        %dma_wait3A = arith.constant 0 : i32
        %dma_wait3A_57 = tpu.memref_slice %arg10[%add3A, %dma_wait3A] : memref<10000x128xf32, #tpu.memory_space<vmem_shared>> -> memref<80x128xf32, #tpu.memory_space<vmem_shared>>
        %dma_wait3A_58 = arith.constant 0 : i32
        %dma_wait3A_59 = tpu.memref_slice %arg10[%add3A, %dma_wait3A_58] : memref<10000x128xf32, #tpu.memory_space<vmem_shared>> -> memref<80x128xf32, #tpu.memory_space<vmem_shared>>
        tpu.wait_dma2 semaphore(%run_scoped3A : memref<!tpu.dma_semaphore, #tpu.memory_space<semaphore_mem>>) src(%arg9 : memref<80x128xf32, #tpu.memory_space<vmem>>) dst(%dma_wait3A_59 : memref<80x128xf32, #tpu.memory_space<vmem_shared>>)
        tpu.yield
      }) : () -> ()
      %while3A_53 = arith.constant 0 : i32
      scf.yield %while3A_53 : i32
    }
    %barrier3A = arith.constant 0 : index
    tpu.barrier barrier_id(%barrier3A)
    %scan3A_20 = arith.constant 0 : i32
    %scan3A_21 = arith.constant 0 : i32
    %scan3A_22 = arith.constant 125 : i32
    %scan3A_23 = arith.addi %scan3A_21, %scan3A_22 : i32
    %scan3A_24 = arith.constant 1 : i32
    %scan3A_25 = scf.for %scan3A_49 = %scan3A_21 to %scan3A_23 step %scan3A_24 iter_args(%scan3A_50 = %scan3A_20) -> (i32)  : i32 {
      %mul3A_51 = arith.constant 10000 : i32
      %mul3A_52 = arith.muli %arg1, %mul3A_51 : i32
      %mul3A_53 = arith.constant 80 : i32
      %mul3A_54 = arith.muli %scan3A_49, %mul3A_53 : i32
      %add3A = arith.addi %mul3A_52, %mul3A_54 : i32
      %mul3A_55 = arith.constant 160000 : i32
      %mul3A_56 = arith.muli %arg0, %mul3A_55 : i32
      %add3A_57 = arith.addi %mul3A_56, %add3A : i32
      "tpu.region"() ({
        %run_scoped3A = tpu.sem_alloc : memref<!tpu.dma_semaphore, #tpu.memory_space<semaphore_mem>>
        %dma_start3A_63 = tpu.memref_slice %arg3[%add3A_57] : memref<320000xi32, #tpu.memory_space<hbm>> -> memref<80xi32, #tpu.memory_space<hbm>>
        %dma_start3A_64 = tpu.memref_slice %arg3[%add3A_57] : memref<320000xi32, #tpu.memory_space<hbm>> -> memref<80xi32, #tpu.memory_space<hbm>>
        tpu.enqueue_dma source(%dma_start3A_64 : memref<80xi32, #tpu.memory_space<hbm>>) target(%arg6 : memref<80xi32, #tpu.memory_space<vmem>>) target_semaphore(%run_scoped3A : memref<!tpu.dma_semaphore, #tpu.memory_space<semaphore_mem>>)
        %dma_wait3A_65 = tpu.memref_slice %arg3[%add3A_57] : memref<320000xi32, #tpu.memory_space<hbm>> -> memref<80xi32, #tpu.memory_space<hbm>>
        %dma_wait3A_66 = tpu.memref_slice %arg3[%add3A_57] : memref<320000xi32, #tpu.memory_space<hbm>> -> memref<80xi32, #tpu.memory_space<hbm>>
        tpu.wait_dma2 semaphore(%run_scoped3A : memref<!tpu.dma_semaphore, #tpu.memory_space<semaphore_mem>>) src(%dma_wait3A_66 : memref<80xi32, #tpu.memory_space<hbm>>) dst(%arg6 : memref<80xi32, #tpu.memory_space<vmem>>)
        tpu.yield
      }) : () -> ()
      "tpu.region"() ({
        %run_scoped3A = tpu.sem_alloc : memref<!tpu.dma_semaphore, #tpu.memory_space<semaphore_mem>>
        %dma_start3A_63 = tpu.memref_slice %arg4[%add3A] : memref<160000xi32, #tpu.memory_space<hbm>> -> memref<80xi32, #tpu.memory_space<hbm>>
        %dma_start3A_64 = tpu.memref_slice %arg4[%add3A] : memref<160000xi32, #tpu.memory_space<hbm>> -> memref<80xi32, #tpu.memory_space<hbm>>
        tpu.enqueue_dma source(%dma_start3A_64 : memref<80xi32, #tpu.memory_space<hbm>>) target(%arg7 : memref<80xi32, #tpu.memory_space<vmem>>) target_semaphore(%run_scoped3A : memref<!tpu.dma_semaphore, #tpu.memory_space<semaphore_mem>>)
        %dma_wait3A_65 = tpu.memref_slice %arg4[%add3A] : memref<160000xi32, #tpu.memory_space<hbm>> -> memref<80xi32, #tpu.memory_space<hbm>>
        %dma_wait3A_66 = tpu.memref_slice %arg4[%add3A] : memref<160000xi32, #tpu.memory_space<hbm>> -> memref<80xi32, #tpu.memory_space<hbm>>
        tpu.wait_dma2 semaphore(%run_scoped3A : memref<!tpu.dma_semaphore, #tpu.memory_space<semaphore_mem>>) src(%dma_wait3A_66 : memref<80xi32, #tpu.memory_space<hbm>>) dst(%arg7 : memref<80xi32, #tpu.memory_space<vmem>>)
        tpu.yield
      }) : () -> ()
      %dma_start3A = arith.constant 0 : i32
      %dma_start3A_58 = arith.constant 0 : i32
      %dma_start3A_59 = tpu.memref_slice %arg2[%dma_start3A, %dma_start3A_58] : memref<20000x128xf32, #tpu.memory_space<hbm>> -> memref<20000x128xf32, #tpu.memory_space<hbm>>
      tpu.enqueue_indirect_dma source(%dma_start3A_59 : memref<20000x128xf32, #tpu.memory_space<hbm>>) target(%arg8 : memref<80x128xf32, #tpu.memory_space<vmem>>) offsets(%arg6 : memref<80xi32, #tpu.memory_space<vmem>>) semaphore(%arg11 : memref<!tpu.dma_semaphore, #tpu.memory_space<semaphore_mem>>)
      %dma_wait3A = arith.constant 0 : i32
      %dma_wait3A_60 = arith.constant 0 : i32
      %dma_wait3A_61 = tpu.memref_slice %arg2[%dma_wait3A, %dma_wait3A_60] : memref<20000x128xf32, #tpu.memory_space<hbm>> -> memref<20000x128xf32, #tpu.memory_space<hbm>>
      tpu.wait_indirect_dma semaphore(%arg11 : memref<!tpu.dma_semaphore, #tpu.memory_space<semaphore_mem>>) src(%dma_wait3A_61 : memref<20000x128xf32, #tpu.memory_space<hbm>>) dst(%arg8 : memref<80x128xf32, #tpu.memory_space<vmem>>)
      "tpu.region"() ({
        %run_scoped3A = tpu.sem_alloc : memref<!tpu.dma_semaphore, #tpu.memory_space<semaphore_mem>>
        %dma_start3A_63 = arith.constant 0 : i32
        %dma_start3A_64 = arith.constant 0 : i32
        %dma_start3A_65 = tpu.memref_slice %arg10[%dma_start3A_63, %dma_start3A_64] : memref<10000x128xf32, #tpu.memory_space<vmem_shared>> -> memref<10000x128xf32, #tpu.memory_space<vmem_shared>>
        tpu.enqueue_indirect_dma source(%arg8 : memref<80x128xf32, #tpu.memory_space<vmem>>) target(%dma_start3A_65 : memref<10000x128xf32, #tpu.memory_space<vmem_shared>>) offsets(%arg7 : memref<80xi32, #tpu.memory_space<vmem>>) semaphore(%run_scoped3A : memref<!tpu.dma_semaphore, #tpu.memory_space<semaphore_mem>>) {add = true}
        %dma_wait3A_66 = arith.constant 0 : i32
        %dma_wait3A_67 = arith.constant 0 : i32
        %dma_wait3A_68 = tpu.memref_slice %arg10[%dma_wait3A_66, %dma_wait3A_67] : memref<10000x128xf32, #tpu.memory_space<vmem_shared>> -> memref<10000x128xf32, #tpu.memory_space<vmem_shared>>
        tpu.wait_indirect_dma semaphore(%run_scoped3A : memref<!tpu.dma_semaphore, #tpu.memory_space<semaphore_mem>>) src(%arg8 : memref<80x128xf32, #tpu.memory_space<vmem>>) dst(%dma_wait3A_68 : memref<10000x128xf32, #tpu.memory_space<vmem_shared>>)
        tpu.yield
      }) : () -> ()
      %scan3A_62 = arith.constant 0 : i32
      scf.yield %scan3A_62 : i32
    }
    %scan3A_26 = arith.constant 125 : i32
    %barrier3A_27 = arith.constant 0 : index
    tpu.barrier barrier_id(%barrier3A_27)
    %mul3A_28 = arith.constant 10000 : i32
    %mul3A_29 = arith.muli %arg0, %mul3A_28 : i32
    %mul3A_30 = arith.constant 640 : i32
    %mul3A_31 = arith.muli %arg1, %mul3A_30 : i32
    %lt3A_32 = arith.constant 15 : i32
    %lt3A_33 = arith.cmpi slt, %arg1, %lt3A_32 : i32
    %jit3A_34 = arith.constant 8 : i32
    %jit3A_35 = arith.constant 5 : i32
    %select_n3A_36 = arith.select %lt3A_33, %jit3A_34, %jit3A_35 : i32
    %while3A_37 = arith.constant 0 : i32
    %while3A_38 = arith.constant 0 : i32
    %while3A_39 = arith.subi %select_n3A_36, %while3A_37 : i32
    %while3A_40 = arith.addi %while3A_37, %while3A_39 : i32
    %while3A_41 = arith.constant 1 : i32
    %while3A_42 = arith.divsi %while3A_39, %while3A_41 : i32
    %while3A_43 = arith.muli %while3A_42, %while3A_41 : i32
    %while3A_44 = arith.addi %while3A_37, %while3A_43 : i32
    %while3A_45 = arith.constant 1 : i32
    %while3A_46 = scf.for %while3A_49 = %while3A_37 to %while3A_44 step %while3A_45 iter_args(%while3A_50 = %while3A_38) -> (i32)  : i32 {
      %mul3A_51 = arith.constant 80 : i32
      %mul3A_52 = arith.muli %while3A_49, %mul3A_51 : i32
      %add3A = arith.addi %mul3A_31, %mul3A_52 : i32
      %add3A_53 = arith.addi %mul3A_29, %mul3A_31 : i32
      %mul3A_54 = arith.constant 80 : i32
      %mul3A_55 = arith.muli %while3A_49, %mul3A_54 : i32
      %add3A_56 = arith.addi %add3A_53, %mul3A_55 : i32
      "tpu.region"() ({
        %run_scoped3A = tpu.sem_alloc : memref<!tpu.dma_semaphore, #tpu.memory_space<semaphore_mem>>
        %dma_start3A = arith.constant 0 : i32
        %dma_start3A_58 = tpu.memref_slice %arg5[%add3A_56, %dma_start3A] : memref<20000x128xf32, #tpu.memory_space<hbm>> -> memref<80x128xf32, #tpu.memory_space<hbm>>
        %dma_start3A_59 = arith.constant 0 : i32
        %dma_start3A_60 = tpu.memref_slice %arg10[%add3A, %dma_start3A_59] : memref<10000x128xf32, #tpu.memory_space<vmem_shared>> -> memref<80x128xf32, #tpu.memory_space<vmem_shared>>
        tpu.enqueue_dma source(%dma_start3A_60 : memref<80x128xf32, #tpu.memory_space<vmem_shared>>) target(%dma_start3A_58 : memref<80x128xf32, #tpu.memory_space<hbm>>) target_semaphore(%run_scoped3A : memref<!tpu.dma_semaphore, #tpu.memory_space<semaphore_mem>>)
        %dma_wait3A = arith.constant 0 : i32
        %dma_wait3A_61 = tpu.memref_slice %arg5[%add3A_56, %dma_wait3A] : memref<20000x128xf32, #tpu.memory_space<hbm>> -> memref<80x128xf32, #tpu.memory_space<hbm>>
        %dma_wait3A_62 = arith.constant 0 : i32
        %dma_wait3A_63 = tpu.memref_slice %arg10[%add3A, %dma_wait3A_62] : memref<10000x128xf32, #tpu.memory_space<vmem_shared>> -> memref<80x128xf32, #tpu.memory_space<vmem_shared>>
        tpu.wait_dma2 semaphore(%run_scoped3A : memref<!tpu.dma_semaphore, #tpu.memory_space<semaphore_mem>>) src(%dma_wait3A_63 : memref<80x128xf32, #tpu.memory_space<vmem_shared>>) dst(%dma_wait3A_61 : memref<80x128xf32, #tpu.memory_space<hbm>>)
        tpu.yield
      }) : () -> ()
      %while3A_57 = arith.constant 0 : i32
      scf.yield %while3A_57 : i32
    }
    %while3A_47 = arith.constant 1 : i32
    %while3A_48 = scf.for %while3A_49 = %while3A_44 to %while3A_40 step %while3A_47 iter_args(%while3A_50 = %while3A_46) -> (i32)  : i32 {
      %mul3A_51 = arith.constant 80 : i32
      %mul3A_52 = arith.muli %while3A_49, %mul3A_51 : i32
      %add3A = arith.addi %mul3A_31, %mul3A_52 : i32
      %add3A_53 = arith.addi %mul3A_29, %mul3A_31 : i32
      %mul3A_54 = arith.constant 80 : i32
      %mul3A_55 = arith.muli %while3A_49, %mul3A_54 : i32
      %add3A_56 = arith.addi %add3A_53, %mul3A_55 : i32
      "tpu.region"() ({
        %run_scoped3A = tpu.sem_alloc : memref<!tpu.dma_semaphore, #tpu.memory_space<semaphore_mem>>
        %dma_start3A = arith.constant 0 : i32
        %dma_start3A_58 = tpu.memref_slice %arg5[%add3A_56, %dma_start3A] : memref<20000x128xf32, #tpu.memory_space<hbm>> -> memref<80x128xf32, #tpu.memory_space<hbm>>
        %dma_start3A_59 = arith.constant 0 : i32
        %dma_start3A_60 = tpu.memref_slice %arg10[%add3A, %dma_start3A_59] : memref<10000x128xf32, #tpu.memory_space<vmem_shared>> -> memref<80x128xf32, #tpu.memory_space<vmem_shared>>
        tpu.enqueue_dma source(%dma_start3A_60 : memref<80x128xf32, #tpu.memory_space<vmem_shared>>) target(%dma_start3A_58 : memref<80x128xf32, #tpu.memory_space<hbm>>) target_semaphore(%run_scoped3A : memref<!tpu.dma_semaphore, #tpu.memory_space<semaphore_mem>>)
        %dma_wait3A = arith.constant 0 : i32
        %dma_wait3A_61 = tpu.memref_slice %arg5[%add3A_56, %dma_wait3A] : memref<20000x128xf32, #tpu.memory_space<hbm>> -> memref<80x128xf32, #tpu.memory_space<hbm>>
        %dma_wait3A_62 = arith.constant 0 : i32
        %dma_wait3A_63 = tpu.memref_slice %arg10[%add3A, %dma_wait3A_62] : memref<10000x128xf32, #tpu.memory_space<vmem_shared>> -> memref<80x128xf32, #tpu.memory_space<vmem_shared>>
        tpu.wait_dma2 semaphore(%run_scoped3A : memref<!tpu.dma_semaphore, #tpu.memory_space<semaphore_mem>>) src(%dma_wait3A_63 : memref<80x128xf32, #tpu.memory_space<vmem_shared>>) dst(%dma_wait3A_61 : memref<80x128xf32, #tpu.memory_space<hbm>>)
        tpu.yield
      }) : () -> ()
      %while3A_57 = arith.constant 0 : i32
      scf.yield %while3A_57 : i32
    }
    return
  }
}

#map = affine_map<(d0, d1) -> (0, 0)>
#map1 = affine_map<(d0, d1) -> (0)>
module attributes {stable_mosaic.version = 14 : i64} {
  func.func @_rr_body(%arg0: i32, %arg1: i32, %arg2: memref<20000x128xf32, #tpu.memory_space<hbm>>, %arg3: memref<320000xi32, #tpu.memory_space<hbm>>, %arg4: memref<160000xi32, #tpu.memory_space<hbm>>, %arg5: memref<20000x128xf32, #tpu.memory_space<hbm>>, %arg6: memref<80xi32, #tpu.memory_space<vmem>>, %arg7: memref<80xi32, #tpu.memory_space<vmem>>, %arg8: memref<80x128xf32, #tpu.memory_space<vmem>>, %arg9: memref<80x128xf32, #tpu.memory_space<vmem>>, %arg10: memref<10000x128xf32, #tpu.memory_space<vmem_shared>>, %arg11: memref<!tpu.dma_semaphore, #tpu.memory_space<semaphore_mem>>) attributes {dimension_semantics = [#tpu.dimension_semantics<core_parallel>, #tpu.dimension_semantics<subcore_parallel>], iteration_bounds = array<i64: 2, 16>, scalar_prefetch = 0 : i64, scratch_operands = 6 : i64, tpu.core_type = #tpu.core_type<sc_vector_subcore>, window_params = [{transform_indices = #map}, {transform_indices = #map1}, {transform_indices = #map1}, {transform_indices = #map}]} {
    %scan3A = arith.constant 0 : i32
    %scan3A_0 = arith.constant 0 : i32
    %scan3A_1 = arith.constant 80 : i32
    %scan3A_2 = arith.addi %scan3A_0, %scan3A_1 : i32
    %scan3A_3 = arith.constant 1 : i32
    %scan3A_4 = scf.for %scan3A_49 = %scan3A_0 to %scan3A_2 step %scan3A_3 iter_args(%scan3A_50 = %scan3A) -> (i32)  : i32 {
      %broadcast_in_dim3A = arith.constant 0.000000e+00 : f32
      %broadcast_in_dim3A_51 = vector.broadcast %broadcast_in_dim3A : f32 to vector<16xf32>
      %swap3A = arith.index_cast %scan3A_49 : i32 to index
      %swap3A_52 = arith.constant 0 : index
      %swap3A_53 = tpu.vector_load %arg9[%swap3A, %swap3A_52] {strides = array<i32>} : memref<80x128xf32, #tpu.memory_space<vmem>>, vector<1x16xf32>,
      %swap3A_54 = vector.shape_cast %swap3A_53 : vector<1x16xf32> to vector<16xf32>
      %swap3A_55 = vector.shape_cast %broadcast_in_dim3A_51 : vector<16xf32> to vector<1x16xf32>
      tpu.vector_store %arg9[%swap3A, %swap3A_52], %swap3A_55 {strides = array<i32>} : memref<80x128xf32, #tpu.memory_space<vmem>>, vector<1x16xf32>,
      %broadcast_in_dim3A_56 = arith.constant 0.000000e+00 : f32
      %broadcast_in_dim3A_57 = vector.broadcast %broadcast_in_dim3A_56 : f32 to vector<16xf32>
      %swap3A_58 = arith.index_cast %scan3A_49 : i32 to index
      %swap3A_59 = arith.constant 16 : index
      %swap3A_60 = tpu.vector_load %arg9[%swap3A_58, %swap3A_59] {strides = array<i32>} : memref<80x128xf32, #tpu.memory_space<vmem>>, vector<1x16xf32>,
      %swap3A_61 = vector.shape_cast %swap3A_60 : vector<1x16xf32> to vector<16xf32>
      %swap3A_62 = vector.shape_cast %broadcast_in_dim3A_57 : vector<16xf32> to vector<1x16xf32>
      tpu.vector_store %arg9[%swap3A_58, %swap3A_59], %swap3A_62 {strides = array<i32>} : memref<80x128xf32, #tpu.memory_space<vmem>>, vector<1x16xf32>,
      %broadcast_in_dim3A_63 = arith.constant 0.000000e+00 : f32
      %broadcast_in_dim3A_64 = vector.broadcast %broadcast_in_dim3A_63 : f32 to vector<16xf32>
      %swap3A_65 = arith.index_cast %scan3A_49 : i32 to index
      %swap3A_66 = arith.constant 32 : index
      %swap3A_67 = tpu.vector_load %arg9[%swap3A_65, %swap3A_66] {strides = array<i32>} : memref<80x128xf32, #tpu.memory_space<vmem>>, vector<1x16xf32>,
      %swap3A_68 = vector.shape_cast %swap3A_67 : vector<1x16xf32> to vector<16xf32>
      %swap3A_69 = vector.shape_cast %broadcast_in_dim3A_64 : vector<16xf32> to vector<1x16xf32>
      tpu.vector_store %arg9[%swap3A_65, %swap3A_66], %swap3A_69 {strides = array<i32>} : memref<80x128xf32, #tpu.memory_space<vmem>>, vector<1x16xf32>,
      %broadcast_in_dim3A_70 = arith.constant 0.000000e+00 : f32
      %broadcast_in_dim3A_71 = vector.broadcast %broadcast_in_dim3A_70 : f32 to vector<16xf32>
      %swap3A_72 = arith.index_cast %scan3A_49 : i32 to index
      %swap3A_73 = arith.constant 48 : index
      %swap3A_74 = tpu.vector_load %arg9[%swap3A_72, %swap3A_73] {strides = array<i32>} : memref<80x128xf32, #tpu.memory_space<vmem>>, vector<1x16xf32>,
      %swap3A_75 = vector.shape_cast %swap3A_74 : vector<1x16xf32> to vector<16xf32>
      %swap3A_76 = vector.shape_cast %broadcast_in_dim3A_71 : vector<16xf32> to vector<1x16xf32>
      tpu.vector_store %arg9[%swap3A_72, %swap3A_73], %swap3A_76 {strides = array<i32>} : memref<80x128xf32, #tpu.memory_space<vmem>>, vector<1x16xf32>,
      %broadcast_in_dim3A_77 = arith.constant 0.000000e+00 : f32
      %broadcast_in_dim3A_78 = vector.broadcast %broadcast_in_dim3A_77 : f32 to vector<16xf32>
      %swap3A_79 = arith.index_cast %scan3A_49 : i32 to index
      %swap3A_80 = arith.constant 64 : index
      %swap3A_81 = tpu.vector_load %arg9[%swap3A_79, %swap3A_80] {strides = array<i32>} : memref<80x128xf32, #tpu.memory_space<vmem>>, vector<1x16xf32>,
      %swap3A_82 = vector.shape_cast %swap3A_81 : vector<1x16xf32> to vector<16xf32>
      %swap3A_83 = vector.shape_cast %broadcast_in_dim3A_78 : vector<16xf32> to vector<1x16xf32>
      tpu.vector_store %arg9[%swap3A_79, %swap3A_80], %swap3A_83 {strides = array<i32>} : memref<80x128xf32, #tpu.memory_space<vmem>>, vector<1x16xf32>,
      %broadcast_in_dim3A_84 = arith.constant 0.000000e+00 : f32
      %broadcast_in_dim3A_85 = vector.broadcast %broadcast_in_dim3A_84 : f32 to vector<16xf32>
      %swap3A_86 = arith.index_cast %scan3A_49 : i32 to index
      %swap3A_87 = arith.constant 80 : index
      %swap3A_88 = tpu.vector_load %arg9[%swap3A_86, %swap3A_87] {strides = array<i32>} : memref<80x128xf32, #tpu.memory_space<vmem>>, vector<1x16xf32>,
      %swap3A_89 = vector.shape_cast %swap3A_88 : vector<1x16xf32> to vector<16xf32>
      %swap3A_90 = vector.shape_cast %broadcast_in_dim3A_85 : vector<16xf32> to vector<1x16xf32>
      tpu.vector_store %arg9[%swap3A_86, %swap3A_87], %swap3A_90 {strides = array<i32>} : memref<80x128xf32, #tpu.memory_space<vmem>>, vector<1x16xf32>,
      %broadcast_in_dim3A_91 = arith.constant 0.000000e+00 : f32
      %broadcast_in_dim3A_92 = vector.broadcast %broadcast_in_dim3A_91 : f32 to vector<16xf32>
      %swap3A_93 = arith.index_cast %scan3A_49 : i32 to index
      %swap3A_94 = arith.constant 96 : index
      %swap3A_95 = tpu.vector_load %arg9[%swap3A_93, %swap3A_94] {strides = array<i32>} : memref<80x128xf32, #tpu.memory_space<vmem>>, vector<1x16xf32>,
      %swap3A_96 = vector.shape_cast %swap3A_95 : vector<1x16xf32> to vector<16xf32>
      %swap3A_97 = vector.shape_cast %broadcast_in_dim3A_92 : vector<16xf32> to vector<1x16xf32>
      tpu.vector_store %arg9[%swap3A_93, %swap3A_94], %swap3A_97 {strides = array<i32>} : memref<80x128xf32, #tpu.memory_space<vmem>>, vector<1x16xf32>,
      %broadcast_in_dim3A_98 = arith.constant 0.000000e+00 : f32
      %broadcast_in_dim3A_99 = vector.broadcast %broadcast_in_dim3A_98 : f32 to vector<16xf32>
      %swap3A_100 = arith.index_cast %scan3A_49 : i32 to index
      %swap3A_101 = arith.constant 112 : index
      %swap3A_102 = tpu.vector_load %arg9[%swap3A_100, %swap3A_101] {strides = array<i32>} : memref<80x128xf32, #tpu.memory_space<vmem>>, vector<1x16xf32>,
      %swap3A_103 = vector.shape_cast %swap3A_102 : vector<1x16xf32> to vector<16xf32>
      %swap3A_104 = vector.shape_cast %broadcast_in_dim3A_99 : vector<16xf32> to vector<1x16xf32>
      tpu.vector_store %arg9[%swap3A_100, %swap3A_101], %swap3A_104 {strides = array<i32>} : memref<80x128xf32, #tpu.memory_space<vmem>>, vector<1x16xf32>,
      %scan3A_105 = arith.constant 0 : i32
      scf.yield %scan3A_105 : i32
    }
    %scan3A_5 = arith.constant 80 : i32
    %mul3A = arith.constant 640 : i32
    %mul3A_6 = arith.muli %arg1, %mul3A : i32
    %lt3A = arith.constant 15 : i32
    %lt3A_7 = arith.cmpi slt, %arg1, %lt3A : i32
    %jit3A = arith.constant 8 : i32
    %jit3A_8 = arith.constant 5 : i32
    %select_n3A = arith.select %lt3A_7, %jit3A, %jit3A_8 : i32
    %while3A = arith.constant 0 : i32
    %while3A_9 = arith.constant 0 : i32
    %while3A_10 = arith.subi %select_n3A, %while3A : i32
    %while3A_11 = arith.addi %while3A, %while3A_10 : i32
    %while3A_12 = arith.constant 1 : i32
    %while3A_13 = arith.divsi %while3A_10, %while3A_12 : i32
    %while3A_14 = arith.muli %while3A_13, %while3A_12 : i32
    %while3A_15 = arith.addi %while3A, %while3A_14 : i32
    %while3A_16 = arith.constant 1 : i32
    %while3A_17 = scf.for %while3A_49 = %while3A to %while3A_15 step %while3A_16 iter_args(%while3A_50 = %while3A_9) -> (i32)  : i32 {
      %mul3A_51 = arith.constant 80 : i32
      %mul3A_52 = arith.muli %while3A_49, %mul3A_51 : i32
      %add3A = arith.addi %mul3A_6, %mul3A_52 : i32
      "tpu.region"() ({
        %run_scoped3A = tpu.sem_alloc : memref<!tpu.dma_semaphore, #tpu.memory_space<semaphore_mem>>
        %dma_start3A = arith.constant 0 : i32
        %dma_start3A_54 = tpu.memref_slice %arg10[%add3A, %dma_start3A] : memref<10000x128xf32, #tpu.memory_space<vmem_shared>> -> memref<80x128xf32, #tpu.memory_space<vmem_shared>>
        %dma_start3A_55 = arith.constant 0 : i32
        %dma_start3A_56 = tpu.memref_slice %arg10[%add3A, %dma_start3A_55] : memref<10000x128xf32, #tpu.memory_space<vmem_shared>> -> memref<80x128xf32, #tpu.memory_space<vmem_shared>>
        tpu.enqueue_dma source(%arg9 : memref<80x128xf32, #tpu.memory_space<vmem>>) target(%dma_start3A_56 : memref<80x128xf32, #tpu.memory_space<vmem_shared>>) target_semaphore(%run_scoped3A : memref<!tpu.dma_semaphore, #tpu.memory_space<semaphore_mem>>)
        %dma_wait3A = arith.constant 0 : i32
        %dma_wait3A_57 = tpu.memref_slice %arg10[%add3A, %dma_wait3A] : memref<10000x128xf32, #tpu.memory_space<vmem_shared>> -> memref<80x128xf32, #tpu.memory_space<vmem_shared>>
        %dma_wait3A_58 = arith.constant 0 : i32
        %dma_wait3A_59 = tpu.memref_slice %arg10[%add3A, %dma_wait3A_58] : memref<10000x128xf32, #tpu.memory_space<vmem_shared>> -> memref<80x128xf32, #tpu.memory_space<vmem_shared>>
        tpu.wait_dma2 semaphore(%run_scoped3A : memref<!tpu.dma_semaphore, #tpu.memory_space<semaphore_mem>>) src(%arg9 : memref<80x128xf32, #tpu.memory_space<vmem>>) dst(%dma_wait3A_59 : memref<80x128xf32, #tpu.memory_space<vmem_shared>>)
        tpu.yield
      }) : () -> ()
      %while3A_53 = arith.constant 0 : i32
      scf.yield %while3A_53 : i32
    }
    %while3A_18 = arith.constant 1 : i32
    %while3A_19 = scf.for %while3A_49 = %while3A_15 to %while3A_11 step %while3A_18 iter_args(%while3A_50 = %while3A_17) -> (i32)  : i32 {
      %mul3A_51 = arith.constant 80 : i32
      %mul3A_52 = arith.muli %while3A_49, %mul3A_51 : i32
      %add3A = arith.addi %mul3A_6, %mul3A_52 : i32
      "tpu.region"() ({
        %run_scoped3A = tpu.sem_alloc : memref<!tpu.dma_semaphore, #tpu.memory_space<semaphore_mem>>
        %dma_start3A = arith.constant 0 : i32
        %dma_start3A_54 = tpu.memref_slice %arg10[%add3A, %dma_start3A] : memref<10000x128xf32, #tpu.memory_space<vmem_shared>> -> memref<80x128xf32, #tpu.memory_space<vmem_shared>>
        %dma_start3A_55 = arith.constant 0 : i32
        %dma_start3A_56 = tpu.memref_slice %arg10[%add3A, %dma_start3A_55] : memref<10000x128xf32, #tpu.memory_space<vmem_shared>> -> memref<80x128xf32, #tpu.memory_space<vmem_shared>>
        tpu.enqueue_dma source(%arg9 : memref<80x128xf32, #tpu.memory_space<vmem>>) target(%dma_start3A_56 : memref<80x128xf32, #tpu.memory_space<vmem_shared>>) target_semaphore(%run_scoped3A : memref<!tpu.dma_semaphore, #tpu.memory_space<semaphore_mem>>)
        %dma_wait3A = arith.constant 0 : i32
        %dma_wait3A_57 = tpu.memref_slice %arg10[%add3A, %dma_wait3A] : memref<10000x128xf32, #tpu.memory_space<vmem_shared>> -> memref<80x128xf32, #tpu.memory_space<vmem_shared>>
        %dma_wait3A_58 = arith.constant 0 : i32
        %dma_wait3A_59 = tpu.memref_slice %arg10[%add3A, %dma_wait3A_58] : memref<10000x128xf32, #tpu.memory_space<vmem_shared>> -> memref<80x128xf32, #tpu.memory_space<vmem_shared>>
        tpu.wait_dma2 semaphore(%run_scoped3A : memref<!tpu.dma_semaphore, #tpu.memory_space<semaphore_mem>>) src(%arg9 : memref<80x128xf32, #tpu.memory_space<vmem>>) dst(%dma_wait3A_59 : memref<80x128xf32, #tpu.memory_space<vmem_shared>>)
        tpu.yield
      }) : () -> ()
      %while3A_53 = arith.constant 0 : i32
      scf.yield %while3A_53 : i32
    }
    %barrier3A = arith.constant 0 : index
    tpu.barrier barrier_id(%barrier3A)
    %scan3A_20 = arith.constant 0 : i32
    %scan3A_21 = arith.constant 0 : i32
    %scan3A_22 = arith.constant 125 : i32
    %scan3A_23 = arith.addi %scan3A_21, %scan3A_22 : i32
    %scan3A_24 = arith.constant 1 : i32
    %scan3A_25 = scf.for %scan3A_49 = %scan3A_21 to %scan3A_23 step %scan3A_24 iter_args(%scan3A_50 = %scan3A_20) -> (i32)  : i32 {
      %mul3A_51 = arith.constant 10000 : i32
      %mul3A_52 = arith.muli %arg1, %mul3A_51 : i32
      %mul3A_53 = arith.constant 80 : i32
      %mul3A_54 = arith.muli %scan3A_49, %mul3A_53 : i32
      %add3A = arith.addi %mul3A_52, %mul3A_54 : i32
      %mul3A_55 = arith.constant 160000 : i32
      %mul3A_56 = arith.muli %arg0, %mul3A_55 : i32
      %add3A_57 = arith.addi %mul3A_56, %add3A : i32
      "tpu.region"() ({
        %run_scoped3A = tpu.sem_alloc : memref<!tpu.dma_semaphore, #tpu.memory_space<semaphore_mem>>
        %dma_start3A_63 = tpu.memref_slice %arg3[%add3A_57] : memref<320000xi32, #tpu.memory_space<hbm>> -> memref<80xi32, #tpu.memory_space<hbm>>
        %dma_start3A_64 = tpu.memref_slice %arg3[%add3A_57] : memref<320000xi32, #tpu.memory_space<hbm>> -> memref<80xi32, #tpu.memory_space<hbm>>
        tpu.enqueue_dma source(%dma_start3A_64 : memref<80xi32, #tpu.memory_space<hbm>>) target(%arg6 : memref<80xi32, #tpu.memory_space<vmem>>) target_semaphore(%run_scoped3A : memref<!tpu.dma_semaphore, #tpu.memory_space<semaphore_mem>>)
        %dma_wait3A_65 = tpu.memref_slice %arg3[%add3A_57] : memref<320000xi32, #tpu.memory_space<hbm>> -> memref<80xi32, #tpu.memory_space<hbm>>
        %dma_wait3A_66 = tpu.memref_slice %arg3[%add3A_57] : memref<320000xi32, #tpu.memory_space<hbm>> -> memref<80xi32, #tpu.memory_space<hbm>>
        tpu.wait_dma2 semaphore(%run_scoped3A : memref<!tpu.dma_semaphore, #tpu.memory_space<semaphore_mem>>) src(%dma_wait3A_66 : memref<80xi32, #tpu.memory_space<hbm>>) dst(%arg6 : memref<80xi32, #tpu.memory_space<vmem>>)
        tpu.yield
      }) : () -> ()
      "tpu.region"() ({
        %run_scoped3A = tpu.sem_alloc : memref<!tpu.dma_semaphore, #tpu.memory_space<semaphore_mem>>
        %dma_start3A_63 = tpu.memref_slice %arg4[%add3A] : memref<160000xi32, #tpu.memory_space<hbm>> -> memref<80xi32, #tpu.memory_space<hbm>>
        %dma_start3A_64 = tpu.memref_slice %arg4[%add3A] : memref<160000xi32, #tpu.memory_space<hbm>> -> memref<80xi32, #tpu.memory_space<hbm>>
        tpu.enqueue_dma source(%dma_start3A_64 : memref<80xi32, #tpu.memory_space<hbm>>) target(%arg7 : memref<80xi32, #tpu.memory_space<vmem>>) target_semaphore(%run_scoped3A : memref<!tpu.dma_semaphore, #tpu.memory_space<semaphore_mem>>)
        %dma_wait3A_65 = tpu.memref_slice %arg4[%add3A] : memref<160000xi32, #tpu.memory_space<hbm>> -> memref<80xi32, #tpu.memory_space<hbm>>
        %dma_wait3A_66 = tpu.memref_slice %arg4[%add3A] : memref<160000xi32, #tpu.memory_space<hbm>> -> memref<80xi32, #tpu.memory_space<hbm>>
        tpu.wait_dma2 semaphore(%run_scoped3A : memref<!tpu.dma_semaphore, #tpu.memory_space<semaphore_mem>>) src(%dma_wait3A_66 : memref<80xi32, #tpu.memory_space<hbm>>) dst(%arg7 : memref<80xi32, #tpu.memory_space<vmem>>)
        tpu.yield
      }) : () -> ()
      %dma_start3A = arith.constant 0 : i32
      %dma_start3A_58 = arith.constant 0 : i32
      %dma_start3A_59 = tpu.memref_slice %arg2[%dma_start3A, %dma_start3A_58] : memref<20000x128xf32, #tpu.memory_space<hbm>> -> memref<20000x128xf32, #tpu.memory_space<hbm>>
      tpu.enqueue_indirect_dma source(%dma_start3A_59 : memref<20000x128xf32, #tpu.memory_space<hbm>>) target(%arg8 : memref<80x128xf32, #tpu.memory_space<vmem>>) offsets(%arg6 : memref<80xi32, #tpu.memory_space<vmem>>) semaphore(%arg11 : memref<!tpu.dma_semaphore, #tpu.memory_space<semaphore_mem>>)
      %dma_wait3A = arith.constant 0 : i32
      %dma_wait3A_60 = arith.constant 0 : i32
      %dma_wait3A_61 = tpu.memref_slice %arg2[%dma_wait3A, %dma_wait3A_60] : memref<20000x128xf32, #tpu.memory_space<hbm>> -> memref<20000x128xf32, #tpu.memory_space<hbm>>
      tpu.wait_indirect_dma semaphore(%arg11 : memref<!tpu.dma_semaphore, #tpu.memory_space<semaphore_mem>>) src(%dma_wait3A_61 : memref<20000x128xf32, #tpu.memory_space<hbm>>) dst(%arg8 : memref<80x128xf32, #tpu.memory_space<vmem>>)
      "tpu.region"() ({
        %run_scoped3A = tpu.sem_alloc : memref<!tpu.dma_semaphore, #tpu.memory_space<semaphore_mem>>
        %dma_start3A_63 = arith.constant 0 : i32
        %dma_start3A_64 = arith.constant 0 : i32
        %dma_start3A_65 = tpu.memref_slice %arg10[%dma_start3A_63, %dma_start3A_64] : memref<10000x128xf32, #tpu.memory_space<vmem_shared>> -> memref<10000x128xf32, #tpu.memory_space<vmem_shared>>
        tpu.enqueue_indirect_dma source(%arg8 : memref<80x128xf32, #tpu.memory_space<vmem>>) target(%dma_start3A_65 : memref<10000x128xf32, #tpu.memory_space<vmem_shared>>) offsets(%arg7 : memref<80xi32, #tpu.memory_space<vmem>>) semaphore(%run_scoped3A : memref<!tpu.dma_semaphore, #tpu.memory_space<semaphore_mem>>) {add = true}
        %dma_wait3A_66 = arith.constant 0 : i32
        %dma_wait3A_67 = arith.constant 0 : i32
        %dma_wait3A_68 = tpu.memref_slice %arg10[%dma_wait3A_66, %dma_wait3A_67] : memref<10000x128xf32, #tpu.memory_space<vmem_shared>> -> memref<10000x128xf32, #tpu.memory_space<vmem_shared>>
        tpu.wait_indirect_dma semaphore(%run_scoped3A : memref<!tpu.dma_semaphore, #tpu.memory_space<semaphore_mem>>) src(%arg8 : memref<80x128xf32, #tpu.memory_space<vmem>>) dst(%dma_wait3A_68 : memref<10000x128xf32, #tpu.memory_space<vmem_shared>>)
        tpu.yield
      }) : () -> ()
      %scan3A_62 = arith.constant 0 : i32
      scf.yield %scan3A_62 : i32
    }
    %scan3A_26 = arith.constant 125 : i32
    %barrier3A_27 = arith.constant 0 : index
    tpu.barrier barrier_id(%barrier3A_27)
    %mul3A_28 = arith.constant 10000 : i32
    %mul3A_29 = arith.muli %arg0, %mul3A_28 : i32
    %mul3A_30 = arith.constant 640 : i32
    %mul3A_31 = arith.muli %arg1, %mul3A_30 : i32
    %lt3A_32 = arith.constant 15 : i32
    %lt3A_33 = arith.cmpi slt, %arg1, %lt3A_32 : i32
    %jit3A_34 = arith.constant 8 : i32
    %jit3A_35 = arith.constant 5 : i32
    %select_n3A_36 = arith.select %lt3A_33, %jit3A_34, %jit3A_35 : i32
    %while3A_37 = arith.constant 0 : i32
    %while3A_38 = arith.constant 0 : i32
    %while3A_39 = arith.subi %select_n3A_36, %while3A_37 : i32
    %while3A_40 = arith.addi %while3A_37, %while3A_39 : i32
    %while3A_41 = arith.constant 1 : i32
    %while3A_42 = arith.divsi %while3A_39, %while3A_41 : i32
    %while3A_43 = arith.muli %while3A_42, %while3A_41 : i32
    %while3A_44 = arith.addi %while3A_37, %while3A_43 : i32
    %while3A_45 = arith.constant 1 : i32
    %while3A_46 = scf.for %while3A_49 = %while3A_37 to %while3A_44 step %while3A_45 iter_args(%while3A_50 = %while3A_38) -> (i32)  : i32 {
      %mul3A_51 = arith.constant 80 : i32
      %mul3A_52 = arith.muli %while3A_49, %mul3A_51 : i32
      %add3A = arith.addi %mul3A_31, %mul3A_52 : i32
      %add3A_53 = arith.addi %mul3A_29, %mul3A_31 : i32
      %mul3A_54 = arith.constant 80 : i32
      %mul3A_55 = arith.muli %while3A_49, %mul3A_54 : i32
      %add3A_56 = arith.addi %add3A_53, %mul3A_55 : i32
      "tpu.region"() ({
        %run_scoped3A = tpu.sem_alloc : memref<!tpu.dma_semaphore, #tpu.memory_space<semaphore_mem>>
        %dma_start3A = arith.constant 0 : i32
        %dma_start3A_58 = tpu.memref_slice %arg5[%add3A_56, %dma_start3A] : memref<20000x128xf32, #tpu.memory_space<hbm>> -> memref<80x128xf32, #tpu.memory_space<hbm>>
        %dma_start3A_59 = arith.constant 0 : i32
        %dma_start3A_60 = tpu.memref_slice %arg10[%add3A, %dma_start3A_59] : memref<10000x128xf32, #tpu.memory_space<vmem_shared>> -> memref<80x128xf32, #tpu.memory_space<vmem_shared>>
        tpu.enqueue_dma source(%dma_start3A_60 : memref<80x128xf32, #tpu.memory_space<vmem_shared>>) target(%dma_start3A_58 : memref<80x128xf32, #tpu.memory_space<hbm>>) target_semaphore(%run_scoped3A : memref<!tpu.dma_semaphore, #tpu.memory_space<semaphore_mem>>)
        %dma_wait3A = arith.constant 0 : i32
        %dma_wait3A_61 = tpu.memref_slice %arg5[%add3A_56, %dma_wait3A] : memref<20000x128xf32, #tpu.memory_space<hbm>> -> memref<80x128xf32, #tpu.memory_space<hbm>>
        %dma_wait3A_62 = arith.constant 0 : i32
        %dma_wait3A_63 = tpu.memref_slice %arg10[%add3A, %dma_wait3A_62] : memref<10000x128xf32, #tpu.memory_space<vmem_shared>> -> memref<80x128xf32, #tpu.memory_space<vmem_shared>>
        tpu.wait_dma2 semaphore(%run_scoped3A : memref<!tpu.dma_semaphore, #tpu.memory_space<semaphore_mem>>) src(%dma_wait3A_63 : memref<80x128xf32, #tpu.memory_space<vmem_shared>>) dst(%dma_wait3A_61 : memref<80x128xf32, #tpu.memory_space<hbm>>)
        tpu.yield
      }) : () -> ()
      %while3A_57 = arith.constant 0 : i32
      scf.yield %while3A_57 : i32
    }
    %while3A_47 = arith.constant 1 : i32
    %while3A_48 = scf.for %while3A_49 = %while3A_44 to %while3A_40 step %while3A_47 iter_args(%while3A_50 = %while3A_46) -> (i32)  : i32 {
      %mul3A_51 = arith.constant 80 : i32
      %mul3A_52 = arith.muli %while3A_49, %mul3A_51 : i32
      %add3A = arith.addi %mul3A_31, %mul3A_52 : i32
      %add3A_53 = arith.addi %mul3A_29, %mul3A_31 : i32
      %mul3A_54 = arith.constant 80 : i32
      %mul3A_55 = arith.muli %while3A_49, %mul3A_54 : i32
      %add3A_56 = arith.addi %add3A_53, %mul3A_55 : i32
      "tpu.region"() ({
        %run_scoped3A = tpu.sem_alloc : memref<!tpu.dma_semaphore, #tpu.memory_space<semaphore_mem>>
        %dma_start3A = arith.constant 0 : i32
        %dma_start3A_58 = tpu.memref_slice %arg5[%add3A_56, %dma_start3A] : memref<20000x128xf32, #tpu.memory_space<hbm>> -> memref<80x128xf32, #tpu.memory_space<hbm>>
        %dma_start3A_59 = arith.constant 0 : i32
        %dma_start3A_60 = tpu.memref_slice %arg10[%add3A, %dma_start3A_59] : memref<10000x128xf32, #tpu.memory_space<vmem_shared>> -> memref<80x128xf32, #tpu.memory_space<vmem_shared>>
        tpu.enqueue_dma source(%dma_start3A_60 : memref<80x128xf32, #tpu.memory_space<vmem_shared>>) target(%dma_start3A_58 : memref<80x128xf32, #tpu.memory_space<hbm>>) target_semaphore(%run_scoped3A : memref<!tpu.dma_semaphore, #tpu.memory_space<semaphore_mem>>)
        %dma_wait3A = arith.constant 0 : i32
        %dma_wait3A_61 = tpu.memref_slice %arg5[%add3A_56, %dma_wait3A] : memref<20000x128xf32, #tpu.memory_space<hbm>> -> memref<80x128xf32, #tpu.memory_space<hbm>>
        %dma_wait3A_62 = arith.constant 0 : i32
        %dma_wait3A_63 = tpu.memref_slice %arg10[%add3A, %dma_wait3A_62] : memref<10000x128xf32, #tpu.memory_space<vmem_shared>> -> memref<80x128xf32, #tpu.memory_space<vmem_shared>>
        tpu.wait_dma2 semaphore(%run_scoped3A : memref<!tpu.dma_semaphore, #tpu.memory_space<semaphore_mem>>) src(%dma_wait3A_63 : memref<80x128xf32, #tpu.memory_space<vmem_shared>>) dst(%dma_wait3A_61 : memref<80x128xf32, #tpu.memory_space<hbm>>)
        tpu.yield
      }) : () -> ()
      %while3A_57 = arith.constant 0 : i32
      scf.yield %while3A_57 : i32
    }
    return
  }
}

module attributes {stable_mosaic.version = 14 : i64} {
  func.func @_qv_body(%arg0: memref<4000x16xf32, #tpu.memory_space<vmem>>, %arg1: memref<2x16x128xf32, #tpu.memory_space<vmem>>, %arg2: memref<2x1x128xf32, #tpu.memory_space<vmem>>, %arg3: memref<2x16x128xf32, #tpu.memory_space<vmem>>, %arg4: memref<2x1x128xf32, #tpu.memory_space<vmem>>, %arg5: memref<2x4000x128xf32, #tpu.memory_space<vmem>>, %arg6: memref<2x4000x128xf32, #tpu.memory_space<vmem>>) attributes {dimension_semantics = [], scalar_prefetch = 0 : i64, scratch_operands = 0 : i64, tpu.core_type = #tpu.core_type<tc>} {
    %get3A = arith.constant 0 : index
    %get3A_0 = arith.constant 0 : index
    %get3A_1 = vector.load %arg0[%get3A, %get3A_0] : memref<4000x16xf32, #tpu.memory_space<vmem>>, vector<4000x16xf32>
    %get3A_2 = arith.constant 0 : index
    %get3A_3 = arith.constant 0 : index
    %get3A_4 = arith.constant 0 : index
    %get3A_5 = vector.load %arg1[%get3A_2, %get3A_3, %get3A_4] : memref<2x16x128xf32, #tpu.memory_space<vmem>>, vector<1x16x128xf32>
    %get3A_6 = vector.shape_cast %get3A_5 : vector<1x16x128xf32> to vector<16x128xf32>
    %dot_general3A = arith.constant dense<0.000000e+00> : vector<4000x128xf32>
    %dot_general3A_7 = tpu.matmul %get3A_1, %get3A_6, %dot_general3A {dimension_numbers = #tpu.dot_dimension_numbers<[1], [0], [0], [1], [0, 0, 1, 1], [], []>, transpose_lhs_hint = false} : vector<4000x16xf32>, vector<16x128xf32>, vector<4000x128xf32> -> vector<4000x128xf32>
    %get3A_8 = arith.constant 0 : index
    %get3A_9 = arith.constant 0 : index
    %get3A_10 = arith.constant 0 : index
    %get3A_11 = vector.load %arg2[%get3A_8, %get3A_9, %get3A_10] : memref<2x1x128xf32, #tpu.memory_space<vmem>>, vector<1x1x128xf32>
    %get3A_12 = vector.shape_cast %get3A_11 : vector<1x1x128xf32> to vector<1x128xf32>
    %add3A = vector.broadcast %get3A_12 : vector<1x128xf32> to vector<4000x128xf32>
    %add3A_13 = arith.addf %dot_general3A_7, %add3A : vector<4000x128xf32>
    %swap3A = arith.constant 0 : index
    %swap3A_14 = arith.constant 0 : index
    %swap3A_15 = arith.constant 0 : index
    %swap3A_16 = vector.load %arg5[%swap3A, %swap3A_14, %swap3A_15] : memref<2x4000x128xf32, #tpu.memory_space<vmem>>, vector<1x4000x128xf32>
    %swap3A_17 = vector.shape_cast %swap3A_16 : vector<1x4000x128xf32> to vector<4000x128xf32>
    %swap3A_18 = vector.shape_cast %add3A_13 : vector<4000x128xf32> to vector<1x4000x128xf32>
    tpu.vector_store %arg5[%swap3A, %swap3A_14, %swap3A_15], %swap3A_18 {strides = array<i32>} : memref<2x4000x128xf32, #tpu.memory_space<vmem>>, vector<1x4000x128xf32>,
    %get3A_19 = arith.constant 0 : index
    %get3A_20 = arith.constant 0 : index
    %get3A_21 = arith.constant 0 : index
    %get3A_22 = vector.load %arg3[%get3A_19, %get3A_20, %get3A_21] : memref<2x16x128xf32, #tpu.memory_space<vmem>>, vector<1x16x128xf32>
    %get3A_23 = vector.shape_cast %get3A_22 : vector<1x16x128xf32> to vector<16x128xf32>
    %dot_general3A_24 = arith.constant dense<0.000000e+00> : vector<4000x128xf32>
    %dot_general3A_25 = tpu.matmul %get3A_1, %get3A_23, %dot_general3A_24 {dimension_numbers = #tpu.dot_dimension_numbers<[1], [0], [0], [1], [0, 0, 1, 1], [], []>, transpose_lhs_hint = false} : vector<4000x16xf32>, vector<16x128xf32>, vector<4000x128xf32> -> vector<4000x128xf32>
    %get3A_26 = arith.constant 0 : index
    %get3A_27 = arith.constant 0 : index
    %get3A_28 = arith.constant 0 : index
    %get3A_29 = vector.load %arg4[%get3A_26, %get3A_27, %get3A_28] : memref<2x1x128xf32, #tpu.memory_space<vmem>>, vector<1x1x128xf32>
    %get3A_30 = vector.shape_cast %get3A_29 : vector<1x1x128xf32> to vector<1x128xf32>
    %add3A_31 = vector.broadcast %get3A_30 : vector<1x128xf32> to vector<4000x128xf32>
    %add3A_32 = arith.addf %dot_general3A_25, %add3A_31 : vector<4000x128xf32>
    %swap3A_33 = arith.constant 0 : index
    %swap3A_34 = arith.constant 0 : index
    %swap3A_35 = arith.constant 0 : index
    %swap3A_36 = vector.load %arg6[%swap3A_33, %swap3A_34, %swap3A_35] : memref<2x4000x128xf32, #tpu.memory_space<vmem>>, vector<1x4000x128xf32>
    %swap3A_37 = vector.shape_cast %swap3A_36 : vector<1x4000x128xf32> to vector<4000x128xf32>
    %swap3A_38 = vector.shape_cast %add3A_32 : vector<4000x128xf32> to vector<1x4000x128xf32>
    tpu.vector_store %arg6[%swap3A_33, %swap3A_34, %swap3A_35], %swap3A_38 {strides = array<i32>} : memref<2x4000x128xf32, #tpu.memory_space<vmem>>, vector<1x4000x128xf32>,
    %get3A_39 = arith.constant 1 : index
    %get3A_40 = arith.constant 0 : index
    %get3A_41 = arith.constant 0 : index
    %get3A_42 = vector.load %arg1[%get3A_39, %get3A_40, %get3A_41] : memref<2x16x128xf32, #tpu.memory_space<vmem>>, vector<1x16x128xf32>
    %get3A_43 = vector.shape_cast %get3A_42 : vector<1x16x128xf32> to vector<16x128xf32>
    %dot_general3A_44 = arith.constant dense<0.000000e+00> : vector<4000x128xf32>
    %dot_general3A_45 = tpu.matmul %get3A_1, %get3A_43, %dot_general3A_44 {dimension_numbers = #tpu.dot_dimension_numbers<[1], [0], [0], [1], [0, 0, 1, 1], [], []>, transpose_lhs_hint = false} : vector<4000x16xf32>, vector<16x128xf32>, vector<4000x128xf32> -> vector<4000x128xf32>
    %get3A_46 = arith.constant 1 : index
    %get3A_47 = arith.constant 0 : index
    %get3A_48 = arith.constant 0 : index
    %get3A_49 = vector.load %arg2[%get3A_46, %get3A_47, %get3A_48] : memref<2x1x128xf32, #tpu.memory_space<vmem>>, vector<1x1x128xf32>
    %get3A_50 = vector.shape_cast %get3A_49 : vector<1x1x128xf32> to vector<1x128xf32>
    %add3A_51 = vector.broadcast %get3A_50 : vector<1x128xf32> to vector<4000x128xf32>
    %add3A_52 = arith.addf %dot_general3A_45, %add3A_51 : vector<4000x128xf32>
    %swap3A_53 = arith.constant 1 : index
    %swap3A_54 = arith.constant 0 : index
    %swap3A_55 = arith.constant 0 : index
    %swap3A_56 = vector.load %arg5[%swap3A_53, %swap3A_54, %swap3A_55] : memref<2x4000x128xf32, #tpu.memory_space<vmem>>, vector<1x4000x128xf32>
    %swap3A_57 = vector.shape_cast %swap3A_56 : vector<1x4000x128xf32> to vector<4000x128xf32>
    %swap3A_58 = vector.shape_cast %add3A_52 : vector<4000x128xf32> to vector<1x4000x128xf32>
    tpu.vector_store %arg5[%swap3A_53, %swap3A_54, %swap3A_55], %swap3A_58 {strides = array<i32>} : memref<2x4000x128xf32, #tpu.memory_space<vmem>>, vector<1x4000x128xf32>,
    %get3A_59 = arith.constant 1 : index
    %get3A_60 = arith.constant 0 : index
    %get3A_61 = arith.constant 0 : index
    %get3A_62 = vector.load %arg3[%get3A_59, %get3A_60, %get3A_61] : memref<2x16x128xf32, #tpu.memory_space<vmem>>, vector<1x16x128xf32>
    %get3A_63 = vector.shape_cast %get3A_62 : vector<1x16x128xf32> to vector<16x128xf32>
    %dot_general3A_64 = arith.constant dense<0.000000e+00> : vector<4000x128xf32>
    %dot_general3A_65 = tpu.matmul %get3A_1, %get3A_63, %dot_general3A_64 {dimension_numbers = #tpu.dot_dimension_numbers<[1], [0], [0], [1], [0, 0, 1, 1], [], []>, transpose_lhs_hint = false} : vector<4000x16xf32>, vector<16x128xf32>, vector<4000x128xf32> -> vector<4000x128xf32>
    %get3A_66 = arith.constant 1 : index
    %get3A_67 = arith.constant 0 : index
    %get3A_68 = arith.constant 0 : index
    %get3A_69 = vector.load %arg4[%get3A_66, %get3A_67, %get3A_68] : memref<2x1x128xf32, #tpu.memory_space<vmem>>, vector<1x1x128xf32>
    %get3A_70 = vector.shape_cast %get3A_69 : vector<1x1x128xf32> to vector<1x128xf32>
    %add3A_71 = vector.broadcast %get3A_70 : vector<1x128xf32> to vector<4000x128xf32>
    %add3A_72 = arith.addf %dot_general3A_65, %add3A_71 : vector<4000x128xf32>
    %swap3A_73 = arith.constant 1 : index
    %swap3A_74 = arith.constant 0 : index
    %swap3A_75 = arith.constant 0 : index
    %swap3A_76 = vector.load %arg6[%swap3A_73, %swap3A_74, %swap3A_75] : memref<2x4000x128xf32, #tpu.memory_space<vmem>>, vector<1x4000x128xf32>
    %swap3A_77 = vector.shape_cast %swap3A_76 : vector<1x4000x128xf32> to vector<4000x128xf32>
    %swap3A_78 = vector.shape_cast %add3A_72 : vector<4000x128xf32> to vector<1x4000x128xf32>
    tpu.vector_store %arg6[%swap3A_73, %swap3A_74, %swap3A_75], %swap3A_78 {strides = array<i32>} : memref<2x4000x128xf32, #tpu.memory_space<vmem>>, vector<1x4000x128xf32>,
    return
  }
}

module attributes {stable_mosaic.version = 14 : i64} {
  func.func @_prep0_body(%arg0: i32, %arg1: memref<3xf32, #tpu.memory_space<smem>>, %arg2: memref<1000x128xf32, #tpu.memory_space<vmem>>, %arg3: memref<2x1000x128xf32, #tpu.memory_space<vmem>>, %arg4: memref<128x128xf32, #tpu.memory_space<vmem>>, %arg5: memref<1x128xf32, #tpu.memory_space<vmem>>, %arg6: memref<128x128xf32, #tpu.memory_space<vmem>>, %arg7: memref<128x128xf32, #tpu.memory_space<vmem>>, %arg8: memref<1x128xf32, #tpu.memory_space<vmem>>, %arg9: memref<1000x128xf32, #tpu.memory_space<vmem>>, %arg10: memref<1000x128xf32, #tpu.memory_space<vmem>>, %arg11: memref<1000x128xf32, #tpu.memory_space<vmem>>, %arg12: memref<1000x1xf32, #tpu.memory_space<vmem>>, %arg13: memref<1000x128xf32, #tpu.memory_space<vmem>>) attributes {dimension_semantics = [#tpu.dimension_semantics<arbitrary>], iteration_bounds = array<i64: 20>, scalar_prefetch = 0 : i64, scratch_operands = 0 : i64, tpu.core_type = #tpu.core_type<tc>, window_params = [{transform_indices = @transform_0, window_bounds = array<i64: 3>}, {transform_indices = @transform_1, window_bounds = array<i64: 1000, 128>}, {transform_indices = @transform_2, window_bounds = array<i64: 2, 1000, 128>}, {pipeline_mode = #tpu.pipeline_mode<synchronous>, transform_indices = @transform_3, window_bounds = array<i64: 128, 128>}, {pipeline_mode = #tpu.pipeline_mode<synchronous>, transform_indices = @transform_4, window_bounds = array<i64: 1, 128>}, {pipeline_mode = #tpu.pipeline_mode<synchronous>, transform_indices = @transform_5, window_bounds = array<i64: 128, 128>}, {pipeline_mode = #tpu.pipeline_mode<synchronous>, transform_indices = @transform_6, window_bounds = array<i64: 128, 128>}, {pipeline_mode = #tpu.pipeline_mode<synchronous>, transform_indices = @transform_7, window_bounds = array<i64: 1, 128>}, {transform_indices = @transform_8, window_bounds = array<i64: 1000, 128>}, {transform_indices = @transform_9, window_bounds = array<i64: 1000, 128>}, {transform_indices = @transform_10, window_bounds = array<i64: 1000, 128>}, {transform_indices = @transform_11, window_bounds = array<i64: 1000, 1>}, {transform_indices = @transform_12, window_bounds = array<i64: 1000, 128>}]} {
    %get3A = arith.constant 0 : index
    %get3A_0 = arith.constant 0 : index
    %get3A_1 = vector.load %arg2[%get3A, %get3A_0] : memref<1000x128xf32, #tpu.memory_space<vmem>>, vector<1000x128xf32>
    %get3A_2 = arith.constant 0 : index
    %get3A_3 = arith.constant 0 : index
    %get3A_4 = arith.constant 0 : index
    %get3A_5 = vector.load %arg3[%get3A_2, %get3A_3, %get3A_4] : memref<2x1000x128xf32, #tpu.memory_space<vmem>>, vector<1x1000x1xf32>
    %get3A_6 = vector.shape_cast %get3A_5 : vector<1x1000x1xf32> to vector<1000x1xf32>
    %add3A = arith.constant 1.000000e+00 : f32
    %add3A_7 = vector.broadcast %add3A : f32 to vector<1000x1xf32>
    %add3A_8 = arith.addf %get3A_6, %add3A_7 : vector<1000x1xf32>
    %max3A = arith.constant 9.99999996E-13 : f32
    %max3A_9 = vector.broadcast %max3A : f32 to vector<1000x1xf32>
    %max3A_10 = arith.maximumf %add3A_8, %max3A_9 : vector<1000x1xf32>
    %rsqrt3A = math.rsqrt %max3A_10 : vector<1000x1xf32>
    %swap3A = arith.constant 0 : index
    %swap3A_11 = arith.constant 0 : index
    %swap3A_12 = vector.load %arg12[%swap3A, %swap3A_11] : memref<1000x1xf32, #tpu.memory_space<vmem>>, vector<1000x1xf32>
    tpu.vector_store %arg12[%swap3A, %swap3A_11], %rsqrt3A {strides = array<i32>} : memref<1000x1xf32, #tpu.memory_space<vmem>>, vector<1000x1xf32>,
    %get3A_13 = arith.constant 0 : index
    %get3A_14 = arith.constant 0 : index
    %get3A_15 = vector.load %arg4[%get3A_13, %get3A_14] : memref<128x128xf32, #tpu.memory_space<vmem>>, vector<128x128xf32>
    %dot_general3A = arith.constant dense<0.000000e+00> : vector<1000x128xf32>
    %dot_general3A_16 = tpu.matmul %get3A_1, %get3A_15, %dot_general3A {dimension_numbers = #tpu.dot_dimension_numbers<[1], [0], [0], [1], [0, 0, 1, 1], [], []>, transpose_lhs_hint = false} : vector<1000x128xf32>, vector<128x128xf32>, vector<1000x128xf32> -> vector<1000x128xf32>
    %get3A_17 = arith.constant 0 : index
    %get3A_18 = arith.constant 0 : index
    %get3A_19 = vector.load %arg5[%get3A_17, %get3A_18] : memref<1x128xf32, #tpu.memory_space<vmem>>, vector<1x128xf32>
    %add3A_20 = vector.broadcast %get3A_19 : vector<1x128xf32> to vector<1000x128xf32>
    %add3A_21 = arith.addf %dot_general3A_16, %add3A_20 : vector<1000x128xf32>
    %swap3A_22 = arith.constant 0 : index
    %swap3A_23 = arith.constant 0 : index
    %swap3A_24 = vector.load %arg9[%swap3A_22, %swap3A_23] : memref<1000x128xf32, #tpu.memory_space<vmem>>, vector<1000x128xf32>
    tpu.vector_store %arg9[%swap3A_22, %swap3A_23], %add3A_21 {strides = array<i32>} : memref<1000x128xf32, #tpu.memory_space<vmem>>, vector<1000x128xf32>,
    %get3A_25 = arith.constant 0 : index
    %get3A_26 = arith.constant 0 : index
    %get3A_27 = vector.load %arg6[%get3A_25, %get3A_26] : memref<128x128xf32, #tpu.memory_space<vmem>>, vector<128x128xf32>
    %dot_general3A_28 = arith.constant dense<0.000000e+00> : vector<1000x128xf32>
    %dot_general3A_29 = tpu.matmul %get3A_1, %get3A_27, %dot_general3A_28 {dimension_numbers = #tpu.dot_dimension_numbers<[1], [0], [0], [1], [0, 0, 1, 1], [], []>, transpose_lhs_hint = false} : vector<1000x128xf32>, vector<128x128xf32>, vector<1000x128xf32> -> vector<1000x128xf32>
    %mul3A = vector.broadcast %rsqrt3A : vector<1000x1xf32> to vector<1000x128xf32>
    %mul3A_30 = arith.mulf %dot_general3A_29, %mul3A : vector<1000x128xf32>
    %swap3A_31 = arith.constant 0 : index
    %swap3A_32 = arith.constant 0 : index
    %swap3A_33 = vector.load %arg10[%swap3A_31, %swap3A_32] : memref<1000x128xf32, #tpu.memory_space<vmem>>, vector<1000x128xf32>
    tpu.vector_store %arg10[%swap3A_31, %swap3A_32], %mul3A_30 {strides = array<i32>} : memref<1000x128xf32, #tpu.memory_space<vmem>>, vector<1000x128xf32>,
    %get3A_34 = arith.constant 0 : index
    %get3A_35 = arith.constant 0 : index
    %get3A_36 = vector.load %arg7[%get3A_34, %get3A_35] : memref<128x128xf32, #tpu.memory_space<vmem>>, vector<128x128xf32>
    %dot_general3A_37 = arith.constant dense<0.000000e+00> : vector<1000x128xf32>
    %dot_general3A_38 = tpu.matmul %get3A_1, %get3A_36, %dot_general3A_37 {dimension_numbers = #tpu.dot_dimension_numbers<[1], [0], [0], [1], [0, 0, 1, 1], [], []>, transpose_lhs_hint = false} : vector<1000x128xf32>, vector<128x128xf32>, vector<1000x128xf32> -> vector<1000x128xf32>
    %get3A_39 = arith.constant 0 : index
    %get3A_40 = arith.constant 0 : index
    %get3A_41 = vector.load %arg8[%get3A_39, %get3A_40] : memref<1x128xf32, #tpu.memory_space<vmem>>, vector<1x128xf32>
    %add3A_42 = vector.broadcast %get3A_41 : vector<1x128xf32> to vector<1000x128xf32>
    %add3A_43 = arith.addf %dot_general3A_38, %add3A_42 : vector<1000x128xf32>
    %mul3A_44 = vector.broadcast %rsqrt3A : vector<1000x1xf32> to vector<1000x128xf32>
    %mul3A_45 = arith.mulf %mul3A_30, %mul3A_44 : vector<1000x128xf32>
    %add3A_46 = arith.addf %add3A_43, %mul3A_45 : vector<1000x128xf32>
    %swap3A_47 = arith.constant 0 : index
    %swap3A_48 = arith.constant 0 : index
    %swap3A_49 = vector.load %arg11[%swap3A_47, %swap3A_48] : memref<1000x128xf32, #tpu.memory_space<vmem>>, vector<1000x128xf32>
    tpu.vector_store %arg11[%swap3A_47, %swap3A_48], %add3A_46 {strides = array<i32>} : memref<1000x128xf32, #tpu.memory_space<vmem>>, vector<1000x128xf32>,
    %get3A_50 = arith.constant 0 : index
    %get3A_51 = memref.load %arg1[%get3A_50] : memref<3xf32, #tpu.memory_space<smem>>
    %mul3A_52 = vector.broadcast %get3A_51 : f32 to vector<1000x128xf32>
    %mul3A_53 = arith.mulf %mul3A_52, %get3A_1 : vector<1000x128xf32>
    %swap3A_54 = arith.constant 0 : index
    %swap3A_55 = arith.constant 0 : index
    %swap3A_56 = vector.load %arg13[%swap3A_54, %swap3A_55] : memref<1000x128xf32, #tpu.memory_space<vmem>>, vector<1000x128xf32>
    tpu.vector_store %arg13[%swap3A_54, %swap3A_55], %mul3A_53 {strides = array<i32>} : memref<1000x128xf32, #tpu.memory_space<vmem>>, vector<1000x128xf32>,
    return
  }
  func.func @transform_0(%arg0: i32) -> i32 {
    %c0_i32 = arith.constant 0 : i32
    %c0_i32_0 = arith.constant 0 : i32
    return %c0_i32 : i32
  }
  func.func @transform_1(%arg0: i32) -> (i32, i32) {
    %c0_i32 = arith.constant 0 : i32
    %c0_i32_0 = arith.constant 0 : i32
    return %arg0, %c0_i32 : i32, i32
  }
  func.func @transform_2(%arg0: i32) -> (i32, i32, i32) {
    %jit3A = arith.constant 10 : i32
    %eq3A = arith.constant 0 : i32
    %eq3A_0 = arith.cmpi eq, %jit3A, %eq3A : i32
    %jit3A_1 = arith.constant 1 : i32
    %select_n3A = arith.select %eq3A_0, %jit3A_1, %jit3A : i32
    %rem3A = arith.remsi %arg0, %select_n3A : i32
    %ne3A = arith.constant 0 : i32
    %ne3A_2 = arith.cmpi ne, %rem3A, %ne3A : i32
    %lt3A = arith.constant 0 : i32
    %lt3A_3 = arith.cmpi slt, %rem3A, %lt3A : i32
    %lt3A_4 = arith.constant 0 : i32
    %lt3A_5 = arith.cmpi slt, %select_n3A, %lt3A_4 : i32
    %ne3A_6 = arith.xori %lt3A_3, %lt3A_5 : i1
    %and3A = arith.andi %ne3A_6, %ne3A_2 : i1
    %add3A = arith.addi %rem3A, %select_n3A : i32
    %select_n3A_7 = arith.select %and3A, %add3A, %rem3A : i32
    %c0_i32 = arith.constant 0 : i32
    %c0_i32_8 = arith.constant 0 : i32
    %c0_i32_9 = arith.constant 0 : i32
    return %c0_i32, %select_n3A_7, %c0_i32_8 : i32, i32, i32
  }
  func.func @transform_3(%arg0: i32) -> (i32, i32) {
    %c0_i32 = arith.constant 0 : i32
    %c0_i32_0 = arith.constant 0 : i32
    %c0_i32_1 = arith.constant 0 : i32
    return %c0_i32, %c0_i32_0 : i32, i32
  }
  func.func @transform_4(%arg0: i32) -> (i32, i32) {
    %c0_i32 = arith.constant 0 : i32
    %c0_i32_0 = arith.constant 0 : i32
    %c0_i32_1 = arith.constant 0 : i32
    return %c0_i32, %c0_i32_0 : i32, i32
  }
  func.func @transform_5(%arg0: i32) -> (i32, i32) {
    %c0_i32 = arith.constant 0 : i32
    %c0_i32_0 = arith.constant 0 : i32
    %c0_i32_1 = arith.constant 0 : i32
    return %c0_i32, %c0_i32_0 : i32, i32
  }
  func.func @transform_6(%arg0: i32) -> (i32, i32) {
    %c0_i32 = arith.constant 0 : i32
    %c0_i32_0 = arith.constant 0 : i32
    %c0_i32_1 = arith.constant 0 : i32
    return %c0_i32, %c0_i32_0 : i32, i32
  }
  func.func @transform_7(%arg0: i32) -> (i32, i32) {
    %c0_i32 = arith.constant 0 : i32
    %c0_i32_0 = arith.constant 0 : i32
    %c0_i32_1 = arith.constant 0 : i32
    return %c0_i32, %c0_i32_0 : i32, i32
  }
  func.func @transform_8(%arg0: i32) -> (i32, i32) {
    %c0_i32 = arith.constant 0 : i32
    %c0_i32_0 = arith.constant 0 : i32
    return %arg0, %c0_i32 : i32, i32
  }
  func.func @transform_9(%arg0: i32) -> (i32, i32) {
    %c0_i32 = arith.constant 0 : i32
    %c0_i32_0 = arith.constant 0 : i32
    return %arg0, %c0_i32 : i32, i32
  }
  func.func @transform_10(%arg0: i32) -> (i32, i32) {
    %c0_i32 = arith.constant 0 : i32
    %c0_i32_0 = arith.constant 0 : i32
    return %arg0, %c0_i32 : i32, i32
  }
  func.func @transform_11(%arg0: i32) -> (i32, i32) {
    %c0_i32 = arith.constant 0 : i32
    %c0_i32_0 = arith.constant 0 : i32
    return %arg0, %c0_i32 : i32, i32
  }
  func.func @transform_12(%arg0: i32) -> (i32, i32) {
    %c0_i32 = arith.constant 0 : i32
    %c0_i32_0 = arith.constant 0 : i32
    return %arg0, %c0_i32 : i32, i32
  }
}

module attributes {stable_mosaic.version = 14 : i64} {
  func.func @_comb0_body(%arg0: i32, %arg1: memref<3xf32, #tpu.memory_space<smem>>, %arg2: memref<1000x128xf32, #tpu.memory_space<vmem>>, %arg3: memref<1000x128xf32, #tpu.memory_space<vmem>>, %arg4: memref<1000x128xf32, #tpu.memory_space<vmem>>, %arg5: memref<1000x1xf32, #tpu.memory_space<vmem>>, %arg6: memref<1x128xf32, #tpu.memory_space<vmem>>, %arg7: memref<1x128xf32, #tpu.memory_space<vmem>>, %arg8: memref<1000x128xf32, #tpu.memory_space<vmem>>, %arg9: memref<128x128xf32, #tpu.memory_space<vmem>>, %arg10: memref<1x128xf32, #tpu.memory_space<vmem>>, %arg11: memref<128x128xf32, #tpu.memory_space<vmem>>, %arg12: memref<128x128xf32, #tpu.memory_space<vmem>>, %arg13: memref<1x128xf32, #tpu.memory_space<vmem>>, %arg14: memref<1000x128xf32, #tpu.memory_space<vmem>>, %arg15: memref<1000x128xf32, #tpu.memory_space<vmem>>, %arg16: memref<1000x128xf32, #tpu.memory_space<vmem>>, %arg17: memref<1000x128xf32, #tpu.memory_space<vmem>>) attributes {dimension_semantics = [#tpu.dimension_semantics<arbitrary>], iteration_bounds = array<i64: 20>, scalar_prefetch = 0 : i64, scratch_operands = 0 : i64, tpu.core_type = #tpu.core_type<tc>, window_params = [{transform_indices = @transform_0, window_bounds = array<i64: 3>}, {transform_indices = @transform_1, window_bounds = array<i64: 1000, 128>}, {transform_indices = @transform_2, window_bounds = array<i64: 1000, 128>}, {transform_indices = @transform_3, window_bounds = array<i64: 1000, 128>}, {transform_indices = @transform_4, window_bounds = array<i64: 1000, 1>}, {pipeline_mode = #tpu.pipeline_mode<synchronous>, transform_indices = @transform_5, window_bounds = array<i64: 1, 128>}, {pipeline_mode = #tpu.pipeline_mode<synchronous>, transform_indices = @transform_6, window_bounds = array<i64: 1, 128>}, {transform_indices = @transform_7, window_bounds = array<i64: 1000, 128>}, {pipeline_mode = #tpu.pipeline_mode<synchronous>, transform_indices = @transform_8, window_bounds = array<i64: 128, 128>}, {pipeline_mode = #tpu.pipeline_mode<synchronous>, transform_indices = @transform_9, window_bounds = array<i64: 1, 128>}, {pipeline_mode = #tpu.pipeline_mode<synchronous>, transform_indices = @transform_10, window_bounds = array<i64: 128, 128>}, {pipeline_mode = #tpu.pipeline_mode<synchronous>, transform_indices = @transform_11, window_bounds = array<i64: 128, 128>}, {pipeline_mode = #tpu.pipeline_mode<synchronous>, transform_indices = @transform_12, window_bounds = array<i64: 1, 128>}, {transform_indices = @transform_13, window_bounds = array<i64: 1000, 128>}, {transform_indices = @transform_14, window_bounds = array<i64: 1000, 128>}, {transform_indices = @transform_15, window_bounds = array<i64: 1000, 128>}, {transform_indices = @transform_16, window_bounds = array<i64: 1000, 128>}]} {
    %get3A = arith.constant 0 : index
    %get3A_0 = arith.constant 0 : index
    %get3A_1 = vector.load %arg5[%get3A, %get3A_0] : memref<1000x1xf32, #tpu.memory_space<vmem>>, vector<1000x1xf32>
    %get3A_2 = arith.constant 0 : index
    %get3A_3 = arith.constant 0 : index
    %get3A_4 = vector.load %arg2[%get3A_2, %get3A_3] : memref<1000x128xf32, #tpu.memory_space<vmem>>, vector<1000x128xf32>
    %get3A_5 = arith.constant 0 : index
    %get3A_6 = arith.constant 0 : index
    %get3A_7 = vector.load %arg3[%get3A_5, %get3A_6] : memref<1000x128xf32, #tpu.memory_space<vmem>>, vector<1000x128xf32>
    %mul3A = vector.broadcast %get3A_1 : vector<1000x1xf32> to vector<1000x128xf32>
    %mul3A_8 = arith.mulf %get3A_7, %mul3A : vector<1000x128xf32>
    %add3A = arith.addf %get3A_4, %mul3A_8 : vector<1000x128xf32>
    %get3A_9 = arith.constant 0 : index
    %get3A_10 = arith.constant 0 : index
    %get3A_11 = vector.load %arg4[%get3A_9, %get3A_10] : memref<1000x128xf32, #tpu.memory_space<vmem>>, vector<1000x128xf32>
    %add3A_12 = arith.addf %add3A, %get3A_11 : vector<1000x128xf32>
    %get3A_13 = arith.constant 0 : index
    %get3A_14 = arith.constant 0 : index
    %get3A_15 = vector.load %arg6[%get3A_13, %get3A_14] : memref<1x128xf32, #tpu.memory_space<vmem>>, vector<1x128xf32>
    %get3A_16 = arith.constant 0 : index
    %get3A_17 = arith.constant 0 : index
    %get3A_18 = vector.load %arg7[%get3A_16, %get3A_17] : memref<1x128xf32, #tpu.memory_space<vmem>>, vector<1x128xf32>
    %mul3A_19 = arith.constant 5.000000e-01 : f32
    %mul3A_20 = vector.broadcast %mul3A_19 : f32 to vector<1000x128xf32>
    %mul3A_21 = arith.mulf %mul3A_20, %add3A_12 : vector<1000x128xf32>
    %mul3A_22 = arith.constant 0.707106769 : f32
    %mul3A_23 = vector.broadcast %mul3A_22 : f32 to vector<1000x128xf32>
    %mul3A_24 = arith.mulf %add3A_12, %mul3A_23 : vector<1000x128xf32>
    %erf3A = math.erf %mul3A_24 : vector<1000x128xf32>
    %add3A_25 = arith.constant 1.000000e+00 : f32
    %add3A_26 = vector.broadcast %add3A_25 : f32 to vector<1000x128xf32>
    %add3A_27 = arith.addf %add3A_26, %erf3A : vector<1000x128xf32>
    %mul3A_28 = arith.mulf %mul3A_21, %add3A_27 : vector<1000x128xf32>
    %reduce_sum3A = arith.constant dense<0.000000e+00> : vector<1000xf32>
    %reduce_sum3A_29 = vector.multi_reduction <add>, %mul3A_28, %reduce_sum3A [1] : vector<1000x128xf32> to vector<1000xf32>
    %broadcast_in_dim3A = vector.shape_cast %reduce_sum3A_29 : vector<1000xf32> to vector<1000x1xf32>
    %div3A = arith.constant 1.280000e+02 : f32
    %div3A_30 = vector.broadcast %div3A : f32 to vector<1000x1xf32>
    %div3A_31 = arith.divf %broadcast_in_dim3A, %div3A_30 : vector<1000x1xf32>
    %sub3A = vector.broadcast %div3A_31 : vector<1000x1xf32> to vector<1000x128xf32>
    %sub3A_32 = arith.subf %mul3A_28, %sub3A : vector<1000x128xf32>
    %mul3A_33 = arith.mulf %sub3A_32, %sub3A_32 : vector<1000x128xf32>
    %reduce_sum3A_34 = arith.constant dense<0.000000e+00> : vector<1000xf32>
    %reduce_sum3A_35 = vector.multi_reduction <add>, %mul3A_33, %reduce_sum3A_34 [1] : vector<1000x128xf32> to vector<1000xf32>
    %broadcast_in_dim3A_36 = vector.shape_cast %reduce_sum3A_35 : vector<1000xf32> to vector<1000x1xf32>
    %div3A_37 = arith.constant 1.280000e+02 : f32
    %div3A_38 = vector.broadcast %div3A_37 : f32 to vector<1000x1xf32>
    %div3A_39 = arith.divf %broadcast_in_dim3A_36, %div3A_38 : vector<1000x1xf32>
    %add3A_40 = arith.constant 9.99999974E-6 : f32
    %add3A_41 = vector.broadcast %add3A_40 : f32 to vector<1000x1xf32>
    %add3A_42 = arith.addf %div3A_39, %add3A_41 : vector<1000x1xf32>
    %rsqrt3A = math.rsqrt %add3A_42 : vector<1000x1xf32>
    %mul3A_43 = vector.broadcast %rsqrt3A : vector<1000x1xf32> to vector<1000x128xf32>
    %mul3A_44 = arith.mulf %sub3A_32, %mul3A_43 : vector<1000x128xf32>
    %mul3A_45 = vector.broadcast %get3A_15 : vector<1x128xf32> to vector<1000x128xf32>
    %mul3A_46 = arith.mulf %mul3A_44, %mul3A_45 : vector<1000x128xf32>
    %add3A_47 = vector.broadcast %get3A_18 : vector<1x128xf32> to vector<1000x128xf32>
    %add3A_48 = arith.addf %mul3A_46, %add3A_47 : vector<1000x128xf32>
    %get3A_49 = arith.constant 0 : index
    %get3A_50 = arith.constant 0 : index
    %get3A_51 = vector.load %arg8[%get3A_49, %get3A_50] : memref<1000x128xf32, #tpu.memory_space<vmem>>, vector<1000x128xf32>
    %get3A_52 = arith.constant 1 : index
    %get3A_53 = memref.load %arg1[%get3A_52] : memref<3xf32, #tpu.memory_space<smem>>
    %mul3A_54 = vector.broadcast %get3A_53 : f32 to vector<1000x128xf32>
    %mul3A_55 = arith.mulf %mul3A_54, %add3A_48 : vector<1000x128xf32>
    %add3A_56 = arith.addf %get3A_51, %mul3A_55 : vector<1000x128xf32>
    %swap3A = arith.constant 0 : index
    %swap3A_57 = arith.constant 0 : index
    %swap3A_58 = vector.load %arg14[%swap3A, %swap3A_57] : memref<1000x128xf32, #tpu.memory_space<vmem>>, vector<1000x128xf32>
    tpu.vector_store %arg14[%swap3A, %swap3A_57], %add3A_56 {strides = array<i32>} : memref<1000x128xf32, #tpu.memory_space<vmem>>, vector<1000x128xf32>,
    %get3A_59 = arith.constant 0 : index
    %get3A_60 = arith.constant 0 : index
    %get3A_61 = vector.load %arg9[%get3A_59, %get3A_60] : memref<128x128xf32, #tpu.memory_space<vmem>>, vector<128x128xf32>
    %dot_general3A = arith.constant dense<0.000000e+00> : vector<1000x128xf32>
    %dot_general3A_62 = tpu.matmul %add3A_48, %get3A_61, %dot_general3A {dimension_numbers = #tpu.dot_dimension_numbers<[1], [0], [0], [1], [0, 0, 1, 1], [], []>, transpose_lhs_hint = false} : vector<1000x128xf32>, vector<128x128xf32>, vector<1000x128xf32> -> vector<1000x128xf32>
    %get3A_63 = arith.constant 0 : index
    %get3A_64 = arith.constant 0 : index
    %get3A_65 = vector.load %arg10[%get3A_63, %get3A_64] : memref<1x128xf32, #tpu.memory_space<vmem>>, vector<1x128xf32>
    %add3A_66 = vector.broadcast %get3A_65 : vector<1x128xf32> to vector<1000x128xf32>
    %add3A_67 = arith.addf %dot_general3A_62, %add3A_66 : vector<1000x128xf32>
    %swap3A_68 = arith.constant 0 : index
    %swap3A_69 = arith.constant 0 : index
    %swap3A_70 = vector.load %arg15[%swap3A_68, %swap3A_69] : memref<1000x128xf32, #tpu.memory_space<vmem>>, vector<1000x128xf32>
    tpu.vector_store %arg15[%swap3A_68, %swap3A_69], %add3A_67 {strides = array<i32>} : memref<1000x128xf32, #tpu.memory_space<vmem>>, vector<1000x128xf32>,
    %get3A_71 = arith.constant 0 : index
    %get3A_72 = arith.constant 0 : index
    %get3A_73 = vector.load %arg11[%get3A_71, %get3A_72] : memref<128x128xf32, #tpu.memory_space<vmem>>, vector<128x128xf32>
    %dot_general3A_74 = arith.constant dense<0.000000e+00> : vector<1000x128xf32>
    %dot_general3A_75 = tpu.matmul %add3A_48, %get3A_73, %dot_general3A_74 {dimension_numbers = #tpu.dot_dimension_numbers<[1], [0], [0], [1], [0, 0, 1, 1], [], []>, transpose_lhs_hint = false} : vector<1000x128xf32>, vector<128x128xf32>, vector<1000x128xf32> -> vector<1000x128xf32>
    %mul3A_76 = vector.broadcast %get3A_1 : vector<1000x1xf32> to vector<1000x128xf32>
    %mul3A_77 = arith.mulf %dot_general3A_75, %mul3A_76 : vector<1000x128xf32>
    %swap3A_78 = arith.constant 0 : index
    %swap3A_79 = arith.constant 0 : index
    %swap3A_80 = vector.load %arg16[%swap3A_78, %swap3A_79] : memref<1000x128xf32, #tpu.memory_space<vmem>>, vector<1000x128xf32>
    tpu.vector_store %arg16[%swap3A_78, %swap3A_79], %mul3A_77 {strides = array<i32>} : memref<1000x128xf32, #tpu.memory_space<vmem>>, vector<1000x128xf32>,
    %get3A_81 = arith.constant 0 : index
    %get3A_82 = arith.constant 0 : index
    %get3A_83 = vector.load %arg12[%get3A_81, %get3A_82] : memref<128x128xf32, #tpu.memory_space<vmem>>, vector<128x128xf32>
    %dot_general3A_84 = arith.constant dense<0.000000e+00> : vector<1000x128xf32>
    %dot_general3A_85 = tpu.matmul %add3A_48, %get3A_83, %dot_general3A_84 {dimension_numbers = #tpu.dot_dimension_numbers<[1], [0], [0], [1], [0, 0, 1, 1], [], []>, transpose_lhs_hint = false} : vector<1000x128xf32>, vector<128x128xf32>, vector<1000x128xf32> -> vector<1000x128xf32>
    %get3A_86 = arith.constant 0 : index
    %get3A_87 = arith.constant 0 : index
    %get3A_88 = vector.load %arg13[%get3A_86, %get3A_87] : memref<1x128xf32, #tpu.memory_space<vmem>>, vector<1x128xf32>
    %add3A_89 = vector.broadcast %get3A_88 : vector<1x128xf32> to vector<1000x128xf32>
    %add3A_90 = arith.addf %dot_general3A_85, %add3A_89 : vector<1000x128xf32>
    %mul3A_91 = vector.broadcast %get3A_1 : vector<1000x1xf32> to vector<1000x128xf32>
    %mul3A_92 = arith.mulf %mul3A_77, %mul3A_91 : vector<1000x128xf32>
    %add3A_93 = arith.addf %add3A_90, %mul3A_92 : vector<1000x128xf32>
    %swap3A_94 = arith.constant 0 : index
    %swap3A_95 = arith.constant 0 : index
    %swap3A_96 = vector.load %arg17[%swap3A_94, %swap3A_95] : memref<1000x128xf32, #tpu.memory_space<vmem>>, vector<1000x128xf32>
    tpu.vector_store %arg17[%swap3A_94, %swap3A_95], %add3A_93 {strides = array<i32>} : memref<1000x128xf32, #tpu.memory_space<vmem>>, vector<1000x128xf32>,
    return
  }
  func.func @transform_0(%arg0: i32) -> i32 {
    %c0_i32 = arith.constant 0 : i32
    %c0_i32_0 = arith.constant 0 : i32
    return %c0_i32 : i32
  }
  func.func @transform_1(%arg0: i32) -> (i32, i32) {
    %c0_i32 = arith.constant 0 : i32
    %c0_i32_0 = arith.constant 0 : i32
    return %arg0, %c0_i32 : i32, i32
  }
  func.func @transform_2(%arg0: i32) -> (i32, i32) {
    %c0_i32 = arith.constant 0 : i32
    %c0_i32_0 = arith.constant 0 : i32
    return %arg0, %c0_i32 : i32, i32
  }
  func.func @transform_3(%arg0: i32) -> (i32, i32) {
    %c0_i32 = arith.constant 0 : i32
    %c0_i32_0 = arith.constant 0 : i32
    return %arg0, %c0_i32 : i32, i32
  }
  func.func @transform_4(%arg0: i32) -> (i32, i32) {
    %c0_i32 = arith.constant 0 : i32
    %c0_i32_0 = arith.constant 0 : i32
    return %arg0, %c0_i32 : i32, i32
  }
  func.func @transform_5(%arg0: i32) -> (i32, i32) {
    %c0_i32 = arith.constant 0 : i32
    %c0_i32_0 = arith.constant 0 : i32
    %c0_i32_1 = arith.constant 0 : i32
    return %c0_i32, %c0_i32_0 : i32, i32
  }
  func.func @transform_6(%arg0: i32) -> (i32, i32) {
    %c0_i32 = arith.constant 0 : i32
    %c0_i32_0 = arith.constant 0 : i32
    %c0_i32_1 = arith.constant 0 : i32
    return %c0_i32, %c0_i32_0 : i32, i32
  }
  func.func @transform_7(%arg0: i32) -> (i32, i32) {
    %c0_i32 = arith.constant 0 : i32
    %c0_i32_0 = arith.constant 0 : i32
    return %arg0, %c0_i32 : i32, i32
  }
  func.func @transform_8(%arg0: i32) -> (i32, i32) {
    %c0_i32 = arith.constant 0 : i32
    %c0_i32_0 = arith.constant 0 : i32
    %c0_i32_1 = arith.constant 0 : i32
    return %c0_i32, %c0_i32_0 : i32, i32
  }
  func.func @transform_9(%arg0: i32) -> (i32, i32) {
    %c0_i32 = arith.constant 0 : i32
    %c0_i32_0 = arith.constant 0 : i32
    %c0_i32_1 = arith.constant 0 : i32
    return %c0_i32, %c0_i32_0 : i32, i32
  }
  func.func @transform_10(%arg0: i32) -> (i32, i32) {
    %c0_i32 = arith.constant 0 : i32
    %c0_i32_0 = arith.constant 0 : i32
    %c0_i32_1 = arith.constant 0 : i32
    return %c0_i32, %c0_i32_0 : i32, i32
  }
  func.func @transform_11(%arg0: i32) -> (i32, i32) {
    %c0_i32 = arith.constant 0 : i32
    %c0_i32_0 = arith.constant 0 : i32
    %c0_i32_1 = arith.constant 0 : i32
    return %c0_i32, %c0_i32_0 : i32, i32
  }
  func.func @transform_12(%arg0: i32) -> (i32, i32) {
    %c0_i32 = arith.constant 0 : i32
    %c0_i32_0 = arith.constant 0 : i32
    %c0_i32_1 = arith.constant 0 : i32
    return %c0_i32, %c0_i32_0 : i32, i32
  }
  func.func @transform_13(%arg0: i32) -> (i32, i32) {
    %c0_i32 = arith.constant 0 : i32
    %c0_i32_0 = arith.constant 0 : i32
    return %arg0, %c0_i32 : i32, i32
  }
  func.func @transform_14(%arg0: i32) -> (i32, i32) {
    %c0_i32 = arith.constant 0 : i32
    %c0_i32_0 = arith.constant 0 : i32
    return %arg0, %c0_i32 : i32, i32
  }
  func.func @transform_15(%arg0: i32) -> (i32, i32) {
    %c0_i32 = arith.constant 0 : i32
    %c0_i32_0 = arith.constant 0 : i32
    return %arg0, %c0_i32 : i32, i32
  }
  func.func @transform_16(%arg0: i32) -> (i32, i32) {
    %c0_i32 = arith.constant 0 : i32
    %c0_i32_0 = arith.constant 0 : i32
    return %arg0, %c0_i32 : i32, i32
  }
}

module attributes {stable_mosaic.version = 14 : i64} {
  func.func @_final_body(%arg0: i32, %arg1: memref<3xf32, #tpu.memory_space<smem>>, %arg2: memref<1000x128xf32, #tpu.memory_space<vmem>>, %arg3: memref<1000x128xf32, #tpu.memory_space<vmem>>, %arg4: memref<1000x128xf32, #tpu.memory_space<vmem>>, %arg5: memref<1000x1xf32, #tpu.memory_space<vmem>>, %arg6: memref<1x128xf32, #tpu.memory_space<vmem>>, %arg7: memref<1x128xf32, #tpu.memory_space<vmem>>, %arg8: memref<1000x128xf32, #tpu.memory_space<vmem>>, %arg9: memref<64x64xf32, #tpu.memory_space<vmem>>, %arg10: memref<1000x1xf32, #tpu.memory_space<vmem>>) attributes {dimension_semantics = [#tpu.dimension_semantics<arbitrary>], iteration_bounds = array<i64: 20>, scalar_prefetch = 0 : i64, scratch_operands = 0 : i64, tpu.core_type = #tpu.core_type<tc>, window_params = [{transform_indices = @transform_0, window_bounds = array<i64: 3>}, {transform_indices = @transform_1, window_bounds = array<i64: 1000, 128>}, {transform_indices = @transform_2, window_bounds = array<i64: 1000, 128>}, {transform_indices = @transform_3, window_bounds = array<i64: 1000, 128>}, {transform_indices = @transform_4, window_bounds = array<i64: 1000, 1>}, {pipeline_mode = #tpu.pipeline_mode<synchronous>, transform_indices = @transform_5, window_bounds = array<i64: 1, 128>}, {pipeline_mode = #tpu.pipeline_mode<synchronous>, transform_indices = @transform_6, window_bounds = array<i64: 1, 128>}, {transform_indices = @transform_7, window_bounds = array<i64: 1000, 128>}, {pipeline_mode = #tpu.pipeline_mode<synchronous>, transform_indices = @transform_8, window_bounds = array<i64: 64, 64>}, {transform_indices = @transform_9, window_bounds = array<i64: 1000, 1>}]} {
    %get3A = arith.constant 0 : index
    %get3A_0 = arith.constant 0 : index
    %get3A_1 = vector.load %arg5[%get3A, %get3A_0] : memref<1000x1xf32, #tpu.memory_space<vmem>>, vector<1000x1xf32>
    %get3A_2 = arith.constant 0 : index
    %get3A_3 = arith.constant 0 : index
    %get3A_4 = vector.load %arg2[%get3A_2, %get3A_3] : memref<1000x128xf32, #tpu.memory_space<vmem>>, vector<1000x128xf32>
    %get3A_5 = arith.constant 0 : index
    %get3A_6 = arith.constant 0 : index
    %get3A_7 = vector.load %arg3[%get3A_5, %get3A_6] : memref<1000x128xf32, #tpu.memory_space<vmem>>, vector<1000x128xf32>
    %mul3A = vector.broadcast %get3A_1 : vector<1000x1xf32> to vector<1000x128xf32>
    %mul3A_8 = arith.mulf %get3A_7, %mul3A : vector<1000x128xf32>
    %add3A = arith.addf %get3A_4, %mul3A_8 : vector<1000x128xf32>
    %get3A_9 = arith.constant 0 : index
    %get3A_10 = arith.constant 0 : index
    %get3A_11 = vector.load %arg4[%get3A_9, %get3A_10] : memref<1000x128xf32, #tpu.memory_space<vmem>>, vector<1000x128xf32>
    %add3A_12 = arith.addf %add3A, %get3A_11 : vector<1000x128xf32>
    %get3A_13 = arith.constant 0 : index
    %get3A_14 = arith.constant 0 : index
    %get3A_15 = vector.load %arg6[%get3A_13, %get3A_14] : memref<1x128xf32, #tpu.memory_space<vmem>>, vector<1x128xf32>
    %get3A_16 = arith.constant 0 : index
    %get3A_17 = arith.constant 0 : index
    %get3A_18 = vector.load %arg7[%get3A_16, %get3A_17] : memref<1x128xf32, #tpu.memory_space<vmem>>, vector<1x128xf32>
    %mul3A_19 = arith.constant 5.000000e-01 : f32
    %mul3A_20 = vector.broadcast %mul3A_19 : f32 to vector<1000x128xf32>
    %mul3A_21 = arith.mulf %mul3A_20, %add3A_12 : vector<1000x128xf32>
    %mul3A_22 = arith.constant 0.707106769 : f32
    %mul3A_23 = vector.broadcast %mul3A_22 : f32 to vector<1000x128xf32>
    %mul3A_24 = arith.mulf %add3A_12, %mul3A_23 : vector<1000x128xf32>
    %erf3A = math.erf %mul3A_24 : vector<1000x128xf32>
    %add3A_25 = arith.constant 1.000000e+00 : f32
    %add3A_26 = vector.broadcast %add3A_25 : f32 to vector<1000x128xf32>
    %add3A_27 = arith.addf %add3A_26, %erf3A : vector<1000x128xf32>
    %mul3A_28 = arith.mulf %mul3A_21, %add3A_27 : vector<1000x128xf32>
    %reduce_sum3A = arith.constant dense<0.000000e+00> : vector<1000xf32>
    %reduce_sum3A_29 = vector.multi_reduction <add>, %mul3A_28, %reduce_sum3A [1] : vector<1000x128xf32> to vector<1000xf32>
    %broadcast_in_dim3A = vector.shape_cast %reduce_sum3A_29 : vector<1000xf32> to vector<1000x1xf32>
    %div3A = arith.constant 1.280000e+02 : f32
    %div3A_30 = vector.broadcast %div3A : f32 to vector<1000x1xf32>
    %div3A_31 = arith.divf %broadcast_in_dim3A, %div3A_30 : vector<1000x1xf32>
    %sub3A = vector.broadcast %div3A_31 : vector<1000x1xf32> to vector<1000x128xf32>
    %sub3A_32 = arith.subf %mul3A_28, %sub3A : vector<1000x128xf32>
    %mul3A_33 = arith.mulf %sub3A_32, %sub3A_32 : vector<1000x128xf32>
    %reduce_sum3A_34 = arith.constant dense<0.000000e+00> : vector<1000xf32>
    %reduce_sum3A_35 = vector.multi_reduction <add>, %mul3A_33, %reduce_sum3A_34 [1] : vector<1000x128xf32> to vector<1000xf32>
    %broadcast_in_dim3A_36 = vector.shape_cast %reduce_sum3A_35 : vector<1000xf32> to vector<1000x1xf32>
    %div3A_37 = arith.constant 1.280000e+02 : f32
    %div3A_38 = vector.broadcast %div3A_37 : f32 to vector<1000x1xf32>
    %div3A_39 = arith.divf %broadcast_in_dim3A_36, %div3A_38 : vector<1000x1xf32>
    %add3A_40 = arith.constant 9.99999974E-6 : f32
    %add3A_41 = vector.broadcast %add3A_40 : f32 to vector<1000x1xf32>
    %add3A_42 = arith.addf %div3A_39, %add3A_41 : vector<1000x1xf32>
    %rsqrt3A = math.rsqrt %add3A_42 : vector<1000x1xf32>
    %mul3A_43 = vector.broadcast %rsqrt3A : vector<1000x1xf32> to vector<1000x128xf32>
    %mul3A_44 = arith.mulf %sub3A_32, %mul3A_43 : vector<1000x128xf32>
    %mul3A_45 = vector.broadcast %get3A_15 : vector<1x128xf32> to vector<1000x128xf32>
    %mul3A_46 = arith.mulf %mul3A_44, %mul3A_45 : vector<1000x128xf32>
    %add3A_47 = vector.broadcast %get3A_18 : vector<1x128xf32> to vector<1000x128xf32>
    %add3A_48 = arith.addf %mul3A_46, %add3A_47 : vector<1000x128xf32>
    %get3A_49 = arith.constant 0 : index
    %get3A_50 = arith.constant 0 : index
    %get3A_51 = vector.load %arg8[%get3A_49, %get3A_50] : memref<1000x128xf32, #tpu.memory_space<vmem>>, vector<1000x128xf32>
    %get3A_52 = arith.constant 2 : index
    %get3A_53 = memref.load %arg1[%get3A_52] : memref<3xf32, #tpu.memory_space<smem>>
    %mul3A_54 = vector.broadcast %get3A_53 : f32 to vector<1000x128xf32>
    %mul3A_55 = arith.mulf %mul3A_54, %add3A_48 : vector<1000x128xf32>
    %add3A_56 = arith.addf %get3A_51, %mul3A_55 : vector<1000x128xf32>
    %slice3A = vector.extract_strided_slice %add3A_56 {offsets = [0, 0], sizes = [1000, 64], strides = [1, 1]} : vector<1000x128xf32> to vector<1000x64xf32>
    %slice3A_57 = vector.extract_strided_slice %add3A_56 {offsets = [0, 64], sizes = [1000, 64], strides = [1, 1]} : vector<1000x128xf32> to vector<1000x64xf32>
    %get3A_58 = arith.constant 0 : index
    %get3A_59 = arith.constant 0 : index
    %get3A_60 = vector.load %arg9[%get3A_58, %get3A_59] : memref<64x64xf32, #tpu.memory_space<vmem>>, vector<64x64xf32>
    %dot_general3A = arith.constant dense<0.000000e+00> : vector<1000x64xf32>
    %dot_general3A_61 = tpu.matmul %slice3A_57, %get3A_60, %dot_general3A {dimension_numbers = #tpu.dot_dimension_numbers<[1], [1], [0], [0], [0, 0, 1, 0], [], []>, transpose_lhs_hint = false} : vector<1000x64xf32>, vector<64x64xf32>, vector<1000x64xf32> -> vector<1000x64xf32>
    %mul3A_62 = arith.mulf %slice3A, %dot_general3A_61 : vector<1000x64xf32>
    %reduce_sum3A_63 = arith.constant dense<0.000000e+00> : vector<1000xf32>
    %reduce_sum3A_64 = vector.multi_reduction <add>, %mul3A_62, %reduce_sum3A_63 [1] : vector<1000x64xf32> to vector<1000xf32>
    %broadcast_in_dim3A_65 = vector.shape_cast %reduce_sum3A_64 : vector<1000xf32> to vector<1000x1xf32>
    %dot_general3A_66 = arith.constant dense<0.000000e+00> : vector<1000x64xf32>
    %dot_general3A_67 = tpu.matmul %slice3A, %get3A_60, %dot_general3A_66 {dimension_numbers = #tpu.dot_dimension_numbers<[1], [1], [0], [0], [0, 0, 1, 0], [], []>, transpose_lhs_hint = false} : vector<1000x64xf32>, vector<64x64xf32>, vector<1000x64xf32> -> vector<1000x64xf32>
    %mul3A_68 = arith.mulf %slice3A_57, %dot_general3A_67 : vector<1000x64xf32>
    %reduce_sum3A_69 = arith.constant dense<0.000000e+00> : vector<1000xf32>
    %reduce_sum3A_70 = vector.multi_reduction <add>, %mul3A_68, %reduce_sum3A_69 [1] : vector<1000x64xf32> to vector<1000xf32>
    %broadcast_in_dim3A_71 = vector.shape_cast %reduce_sum3A_70 : vector<1000xf32> to vector<1000x1xf32>
    %sub3A_72 = arith.subf %broadcast_in_dim3A_65, %broadcast_in_dim3A_71 : vector<1000x1xf32>
    %swap3A = arith.constant 0 : index
    %swap3A_73 = arith.constant 0 : index
    %swap3A_74 = vector.load %arg10[%swap3A, %swap3A_73] : memref<1000x1xf32, #tpu.memory_space<vmem>>, vector<1000x1xf32>
    tpu.vector_store %arg10[%swap3A, %swap3A_73], %sub3A_72 {strides = array<i32>} : memref<1000x1xf32, #tpu.memory_space<vmem>>, vector<1000x1xf32>,
    return
  }
  func.func @transform_0(%arg0: i32) -> i32 {
    %c0_i32 = arith.constant 0 : i32
    %c0_i32_0 = arith.constant 0 : i32
    return %c0_i32 : i32
  }
  func.func @transform_1(%arg0: i32) -> (i32, i32) {
    %c0_i32 = arith.constant 0 : i32
    %c0_i32_0 = arith.constant 0 : i32
    return %arg0, %c0_i32 : i32, i32
  }
  func.func @transform_2(%arg0: i32) -> (i32, i32) {
    %c0_i32 = arith.constant 0 : i32
    %c0_i32_0 = arith.constant 0 : i32
    return %arg0, %c0_i32 : i32, i32
  }
  func.func @transform_3(%arg0: i32) -> (i32, i32) {
    %c0_i32 = arith.constant 0 : i32
    %c0_i32_0 = arith.constant 0 : i32
    return %arg0, %c0_i32 : i32, i32
  }
  func.func @transform_4(%arg0: i32) -> (i32, i32) {
    %c0_i32 = arith.constant 0 : i32
    %c0_i32_0 = arith.constant 0 : i32
    return %arg0, %c0_i32 : i32, i32
  }
  func.func @transform_5(%arg0: i32) -> (i32, i32) {
    %c0_i32 = arith.constant 0 : i32
    %c0_i32_0 = arith.constant 0 : i32
    %c0_i32_1 = arith.constant 0 : i32
    return %c0_i32, %c0_i32_0 : i32, i32
  }
  func.func @transform_6(%arg0: i32) -> (i32, i32) {
    %c0_i32 = arith.constant 0 : i32
    %c0_i32_0 = arith.constant 0 : i32
    %c0_i32_1 = arith.constant 0 : i32
    return %c0_i32, %c0_i32_0 : i32, i32
  }
  func.func @transform_7(%arg0: i32) -> (i32, i32) {
    %c0_i32 = arith.constant 0 : i32
    %c0_i32_0 = arith.constant 0 : i32
    return %arg0, %c0_i32 : i32, i32
  }
  func.func @transform_8(%arg0: i32) -> (i32, i32) {
    %c0_i32 = arith.constant 0 : i32
    %c0_i32_0 = arith.constant 0 : i32
    %c0_i32_1 = arith.constant 0 : i32
    return %c0_i32, %c0_i32_0 : i32, i32
  }
  func.func @transform_9(%arg0: i32) -> (i32, i32) {
    %c0_i32 = arith.constant 0 : i32
    %c0_i32_0 = arith.constant 0 : i32
    return %arg0, %c0_i32 : i32, i32
  }
}

</mosaic_0001>

<sc_bundles>
// kernel: kernel.11.cloned.1.call-start
scs
__scs_entry_jumppad:
0x0: {  	(pc) =	sbr.rel $0x88, $3  }
0x1: {  	(tag) =	ssettag $0x0;
	lr =	simm.s32 $0x1  }
0x2: {  	[smem:$0x3F8E] =	sst lr;
	_ =	strace $0xD0000000  }
0x3: {  	_ = 	snop  }
0x4: {  	_ = 	snop  }
0x5: {  	_ = 	snop  }
0x6: {  	_ = 	snop  }
0x7: {  	_ = 	snop  }
__scs_overlays_trampoline_lowered:
0x8: {  	[smem:$0x3F9D] =	sst s0  }
0x9: {  	[smem:$0x3F9E] =	sst s1  }
0xa: {  	[smem:$0x3F9F] =	sst s2  }
0xb: {  	[smem:$0x3FA0] =	sst s3  }
0xc: {  	[smem:$0x3FA1] =	sst s4  }
0xd: {  	[smem:$0x3FA2] =	sst s5  }
0xe: {  	[smem:$0x3FA3] =	sst s6  }
0xf: {  	[smem:$0x3FA4] =	sst s7  }
0x10: {  	[smem:$0x3FA5] =	sst s8  }
0x11: {  	[smem:$0x3FA6] =	sst s9;
	s0 =	simm.s32 @!p0 $0x0  }
0x12: {  	s1 =	sld [smem:$0x3F8C];
	s0 =	simm.s32 @p0 $0x1  }
0x13: {  	[smem:$0x3FA7] =	sst s0;
	s0 =	simm.s32 @!p1 $0x0  }
0x14: {  	s2 =	sld [smem:$0x3F8B];
	s0 =	simm.s32 @p1 $0x1  }
0x15: {  	[smem:$0x3FA8] =	sst s0;
	s0 =	simm.s32 @!p2 $0x0  }
0x16: {  	s3 =	sld [smem:$0x3FDB];
	s0 =	simm.s32 @p2 $0x1  }
0x17: {  	s4 =	simm.s32 $0x1BF5;
	[smem:$0x3FAA] =	sst s0  }
0x18: {  	s0 =	sld [smem:$0x3F8D];
	_ =	swait.ge [sflag:s4], $0x0  }
0x19: {  	s7 =	sld [smem:$0x3F8E]  }
0x1a: {  	s8 =	sadd.s32 $0xFFFFE003, lr  }
0x1b: {  	s9 =	sadd.s32 $0xFFFFFEF7, lr;
	s5 =	simm.s32 $0xFFFFFFFF;
	p2 =	slt.u32 s8, $0xFFFFF086  }
0x1c: {  	p1 =	slt.u32 s9, $0xF7A;
	s5 =	simm.s32 @!p2 $0x0  }
0x1d: {  	s5 =	simm.s32 @p1 $0x1;
	p0 =	seq.s32 s7, s2  }
0x1e: {  	s7 =	smul.u32 @!p0 $0xF7A, s2;
	p2 =	seq.s32 @!p0 s5, $0x0  }
0x1f: {  	s9 =	smul.u32 $0xF7A, s1;
	s8 =	simm.s32 @!p0 $0x1BF5;
	p2 =	por !p2, p0  }
0x20: {  	[sflag:s8] =	ssyncset.s32 @!p0 $0xFFFFF086;
	s6 =	sadd.s32 @!p0 s3, s7;
	s7 =	simm.s32 @!p0 $0x108  }
0x21: {  	s3 =	sadd.s32 s3, s9;
	s6 =	sadd.s32 @!p0 $0x88, s6;
	s7 =	simm.s32 @p2 $0x1082  }
0x22: {  	[simem:s7], [sflag:s8] =	dma.local @!p0 [hbm:s6], $0xF7A  }
0x23: {  	s9 =	sor.u32 $0xD0000000, s2;
	s6 =	simm.s32 $0x108;
	_ =	swait.ge @!p0 [sflag:s8], $0x0  }
0x24: {  	s3 =	sadd.s32 $0x88, s3;
	s6 =	simm.s32 @!p1 $0x1082;
	[sflag:s4] =	ssyncset.s32 $0xFFFFF086  }
0x25: {  	[simem:s6], [sflag:s4] =	dma.local [hbm:s3], $0xF7A  }
0x26: {  	[smem:$0x3F8E] =	sst s1;
	(tag) =	ssettag s2;
	_ =	strace s9  }
0x27: {  	s1 =	sld [smem:$0x3F9E]  }
0x28: {  	s2 =	sld [smem:$0x3F9F]  }
0x29: {  	s4 =	sld [smem:$0x3FA1]  }
0x2a: {  	p0 =	seq.s32 s5, $0x0;
	s5 =	sld [smem:$0x3FA2]  }
0x2b: {  	s6 =	sld [smem:$0x3FA3]  }
0x2c: {  	s7 =	sld [smem:$0x3FA4]  }
0x2d: {  	s3 =	simm.s32 $0x108;
	s8 =	sld [smem:$0x3FA5]  }
0x2e: {  	s3 =	simm.s32 @!p0 $0x1082;
	s9 =	sld [smem:$0x3FA6]  }
0x2f: {  	lr =	sadd.s32 s0, s3;
	s0 =	sld [smem:$0x3F9D]  }
0x30: {  	s3 =	sld [smem:$0x3FA0]  }
0x31: {  	[smem:$0x3FA9] =	sst s10  }
0x32: {  	s10 =	sld [smem:$0x3FA7];
	_ =	sdelay $0x3  }
0x33: {  	p0 =	seq.s32 s10, $0x1;
	s10 =	sld [smem:$0x3FA9];
	_ =	sdelay $0x3  }
0x34: {  	[smem:$0x3FA9] =	sst s10  }
0x35: {  	s10 =	sld [smem:$0x3FA8];
	_ =	sdelay $0x3  }
0x36: {  	p1 =	seq.s32 s10, $0x1;
	s10 =	sld [smem:$0x3FA9];
	_ =	sdelay $0x3  }
0x37: {  	[smem:$0x3FA9] =	sst s10  }
0x38: {  	s10 =	sld [smem:$0x3FAA]  }
0x39: {  	_ = 	snop;
	(pc) =	sbr.ind lr, $3  }
0x3a: {  	_ = 	snop  }
0x3b: {  	_ = 	snop  }
0x3c: {  	p2 =	seq.s32 s10, $0x1;
	s10 =	sld [smem:$0x3FA9]  }
0x3d: {  	_ =	shalt  }
0x3e: {  	_ =	shalt  }
0x3f: {  	_ =	shalt  }
0x40: {  	_ =	shalt  }
0x41: {  	_ =	shalt  }
0x42: {  	_ =	shalt  }
0x43: {  	_ =	shalt  }
0x44: {  	_ =	shalt  }
0x45: {  	_ =	shalt  }
0x46: {  	_ =	shalt  }
0x47: {  	_ =	shalt  }
0x48: {  	_ =	shalt  }
0x49: {  	_ =	shalt  }
0x4a: {  	_ =	shalt  }
0x4b: {  	_ =	shalt  }
0x4c: {  	_ =	shalt  }
0x4d: {  	_ =	shalt  }
0x4e: {  	_ =	shalt  }
0x4f: {  	_ =	shalt  }
0x50: {  	_ =	shalt  }
0x51: {  	_ =	shalt  }
0x52: {  	_ =	shalt  }
0x53: {  	_ =	shalt  }
0x54: {  	_ =	shalt  }
0x55: {  	_ =	shalt  }
0x56: {  	_ =	shalt  }
0x57: {  	_ =	shalt  }
0x58: {  	_ =	shalt  }
0x59: {  	_ =	shalt  }
0x5a: {  	_ =	shalt  }
0x5b: {  	_ =	shalt  }
0x5c: {  	_ =	shalt  }
0x5d: {  	_ =	shalt  }
0x5e: {  	_ =	shalt  }
0x5f: {  	_ =	shalt  }
0x60: {  	_ =	shalt  }
0x61: {  	_ =	shalt  }
0x62: {  	_ =	shalt  }
0x63: {  	_ =	shalt  }
0x64: {  	_ =	shalt  }
0x65: {  	_ =	shalt  }
0x66: {  	_ =	shalt  }
0x67: {  	_ =	shalt  }
0x68: {  	_ =	shalt  }
0x69: {  	_ =	shalt  }
0x6a: {  	_ =	shalt  }
0x6b: {  	_ =	shalt  }
0x6c: {  	_ =	shalt  }
0x6d: {  	_ =	shalt  }
0x6e: {  	_ =	shalt  }
0x6f: {  	_ =	shalt  }
0x70: {  	_ =	shalt  }
0x71: {  	_ =	shalt  }
0x72: {  	_ =	shalt  }
0x73: {  	_ =	shalt  }
0x74: {  	_ =	shalt  }
0x75: {  	_ =	shalt  }
0x76: {  	_ =	shalt  }
0x77: {  	_ =	shalt  }
0x78: {  	_ =	shalt  }
0x79: {  	_ =	shalt  }
0x7a: {  	_ =	shalt  }
0x7b: {  	_ =	shalt  }
0x7c: {  	_ =	shalt  }
0x7d: {  	_ =	shalt  }
0x7e: {  	_ =	shalt  }
0x7f: {  	_ =	shalt  }
0x80: {  	_ =	shalt  }
0x81: {  	_ =	shalt  }
0x82: {  	_ =	shalt  }
0x83: {  	_ =	shalt  }
0x84: {  	_ =	shalt  }
0x85: {  	_ =	shalt  }
0x86: {  	_ =	shalt  }
0x87: {  	_ =	shalt  }
.Lfunc_end0:
.L_simem_size_0:
called_computation_lowered:
.L_overlay_start_0:
0x88: {  	s2 =	sld [smem:$0x3FD9]  }
0x89: {  	s3 =	sld [smem:$0x3FFE];
	_ =	sdelay $0x1  }
0x8a: {  	s1 =	srdreg.scid  }
0x8b: {  	s0 =	sand.u32 $0x1, s1  }
0x8c: {  	s16 =	sshll.u32 s0, $0xA;
	s2 =	sadd.s32 s3, s2  }
0x8d: {  	s2 =	sadd.s32 s2, s16  }
0x8e: {  	[smem:$0x3FB5] =	sst s2  }
0x8f: {  	_ = 	snop  }
0x90: {  	(tm) =	ssettm $0x1  }
0x91: {  	s17 =	sld [smem:$0x3FFB];
	_ =	sdelay $0x3  }
0x92: {  	_ =	strace s17  }
0x93: {  	s2 =	sld [smem:$0x3FFC];
	_ =	sdelay $0x3  }
0x94: {  	_ =	strace s2  }
0x95: {  	s2 =	sld [smem:$0x3FFD];
	_ =	sdelay $0x3  }
0x96: {  	_ =	strace s2  }
0x97: {  	_ =	strace $0x8FFFFFFF  }
0x98: {  	s18 =	sld [smem:$0x3FDB];
	_ =	sdelay $0x1  }
0x99: {  	s19 =	simm.s32 $_scs_section_size  }
0x9a: {  	s4 =	simm.s32 $_size__tile_overlayer_lowered;
	s5 =	simm.s32 $_tile_overlayer_lowered  }
0x9b: {  	s22 =	simm.s32 $0x1BFF;
	s21 =	sshll.u32 s5, $0x1;
	s2 =	sadd.s32 s19, s18  }
0x9c: {  	s6 =	simm.s32 $0x0;
	s20 =	sshll.u32 s4, $0x1;
	s4 =	sadd.s32 s21, s2  }
0x9d: {  	[timem:s6], [sflag:s22] =	dma.local [hbm:s4], s20  }
0x9e: {  	_ =	swait.ge [sflag:s22], s20  }
0x9f: {  	s3 =	ssub.s32 $0x0, s20;
	[sflag:s22] =	ssyncset.done $0x0  }
0xa0: {  	[sflag:s22] =	ssyncadd.s32 s3;
	_ =	sdelay $0x1  }
0xa1: {  	s23 =	simm.s32 $0x1B8B  }
0xa2: {  	_ =	swait.ge [sflag:s23], $0x1  }
0xa3: {  	[sflag:s23] =	ssyncset.done $0x0  }
0xa4: {  	s25 =	simm.s32 $0x1B8E;
	s24 =	sld [smem:$0x3FFE];
	[sflag:s23] =	ssyncadd.s32 $0xFFFFFFFF  }
0xa5: {  	s26 =	simm.s32 $execute0_lowered;
	[smem:$0x3FD2] =	sst s25  }
0xa6: {  	s4 =	sshll.u32 s26, $0x1;
	_ =	strace $0x80000046;
	[dreg:$0x1] =	wrdreg $0xFFFFFFFF  }
0xa7: {  	s28 =	simm.s32 $_size_execute0_lowered;
	s2 =	sadd.s32 s2, s4;
	[dreg:$0x0] =	wrdreg $0x0  }
0xa8: {  	s4 =	sshll.u32 s28, $0x1;
	[dreg:$0x2] =	wrdreg s2  }
0xa9: {  	[dreg:$0x3] =	wrdreg s4  }
0xaa: {  	[dreg:$0x4] =	wrdreg $0xC0  }
0xab: {  	_ =	task [dreg:s6], $0x5FFFF  }
0xac: {  	[dreg:$0x1] =	wrdreg $0xFFFFFFFF  }
0xad: {  	[dreg:$0x0] =	wrdreg $0x60  }
0xae: {  	[dreg:$0x2] =	wrdreg s24  }
0xaf: {  	[dreg:$0x3] =	wrdreg $0x50800  }
0xb0: {  	[dreg:$0x4] =	wrdreg $0x9  }
0xb1: {  	_ =	task.clear_ibuf [dreg:s6], $0x5FFFF;
	_ =	strace $0x90000046  }
0xb2: {  	s29 =	simm.s32 $0x9;
	_ =	strace $0x80000048  }
0xb3: {  	_ =	swait.ge [sflag:s29], $0x1  }
0xb4: {  	[sflag:s29] =	ssyncadd.s32 $0xFFFFFFFF  }
0xb5: {  	_ =	strace $0x90000048  }
0xb6: {  	_ =	sfence  }
0xb7: {  	s30 =	sld [smem:$0x0];
	_ =	sdelay $0x2  }
0xb8: {  	s31 =	sshll.u32 s1, $0xD;
	s1 =	sshrl.u32 s1, $0x2  }
0xb9: {  	s3 =	sand.u32 $0x4000, s31;
	s1 =	sadd.s32 s1, s30  }
0xba: {  	s0 =	sor.u32 s3, s0;
	s1 =	sshll.u32 s1, $0x11  }
0xbb: {  	s0 =	sor.u32 s1, s0  }
0xbc: {  	s0 =	sadd.s32 $0x8F2B, s0  }
0xbd: {  	[sflag:s0] =	ssyncadd.remote.s32 $0x1  }
0xbe: {  	_ =	sfence.sel $0xFFFF  }
0xbf: {  	[dreg:$0x0] =	wrdreg $0xFFFFFFFF;
	(pc) =	sbr.abs _section_cstart, $3  }
0xc0: {  	[dreg:$0x1] =	wrdreg $0xFFFFFFFF  }
0xc1: {  	_ =	task.clear_ibuf [dreg:s6], $0x2FFFF;
	_ =	strace $0x9FFFFFFF  }
0xc2: {  	(tm) =	ssettm $0x7FFFFFFF  }
0xc3: {  	_ =	shalt  }
tec
execute0_lowered:
.L_overlay_start_1:
0x0: {  	(tag) =	ssettag $0x1  }
0x1: {  	s4 =	rddreg [dreg:$0x0]  }
0x2: {  	s2 =	rddreg [dreg:$0x1]  }
0x3: {  	s0 =	rddreg [dreg:$0x2];
	s1 =	stileid.u32  }
0x4: {  	s5 =	srdreg.scid;
	s3 =	simm.s32 $0x0;
	s11 =	simm.s32 $0x50  }
0x5: {  	s12 =	simm.s32 $0x80;
	s14 =	simm.s32 $0x0;
	s6 =	smul.u32 $0x4E2, s1  }
0x6: {  	s5 =	sand.u32 $0x1, s5;
	[smem:$0x7FF] =	sst s3;
	s9 =	smul.u32 $0x50000, s1  }
0x7: {  	p0 =	seq.s32 s1, $0xF;
	s10 =	smul.u32 $0x2800, s1;
	s13 =	sshll.u32 s1, $0x6  }
0x8: {  	s7 =	smul.u32 $0x27100, s5;
	_ =	strace $0x80000047;
	s5 =	ssub.s32 $0x2, s5  }
0x9: {  	s13 =	sor.u32 $0x1C01, s13;
	s8 =	sadd.s32 s6, s4;
	s29 =	sshrl.u32 s5, $0x1  }
0xa: {  	s30 =	sshrl.u32 s9, $0x2;
	s9 =	simm.s32 $0x2880;
	s7 =	sadd.s32 s7, s4  }
0xb: {  	s4 =	simm.s32 $0x5;
	s5 =	ssub.s32 s5, s29;
	s6 =	sadd.s32 s30, s2  }
0xc: {  	s4 =	simm.s32 @!p0 $0x8;
	s5 =	smax.u32 s5, $0x1;
	s31 =	sadd.s32 s10, s7  }
0xd: {  	v0 =	vimm.f32 $0.0e+00;
	v1 =	vimm.f32 $1.000000000e+00;
	s7 =	sadd.s32 $0x3A00, s8;
	s10 =	simm.s32 $0x1;
	s8 =	sadd.s32 $0x8A00, s31  }
.LBB2_1:
0xe: {  	s15 =	simm.s32 $0x0;
	s16 =	simm.s32 $0x200  }
.LBB2_2:
0xf: {  	p0 =	sne.s32 s16, $0x9E00;
	[tilespmem:s15+$0x28F0] =	vst v0  }
0x10: {  	[tilespmem:s15+$0x2880] =	vst v0  }
0x11: {  	[tilespmem:s15+$0x2890] =	vst v0  }
.Ltmp0:
0x12: {  	[tilespmem:s15+$0x28A0] =	vst v0;
	(pc) =	sbr.rel @p0 .LBB2_2-.Ltmp0, $4  }
0x13: {  	[tilespmem:s15+$0x28B0] =	vst v0  }
0x14: {  	[tilespmem:s15+$0x28C0] =	vst v0  }
0x15: {  	[tilespmem:s15+$0x28D0] =	vst v0  }
0x16: {  	[tilespmem:s15+$0x28E0] =	vst v0;
	s15 =	sshra.s32 s16, $0x2;
	s16 =	sadd.s32 $0x200, s16  }
0x17: {  	[tilespmem:s15+$0x28F0] =	vst v0  }
0x18: {  	[tilespmem:s15+$0x2880] =	vst v0  }
0x19: {  	[tilespmem:s15+$0x2890] =	vst v0  }
0x1a: {  	[tilespmem:s15+$0x28A0] =	vst v0  }
0x1b: {  	[tilespmem:s15+$0x28B0] =	vst v0  }
0x1c: {  	[tilespmem:s15+$0x28C0] =	vst v0  }
0x1d: {  	[tilespmem:s15+$0x28D0] =	vst v0  }
0x1e: {  	[tilespmem:s15+$0x28E0] =	vst v0;
	s15 =	smov.u32 s6;
	s16 =	smov.u32 s4  }
.LBB2_4:
0x1f: {  	p0 =	sne.s32 s16, $0x1  }
.Ltmp1:
0x20: {  	_ = 	snop;
	(pc) =	sbr.rel @p0 .LBB2_4-.Ltmp1, $4  }
0x21: {  	[spmem:s15] =	stream.linear.scatter [tilespmem:s9], [sflag:$0x1], $0x2800, $0x38;
	[tilespmem:$0x18900] =	vst v63  }
0x22: {  	_ =	swait.ge [sflag:s10], $0x2800  }
0x23: {  	[sflag:s10] =	ssyncset.done $0x0  }
0x24: {  	s15 =	sadd.s32 $0x2800, s15;
	s16 =	sadd.s32 $0xFFFFFFFF, s16;
	[sflag:s10] =	ssyncadd.s32 $0xFFFFD800  }
0x25: {  	s15 =	simm.s32 $0x0;
	s16 =	simm.s32 $0x200  }
.LBB2_6:
0x26: {  	p0 =	sne.s32 s16, $0x9E00;
	[tilespmem:s15+$0xF0] =	vst v1  }
0x27: {  	[tilespmem:s15+$0x80] =	vst v1  }
0x28: {  	[tilespmem:s15+$0x90] =	vst v1  }
.Ltmp2:
0x29: {  	[tilespmem:s15+$0xA0] =	vst v1;
	(pc) =	sbr.rel @p0 .LBB2_6-.Ltmp2, $4  }
0x2a: {  	[tilespmem:s15+$0xB0] =	vst v1  }
0x2b: {  	[tilespmem:s15+$0xC0] =	vst v1  }
0x2c: {  	[tilespmem:s15+$0xD0] =	vst v1  }
0x2d: {  	[tilespmem:s15+$0xE0] =	vst v1;
	s15 =	sshra.s32 s16, $0x2;
	s16 =	sadd.s32 $0x200, s16  }
0x2e: {  	[tilespmem:s15+$0xF0] =	vst v1  }
0x2f: {  	[tilespmem:s15+$0x80] =	vst v1  }
0x30: {  	[tilespmem:s15+$0x90] =	vst v1  }
0x31: {  	[tilespmem:s15+$0xA0] =	vst v1  }
0x32: {  	[tilespmem:s15+$0xB0] =	vst v1  }
0x33: {  	[tilespmem:s15+$0xC0] =	vst v1  }
0x34: {  	[tilespmem:s15+$0xD0] =	vst v1  }
0x35: {  	[tilespmem:s15+$0xE0] =	vst v1  }
0x36: {  	s31 =	sadd.s32 $0x0, s7;
	[bflag:$0x0] =	sbarrier.arrive $0xFFFF  }
0x37: {  	[tilespmem:s3], [sflag:$0x1] =	stream.linear.gather [hbm4b:s31+s3], $0x50, $0x38;
	[tilespmem:$0x18900] =	vst v63  }
0x38: {  	_ =	swait.ge [sflag:s10], $0x50  }
0x39: {  	[sflag:s10] =	ssyncset.done $0x0  }
0x3a: {  	[sflag:s10] =	ssyncadd.s32 $0xFFFFFFB0  }
0x3b: {  	[spmem:s2] =	stream.indirect.scatter.add.f32 [tilespmem:s12], [sflag:$0x1], $0x80, s3, s11, $0xb8;
	[tilespmem:$0x18900] =	vst v63  }
0x3c: {  	_ =	swait.ge [sflag:s10], $0x2800  }
0x3d: {  	s15 =	simm.s32 $0xA;
	s16 =	simm.s32 $0x14;
	[sflag:s10] =	ssyncset.done $0x0  }
.LBB2_8:
0x3e: {  	s17 =	sadd.s32 s15, s7  }
0x3f: {  	[sflag:s10] =	ssyncadd.s32 $0xFFFFD800;
	s15 =	smov.u32 s16;
	s18 =	sadd.s32 $0xA, s16  }
0x40: {  	[tilespmem:s3], [sflag:$0x1] =	stream.linear.gather [hbm4b:s17+s3], $0x50, $0x38;
	[tilespmem:$0x18900] =	vst v63  }
0x41: {  	p0 =	sne.s32 s16, $0x4D8;
	_ =	swait.ge [sflag:s10], $0x50  }
.Ltmp3:
0x42: {  	[sflag:s10] =	ssyncset.done $0x0;
	(pc) =	sbr.rel @p0 .LBB2_8-.Ltmp3, $4  }
0x43: {  	[sflag:s10] =	ssyncadd.s32 $0xFFFFFFB0  }
0x44: {  	[spmem:s2] =	stream.indirect.scatter.add.f32 [tilespmem:s12], [sflag:$0x1], $0x80, s3, s11, $0xb8;
	[tilespmem:$0x18900] =	vst v63  }
0x45: {  	_ =	swait.ge [sflag:s10], $0x2800  }
0x46: {  	s16 =	smov.u32 s18;
	[sflag:s10] =	ssyncset.done $0x0  }
0x47: {  	s15 =	sadd.s32 s15, s7;
	[sflag:s10] =	ssyncadd.s32 $0xFFFFD800  }
0x48: {  	[tilespmem:s3], [sflag:$0x1] =	stream.linear.gather [hbm4b:s15+s3], $0x50, $0x38;
	[tilespmem:$0x18900] =	vst v63  }
0x49: {  	_ =	swait.ge [sflag:s10], $0x50  }
0x4a: {  	[sflag:s10] =	ssyncset.done $0x0  }
0x4b: {  	[sflag:s10] =	ssyncadd.s32 $0xFFFFFFB0  }
0x4c: {  	[spmem:s2] =	stream.indirect.scatter.add.f32 [tilespmem:s12], [sflag:$0x1], $0x80, s3, s11, $0xb8;
	[tilespmem:$0x18900] =	vst v63  }
0x4d: {  	_ =	swait.ge [sflag:s10], $0x2800  }
0x4e: {  	p0 =	sne.s32 s4, $0x1;
	[sflag:s10] =	ssyncset.done $0x0  }
.Ltmp4:
0x4f: {  	[sflag:s10] =	ssyncadd.s32 $0xFFFFD800;
	(pc) =	sbr.rel @!p0 .LBB2_11-.Ltmp4, $4  }
0x50: {  	s31 =	sshrl.u32 s6, $0x3;
	[bflag:$0x0] =	sbarrier.arrive $0xFFFF  }
0x51: {  	[hbm:s8], [sflag:s13] =	dma.local [spmem:s31], $0x500  }
0x52: {  	s16 =	sadd.s32 $0x2800, s6;
	_ =	swait.ge [sflag:s10], $0x500  }
0x53: {  	s17 =	smov.u32 s8;
	s15 =	sadd.s32 $0xFFFFFFFF, s4;
	[sflag:s10] =	ssyncset.done $0x0  }
.LBB2_10:
0x54: {  	s18 =	sshrl.u32 s16, $0x3  }
0x55: {  	[sflag:s10] =	ssyncadd.s32 $0xFFFFFB00;
	s17 =	sadd.s32 $0x500, s17;
	p0 =	sne.s32 s15, $0x1  }
0x56: {  	[hbm:s17], [sflag:s13] =	dma.local [spmem:s18], $0x500  }
.Ltmp5:
0x57: {  	_ = 	snop;
	(pc) =	sbr.rel @p0 .LBB2_10-.Ltmp5, $4  }
0x58: {  	_ = 	snop  }
0x59: {  	s15 =	sadd.s32 $0xFFFFFFFF, s15  }
0x5a: {  	_ =	swait.ge [sflag:s10], $0x500  }
0x5b: {  	s16 =	sadd.s32 $0x2800, s16;
	[sflag:s10] =	ssyncset.done $0x0  }
.LBB2_11:
0x5c: {  	s14 =	sadd.s32 $0x1, s14  }
0x5d: {  	p0 =	sne.s32 s14, s5  }
.Ltmp6:
0x5e: {  	_ = 	snop;
	(pc) =	sbr.rel @p0 .LBB2_1-.Ltmp6, $2  }
0x5f: {  	_ =	sdelay $0x2  }
0x60: {  	[sflag:s10] =	ssyncadd.s32 $0xFFFFFB00  }
0x61: {  	_ =	sfence.sel $0x180000  }
0x62: {  	[bflag:$0x0] =	sbarrier.arrive $0xFFFF  }
0x63: {  	p0 =	sne.s32 s1, $0x0;
	_ =	strace $0x90000047  }
0x64: {  	s0 =	sadd.s32 @!p0 $0x100000, s0;
	[bflag:$0x2] =	sbarrier.arrive $0xFFFF  }
0x65: {  	[sflag:s0] =	ssyncadd.tile.s32 @!p0 $0x1;
	_ =	shalt  }
.Lfunc_end2:
_tile_overlayer_lowered:
.L_overlay_start_2:
0x66: {  	(tag) =	ssettag $0x2  }
0x67: {  	s0 =	rddreg [dreg:$0x0];
	s2 =	stileid.u32  }
0x68: {  	s1 =	rddreg [dreg:$0x1];
	p0 =	sne.s32 s2, $0x0  }
0x69: {  	s3 =	rddreg [dreg:$0x2];
	[bflag:$0x3] =	sbarrier.arrive $0xFFFF;
	s2 =	simm.s32 @!p0 $0x1C01  }
0x6a: {  	[timem:s3], [sflag:s2] =	dma.local @!p0 [hbm:s0], s1  }
0x6b: {  	s0 =	simm.s32 @!p0 $0x1  }
0x6c: {  	_ =	swait.ge @!p0 [sflag:s0], s1  }
0x6d: {  	s1 =	ssub.s32 @!p0 $0x0, s1;
	[sflag:s0] =	ssyncset.done @!p0 $0x0  }
0x6e: {  	[sflag:s0] =	ssyncadd.s32 @!p0 s1  }
0x6f: {  	[bflag:$0x3] =	sbarrier.arrive $0xFFFF  }
0x70: {  	_ =	shalt  }

// kernel: kernel.14.cloned.1.call-start
scs
__scs_entry_jumppad:
0x0: {  	(pc) =	sbr.rel $0x88, $3  }
0x1: {  	(tag) =	ssettag $0x0;
	lr =	simm.s32 $0x1  }
0x2: {  	[smem:$0x3F8E] =	sst lr;
	_ =	strace $0xD0000000  }
0x3: {  	_ = 	snop  }
0x4: {  	_ = 	snop  }
0x5: {  	_ = 	snop  }
0x6: {  	_ = 	snop  }
0x7: {  	_ = 	snop  }
__scs_overlays_trampoline_lowered:
0x8: {  	[smem:$0x3F9D] =	sst s0  }
0x9: {  	[smem:$0x3F9E] =	sst s1  }
0xa: {  	[smem:$0x3F9F] =	sst s2  }
0xb: {  	[smem:$0x3FA0] =	sst s3  }
0xc: {  	[smem:$0x3FA1] =	sst s4  }
0xd: {  	[smem:$0x3FA2] =	sst s5  }
0xe: {  	[smem:$0x3FA3] =	sst s6  }
0xf: {  	[smem:$0x3FA4] =	sst s7  }
0x10: {  	[smem:$0x3FA5] =	sst s8  }
0x11: {  	[smem:$0x3FA6] =	sst s9;
	s0 =	simm.s32 @!p0 $0x0  }
0x12: {  	s1 =	sld [smem:$0x3F8C];
	s0 =	simm.s32 @p0 $0x1  }
0x13: {  	[smem:$0x3FA7] =	sst s0;
	s0 =	simm.s32 @!p1 $0x0  }
0x14: {  	s2 =	sld [smem:$0x3F8B];
	s0 =	simm.s32 @p1 $0x1  }
0x15: {  	[smem:$0x3FA8] =	sst s0;
	s0 =	simm.s32 @!p2 $0x0  }
0x16: {  	s3 =	sld [smem:$0x3FDB];
	s0 =	simm.s32 @p2 $0x1  }
0x17: {  	s4 =	simm.s32 $0x1BF5;
	[smem:$0x3FAA] =	sst s0  }
0x18: {  	s0 =	sld [smem:$0x3F8D];
	_ =	swait.ge [sflag:s4], $0x0  }
0x19: {  	s7 =	sld [smem:$0x3F8E]  }
0x1a: {  	s8 =	sadd.s32 $0xFFFFE003, lr  }
0x1b: {  	s9 =	sadd.s32 $0xFFFFFEF7, lr;
	s5 =	simm.s32 $0xFFFFFFFF;
	p2 =	slt.u32 s8, $0xFFFFF086  }
0x1c: {  	p1 =	slt.u32 s9, $0xF7A;
	s5 =	simm.s32 @!p2 $0x0  }
0x1d: {  	s5 =	simm.s32 @p1 $0x1;
	p0 =	seq.s32 s7, s2  }
0x1e: {  	s7 =	smul.u32 @!p0 $0xF7A, s2;
	p2 =	seq.s32 @!p0 s5, $0x0  }
0x1f: {  	s9 =	smul.u32 $0xF7A, s1;
	s8 =	simm.s32 @!p0 $0x1BF5;
	p2 =	por !p2, p0  }
0x20: {  	[sflag:s8] =	ssyncset.s32 @!p0 $0xFFFFF086;
	s6 =	sadd.s32 @!p0 s3, s7;
	s7 =	simm.s32 @!p0 $0x108  }
0x21: {  	s3 =	sadd.s32 s3, s9;
	s6 =	sadd.s32 @!p0 $0x88, s6;
	s7 =	simm.s32 @p2 $0x1082  }
0x22: {  	[simem:s7], [sflag:s8] =	dma.local @!p0 [hbm:s6], $0xF7A  }
0x23: {  	s9 =	sor.u32 $0xD0000000, s2;
	s6 =	simm.s32 $0x108;
	_ =	swait.ge @!p0 [sflag:s8], $0x0  }
0x24: {  	s3 =	sadd.s32 $0x88, s3;
	s6 =	simm.s32 @!p1 $0x1082;
	[sflag:s4] =	ssyncset.s32 $0xFFFFF086  }
0x25: {  	[simem:s6], [sflag:s4] =	dma.local [hbm:s3], $0xF7A  }
0x26: {  	[smem:$0x3F8E] =	sst s1;
	(tag) =	ssettag s2;
	_ =	strace s9  }
0x27: {  	s1 =	sld [smem:$0x3F9E]  }
0x28: {  	s2 =	sld [smem:$0x3F9F]  }
0x29: {  	s4 =	sld [smem:$0x3FA1]  }
0x2a: {  	p0 =	seq.s32 s5, $0x0;
	s5 =	sld [smem:$0x3FA2]  }
0x2b: {  	s6 =	sld [smem:$0x3FA3]  }
0x2c: {  	s7 =	sld [smem:$0x3FA4]  }
0x2d: {  	s3 =	simm.s32 $0x108;
	s8 =	sld [smem:$0x3FA5]  }
0x2e: {  	s3 =	simm.s32 @!p0 $0x1082;
	s9 =	sld [smem:$0x3FA6]  }
0x2f: {  	lr =	sadd.s32 s0, s3;
	s0 =	sld [smem:$0x3F9D]  }
0x30: {  	s3 =	sld [smem:$0x3FA0]  }
0x31: {  	[smem:$0x3FA9] =	sst s10  }
0x32: {  	s10 =	sld [smem:$0x3FA7];
	_ =	sdelay $0x3  }
0x33: {  	p0 =	seq.s32 s10, $0x1;
	s10 =	sld [smem:$0x3FA9];
	_ =	sdelay $0x3  }
0x34: {  	[smem:$0x3FA9] =	sst s10  }
0x35: {  	s10 =	sld [smem:$0x3FA8];
	_ =	sdelay $0x3  }
0x36: {  	p1 =	seq.s32 s10, $0x1;
	s10 =	sld [smem:$0x3FA9];
	_ =	sdelay $0x3  }
0x37: {  	[smem:$0x3FA9] =	sst s10  }
0x38: {  	s10 =	sld [smem:$0x3FAA]  }
0x39: {  	_ = 	snop;
	(pc) =	sbr.ind lr, $3  }
0x3a: {  	_ = 	snop  }
0x3b: {  	_ = 	snop  }
0x3c: {  	p2 =	seq.s32 s10, $0x1;
	s10 =	sld [smem:$0x3FA9]  }
0x3d: {  	_ =	shalt  }
0x3e: {  	_ =	shalt  }
0x3f: {  	_ =	shalt  }
0x40: {  	_ =	shalt  }
0x41: {  	_ =	shalt  }
0x42: {  	_ =	shalt  }
0x43: {  	_ =	shalt  }
0x44: {  	_ =	shalt  }
0x45: {  	_ =	shalt  }
0x46: {  	_ =	shalt  }
0x47: {  	_ =	shalt  }
0x48: {  	_ =	shalt  }
0x49: {  	_ =	shalt  }
0x4a: {  	_ =	shalt  }
0x4b: {  	_ =	shalt  }
0x4c: {  	_ =	shalt  }
0x4d: {  	_ =	shalt  }
0x4e: {  	_ =	shalt  }
0x4f: {  	_ =	shalt  }
0x50: {  	_ =	shalt  }
0x51: {  	_ =	shalt  }
0x52: {  	_ =	shalt  }
0x53: {  	_ =	shalt  }
0x54: {  	_ =	shalt  }
0x55: {  	_ =	shalt  }
0x56: {  	_ =	shalt  }
0x57: {  	_ =	shalt  }
0x58: {  	_ =	shalt  }
0x59: {  	_ =	shalt  }
0x5a: {  	_ =	shalt  }
0x5b: {  	_ =	shalt  }
0x5c: {  	_ =	shalt  }
0x5d: {  	_ =	shalt  }
0x5e: {  	_ =	shalt  }
0x5f: {  	_ =	shalt  }
0x60: {  	_ =	shalt  }
0x61: {  	_ =	shalt  }
0x62: {  	_ =	shalt  }
0x63: {  	_ =	shalt  }
0x64: {  	_ =	shalt  }
0x65: {  	_ =	shalt  }
0x66: {  	_ =	shalt  }
0x67: {  	_ =	shalt  }
0x68: {  	_ =	shalt  }
0x69: {  	_ =	shalt  }
0x6a: {  	_ =	shalt  }
0x6b: {  	_ =	shalt  }
0x6c: {  	_ =	shalt  }
0x6d: {  	_ =	shalt  }
0x6e: {  	_ =	shalt  }
0x6f: {  	_ =	shalt  }
0x70: {  	_ =	shalt  }
0x71: {  	_ =	shalt  }
0x72: {  	_ =	shalt  }
0x73: {  	_ =	shalt  }
0x74: {  	_ =	shalt  }
0x75: {  	_ =	shalt  }
0x76: {  	_ =	shalt  }
0x77: {  	_ =	shalt  }
0x78: {  	_ =	shalt  }
0x79: {  	_ =	shalt  }
0x7a: {  	_ =	shalt  }
0x7b: {  	_ =	shalt  }
0x7c: {  	_ =	shalt  }
0x7d: {  	_ =	shalt  }
0x7e: {  	_ =	shalt  }
0x7f: {  	_ =	shalt  }
0x80: {  	_ =	shalt  }
0x81: {  	_ =	shalt  }
0x82: {  	_ =	shalt  }
0x83: {  	_ =	shalt  }
0x84: {  	_ =	shalt  }
0x85: {  	_ =	shalt  }
0x86: {  	_ =	shalt  }
0x87: {  	_ =	shalt  }
.Lfunc_end0:
.L_simem_size_0:
called_computation.1_lowered:
.L_overlay_start_0:
0x88: {  	s2 =	sld [smem:$0x3FD9]  }
0x89: {  	s3 =	sld [smem:$0x3FFE];
	_ =	sdelay $0x1  }
0x8a: {  	s1 =	srdreg.scid  }
0x8b: {  	s0 =	sand.u32 $0x1, s1  }
0x8c: {  	s16 =	sshll.u32 s0, $0xA;
	s2 =	sadd.s32 s3, s2  }
0x8d: {  	s2 =	sadd.s32 s2, s16  }
0x8e: {  	[smem:$0x3FB5] =	sst s2  }
0x8f: {  	_ = 	snop  }
0x90: {  	(tm) =	ssettm $0x1  }
0x91: {  	s17 =	sld [smem:$0x3FFB];
	_ =	sdelay $0x3  }
0x92: {  	_ =	strace s17  }
0x93: {  	s2 =	sld [smem:$0x3FFC];
	_ =	sdelay $0x3  }
0x94: {  	_ =	strace s2  }
0x95: {  	s2 =	sld [smem:$0x3FFD];
	_ =	sdelay $0x3  }
0x96: {  	_ =	strace s2  }
0x97: {  	_ =	strace $0x8FFFFFFF  }
0x98: {  	s18 =	sld [smem:$0x3FDB];
	_ =	sdelay $0x1  }
0x99: {  	s19 =	simm.s32 $_scs_section_size  }
0x9a: {  	s4 =	simm.s32 $_size__tile_overlayer_lowered;
	s5 =	simm.s32 $_tile_overlayer_lowered  }
0x9b: {  	s22 =	simm.s32 $0x1BFF;
	s21 =	sshll.u32 s5, $0x1;
	s2 =	sadd.s32 s19, s18  }
0x9c: {  	s6 =	simm.s32 $0x0;
	s20 =	sshll.u32 s4, $0x1;
	s4 =	sadd.s32 s21, s2  }
0x9d: {  	[timem:s6], [sflag:s22] =	dma.local [hbm:s4], s20  }
0x9e: {  	_ =	swait.ge [sflag:s22], s20  }
0x9f: {  	s3 =	ssub.s32 $0x0, s20;
	[sflag:s22] =	ssyncset.done $0x0  }
0xa0: {  	[sflag:s22] =	ssyncadd.s32 s3;
	_ =	sdelay $0x1  }
0xa1: {  	s23 =	simm.s32 $0x1B8B  }
0xa2: {  	_ =	swait.ge [sflag:s23], $0x1  }
0xa3: {  	[sflag:s23] =	ssyncset.done $0x0  }
0xa4: {  	s25 =	simm.s32 $0x1B8E;
	s24 =	sld [smem:$0x3FFE];
	[sflag:s23] =	ssyncadd.s32 $0xFFFFFFFF  }
0xa5: {  	s26 =	simm.s32 $execute0_lowered;
	[smem:$0x3FD2] =	sst s25  }
0xa6: {  	s4 =	sshll.u32 s26, $0x1;
	_ =	strace $0x80000049;
	[dreg:$0x1] =	wrdreg $0xFFFFFFFF  }
0xa7: {  	s28 =	simm.s32 $_size_execute0_lowered;
	s2 =	sadd.s32 s2, s4;
	[dreg:$0x0] =	wrdreg $0x0  }
0xa8: {  	s4 =	sshll.u32 s28, $0x1;
	[dreg:$0x2] =	wrdreg s2  }
0xa9: {  	[dreg:$0x3] =	wrdreg s4  }
0xaa: {  	[dreg:$0x4] =	wrdreg $0xC0  }
0xab: {  	_ =	task [dreg:s6], $0x5FFFF  }
0xac: {  	[dreg:$0x1] =	wrdreg $0xFFFFFFFF  }
0xad: {  	[dreg:$0x0] =	wrdreg $0x60  }
0xae: {  	[dreg:$0x2] =	wrdreg s24  }
0xaf: {  	[dreg:$0x3] =	wrdreg $0xA1800  }
0xb0: {  	[dreg:$0x4] =	wrdreg $0x9  }
0xb1: {  	_ =	task.clear_ibuf [dreg:s6], $0x5FFFF;
	_ =	strace $0x90000049  }
0xb2: {  	s29 =	simm.s32 $0x9;
	_ =	strace $0x8000004B  }
0xb3: {  	_ =	swait.ge [sflag:s29], $0x1  }
0xb4: {  	[sflag:s29] =	ssyncadd.s32 $0xFFFFFFFF  }
0xb5: {  	_ =	strace $0x9000004B  }
0xb6: {  	_ =	sfence  }
0xb7: {  	s30 =	sld [smem:$0x0];
	_ =	sdelay $0x2  }
0xb8: {  	s31 =	sshll.u32 s1, $0xD;
	s1 =	sshrl.u32 s1, $0x2  }
0xb9: {  	s3 =	sand.u32 $0x4000, s31;
	s1 =	sadd.s32 s1, s30  }
0xba: {  	s0 =	sor.u32 s3, s0;
	s1 =	sshll.u32 s1, $0x11  }
0xbb: {  	s0 =	sor.u32 s1, s0  }
0xbc: {  	s0 =	sadd.s32 $0x8F2B, s0  }
0xbd: {  	[sflag:s0] =	ssyncadd.remote.s32 $0x1  }
0xbe: {  	_ =	sfence.sel $0xFFFF  }
0xbf: {  	[dreg:$0x0] =	wrdreg $0xFFFFFFFF;
	(pc) =	sbr.abs _section_cstart, $3  }
0xc0: {  	[dreg:$0x1] =	wrdreg $0xFFFFFFFF  }
0xc1: {  	_ =	task.clear_ibuf [dreg:s6], $0x2FFFF;
	_ =	strace $0x9FFFFFFF  }
0xc2: {  	(tm) =	ssettm $0x7FFFFFFF  }
0xc3: {  	_ =	shalt  }
tec
execute0_lowered:
.L_overlay_start_1:
0x0: {  	(tag) =	ssettag $0x1  }
0x1: {  	s10 =	rddreg [dreg:$0x0]  }
0x2: {  	s1 =	rddreg [dreg:$0x1]  }
0x3: {  	s0 =	rddreg [dreg:$0x2];
	s2 =	simm.s32 $0x0;
	s6 =	srdreg.scid  }
0x4: {  	s17 =	simm.s32 $0x2;
	s18 =	simm.s32 $0x80;
	s19 =	simm.s32 $0x100  }
0x5: {  	s20 =	simm.s32 $0x50;
	s21 =	simm.s32 $0x180;
	s22 =	simm.s32 $0x2980  }
0x6: {  	s23 =	simm.s32 $0x5180;
	s24 =	simm.s32 $0x1;
	[smem:$0x7FF] =	sst s2  }
0x7: {  	s3 =	sadd.s32 $0x8A00, s10;
	s4 =	sadd.s32 $0x68E00, s10;
	s12 =	sand.u32 $0x1, s6  }
0x8: {  	s5 =	sadd.s32 $0x59400, s10;
	s6 =	stileid.u32;
	s11 =	smul.u32 $0x27100, s12  }
0x9: {  	s7 =	sadd.s32 $0x97C00, s10;
	s8 =	sadd.s32 $0x9CC00, s10;
	s15 =	smul.u32 $0x50000, s6  }
0xa: {  	s9 =	sadd.s32 $0x56C00, s10;
	_ =	strace $0x8000004A;
	s16 =	smul.u32 $0x2800, s6  }
0xb: {  	s13 =	ssub.s32 $0x2, s12;
	p0 =	seq.s32 s6, $0xF;
	s12 =	smul.u32 $0x14000, s12  }
0xc: {  	s31 =	sshrl.u32 s13, $0x1;
	s14 =	sadd.s32 s11, s10;
	s10 =	simm.s32 $0x5  }
0xd: {  	s13 =	ssub.s32 s13, s31;
	s11 =	smul.u32 $0x1400, s6;
	s15 =	sshrl.u32 s15, $0x2  }
0xe: {  	s10 =	simm.s32 @!p0 $0x8;
	s16 =	sadd.s32 s16, s14;
	s13 =	smax.u32 s13, $0x1  }
0xf: {  	v0 =	vimm.f32 $0.0e+00;
	s14 =	sadd.s32 s15, s1;
	s15 =	sadd.s32 $0x1DA400, s16;
	s16 =	simm.s32 $0x7980  }
.LBB2_1:
0x10: {  	s25 =	simm.s32 $0x0;
	s26 =	simm.s32 $0x200  }
.LBB2_2:
0x11: {  	p0 =	sne.s32 s26, $0x9E00;
	[tilespmem:s25+$0x79F0] =	vst v0  }
0x12: {  	[tilespmem:s25+$0x7980] =	vst v0  }
0x13: {  	[tilespmem:s25+$0x7990] =	vst v0  }
.Ltmp0:
0x14: {  	[tilespmem:s25+$0x79A0] =	vst v0;
	(pc) =	sbr.rel @p0 .LBB2_2-.Ltmp0, $4  }
0x15: {  	[tilespmem:s25+$0x79B0] =	vst v0  }
0x16: {  	[tilespmem:s25+$0x79C0] =	vst v0  }
0x17: {  	[tilespmem:s25+$0x79D0] =	vst v0  }
0x18: {  	[tilespmem:s25+$0x79E0] =	vst v0;
	s25 =	sshra.s32 s26, $0x2;
	s26 =	sadd.s32 $0x200, s26  }
0x19: {  	[tilespmem:s25+$0x79F0] =	vst v0  }
0x1a: {  	[tilespmem:s25+$0x7980] =	vst v0  }
0x1b: {  	[tilespmem:s25+$0x7990] =	vst v0  }
0x1c: {  	[tilespmem:s25+$0x79A0] =	vst v0  }
0x1d: {  	[tilespmem:s25+$0x79B0] =	vst v0  }
0x1e: {  	[tilespmem:s25+$0x79C0] =	vst v0;
	p0 =	sne.s32 s10, $0x1  }
.Ltmp1:
0x1f: {  	[tilespmem:s25+$0x79D0] =	vst v0;
	(pc) =	sbr.rel @!p0 .LBB2_5-.Ltmp1, $4  }
0x20: {  	[tilespmem:s25+$0x79E0] =	vst v0  }
0x21: {  	[spmem:s14] =	stream.linear.scatter [tilespmem:s16], [sflag:$0x2], $0x2800, $0x38;
	[tilespmem:$0x1DA40] =	vst v63  }
0x22: {  	_ =	swait.ge [sflag:s17], $0x2800  }
0x23: {  	s25 =	sadd.s32 $0xFFFFFFFF, s10;
	s26 =	smov.u32 s14;
	[sflag:s17] =	ssyncset.done $0x0  }
.LBB2_4:
0x24: {  	p1 =	sne.s32 s25, $0x1;
	[sflag:s17] =	ssyncadd.s32 $0xFFFFD800;
	s26 =	sadd.s32 $0x2800, s26  }
.Ltmp2:
0x25: {  	s25 =	sadd.s32 $0xFFFFFFFF, s25;
	(pc) =	sbr.rel @p1 .LBB2_4-.Ltmp2, $4  }
0x26: {  	_ = 	snop  }
0x27: {  	[spmem:s26] =	stream.linear.scatter [tilespmem:s16], [sflag:$0x2], $0x2800, $0x38;
	[tilespmem:$0x1DA40] =	vst v63  }
0x28: {  	_ =	swait.ge [sflag:s17], $0x2800  }
0x29: {  	[sflag:s17] =	ssyncset.done $0x0  }
.LBB2_5:
0x2a: {  	[sflag:s17] =	ssyncadd.s32 $0xFFFFD800  }
0x2b: {  	s25 =	simm.s32 $0x0;
	s26 =	simm.s32 $0x0;
	[bflag:$0x0] =	sbarrier.arrive $0xFFFF  }
.LBB2_6:
0x2c: {  	s28 =	smul.u32 $0x50, s26;
	_ =	sdelay $0x1  }
0x2d: {  	s28 =	sadd.s32 s11, s28  }
0x2e: {  	s29 =	sadd.s32 s12, s28  }
0x2f: {  	s29 =	sshrl.u32 s29, $0x3  }
0x30: {  	s30 =	sadd.s32 s7, s29  }
0x31: {  	[tilespmem:s25], [sflag:$0x2] =	stream.linear.gather [hbm4b:s30+s25], $0x50, $0x38;
	[tilespmem:$0x1DA40] =	vst v63  }
0x32: {  	_ =	swait.ge [sflag:s17], $0x50  }
0x33: {  	[sflag:s17] =	ssyncset.done $0x0  }
0x34: {  	s29 =	sadd.s32 s8, s29;
	[sflag:s17] =	ssyncadd.s32 $0xFFFFFFB0  }
0x35: {  	[tilespmem:s18], [sflag:$0x2] =	stream.linear.gather [hbm4b:s29+s25], $0x50, $0x38;
	[tilespmem:$0x1DA40] =	vst v63  }
0x36: {  	_ =	swait.ge [sflag:s17], $0x50  }
0x37: {  	s28 =	sshrl.u32 s28, $0x3;
	[sflag:s17] =	ssyncset.done $0x0  }
0x38: {  	s28 =	sadd.s32 s9, s28;
	[sflag:s17] =	ssyncadd.s32 $0xFFFFFFB0  }
0x39: {  	[tilespmem:s19], [sflag:$0x2] =	stream.linear.gather [hbm4b:s28+s25], $0x50, $0x38;
	[tilespmem:$0x1DA40] =	vst v63  }
0x3a: {  	_ =	swait.ge [sflag:s17], $0x50  }
0x3b: {  	[sflag:s17] =	ssyncset.done $0x0  }
0x3c: {  	[sflag:s17] =	ssyncadd.s32 $0xFFFFFFB0  }
0x3d: {  	[tilespmem:s21], [sflag:$0x1] =	stream.indirect.gather [hbm4b:s3+s20], $0x80, s25, s20, $0xb8;
	[tilespmem:$0x1DA40] =	vst v63  }
0x3e: {  	_ = 	snop  }
0x3f: {  	[tilespmem:s22], [sflag:$0x1] =	stream.indirect.gather [hbm4b:s4+s20], $0x80, s18, s20, $0xb8;
	[tilespmem:$0x1DA40] =	vst v63  }
0x40: {  	_ = 	snop  }
0x41: {  	[tilespmem:s23], [sflag:$0x1] =	stream.indirect.gather [hbm4b:s5+s20], $0x80, s18, s20, $0xb8;
	[tilespmem:$0x1DA40] =	vst v63  }
0x42: {  	_ =	swait.ge [sflag:s24], $0x2800  }
0x43: {  	[sflag:s24] =	ssyncset.done $0x0  }
0x44: {  	[sflag:s24] =	ssyncadd.s32 $0xFFFFD800  }
0x45: {  	_ =	swait.ge [sflag:s24], $0x2800  }
0x46: {  	[sflag:s24] =	ssyncset.done $0x0  }
0x47: {  	[sflag:s24] =	ssyncadd.s32 $0xFFFFD800  }
0x48: {  	_ =	swait.ge [sflag:s24], $0x2800  }
0x49: {  	[sflag:s24] =	ssyncset.done $0x0  }
0x4a: {  	s28 =	simm.s32 $0x0;
	[sflag:s24] =	ssyncadd.s32 $0xFFFFD800  }
0x4b: {  	v1 =	vld [tilespmem:s28+$0x29D0]  }
0x4c: {  	v2 =	vld [tilespmem:s28+$0x1D0]  }
0x4d: {  	v3 =	vld [tilespmem:s28+$0x29C0]  }
0x4e: {  	v4 =	vld [tilespmem:s28+$0x29B0]  }
0x4f: {  	v6 =	vld [tilespmem:s28+$0x2990]  }
0x50: {  	v7 =	vld [tilespmem:s28+$0x1B0]  }
0x51: {  	v8 =	vld [tilespmem:s28+$0x190];
	v1 =	vadd.f32 v1, v2  }
0x52: {  	v2 =	vld [tilespmem:s28+$0x1C0]  }
0x53: {  	v9 =	vld [tilespmem:s28+$0x29F0];
	v1 =	vsub.f32 $0.0e+00, v1  }
0x54: {  	v10 =	vld [tilespmem:s28+$0x1F0]  }
0x55: {  	v5 =	vld [tilespmem:s28+$0x29A0];
	v1 =	vmul.f32 $1.442695020e+00, v1  }
0x56: {  	v11 =	vld [tilespmem:s28+$0x1A0]  }
0x57: {  	(erf) = vpow2.f32 v1;
	v1 =	vadd.f32 v3, v2  }
0x58: {  	v2 =	vadd.f32 v4, v7;
	v4 =	vadd.f32 v6, v8  }
0x59: {  	v3 =	vld [tilespmem:s28+$0x29E0];
	v7 =	vadd.f32 v9, v10;
	v1 =	vsub.f32 $0.0e+00, v1  }
0x5a: {  	v6 =	vld [tilespmem:s28+$0x1E0];
	v2 =	vsub.f32 $0.0e+00, v2;
	v4 =	vsub.f32 $0.0e+00, v4  }
0x5b: {  	v5 =	vadd.f32 v5, v11;
	v8 =	vld [tilespmem:s28+$0x2980];
	v1 =	vmul.f32 $1.442695020e+00, v1  }
0x5c: {  	v9 =	vld [tilespmem:s28+$0x180];
	v7 =	vsub.f32 $0.0e+00, v7;
	v2 =	vmul.f32 $1.442695020e+00, v2;
	v4 =	vmul.f32 $1.442695020e+00, v4  }
0x5d: {  	(erf) = vpow2.f32 v1;
	v1 =	vsub.f32 $0.0e+00, v5  }
0x5e: {  	(erf) = vpow2.f32 v2;
	v2 =	vmul.f32 $1.442695020e+00, v7  }
0x5f: {  	v3 =	vadd.f32 v3, v6;
	(erf) = vpow2.f32 v4;
	v1 =	vmul.f32 $1.442695020e+00, v1  }
0x60: {  	v4 =	vpop (erf);
	(erf) = vpow2.f32 v2  }
0x61: {  	v3 =	vsub.f32 $0.0e+00, v3;
	(erf) = vpow2.f32 v1;
	v1 =	vadd.f32 v8, v9  }
0x62: {  	v4 =	vadd.f32 $1.000000000e+00, v4  }
0x63: {  	v2 =	vmul.f32 $1.442695020e+00, v3;
	v1 =	vsub.f32 $0.0e+00, v1  }
0x64: {  	(erf) = vrcp.f32 v4  }
0x65: {  	(erf) = vpow2.f32 v2;
	v1 =	vmul.f32 $1.442695020e+00, v1;
	_ =	sdelay $0x1  }
0x66: {  	(erf) = vpow2.f32 v1  }
0x67: {  	v5 =	vld [tilespmem:s28+$0x51D0];
	v3 =	vpop (erf)  }
0x68: {  	v2 =	vld [tilespmem:s28+$0x51C0];
	v3 =	vadd.f32 $1.000000000e+00, v3;
	v4 =	vpop (erf)  }
0x69: {  	v1 =	vld [tilespmem:s28+$0x5180];
	v4 =	vadd.f32 $1.000000000e+00, v4;
	v6 =	vpop (erf)  }
0x6a: {  	v6 =	vadd.f32 $1.000000000e+00, v6;
	(erf) = vrcp.f32 v3;
	v3 =	vld [tilespmem:s28+$0x51E0];
	v7 =	vpop (erf)  }
0x6b: {  	(erf) = vrcp.f32 v4;
	v4 =	vld [tilespmem:s28+$0x51A0];
	v10 =	vadd.f32 $1.000000000e+00, v7;
	v7 =	vpop (erf)  }
0x6c: {  	(erf) = vrcp.f32 v6;
	v6 =	vld [tilespmem:s28+$0x5190];
	v8 =	vpop (erf)  }
0x6d: {  	s30 =	simm.s32 $0x200;
	s29 =	simm.s32 $0x400;
	v7 =	vadd.f32 $1.000000000e+00, v7;
	(erf) = vrcp.f32 v10;
	v8 =	vmul.f32 v8, v5;
	v5 =	vld [tilespmem:s28+$0x51F0];
	v9 =	vpop (erf)  }
.LBB2_7:
0x6e: {  	p1 =	sne.s32 s29, $0x9E00  }
0x6f: {  	s31 =	sshra.s32 s30, $0x2;
	v10 =	vld [tilespmem:s28+$0x51B0];
	v9 =	vadd.f32 $1.000000000e+00, v9;
	v11 =	vpop (erf);
	(erf) = vrcp.f32 v7;
	s30 =	smov.u32 s29;
	s29 =	sadd.s32 $0x200, s29  }
0x70: {  	v7 =	vld [tilespmem:s31+$0x29D0];
	v11 =	vadd.f32 $1.000000000e+00, v11;
	[tilespmem:s28+$0x1D0] =	vst v8  }
0x71: {  	v8 =	vld [tilespmem:s31+$0x1D0];
	(erf) = vrcp.f32 v9  }
0x72: {  	v9 =	vld [tilespmem:s31+$0x29C0];
	(erf) = vrcp.f32 v11  }
0x73: {  	v11 =	vld [tilespmem:s31+$0x2980];
	v12 =	vpop (erf)  }
0x74: {  	v13 =	vld [tilespmem:s31+$0x29B0];
	v2 =	vmul.f32 v12, v2;
	v12 =	vpop (erf)  }
0x75: {  	v14 =	vld [tilespmem:s31+$0x29A0];
	v10 =	vmul.f32 v12, v10;
	v12 =	vpop (erf)  }
0x76: {  	v15 =	vld [tilespmem:s31+$0x2990];
	v7 =	vadd.f32 v7, v8;
	v12 =	vmul.f32 v12, v6;
	[tilespmem:s28+$0x1C0] =	vst v2  }
0x77: {  	v2 =	vld [tilespmem:s31+$0x1C0];
	[tilespmem:s28+$0x1B0] =	vst v10;
	v8 =	vpop (erf)  }
0x78: {  	v10 =	vld [tilespmem:s31+$0x1B0];
	v7 =	vsub.f32 $0.0e+00, v7;
	[tilespmem:s28+$0x190] =	vst v12;
	v12 =	vmul.f32 v8, v5;
	v6 =	vpop (erf)  }
0x79: {  	v8 =	vld [tilespmem:s31+$0x190];
	v16 =	vmul.f32 v6, v4  }
0x7a: {  	v6 =	vmul.f32 $1.442695020e+00, v7;
	v7 =	vld [tilespmem:s31+$0x29F0];
	[tilespmem:s28+$0x1F0] =	vst v12;
	v5 =	vpop (erf)  }
0x7b: {  	v12 =	vld [tilespmem:s31+$0x1F0];
	[tilespmem:s28+$0x1A0] =	vst v16;
	v3 =	vmul.f32 v5, v3;
	v4 =	vpop (erf)  }
0x7c: {  	v5 =	vld [tilespmem:s31+$0x1A0];
	v2 =	vadd.f32 v9, v2;
	(erf) = vpow2.f32 v6;
	v1 =	vmul.f32 v4, v1  }
0x7d: {  	v4 =	vadd.f32 v13, v10;
	v6 =	vld [tilespmem:s31+$0x29E0];
	[tilespmem:s28+$0x1E0] =	vst v3  }
0x7e: {  	v3 =	vadd.f32 v15, v8;
	v8 =	vsub.f32 $0.0e+00, v2;
	v9 =	vld [tilespmem:s31+$0x1E0];
	[tilespmem:s28+$0x180] =	vst v1;
	s28 =	smov.u32 s31  }
0x7f: {  	v1 =	vld [tilespmem:s28+$0x180];
	v4 =	vsub.f32 $0.0e+00, v4  }
0x80: {  	v3 =	vsub.f32 $0.0e+00, v3;
	v2 =	vld [tilespmem:s28+$0x51C0];
	v8 =	vmul.f32 $1.442695020e+00, v8;
	v7 =	vadd.f32 v7, v12  }
0x81: {  	v5 =	vadd.f32 v14, v5;
	v4 =	vmul.f32 $1.442695020e+00, v4  }
0x82: {  	v3 =	vmul.f32 $1.442695020e+00, v3;
	v7 =	vsub.f32 $0.0e+00, v7;
	(erf) = vpow2.f32 v8  }
0x83: {  	v5 =	vsub.f32 $0.0e+00, v5;
	v8 =	vadd.f32 v6, v9;
	(erf) = vpow2.f32 v4  }
0x84: {  	v1 =	vadd.f32 v11, v1;
	v4 =	vmul.f32 $1.442695020e+00, v7;
	(erf) = vpow2.f32 v3  }
0x85: {  	v3 =	vmul.f32 $1.442695020e+00, v5;
	v5 =	vsub.f32 $0.0e+00, v8;
	v6 =	vpop (erf)  }
0x86: {  	v1 =	vsub.f32 $0.0e+00, v1;
	v6 =	vadd.f32 $1.000000000e+00, v6;
	(erf) = vpow2.f32 v4  }
0x87: {  	v4 =	vmul.f32 $1.442695020e+00, v5;
	(erf) = vpow2.f32 v3  }
0x88: {  	v3 =	vmul.f32 $1.442695020e+00, v1;
	(erf) = vrcp.f32 v6  }
0x89: {  	(erf) = vpow2.f32 v4  }
0x8a: {  	(erf) = vpow2.f32 v3  }
0x8b: {  	v1 =	vpop (erf)  }
0x8c: {  	v3 =	vadd.f32 $1.000000000e+00, v1;
	v1 =	vpop (erf)  }
0x8d: {  	v4 =	vadd.f32 $1.000000000e+00, v1;
	v5 =	vld [tilespmem:s28+$0x51D0];
	v6 =	vpop (erf)  }
.Ltmp3:
0x8e: {  	v1 =	vld [tilespmem:s28+$0x5180];
	v6 =	vadd.f32 $1.000000000e+00, v6;
	(erf) = vrcp.f32 v3;
	(pc) =	sbr.rel @p1 .LBB2_7-.Ltmp3, $4  }
0x8f: {  	v3 =	vld [tilespmem:s28+$0x51E0];
	(erf) = vrcp.f32 v4;
	v7 =	vpop (erf)  }
0x90: {  	v4 =	vld [tilespmem:s28+$0x51A0];
	v10 =	vadd.f32 $1.000000000e+00, v7;
	(erf) = vrcp.f32 v6;
	v7 =	vpop (erf)  }
0x91: {  	v6 =	vld [tilespmem:s28+$0x5190];
	v7 =	vadd.f32 $1.000000000e+00, v7;
	v8 =	vpop (erf)  }
0x92: {  	v8 =	vmul.f32 v8, v5;
	v5 =	vld [tilespmem:s28+$0x51F0];
	v9 =	vpop (erf);
	(erf) = vrcp.f32 v10  }
0x93: {  	_ =	sdelay $0x1  }
0x94: {  	s29 =	sshra.s32 s30, $0x2;
	v10 =	vld [tilespmem:s28+$0x51B0]  }
0x95: {  	v13 =	vpop (erf);
	v11 =	vld [tilespmem:s29+$0x29D0];
	[tilespmem:s28+$0x1D0] =	vst v8  }
0x96: {  	(erf) = vrcp.f32 v7;
	v9 =	vadd.f32 $1.000000000e+00, v9;
	v8 =	vld [tilespmem:s29+$0x1D0];
	v38 =	vpop (erf)  }
0x97: {  	v40 =	vadd.f32 $1.000000000e+00, v13;
	v12 =	vld [tilespmem:s29+$0x29C0];
	v2 =	vmul.f32 v38, v2  }
0x98: {  	v14 =	vld [tilespmem:s29+$0x2980];
	(erf) = vrcp.f32 v9  }
0x99: {  	v15 =	vld [tilespmem:s29+$0x29B0];
	(erf) = vrcp.f32 v40  }
0x9a: {  	v39 =	vld [tilespmem:s29+$0x29A0];
	v16 =	vpop (erf)  }
0x9b: {  	v17 =	vld [tilespmem:s29+$0x2990];
	v10 =	vmul.f32 v16, v10;
	[tilespmem:s28+$0x1C0] =	vst v2;
	v2 =	vpop (erf)  }
0x9c: {  	v2 =	vmul.f32 v2, v6  }
0x9d: {  	v41 =	vld [tilespmem:s29+$0x1C0];
	[tilespmem:s28+$0x1B0] =	vst v10;
	v43 =	vpop (erf)  }
0x9e: {  	v8 =	vadd.f32 v11, v8;
	v42 =	vld [tilespmem:s29+$0x1B0];
	[tilespmem:s28+$0x190] =	vst v2;
	v2 =	vmul.f32 v43, v5  }
0x9f: {  	v45 =	vpop (erf);
	v44 =	vld [tilespmem:s29+$0x190]  }
0xa0: {  	v4 =	vmul.f32 v45, v4;
	v10 =	vld [tilespmem:s29+$0x29F0];
	[tilespmem:s28+$0x1F0] =	vst v2;
	v2 =	vsub.f32 $0.0e+00, v8  }
0xa1: {  	v47 =	vpop (erf)  }
0xa2: {  	v3 =	vmul.f32 v47, v3;
	v48 =	vpop (erf);
	v46 =	vld [tilespmem:s29+$0x1F0];
	[tilespmem:s28+$0x1A0] =	vst v4;
	v2 =	vmul.f32 $1.442695020e+00, v2  }
0xa3: {  	v1 =	vmul.f32 v48, v1;
	v4 =	vld [tilespmem:s29+$0x1A0]  }
0xa4: {  	v49 =	vld [tilespmem:s29+$0x29E0];
	[tilespmem:s28+$0x1E0] =	vst v3;
	(erf) = vpow2.f32 v2;
	v2 =	vadd.f32 v12, v41  }
0xa5: {  	v3 =	vadd.f32 v15, v42;
	v50 =	vld [tilespmem:s29+$0x1E0];
	[tilespmem:s28+$0x180] =	vst v1;
	v5 =	vadd.f32 v17, v44  }
0xa6: {  	v1 =	vsub.f32 $0.0e+00, v2;
	v2 =	vld [tilespmem:s29+$0x180]  }
0xa7: {  	v3 =	vsub.f32 $0.0e+00, v3;
	v5 =	vsub.f32 $0.0e+00, v5  }
0xa8: {  	v8 =	vadd.f32 v10, v46;
	v1 =	vmul.f32 $1.442695020e+00, v1  }
0xa9: {  	v3 =	vmul.f32 $1.442695020e+00, v3;
	v4 =	vadd.f32 v39, v4;
	v5 =	vmul.f32 $1.442695020e+00, v5  }
0xaa: {  	v51 =	vsub.f32 $0.0e+00, v8;
	v52 =	vadd.f32 v49, v50;
	(erf) = vpow2.f32 v1  }
0xab: {  	v1 =	vsub.f32 $0.0e+00, v4;
	(erf) = vpow2.f32 v3;
	v2 =	vadd.f32 v14, v2  }
0xac: {  	v4 =	vsub.f32 $0.0e+00, v52;
	v3 =	vmul.f32 $1.442695020e+00, v51;
	(erf) = vpow2.f32 v5  }
0xad: {  	v1 =	vmul.f32 $1.442695020e+00, v1;
	v53 =	vpop (erf);
	v2 =	vsub.f32 $0.0e+00, v2  }
0xae: {  	(erf) = vpow2.f32 v3;
	v3 =	vmul.f32 $1.442695020e+00, v4;
	v5 =	vadd.f32 $1.000000000e+00, v53  }
0xaf: {  	(erf) = vpow2.f32 v1;
	v1 =	vmul.f32 $1.442695020e+00, v2  }
0xb0: {  	(erf) = vrcp.f32 v5  }
0xb1: {  	(erf) = vpow2.f32 v3  }
0xb2: {  	(erf) = vpow2.f32 v1  }
0xb3: {  	v1 =	vpop (erf)  }
0xb4: {  	v2 =	vpop (erf);
	v1 =	vadd.f32 $1.000000000e+00, v1  }
0xb5: {  	v3 =	vpop (erf)  }
0xb6: {  	v3 =	vadd.f32 $1.000000000e+00, v3  }
0xb7: {  	v2 =	vadd.f32 $1.000000000e+00, v2;
	v54 =	vpop (erf);
	(erf) = vrcp.f32 v1  }
0xb8: {  	v1 =	vpop (erf)  }
0xb9: {  	(erf) = vrcp.f32 v2;
	v2 =	vadd.f32 $1.000000000e+00, v54;
	v55 =	vpop (erf)  }
0xba: {  	(erf) = vrcp.f32 v3;
	v1 =	vadd.f32 $1.000000000e+00, v1;
	v3 =	vpop (erf)  }
0xbb: {  	(erf) = vrcp.f32 v2;
	v2 =	vadd.f32 $1.000000000e+00, v3;
	v3 =	vpop (erf)  }
0xbc: {  	(erf) = vrcp.f32 v1;
	v1 =	vadd.f32 $1.000000000e+00, v3;
	v3 =	vld [tilespmem:s29+$0x51C0]  }
0xbd: {  	v56 =	vld [tilespmem:s29+$0x51D0]  }
0xbe: {  	(erf) = vrcp.f32 v2  }
0xbf: {  	v2 =	vld [tilespmem:s29+$0x51B0];
	(erf) = vrcp.f32 v1  }
0xc0: {  	v1 =	vld [tilespmem:s29+$0x5190];
	v59 =	vpop (erf)  }
0xc1: {  	v57 =	vld [tilespmem:s29+$0x51F0];
	v3 =	vmul.f32 v59, v3  }
0xc2: {  	v58 =	vld [tilespmem:s29+$0x51A0];
	v4 =	vmul.f32 v55, v56  }
0xc3: {  	v60 =	vld [tilespmem:s29+$0x51E0];
	v61 =	vpop (erf)  }
0xc4: {  	v62 =	vld [tilespmem:s29+$0x5180];
	[tilespmem:s29+$0x1D0] =	vst v4;
	v63 =	vpop (erf);
	v2 =	vmul.f32 v61, v2  }
0xc5: {  	v1 =	vmul.f32 v63, v1;
	[tilespmem:s29+$0x1C0] =	vst v3;
	v3 =	vpop (erf)  }
0xc6: {  	[tilespmem:s29+$0x1B0] =	vst v2;
	v2 =	vmul.f32 v3, v57;
	v3 =	vpop (erf)  }
0xc7: {  	[tilespmem:s29+$0x190] =	vst v1;
	v1 =	vmul.f32 v3, v58;
	v3 =	vpop (erf)  }
0xc8: {  	[tilespmem:s29+$0x1F0] =	vst v2;
	v2 =	vmul.f32 v3, v60;
	v3 =	vpop (erf)  }
0xc9: {  	s26 =	sadd.s32 $0x1, s26;
	[tilespmem:s29+$0x1A0] =	vst v1;
	v1 =	vmul.f32 v3, v62  }
0xca: {  	p1 =	sne.s32 s26, $0x40;
	[tilespmem:s29+$0x1E0] =	vst v2  }
.Ltmp4:
0xcb: {  	[tilespmem:s29+$0x180] =	vst v1;
	(pc) =	sbr.rel @p1 .LBB2_6-.Ltmp4, $4  }
0xcc: {  	[spmem:s1] =	stream.indirect.scatter.add.f32 [tilespmem:s21], [sflag:$0x2], $0x80, s19, s20, $0xb8;
	[tilespmem:$0x1DA40] =	vst v63  }
0xcd: {  	_ =	swait.ge [sflag:s17], $0x2800  }
0xce: {  	[sflag:s17] =	ssyncset.done $0x0  }
0xcf: {  	[sflag:s17] =	ssyncadd.s32 $0xFFFFD800  }
.Ltmp5:
0xd0: {  	(pc) =	sbr.rel @!p0 .LBB2_11-.Ltmp5, $4  }
0xd1: {  	s25 =	sshll.u32 s6, $0x6;
	[bflag:$0x0] =	sbarrier.arrive $0xFFFF  }
0xd2: {  	s26 =	sshrl.u32 s14, $0x3;
	s28 =	sadd.s32 $0x500, s15;
	s25 =	sor.u32 $0x1C02, s25  }
0xd3: {  	[hbm:s15], [sflag:s25] =	dma.local [spmem:s26], $0x500  }
0xd4: {  	s29 =	smov.u32 s14;
	s26 =	sadd.s32 $0xFFFFFFFF, s10;
	_ =	swait.ge [sflag:s17], $0x500  }
.LBB2_10:
0xd5: {  	[sflag:s17] =	ssyncset.done $0x0;
	s29 =	sadd.s32 $0x2800, s29;
	p0 =	sne.s32 s26, $0x1  }
.Ltmp6:
0xd6: {  	s30 =	sshrl.u32 s29, $0x3;
	[sflag:s17] =	ssyncadd.s32 $0xFFFFFB00;
	(pc) =	sbr.rel @p0 .LBB2_10-.Ltmp6, $3  }
0xd7: {  	[hbm:s28], [sflag:s25] =	dma.local [spmem:s30], $0x500  }
0xd8: {  	s26 =	sadd.s32 $0xFFFFFFFF, s26;
	_ =	sdelay $0x1  }
0xd9: {  	s28 =	sadd.s32 $0x500, s28;
	_ =	swait.ge [sflag:s17], $0x500  }
.LBB2_11:
0xda: {  	s2 =	sadd.s32 $0x1, s2  }
0xdb: {  	p0 =	sne.s32 s2, s13  }
.Ltmp7:
0xdc: {  	_ = 	snop;
	(pc) =	sbr.rel @p0 .LBB2_1-.Ltmp7, $3  }
0xdd: {  	_ =	sdelay $0x1  }
0xde: {  	[sflag:s17] =	ssyncset.done $0x0  }
0xdf: {  	[sflag:s17] =	ssyncadd.s32 $0xFFFFFB00  }
0xe0: {  	_ =	sfence.sel $0x180000  }
0xe1: {  	[bflag:$0x0] =	sbarrier.arrive $0xFFFF  }
0xe2: {  	p0 =	sne.s32 s6, $0x0;
	_ =	strace $0x9000004A  }
0xe3: {  	s0 =	sadd.s32 @!p0 $0x100000, s0;
	[bflag:$0x2] =	sbarrier.arrive $0xFFFF  }
0xe4: {  	[sflag:s0] =	ssyncadd.tile.s32 @!p0 $0x1;
	_ =	shalt  }
.Lfunc_end2:
_tile_overlayer_lowered:
.L_overlay_start_2:
0xe5: {  	(tag) =	ssettag $0x2  }
0xe6: {  	s0 =	rddreg [dreg:$0x0];
	s2 =	stileid.u32  }
0xe7: {  	s1 =	rddreg [dreg:$0x1];
	p0 =	sne.s32 s2, $0x0  }
0xe8: {  	s3 =	rddreg [dreg:$0x2];
	[bflag:$0x3] =	sbarrier.arrive $0xFFFF;
	s2 =	simm.s32 @!p0 $0x1C02  }
0xe9: {  	[timem:s3], [sflag:s2] =	dma.local @!p0 [hbm:s0], s1  }
0xea: {  	s0 =	simm.s32 @!p0 $0x2  }
0xeb: {  	_ =	swait.ge @!p0 [sflag:s0], s1  }
0xec: {  	s1 =	ssub.s32 @!p0 $0x0, s1;
	[sflag:s0] =	ssyncset.done @!p0 $0x0  }
0xed: {  	[sflag:s0] =	ssyncadd.s32 @!p0 s1  }
0xee: {  	[bflag:$0x3] =	sbarrier.arrive $0xFFFF  }
0xef: {  	_ =	shalt  }

// kernel: kernel.17.cloned.1.call-start
scs
__scs_entry_jumppad:
0x0: {  	(pc) =	sbr.rel $0x88, $3  }
0x1: {  	(tag) =	ssettag $0x0;
	lr =	simm.s32 $0x1  }
0x2: {  	[smem:$0x3F8E] =	sst lr;
	_ =	strace $0xD0000000  }
0x3: {  	_ = 	snop  }
0x4: {  	_ = 	snop  }
0x5: {  	_ = 	snop  }
0x6: {  	_ = 	snop  }
0x7: {  	_ = 	snop  }
__scs_overlays_trampoline_lowered:
0x8: {  	[smem:$0x3F9D] =	sst s0  }
0x9: {  	[smem:$0x3F9E] =	sst s1  }
0xa: {  	[smem:$0x3F9F] =	sst s2  }
0xb: {  	[smem:$0x3FA0] =	sst s3  }
0xc: {  	[smem:$0x3FA1] =	sst s4  }
0xd: {  	[smem:$0x3FA2] =	sst s5  }
0xe: {  	[smem:$0x3FA3] =	sst s6  }
0xf: {  	[smem:$0x3FA4] =	sst s7  }
0x10: {  	[smem:$0x3FA5] =	sst s8  }
0x11: {  	[smem:$0x3FA6] =	sst s9;
	s0 =	simm.s32 @!p0 $0x0  }
0x12: {  	s1 =	sld [smem:$0x3F8C];
	s0 =	simm.s32 @p0 $0x1  }
0x13: {  	[smem:$0x3FA7] =	sst s0;
	s0 =	simm.s32 @!p1 $0x0  }
0x14: {  	s2 =	sld [smem:$0x3F8B];
	s0 =	simm.s32 @p1 $0x1  }
0x15: {  	[smem:$0x3FA8] =	sst s0;
	s0 =	simm.s32 @!p2 $0x0  }
0x16: {  	s3 =	sld [smem:$0x3FDB];
	s0 =	simm.s32 @p2 $0x1  }
0x17: {  	s4 =	simm.s32 $0x1BF5;
	[smem:$0x3FAA] =	sst s0  }
0x18: {  	s0 =	sld [smem:$0x3F8D];
	_ =	swait.ge [sflag:s4], $0x0  }
0x19: {  	s7 =	sld [smem:$0x3F8E]  }
0x1a: {  	s8 =	sadd.s32 $0xFFFFE003, lr  }
0x1b: {  	s9 =	sadd.s32 $0xFFFFFEF7, lr;
	s5 =	simm.s32 $0xFFFFFFFF;
	p2 =	slt.u32 s8, $0xFFFFF086  }
0x1c: {  	p1 =	slt.u32 s9, $0xF7A;
	s5 =	simm.s32 @!p2 $0x0  }
0x1d: {  	s5 =	simm.s32 @p1 $0x1;
	p0 =	seq.s32 s7, s2  }
0x1e: {  	s7 =	smul.u32 @!p0 $0xF7A, s2;
	p2 =	seq.s32 @!p0 s5, $0x0  }
0x1f: {  	s9 =	smul.u32 $0xF7A, s1;
	s8 =	simm.s32 @!p0 $0x1BF5;
	p2 =	por !p2, p0  }
0x20: {  	[sflag:s8] =	ssyncset.s32 @!p0 $0xFFFFF086;
	s6 =	sadd.s32 @!p0 s3, s7;
	s7 =	simm.s32 @!p0 $0x108  }
0x21: {  	s3 =	sadd.s32 s3, s9;
	s6 =	sadd.s32 @!p0 $0x88, s6;
	s7 =	simm.s32 @p2 $0x1082  }
0x22: {  	[simem:s7], [sflag:s8] =	dma.local @!p0 [hbm:s6], $0xF7A  }
0x23: {  	s9 =	sor.u32 $0xD0000000, s2;
	s6 =	simm.s32 $0x108;
	_ =	swait.ge @!p0 [sflag:s8], $0x0  }
0x24: {  	s3 =	sadd.s32 $0x88, s3;
	s6 =	simm.s32 @!p1 $0x1082;
	[sflag:s4] =	ssyncset.s32 $0xFFFFF086  }
0x25: {  	[simem:s6], [sflag:s4] =	dma.local [hbm:s3], $0xF7A  }
0x26: {  	[smem:$0x3F8E] =	sst s1;
	(tag) =	ssettag s2;
	_ =	strace s9  }
0x27: {  	s1 =	sld [smem:$0x3F9E]  }
0x28: {  	s2 =	sld [smem:$0x3F9F]  }
0x29: {  	s4 =	sld [smem:$0x3FA1]  }
0x2a: {  	p0 =	seq.s32 s5, $0x0;
	s5 =	sld [smem:$0x3FA2]  }
0x2b: {  	s6 =	sld [smem:$0x3FA3]  }
0x2c: {  	s7 =	sld [smem:$0x3FA4]  }
0x2d: {  	s3 =	simm.s32 $0x108;
	s8 =	sld [smem:$0x3FA5]  }
0x2e: {  	s3 =	simm.s32 @!p0 $0x1082;
	s9 =	sld [smem:$0x3FA6]  }
0x2f: {  	lr =	sadd.s32 s0, s3;
	s0 =	sld [smem:$0x3F9D]  }
0x30: {  	s3 =	sld [smem:$0x3FA0]  }
0x31: {  	[smem:$0x3FA9] =	sst s10  }
0x32: {  	s10 =	sld [smem:$0x3FA7];
	_ =	sdelay $0x3  }
0x33: {  	p0 =	seq.s32 s10, $0x1;
	s10 =	sld [smem:$0x3FA9];
	_ =	sdelay $0x3  }
0x34: {  	[smem:$0x3FA9] =	sst s10  }
0x35: {  	s10 =	sld [smem:$0x3FA8];
	_ =	sdelay $0x3  }
0x36: {  	p1 =	seq.s32 s10, $0x1;
	s10 =	sld [smem:$0x3FA9];
	_ =	sdelay $0x3  }
0x37: {  	[smem:$0x3FA9] =	sst s10  }
0x38: {  	s10 =	sld [smem:$0x3FAA]  }
0x39: {  	_ = 	snop;
	(pc) =	sbr.ind lr, $3  }
0x3a: {  	_ = 	snop  }
0x3b: {  	_ = 	snop  }
0x3c: {  	p2 =	seq.s32 s10, $0x1;
	s10 =	sld [smem:$0x3FA9]  }
0x3d: {  	_ =	shalt  }
0x3e: {  	_ =	shalt  }
0x3f: {  	_ =	shalt  }
0x40: {  	_ =	shalt  }
0x41: {  	_ =	shalt  }
0x42: {  	_ =	shalt  }
0x43: {  	_ =	shalt  }
0x44: {  	_ =	shalt  }
0x45: {  	_ =	shalt  }
0x46: {  	_ =	shalt  }
0x47: {  	_ =	shalt  }
0x48: {  	_ =	shalt  }
0x49: {  	_ =	shalt  }
0x4a: {  	_ =	shalt  }
0x4b: {  	_ =	shalt  }
0x4c: {  	_ =	shalt  }
0x4d: {  	_ =	shalt  }
0x4e: {  	_ =	shalt  }
0x4f: {  	_ =	shalt  }
0x50: {  	_ =	shalt  }
0x51: {  	_ =	shalt  }
0x52: {  	_ =	shalt  }
0x53: {  	_ =	shalt  }
0x54: {  	_ =	shalt  }
0x55: {  	_ =	shalt  }
0x56: {  	_ =	shalt  }
0x57: {  	_ =	shalt  }
0x58: {  	_ =	shalt  }
0x59: {  	_ =	shalt  }
0x5a: {  	_ =	shalt  }
0x5b: {  	_ =	shalt  }
0x5c: {  	_ =	shalt  }
0x5d: {  	_ =	shalt  }
0x5e: {  	_ =	shalt  }
0x5f: {  	_ =	shalt  }
0x60: {  	_ =	shalt  }
0x61: {  	_ =	shalt  }
0x62: {  	_ =	shalt  }
0x63: {  	_ =	shalt  }
0x64: {  	_ =	shalt  }
0x65: {  	_ =	shalt  }
0x66: {  	_ =	shalt  }
0x67: {  	_ =	shalt  }
0x68: {  	_ =	shalt  }
0x69: {  	_ =	shalt  }
0x6a: {  	_ =	shalt  }
0x6b: {  	_ =	shalt  }
0x6c: {  	_ =	shalt  }
0x6d: {  	_ =	shalt  }
0x6e: {  	_ =	shalt  }
0x6f: {  	_ =	shalt  }
0x70: {  	_ =	shalt  }
0x71: {  	_ =	shalt  }
0x72: {  	_ =	shalt  }
0x73: {  	_ =	shalt  }
0x74: {  	_ =	shalt  }
0x75: {  	_ =	shalt  }
0x76: {  	_ =	shalt  }
0x77: {  	_ =	shalt  }
0x78: {  	_ =	shalt  }
0x79: {  	_ =	shalt  }
0x7a: {  	_ =	shalt  }
0x7b: {  	_ =	shalt  }
0x7c: {  	_ =	shalt  }
0x7d: {  	_ =	shalt  }
0x7e: {  	_ =	shalt  }
0x7f: {  	_ =	shalt  }
0x80: {  	_ =	shalt  }
0x81: {  	_ =	shalt  }
0x82: {  	_ =	shalt  }
0x83: {  	_ =	shalt  }
0x84: {  	_ =	shalt  }
0x85: {  	_ =	shalt  }
0x86: {  	_ =	shalt  }
0x87: {  	_ =	shalt  }
.Lfunc_end0:
.L_simem_size_0:
called_computation.2_lowered:
.L_overlay_start_0:
0x88: {  	s2 =	sld [smem:$0x3FD9]  }
0x89: {  	s3 =	sld [smem:$0x3FFE];
	_ =	sdelay $0x1  }
0x8a: {  	s1 =	srdreg.scid  }
0x8b: {  	s0 =	sand.u32 $0x1, s1  }
0x8c: {  	s17 =	sshll.u32 s0, $0xA;
	s2 =	sadd.s32 s3, s2  }
0x8d: {  	s2 =	sadd.s32 s2, s17  }
0x8e: {  	[smem:$0x3FB5] =	sst s2  }
0x8f: {  	_ = 	snop  }
0x90: {  	(tm) =	ssettm $0x1  }
0x91: {  	s18 =	sld [smem:$0x3FFB];
	_ =	sdelay $0x3  }
0x92: {  	_ =	strace s18  }
0x93: {  	s2 =	sld [smem:$0x3FFC];
	_ =	sdelay $0x3  }
0x94: {  	_ =	strace s2  }
0x95: {  	s2 =	sld [smem:$0x3FFD];
	_ =	sdelay $0x3  }
0x96: {  	_ =	strace s2  }
0x97: {  	_ =	strace $0x8FFFFFFF  }
0x98: {  	s19 =	sld [smem:$0x3FDB];
	_ =	sdelay $0x1  }
0x99: {  	s20 =	simm.s32 $_scs_section_size  }
0x9a: {  	s4 =	simm.s32 $_size__tile_overlayer_lowered;
	s5 =	simm.s32 $_tile_overlayer_lowered  }
0x9b: {  	s6 =	simm.s32 $0x1BFF;
	s21 =	sshll.u32 s5, $0x1;
	s3 =	sadd.s32 s20, s19  }
0x9c: {  	s22 =	simm.s32 $0x0;
	s4 =	sshll.u32 s4, $0x1;
	s5 =	sadd.s32 s21, s3  }
0x9d: {  	[timem:s22], [sflag:s6] =	dma.local [hbm:s5], s4  }
0x9e: {  	_ =	swait.ge [sflag:s6], s4  }
0x9f: {  	s4 =	ssub.s32 $0x0, s4;
	[sflag:s6] =	ssyncset.done $0x0  }
0xa0: {  	[sflag:s6] =	ssyncadd.s32 s4;
	_ =	sdelay $0x1  }
0xa1: {  	s23 =	simm.s32 $0x1B8B  }
0xa2: {  	_ =	swait.ge [sflag:s23], $0x1  }
0xa3: {  	[sflag:s23] =	ssyncset.done $0x0  }
0xa4: {  	[sflag:s23] =	ssyncadd.s32 $0xFFFFFFFF  }
0xa5: {  	s4 =	sld [smem:$0x0]  }
0xa6: {  	s5 =	sand.u32 $0xFFFFFFFE, s1  }
0xa7: {  	p0 =	sne.s32 s1, s5  }
0xa8: {  	s5 =	sshll.u32 @p0 s5, $0xE  }
0xa9: {  	s5 =	sadd.s32 @p0 $0x11B8D, s5;
	s6 =	sshll.u32 @p0 s4, $0x11  }
0xaa: {  	s5 =	sor.u32 @p0 s6, s5  }
0xab: {  	[sflag:s5] =	ssyncadd.remote.s32 @p0 $0x1;
	_ =	sdelay $0x1  }
0xac: {  	s5 =	simm.s32 @p0 $0x1B8D  }
0xad: {  	_ =	swait.eq @p0 [sflag:s5], $0x1  }
0xae: {  	[sflag:s5] =	ssyncadd.s32 @p0 $0xFFFFFFFF  }
0xaf: {  	s6 =	sshll.u32 @!p0 s1, $0xE  }
0xb0: {  	s6 =	sor.u32 @!p0 $0x4000, s6;
	s5 =	simm.s32 @!p0 $0x1B8D  }
0xb1: {  	s4 =	sshll.u32 @!p0 s4, $0x11;
	s6 =	sadd.s32 @!p0 $0x11B8D, s6;
	_ =	swait.eq @!p0 [sflag:s5], $0x1  }
0xb2: {  	s4 =	sor.u32 @!p0 s4, s6;
	[sflag:s5] =	ssyncadd.s32 @!p0 $0xFFFFFFFF  }
0xb3: {  	s25 =	simm.s32 $0x1B8E;
	s24 =	sld [smem:$0x3FFE];
	[sflag:s4] =	ssyncadd.remote.s32 @!p0 $0x1  }
0xb4: {  	s26 =	simm.s32 $execute0_lowered;
	[smem:$0x3FD2] =	sst s25  }
0xb5: {  	s5 =	sshll.u32 s26, $0x1;
	_ =	strace $0x8000004C;
	[dreg:$0x1] =	wrdreg $0xFFFFFFFF  }
0xb6: {  	s28 =	simm.s32 $_size_execute0_lowered;
	s3 =	sadd.s32 s3, s5;
	[dreg:$0x0] =	wrdreg $0x0  }
0xb7: {  	s5 =	sshll.u32 s28, $0x1;
	[dreg:$0x2] =	wrdreg s3  }
0xb8: {  	[dreg:$0x3] =	wrdreg s5  }
0xb9: {  	[dreg:$0x4] =	wrdreg $0xC0  }
0xba: {  	_ =	task [dreg:s22], $0x5FFFF  }
0xbb: {  	[dreg:$0x1] =	wrdreg $0xFFFFFFFF  }
0xbc: {  	[dreg:$0x0] =	wrdreg $0x60  }
0xbd: {  	[dreg:$0x2] =	wrdreg s24  }
0xbe: {  	[dreg:$0x3] =	wrdreg $0x51000  }
0xbf: {  	[dreg:$0x4] =	wrdreg $0xA  }
0xc0: {  	_ =	task.clear_ibuf [dreg:s22], $0x5FFFF;
	_ =	strace $0x9000004C  }
0xc1: {  	s29 =	simm.s32 $0xA;
	_ =	strace $0x8000004E  }
0xc2: {  	_ =	swait.ge [sflag:s29], $0x1  }
0xc3: {  	[sflag:s29] =	ssyncadd.s32 $0xFFFFFFFF  }
0xc4: {  	_ =	strace $0x9000004E  }
0xc5: {  	_ =	sfence  }
0xc6: {  	s30 =	sld [smem:$0x0];
	_ =	sdelay $0x2  }
0xc7: {  	s31 =	sshll.u32 s1, $0xD;
	s1 =	sshrl.u32 s1, $0x2  }
0xc8: {  	s4 =	sand.u32 $0x4000, s31;
	s1 =	sadd.s32 s1, s30  }
0xc9: {  	s0 =	sor.u32 s4, s0;
	s1 =	sshll.u32 s1, $0x11  }
0xca: {  	s0 =	sor.u32 s1, s0  }
0xcb: {  	s0 =	sadd.s32 $0x8F2B, s0  }
0xcc: {  	[sflag:s0] =	ssyncadd.remote.s32 $0x1  }
0xcd: {  	_ =	sfence.sel $0xFFFF  }
0xce: {  	[dreg:$0x0] =	wrdreg $0xFFFFFFFF;
	(pc) =	sbr.abs _section_cstart, $3  }
0xcf: {  	[dreg:$0x1] =	wrdreg $0xFFFFFFFF  }
0xd0: {  	_ =	task.clear_ibuf [dreg:s22], $0x2FFFF;
	_ =	strace $0x9FFFFFFF  }
0xd1: {  	(tm) =	ssettm $0x7FFFFFFF  }
tec
execute0_lowered:
.L_overlay_start_1:
0x0: {  	(tag) =	ssettag $0x1  }
0x1: {  	s6 =	rddreg [dreg:$0x0]  }
0x2: {  	s1 =	srdreg.scid;
	s0 =	stileid.u32  }
0x3: {  	s2 =	rddreg [dreg:$0x1];
	s3 =	simm.s32 $0x0;
	s14 =	simm.s32 $0x50  }
0x4: {  	s15 =	simm.s32 $0x100;
	s16 =	simm.s32 $0x1;
	s5 =	smul.u32 $0x2710, s0  }
0x5: {  	s4 =	sand.u32 $0x1, s1;
	s1 =	rddreg [dreg:$0x2];
	s8 =	smul.u32 $0x4E2, s0  }
0x6: {  	s18 =	simm.s32 $0x0;
	[smem:$0x7FF] =	sst s3;
	s11 =	smul.u32 $0x50000, s0  }
0x7: {  	p0 =	seq.s32 s0, $0xF;
	s12 =	smul.u32 $0x2800, s0;
	s17 =	sshll.u32 s0, $0x6  }
0x8: {  	s7 =	smul.u32 $0x27100, s4;
	_ =	strace $0x8000004D;
	s9 =	ssub.s32 $0x2, s4  }
0x9: {  	s4 =	sadd.s32 $0x18C200, s6;
	s17 =	sor.u32 $0x1C02, s17;
	s29 =	sshrl.u32 s9, $0x1  }
0xa: {  	s8 =	sadd.s32 s8, s6;
	s30 =	sshrl.u32 s11, $0x2;
	s11 =	simm.s32 $0x2900  }
0xb: {  	s5 =	sadd.s32 s5, s7;
	s9 =	ssub.s32 s9, s29;
	s13 =	sadd.s32 s7, s6  }
0xc: {  	s7 =	sadd.s32 $0x3A00, s8;
	s8 =	sadd.s32 s30, s2;
	s5 =	sshrl.u32 s5, $0x3  }
0xd: {  	s31 =	sadd.s32 s12, s13;
	s12 =	simm.s32 $0x2;
	s13 =	simm.s32 $0x80  }
0xe: {  	s10 =	sadd.s32 s5, s6;
	s5 =	simm.s32 $0x5;
	s6 =	smax.u32 s9, $0x1  }
0xf: {  	v0 =	vimm.f32 $0.0e+00;
	s5 =	simm.s32 @!p0 $0x8;
	s9 =	sadd.s32 $0x228600, s10;
	s10 =	sadd.s32 $0x232400, s31  }
.LBB2_1:
0x10: {  	s19 =	simm.s32 $0x0;
	s20 =	simm.s32 $0x200  }
.LBB2_2:
0x11: {  	p0 =	sne.s32 s20, $0x9E00;
	[tilespmem:s19+$0x2970] =	vst v0  }
0x12: {  	[tilespmem:s19+$0x2900] =	vst v0  }
0x13: {  	[tilespmem:s19+$0x2910] =	vst v0  }
.Ltmp0:
0x14: {  	[tilespmem:s19+$0x2920] =	vst v0;
	(pc) =	sbr.rel @p0 .LBB2_2-.Ltmp0, $4  }
0x15: {  	[tilespmem:s19+$0x2930] =	vst v0  }
0x16: {  	[tilespmem:s19+$0x2940] =	vst v0  }
0x17: {  	[tilespmem:s19+$0x2950] =	vst v0  }
0x18: {  	[tilespmem:s19+$0x2960] =	vst v0;
	s19 =	sshra.s32 s20, $0x2;
	s20 =	sadd.s32 $0x200, s20  }
0x19: {  	[tilespmem:s19+$0x2970] =	vst v0  }
0x1a: {  	[tilespmem:s19+$0x2900] =	vst v0  }
0x1b: {  	[tilespmem:s19+$0x2910] =	vst v0  }
0x1c: {  	[tilespmem:s19+$0x2920] =	vst v0  }
0x1d: {  	[tilespmem:s19+$0x2930] =	vst v0  }
0x1e: {  	[tilespmem:s19+$0x2940] =	vst v0;
	p0 =	sne.s32 s5, $0x1  }
.Ltmp1:
0x1f: {  	[tilespmem:s19+$0x2950] =	vst v0;
	(pc) =	sbr.rel @!p0 .LBB2_5-.Ltmp1, $4  }
0x20: {  	[tilespmem:s19+$0x2960] =	vst v0  }
0x21: {  	[spmem:s8] =	stream.linear.scatter [tilespmem:s11], [sflag:$0x2], $0x2800, $0x38;
	[tilespmem:$0x18980] =	vst v63  }
0x22: {  	_ =	swait.ge [sflag:s12], $0x2800  }
0x23: {  	s19 =	sadd.s32 $0xFFFFFFFF, s5;
	s20 =	smov.u32 s8;
	[sflag:s12] =	ssyncset.done $0x0  }
.LBB2_4:
0x24: {  	p1 =	sne.s32 s19, $0x1;
	[sflag:s12] =	ssyncadd.s32 $0xFFFFD800;
	s20 =	sadd.s32 $0x2800, s20  }
.Ltmp2:
0x25: {  	s19 =	sadd.s32 $0xFFFFFFFF, s19;
	(pc) =	sbr.rel @p1 .LBB2_4-.Ltmp2, $4  }
0x26: {  	_ = 	snop  }
0x27: {  	[spmem:s20] =	stream.linear.scatter [tilespmem:s11], [sflag:$0x2], $0x2800, $0x38;
	[tilespmem:$0x18980] =	vst v63  }
0x28: {  	_ =	swait.ge [sflag:s12], $0x2800  }
0x29: {  	[sflag:s12] =	ssyncset.done $0x0  }
.LBB2_5:
0x2a: {  	[sflag:s12] =	ssyncadd.s32 $0xFFFFD800  }
0x2b: {  	s19 =	sadd.s32 $0x0, s9;
	[bflag:$0x0] =	sbarrier.arrive $0xFFFF  }
0x2c: {  	[tilespmem:s3], [sflag:$0x2] =	stream.linear.gather [hbm4b:s19+s3], $0x50, $0x38;
	[tilespmem:$0x18980] =	vst v63  }
0x2d: {  	_ =	swait.ge [sflag:s12], $0x50  }
0x2e: {  	[sflag:s12] =	ssyncset.done $0x0  }
0x2f: {  	s31 =	sadd.s32 $0x0, s7;
	[sflag:s12] =	ssyncadd.s32 $0xFFFFFFB0  }
0x30: {  	[tilespmem:s13], [sflag:$0x2] =	stream.linear.gather [hbm4b:s31+s3], $0x50, $0x38;
	[tilespmem:$0x18980] =	vst v63  }
0x31: {  	_ =	swait.ge [sflag:s12], $0x50  }
0x32: {  	[sflag:s12] =	ssyncset.done $0x0  }
0x33: {  	[sflag:s12] =	ssyncadd.s32 $0xFFFFFFB0  }
0x34: {  	[tilespmem:s15], [sflag:$0x1] =	stream.indirect.gather [hbm4b:s4+s14], $0x80, s3, s14, $0xb8;
	[tilespmem:$0x18980] =	vst v63  }
0x35: {  	_ =	swait.ge [sflag:s16], $0x2800  }
0x36: {  	[sflag:s16] =	ssyncset.done $0x0  }
0x37: {  	[sflag:s16] =	ssyncadd.s32 $0xFFFFD800  }
0x38: {  	[spmem:s2] =	stream.indirect.scatter.add.f32 [tilespmem:s15], [sflag:$0x2], $0x80, s13, s14, $0xb8;
	[tilespmem:$0x18980] =	vst v63  }
0x39: {  	_ =	swait.ge [sflag:s12], $0x2800  }
0x3a: {  	s20 =	simm.s32 $0x14;
	s19 =	simm.s32 $0xA;
	[sflag:s12] =	ssyncset.done $0x0  }
.LBB2_6:
0x3b: {  	s21 =	sadd.s32 s19, s9  }
0x3c: {  	[sflag:s12] =	ssyncadd.s32 $0xFFFFD800;
	s22 =	smov.u32 s20;
	s23 =	sadd.s32 $0xA, s20  }
0x3d: {  	[tilespmem:s3], [sflag:$0x2] =	stream.linear.gather [hbm4b:s21+s3], $0x50, $0x38;
	[tilespmem:$0x18980] =	vst v63  }
0x3e: {  	p1 =	sne.s32 s20, $0x4D8;
	_ =	swait.ge [sflag:s12], $0x50  }
0x3f: {  	[sflag:s12] =	ssyncset.done $0x0  }
0x40: {  	s20 =	sadd.s32 s19, s7;
	s19 =	smov.u32 s22;
	[sflag:s12] =	ssyncadd.s32 $0xFFFFFFB0  }
0x41: {  	[tilespmem:s13], [sflag:$0x2] =	stream.linear.gather [hbm4b:s20+s3], $0x50, $0x38;
	[tilespmem:$0x18980] =	vst v63  }
0x42: {  	_ =	swait.ge [sflag:s12], $0x50  }
0x43: {  	[sflag:s12] =	ssyncset.done $0x0  }
0x44: {  	[sflag:s12] =	ssyncadd.s32 $0xFFFFFFB0  }
0x45: {  	[tilespmem:s15], [sflag:$0x1] =	stream.indirect.gather [hbm4b:s4+s14], $0x80, s3, s14, $0xb8;
	[tilespmem:$0x18980] =	vst v63  }
0x46: {  	_ =	swait.ge [sflag:s16], $0x2800  }
.Ltmp3:
0x47: {  	[sflag:s16] =	ssyncset.done $0x0;
	(pc) =	sbr.rel @p1 .LBB2_6-.Ltmp3, $4  }
0x48: {  	[sflag:s16] =	ssyncadd.s32 $0xFFFFD800  }
0x49: {  	[spmem:s2] =	stream.indirect.scatter.add.f32 [tilespmem:s15], [sflag:$0x2], $0x80, s13, s14, $0xb8;
	[tilespmem:$0x18980] =	vst v63  }
0x4a: {  	_ =	swait.ge [sflag:s12], $0x2800  }
0x4b: {  	s20 =	smov.u32 s23;
	[sflag:s12] =	ssyncset.done $0x0  }
0x4c: {  	s20 =	sadd.s32 s19, s9;
	[sflag:s12] =	ssyncadd.s32 $0xFFFFD800  }
0x4d: {  	[tilespmem:s3], [sflag:$0x2] =	stream.linear.gather [hbm4b:s20+s3], $0x50, $0x38;
	[tilespmem:$0x18980] =	vst v63  }
0x4e: {  	_ =	swait.ge [sflag:s12], $0x50  }
0x4f: {  	[sflag:s12] =	ssyncset.done $0x0  }
0x50: {  	s30 =	sadd.s32 s19, s7;
	[sflag:s12] =	ssyncadd.s32 $0xFFFFFFB0  }
0x51: {  	[tilespmem:s13], [sflag:$0x2] =	stream.linear.gather [hbm4b:s30+s3], $0x50, $0x38;
	[tilespmem:$0x18980] =	vst v63  }
0x52: {  	_ =	swait.ge [sflag:s12], $0x50  }
0x53: {  	[sflag:s12] =	ssyncset.done $0x0  }
0x54: {  	[sflag:s12] =	ssyncadd.s32 $0xFFFFFFB0  }
0x55: {  	[tilespmem:s15], [sflag:$0x1] =	stream.indirect.gather [hbm4b:s4+s14], $0x80, s3, s14, $0xb8;
	[tilespmem:$0x18980] =	vst v63  }
0x56: {  	_ =	swait.ge [sflag:s16], $0x2800  }
0x57: {  	[sflag:s16] =	ssyncset.done $0x0  }
0x58: {  	[sflag:s16] =	ssyncadd.s32 $0xFFFFD800  }
0x59: {  	[spmem:s2] =	stream.indirect.scatter.add.f32 [tilespmem:s15], [sflag:$0x2], $0x80, s13, s14, $0xb8;
	[tilespmem:$0x18980] =	vst v63  }
0x5a: {  	_ =	swait.ge [sflag:s12], $0x2800  }
0x5b: {  	[sflag:s12] =	ssyncset.done $0x0  }
.Ltmp4:
0x5c: {  	[sflag:s12] =	ssyncadd.s32 $0xFFFFD800;
	(pc) =	sbr.rel @!p0 .LBB2_9-.Ltmp4, $4  }
0x5d: {  	s31 =	sshrl.u32 s8, $0x3;
	[bflag:$0x0] =	sbarrier.arrive $0xFFFF  }
0x5e: {  	[hbm:s10], [sflag:s17] =	dma.local [spmem:s31], $0x500  }
0x5f: {  	s19 =	sadd.s32 $0xFFFFFFFF, s5;
	_ =	swait.ge [sflag:s12], $0x500  }
0x60: {  	s21 =	smov.u32 s10;
	s20 =	sadd.s32 $0x2800, s8;
	[sflag:s12] =	ssyncset.done $0x0  }
.LBB2_8:
0x61: {  	s22 =	sshrl.u32 s20, $0x3  }
0x62: {  	[sflag:s12] =	ssyncadd.s32 $0xFFFFFB00;
	s21 =	sadd.s32 $0x500, s21;
	p0 =	sne.s32 s19, $0x1  }
0x63: {  	[hbm:s21], [sflag:s17] =	dma.local [spmem:s22], $0x500  }
.Ltmp5:
0x64: {  	_ = 	snop;
	(pc) =	sbr.rel @p0 .LBB2_8-.Ltmp5, $4  }
0x65: {  	_ = 	snop  }
0x66: {  	s19 =	sadd.s32 $0xFFFFFFFF, s19  }
0x67: {  	_ =	swait.ge [sflag:s12], $0x500  }
0x68: {  	s20 =	sadd.s32 $0x2800, s20;
	[sflag:s12] =	ssyncset.done $0x0  }
.LBB2_9:
0x69: {  	s18 =	sadd.s32 $0x1, s18  }
0x6a: {  	p0 =	sne.s32 s18, s6  }
.Ltmp6:
0x6b: {  	_ = 	snop;
	(pc) =	sbr.rel @p0 .LBB2_1-.Ltmp6, $2  }
0x6c: {  	_ =	sdelay $0x2  }
0x6d: {  	[sflag:s12] =	ssyncadd.s32 $0xFFFFFB00  }
0x6e: {  	_ =	sfence.sel $0x180000  }
0x6f: {  	[bflag:$0x0] =	sbarrier.arrive $0xFFFF  }
0x70: {  	p0 =	sne.s32 s0, $0x0;
	_ =	strace $0x9000004D  }
0x71: {  	s0 =	sadd.s32 @!p0 $0x100000, s1;
	[bflag:$0x2] =	sbarrier.arrive $0xFFFF  }
0x72: {  	[sflag:s0] =	ssyncadd.tile.s32 @!p0 $0x1;
	_ =	shalt  }
.Lfunc_end2:
_tile_overlayer_lowered:
.L_overlay_start_2:
0x73: {  	(tag) =	ssettag $0x2  }
0x74: {  	s0 =	rddreg [dreg:$0x0];
	s2 =	stileid.u32  }
0x75: {  	s1 =	rddreg [dreg:$0x1];
	p0 =	sne.s32 s2, $0x0  }
0x76: {  	s3 =	rddreg [dreg:$0x2];
	[bflag:$0x3] =	sbarrier.arrive $0xFFFF;
	s2 =	simm.s32 @!p0 $0x1C02  }
0x77: {  	[timem:s3], [sflag:s2] =	dma.local @!p0 [hbm:s0], s1  }
0x78: {  	s0 =	simm.s32 @!p0 $0x2  }
0x79: {  	_ =	swait.ge @!p0 [sflag:s0], s1  }
0x7a: {  	s1 =	ssub.s32 @!p0 $0x0, s1;
	[sflag:s0] =	ssyncset.done @!p0 $0x0  }
0x7b: {  	[sflag:s0] =	ssyncadd.s32 @!p0 s1  }
0x7c: {  	[bflag:$0x3] =	sbarrier.arrive $0xFFFF  }
0x7d: {  	_ =	shalt  }

// kernel: kernel.20.cloned.1.call-start
scs
__scs_entry_jumppad:
0x0: {  	(pc) =	sbr.rel $0x88, $3  }
0x1: {  	(tag) =	ssettag $0x0;
	lr =	simm.s32 $0x1  }
0x2: {  	[smem:$0x3F8E] =	sst lr;
	_ =	strace $0xD0000000  }
0x3: {  	_ = 	snop  }
0x4: {  	_ = 	snop  }
0x5: {  	_ = 	snop  }
0x6: {  	_ = 	snop  }
0x7: {  	_ = 	snop  }
__scs_overlays_trampoline_lowered:
0x8: {  	[smem:$0x3F9D] =	sst s0  }
0x9: {  	[smem:$0x3F9E] =	sst s1  }
0xa: {  	[smem:$0x3F9F] =	sst s2  }
0xb: {  	[smem:$0x3FA0] =	sst s3  }
0xc: {  	[smem:$0x3FA1] =	sst s4  }
0xd: {  	[smem:$0x3FA2] =	sst s5  }
0xe: {  	[smem:$0x3FA3] =	sst s6  }
0xf: {  	[smem:$0x3FA4] =	sst s7  }
0x10: {  	[smem:$0x3FA5] =	sst s8  }
0x11: {  	[smem:$0x3FA6] =	sst s9;
	s0 =	simm.s32 @!p0 $0x0  }
0x12: {  	s1 =	sld [smem:$0x3F8C];
	s0 =	simm.s32 @p0 $0x1  }
0x13: {  	[smem:$0x3FA7] =	sst s0;
	s0 =	simm.s32 @!p1 $0x0  }
0x14: {  	s2 =	sld [smem:$0x3F8B];
	s0 =	simm.s32 @p1 $0x1  }
0x15: {  	[smem:$0x3FA8] =	sst s0;
	s0 =	simm.s32 @!p2 $0x0  }
0x16: {  	s3 =	sld [smem:$0x3FDB];
	s0 =	simm.s32 @p2 $0x1  }
0x17: {  	s4 =	simm.s32 $0x1BF5;
	[smem:$0x3FAA] =	sst s0  }
0x18: {  	s0 =	sld [smem:$0x3F8D];
	_ =	swait.ge [sflag:s4], $0x0  }
0x19: {  	s7 =	sld [smem:$0x3F8E]  }
0x1a: {  	s8 =	sadd.s32 $0xFFFFE003, lr  }
0x1b: {  	s9 =	sadd.s32 $0xFFFFFEF7, lr;
	s5 =	simm.s32 $0xFFFFFFFF;
	p2 =	slt.u32 s8, $0xFFFFF086  }
0x1c: {  	p1 =	slt.u32 s9, $0xF7A;
	s5 =	simm.s32 @!p2 $0x0  }
0x1d: {  	s5 =	simm.s32 @p1 $0x1;
	p0 =	seq.s32 s7, s2  }
0x1e: {  	s7 =	smul.u32 @!p0 $0xF7A, s2;
	p2 =	seq.s32 @!p0 s5, $0x0  }
0x1f: {  	s9 =	smul.u32 $0xF7A, s1;
	s8 =	simm.s32 @!p0 $0x1BF5;
	p2 =	por !p2, p0  }
0x20: {  	[sflag:s8] =	ssyncset.s32 @!p0 $0xFFFFF086;
	s6 =	sadd.s32 @!p0 s3, s7;
	s7 =	simm.s32 @!p0 $0x108  }
0x21: {  	s3 =	sadd.s32 s3, s9;
	s6 =	sadd.s32 @!p0 $0x88, s6;
	s7 =	simm.s32 @p2 $0x1082  }
0x22: {  	[simem:s7], [sflag:s8] =	dma.local @!p0 [hbm:s6], $0xF7A  }
0x23: {  	s9 =	sor.u32 $0xD0000000, s2;
	s6 =	simm.s32 $0x108;
	_ =	swait.ge @!p0 [sflag:s8], $0x0  }
0x24: {  	s3 =	sadd.s32 $0x88, s3;
	s6 =	simm.s32 @!p1 $0x1082;
	[sflag:s4] =	ssyncset.s32 $0xFFFFF086  }
0x25: {  	[simem:s6], [sflag:s4] =	dma.local [hbm:s3], $0xF7A  }
0x26: {  	[smem:$0x3F8E] =	sst s1;
	(tag) =	ssettag s2;
	_ =	strace s9  }
0x27: {  	s1 =	sld [smem:$0x3F9E]  }
0x28: {  	s2 =	sld [smem:$0x3F9F]  }
0x29: {  	s4 =	sld [smem:$0x3FA1]  }
0x2a: {  	p0 =	seq.s32 s5, $0x0;
	s5 =	sld [smem:$0x3FA2]  }
0x2b: {  	s6 =	sld [smem:$0x3FA3]  }
0x2c: {  	s7 =	sld [smem:$0x3FA4]  }
0x2d: {  	s3 =	simm.s32 $0x108;
	s8 =	sld [smem:$0x3FA5]  }
0x2e: {  	s3 =	simm.s32 @!p0 $0x1082;
	s9 =	sld [smem:$0x3FA6]  }
0x2f: {  	lr =	sadd.s32 s0, s3;
	s0 =	sld [smem:$0x3F9D]  }
0x30: {  	s3 =	sld [smem:$0x3FA0]  }
0x31: {  	[smem:$0x3FA9] =	sst s10  }
0x32: {  	s10 =	sld [smem:$0x3FA7];
	_ =	sdelay $0x3  }
0x33: {  	p0 =	seq.s32 s10, $0x1;
	s10 =	sld [smem:$0x3FA9];
	_ =	sdelay $0x3  }
0x34: {  	[smem:$0x3FA9] =	sst s10  }
0x35: {  	s10 =	sld [smem:$0x3FA8];
	_ =	sdelay $0x3  }
0x36: {  	p1 =	seq.s32 s10, $0x1;
	s10 =	sld [smem:$0x3FA9];
	_ =	sdelay $0x3  }
0x37: {  	[smem:$0x3FA9] =	sst s10  }
0x38: {  	s10 =	sld [smem:$0x3FAA]  }
0x39: {  	_ = 	snop;
	(pc) =	sbr.ind lr, $3  }
0x3a: {  	_ = 	snop  }
0x3b: {  	_ = 	snop  }
0x3c: {  	p2 =	seq.s32 s10, $0x1;
	s10 =	sld [smem:$0x3FA9]  }
0x3d: {  	_ =	shalt  }
0x3e: {  	_ =	shalt  }
0x3f: {  	_ =	shalt  }
0x40: {  	_ =	shalt  }
0x41: {  	_ =	shalt  }
0x42: {  	_ =	shalt  }
0x43: {  	_ =	shalt  }
0x44: {  	_ =	shalt  }
0x45: {  	_ =	shalt  }
0x46: {  	_ =	shalt  }
0x47: {  	_ =	shalt  }
0x48: {  	_ =	shalt  }
0x49: {  	_ =	shalt  }
0x4a: {  	_ =	shalt  }
0x4b: {  	_ =	shalt  }
0x4c: {  	_ =	shalt  }
0x4d: {  	_ =	shalt  }
0x4e: {  	_ =	shalt  }
0x4f: {  	_ =	shalt  }
0x50: {  	_ =	shalt  }
0x51: {  	_ =	shalt  }
0x52: {  	_ =	shalt  }
0x53: {  	_ =	shalt  }
0x54: {  	_ =	shalt  }
0x55: {  	_ =	shalt  }
0x56: {  	_ =	shalt  }
0x57: {  	_ =	shalt  }
0x58: {  	_ =	shalt  }
0x59: {  	_ =	shalt  }
0x5a: {  	_ =	shalt  }
0x5b: {  	_ =	shalt  }
0x5c: {  	_ =	shalt  }
0x5d: {  	_ =	shalt  }
0x5e: {  	_ =	shalt  }
0x5f: {  	_ =	shalt  }
0x60: {  	_ =	shalt  }
0x61: {  	_ =	shalt  }
0x62: {  	_ =	shalt  }
0x63: {  	_ =	shalt  }
0x64: {  	_ =	shalt  }
0x65: {  	_ =	shalt  }
0x66: {  	_ =	shalt  }
0x67: {  	_ =	shalt  }
0x68: {  	_ =	shalt  }
0x69: {  	_ =	shalt  }
0x6a: {  	_ =	shalt  }
0x6b: {  	_ =	shalt  }
0x6c: {  	_ =	shalt  }
0x6d: {  	_ =	shalt  }
0x6e: {  	_ =	shalt  }
0x6f: {  	_ =	shalt  }
0x70: {  	_ =	shalt  }
0x71: {  	_ =	shalt  }
0x72: {  	_ =	shalt  }
0x73: {  	_ =	shalt  }
0x74: {  	_ =	shalt  }
0x75: {  	_ =	shalt  }
0x76: {  	_ =	shalt  }
0x77: {  	_ =	shalt  }
0x78: {  	_ =	shalt  }
0x79: {  	_ =	shalt  }
0x7a: {  	_ =	shalt  }
0x7b: {  	_ =	shalt  }
0x7c: {  	_ =	shalt  }
0x7d: {  	_ =	shalt  }
0x7e: {  	_ =	shalt  }
0x7f: {  	_ =	shalt  }
0x80: {  	_ =	shalt  }
0x81: {  	_ =	shalt  }
0x82: {  	_ =	shalt  }
0x83: {  	_ =	shalt  }
0x84: {  	_ =	shalt  }
0x85: {  	_ =	shalt  }
0x86: {  	_ =	shalt  }
0x87: {  	_ =	shalt  }
.Lfunc_end0:
.L_simem_size_0:
called_computation.3_lowered:
.L_overlay_start_0:
0x88: {  	s2 =	sld [smem:$0x3FD9]  }
0x89: {  	s3 =	sld [smem:$0x3FFE];
	_ =	sdelay $0x1  }
0x8a: {  	s1 =	srdreg.scid  }
0x8b: {  	s0 =	sand.u32 $0x1, s1  }
0x8c: {  	s16 =	sshll.u32 s0, $0xA;
	s2 =	sadd.s32 s3, s2  }
0x8d: {  	s2 =	sadd.s32 s2, s16  }
0x8e: {  	[smem:$0x3FB5] =	sst s2  }
0x8f: {  	_ = 	snop  }
0x90: {  	(tm) =	ssettm $0x1  }
0x91: {  	s17 =	sld [smem:$0x3FFB];
	_ =	sdelay $0x3  }
0x92: {  	_ =	strace s17  }
0x93: {  	s2 =	sld [smem:$0x3FFC];
	_ =	sdelay $0x3  }
0x94: {  	_ =	strace s2  }
0x95: {  	s2 =	sld [smem:$0x3FFD];
	_ =	sdelay $0x3  }
0x96: {  	_ =	strace s2  }
0x97: {  	_ =	strace $0x8FFFFFFF  }
0x98: {  	s18 =	sld [smem:$0x3FDB];
	_ =	sdelay $0x1  }
0x99: {  	s19 =	simm.s32 $_scs_section_size  }
0x9a: {  	s4 =	simm.s32 $_size__tile_overlayer_lowered;
	s5 =	simm.s32 $_tile_overlayer_lowered  }
0x9b: {  	s22 =	simm.s32 $0x1BFF;
	s21 =	sshll.u32 s5, $0x1;
	s2 =	sadd.s32 s19, s18  }
0x9c: {  	s6 =	simm.s32 $0x0;
	s20 =	sshll.u32 s4, $0x1;
	s4 =	sadd.s32 s21, s2  }
0x9d: {  	[timem:s6], [sflag:s22] =	dma.local [hbm:s4], s20  }
0x9e: {  	_ =	swait.ge [sflag:s22], s20  }
0x9f: {  	s3 =	ssub.s32 $0x0, s20;
	[sflag:s22] =	ssyncset.done $0x0  }
0xa0: {  	[sflag:s22] =	ssyncadd.s32 s3;
	_ =	sdelay $0x1  }
0xa1: {  	s23 =	simm.s32 $0x1B8B  }
0xa2: {  	_ =	swait.ge [sflag:s23], $0x1  }
0xa3: {  	[sflag:s23] =	ssyncset.done $0x0  }
0xa4: {  	s25 =	simm.s32 $0x1B8E;
	s24 =	sld [smem:$0x3FFE];
	[sflag:s23] =	ssyncadd.s32 $0xFFFFFFFF  }
0xa5: {  	s26 =	simm.s32 $execute0_lowered;
	[smem:$0x3FD2] =	sst s25  }
0xa6: {  	s4 =	sshll.u32 s26, $0x1;
	_ =	strace $0x8000004F;
	[dreg:$0x1] =	wrdreg $0xFFFFFFFF  }
0xa7: {  	s28 =	simm.s32 $_size_execute0_lowered;
	s2 =	sadd.s32 s2, s4;
	[dreg:$0x0] =	wrdreg $0x0  }
0xa8: {  	s4 =	sshll.u32 s28, $0x1;
	[dreg:$0x2] =	wrdreg s2  }
0xa9: {  	[dreg:$0x3] =	wrdreg s4  }
0xaa: {  	[dreg:$0x4] =	wrdreg $0xC0  }
0xab: {  	_ =	task [dreg:s6], $0x5FFFF  }
0xac: {  	[dreg:$0x1] =	wrdreg $0xFFFFFFFF  }
0xad: {  	[dreg:$0x0] =	wrdreg $0x60  }
0xae: {  	[dreg:$0x2] =	wrdreg s24  }
0xaf: {  	[dreg:$0x3] =	wrdreg $0xA1800  }
0xb0: {  	[dreg:$0x4] =	wrdreg $0x9  }
0xb1: {  	_ =	task.clear_ibuf [dreg:s6], $0x5FFFF;
	_ =	strace $0x9000004F  }
0xb2: {  	s29 =	simm.s32 $0x9;
	_ =	strace $0x80000051  }
0xb3: {  	_ =	swait.ge [sflag:s29], $0x1  }
0xb4: {  	[sflag:s29] =	ssyncadd.s32 $0xFFFFFFFF  }
0xb5: {  	_ =	strace $0x90000051  }
0xb6: {  	_ =	sfence  }
0xb7: {  	s30 =	sld [smem:$0x0];
	_ =	sdelay $0x2  }
0xb8: {  	s31 =	sshll.u32 s1, $0xD;
	s1 =	sshrl.u32 s1, $0x2  }
0xb9: {  	s3 =	sand.u32 $0x4000, s31;
	s1 =	sadd.s32 s1, s30  }
0xba: {  	s0 =	sor.u32 s3, s0;
	s1 =	sshll.u32 s1, $0x11  }
0xbb: {  	s0 =	sor.u32 s1, s0  }
0xbc: {  	s0 =	sadd.s32 $0x8F2B, s0  }
0xbd: {  	[sflag:s0] =	ssyncadd.remote.s32 $0x1  }
0xbe: {  	_ =	sfence.sel $0xFFFF  }
0xbf: {  	[dreg:$0x0] =	wrdreg $0xFFFFFFFF;
	(pc) =	sbr.abs _section_cstart, $3  }
0xc0: {  	[dreg:$0x1] =	wrdreg $0xFFFFFFFF  }
0xc1: {  	_ =	task.clear_ibuf [dreg:s6], $0x2FFFF;
	_ =	strace $0x9FFFFFFF  }
0xc2: {  	(tm) =	ssettm $0x7FFFFFFF  }
0xc3: {  	_ =	shalt  }
tec
execute0_lowered:
.L_overlay_start_1:
0x0: {  	(tag) =	ssettag $0x1  }
0x1: {  	s10 =	rddreg [dreg:$0x0]  }
0x2: {  	s1 =	rddreg [dreg:$0x1]  }
0x3: {  	s0 =	rddreg [dreg:$0x2];
	s2 =	simm.s32 $0x0;
	s6 =	srdreg.scid  }
0x4: {  	s17 =	simm.s32 $0x2;
	s18 =	simm.s32 $0x80;
	s19 =	simm.s32 $0x100  }
0x5: {  	s20 =	simm.s32 $0x50;
	s21 =	simm.s32 $0x180;
	s22 =	simm.s32 $0x2980  }
0x6: {  	s23 =	simm.s32 $0x5180;
	s24 =	simm.s32 $0x1;
	[smem:$0x7FF] =	sst s2  }
0x7: {  	s3 =	sadd.s32 $0x1DA400, s10;
	s4 =	sadd.s32 $0x88200, s10;
	s12 =	sand.u32 $0x1, s6  }
0x8: {  	s5 =	sadd.s32 $0x78800, s10;
	s6 =	stileid.u32;
	s11 =	smul.u32 $0x27100, s12  }
0x9: {  	s7 =	sadd.s32 $0x97C00, s10;
	s8 =	sadd.s32 $0x9CC00, s10;
	s15 =	smul.u32 $0x50000, s6  }
0xa: {  	s9 =	sadd.s32 $0x56C00, s10;
	_ =	strace $0x80000050;
	s16 =	smul.u32 $0x2800, s6  }
0xb: {  	s13 =	ssub.s32 $0x2, s12;
	p0 =	seq.s32 s6, $0xF;
	s12 =	smul.u32 $0x14000, s12  }
0xc: {  	s31 =	sshrl.u32 s13, $0x1;
	s14 =	sadd.s32 s11, s10;
	s10 =	simm.s32 $0x5  }
0xd: {  	s13 =	ssub.s32 s13, s31;
	s11 =	smul.u32 $0x1400, s6;
	s15 =	sshrl.u32 s15, $0x2  }
0xe: {  	s10 =	simm.s32 @!p0 $0x8;
	s16 =	sadd.s32 s16, s14;
	s13 =	smax.u32 s13, $0x1  }
0xf: {  	v0 =	vimm.f32 $0.0e+00;
	s14 =	sadd.s32 s15, s1;
	s15 =	sadd.s32 $0xEFE00, s16;
	s16 =	simm.s32 $0x7980  }
.LBB2_1:
0x10: {  	s25 =	simm.s32 $0x0;
	s26 =	simm.s32 $0x200  }
.LBB2_2:
0x11: {  	p0 =	sne.s32 s26, $0x9E00;
	[tilespmem:s25+$0x79F0] =	vst v0  }
0x12: {  	[tilespmem:s25+$0x7980] =	vst v0  }
0x13: {  	[tilespmem:s25+$0x7990] =	vst v0  }
.Ltmp0:
0x14: {  	[tilespmem:s25+$0x79A0] =	vst v0;
	(pc) =	sbr.rel @p0 .LBB2_2-.Ltmp0, $4  }
0x15: {  	[tilespmem:s25+$0x79B0] =	vst v0  }
0x16: {  	[tilespmem:s25+$0x79C0] =	vst v0  }
0x17: {  	[tilespmem:s25+$0x79D0] =	vst v0  }
0x18: {  	[tilespmem:s25+$0x79E0] =	vst v0;
	s25 =	sshra.s32 s26, $0x2;
	s26 =	sadd.s32 $0x200, s26  }
0x19: {  	[tilespmem:s25+$0x79F0] =	vst v0  }
0x1a: {  	[tilespmem:s25+$0x7980] =	vst v0  }
0x1b: {  	[tilespmem:s25+$0x7990] =	vst v0  }
0x1c: {  	[tilespmem:s25+$0x79A0] =	vst v0  }
0x1d: {  	[tilespmem:s25+$0x79B0] =	vst v0  }
0x1e: {  	[tilespmem:s25+$0x79C0] =	vst v0;
	p0 =	sne.s32 s10, $0x1  }
.Ltmp1:
0x1f: {  	[tilespmem:s25+$0x79D0] =	vst v0;
	(pc) =	sbr.rel @!p0 .LBB2_5-.Ltmp1, $4  }
0x20: {  	[tilespmem:s25+$0x79E0] =	vst v0  }
0x21: {  	[spmem:s14] =	stream.linear.scatter [tilespmem:s16], [sflag:$0x2], $0x2800, $0x38;
	[tilespmem:$0x1DA40] =	vst v63  }
0x22: {  	_ =	swait.ge [sflag:s17], $0x2800  }
0x23: {  	s25 =	sadd.s32 $0xFFFFFFFF, s10;
	s26 =	smov.u32 s14;
	[sflag:s17] =	ssyncset.done $0x0  }
.LBB2_4:
0x24: {  	p1 =	sne.s32 s25, $0x1;
	[sflag:s17] =	ssyncadd.s32 $0xFFFFD800;
	s26 =	sadd.s32 $0x2800, s26  }
.Ltmp2:
0x25: {  	s25 =	sadd.s32 $0xFFFFFFFF, s25;
	(pc) =	sbr.rel @p1 .LBB2_4-.Ltmp2, $4  }
0x26: {  	_ = 	snop  }
0x27: {  	[spmem:s26] =	stream.linear.scatter [tilespmem:s16], [sflag:$0x2], $0x2800, $0x38;
	[tilespmem:$0x1DA40] =	vst v63  }
0x28: {  	_ =	swait.ge [sflag:s17], $0x2800  }
0x29: {  	[sflag:s17] =	ssyncset.done $0x0  }
.LBB2_5:
0x2a: {  	[sflag:s17] =	ssyncadd.s32 $0xFFFFD800  }
0x2b: {  	s25 =	simm.s32 $0x0;
	s26 =	simm.s32 $0x0;
	[bflag:$0x0] =	sbarrier.arrive $0xFFFF  }
.LBB2_6:
0x2c: {  	s28 =	smul.u32 $0x50, s26;
	_ =	sdelay $0x1  }
0x2d: {  	s28 =	sadd.s32 s11, s28  }
0x2e: {  	s29 =	sadd.s32 s12, s28  }
0x2f: {  	s29 =	sshrl.u32 s29, $0x3  }
0x30: {  	s30 =	sadd.s32 s7, s29  }
0x31: {  	[tilespmem:s25], [sflag:$0x2] =	stream.linear.gather [hbm4b:s30+s25], $0x50, $0x38;
	[tilespmem:$0x1DA40] =	vst v63  }
0x32: {  	_ =	swait.ge [sflag:s17], $0x50  }
0x33: {  	[sflag:s17] =	ssyncset.done $0x0  }
0x34: {  	s29 =	sadd.s32 s8, s29;
	[sflag:s17] =	ssyncadd.s32 $0xFFFFFFB0  }
0x35: {  	[tilespmem:s18], [sflag:$0x2] =	stream.linear.gather [hbm4b:s29+s25], $0x50, $0x38;
	[tilespmem:$0x1DA40] =	vst v63  }
0x36: {  	_ =	swait.ge [sflag:s17], $0x50  }
0x37: {  	s28 =	sshrl.u32 s28, $0x3;
	[sflag:s17] =	ssyncset.done $0x0  }
0x38: {  	s28 =	sadd.s32 s9, s28;
	[sflag:s17] =	ssyncadd.s32 $0xFFFFFFB0  }
0x39: {  	[tilespmem:s19], [sflag:$0x2] =	stream.linear.gather [hbm4b:s28+s25], $0x50, $0x38;
	[tilespmem:$0x1DA40] =	vst v63  }
0x3a: {  	_ =	swait.ge [sflag:s17], $0x50  }
0x3b: {  	[sflag:s17] =	ssyncset.done $0x0  }
0x3c: {  	[sflag:s17] =	ssyncadd.s32 $0xFFFFFFB0  }
0x3d: {  	[tilespmem:s21], [sflag:$0x1] =	stream.indirect.gather [hbm4b:s3+s20], $0x80, s25, s20, $0xb8;
	[tilespmem:$0x1DA40] =	vst v63  }
0x3e: {  	_ = 	snop  }
0x3f: {  	[tilespmem:s22], [sflag:$0x1] =	stream.indirect.gather [hbm4b:s4+s20], $0x80, s18, s20, $0xb8;
	[tilespmem:$0x1DA40] =	vst v63  }
0x40: {  	_ = 	snop  }
0x41: {  	[tilespmem:s23], [sflag:$0x1] =	stream.indirect.gather [hbm4b:s5+s20], $0x80, s18, s20, $0xb8;
	[tilespmem:$0x1DA40] =	vst v63  }
0x42: {  	_ =	swait.ge [sflag:s24], $0x2800  }
0x43: {  	[sflag:s24] =	ssyncset.done $0x0  }
0x44: {  	[sflag:s24] =	ssyncadd.s32 $0xFFFFD800  }
0x45: {  	_ =	swait.ge [sflag:s24], $0x2800  }
0x46: {  	[sflag:s24] =	ssyncset.done $0x0  }
0x47: {  	[sflag:s24] =	ssyncadd.s32 $0xFFFFD800  }
0x48: {  	_ =	swait.ge [sflag:s24], $0x2800  }
0x49: {  	[sflag:s24] =	ssyncset.done $0x0  }
0x4a: {  	s28 =	simm.s32 $0x0;
	[sflag:s24] =	ssyncadd.s32 $0xFFFFD800  }
0x4b: {  	v1 =	vld [tilespmem:s28+$0x29D0]  }
0x4c: {  	v2 =	vld [tilespmem:s28+$0x1D0]  }
0x4d: {  	v3 =	vld [tilespmem:s28+$0x29C0]  }
0x4e: {  	v4 =	vld [tilespmem:s28+$0x29B0]  }
0x4f: {  	v6 =	vld [tilespmem:s28+$0x2990]  }
0x50: {  	v7 =	vld [tilespmem:s28+$0x1B0]  }
0x51: {  	v8 =	vld [tilespmem:s28+$0x190];
	v1 =	vadd.f32 v1, v2  }
0x52: {  	v2 =	vld [tilespmem:s28+$0x1C0]  }
0x53: {  	v9 =	vld [tilespmem:s28+$0x29F0];
	v1 =	vsub.f32 $0.0e+00, v1  }
0x54: {  	v10 =	vld [tilespmem:s28+$0x1F0]  }
0x55: {  	v5 =	vld [tilespmem:s28+$0x29A0];
	v1 =	vmul.f32 $1.442695020e+00, v1  }
0x56: {  	v11 =	vld [tilespmem:s28+$0x1A0]  }
0x57: {  	(erf) = vpow2.f32 v1;
	v1 =	vadd.f32 v3, v2  }
0x58: {  	v2 =	vadd.f32 v4, v7;
	v4 =	vadd.f32 v6, v8  }
0x59: {  	v3 =	vld [tilespmem:s28+$0x29E0];
	v7 =	vadd.f32 v9, v10;
	v1 =	vsub.f32 $0.0e+00, v1  }
0x5a: {  	v6 =	vld [tilespmem:s28+$0x1E0];
	v2 =	vsub.f32 $0.0e+00, v2;
	v4 =	vsub.f32 $0.0e+00, v4  }
0x5b: {  	v5 =	vadd.f32 v5, v11;
	v8 =	vld [tilespmem:s28+$0x2980];
	v1 =	vmul.f32 $1.442695020e+00, v1  }
0x5c: {  	v9 =	vld [tilespmem:s28+$0x180];
	v7 =	vsub.f32 $0.0e+00, v7;
	v2 =	vmul.f32 $1.442695020e+00, v2;
	v4 =	vmul.f32 $1.442695020e+00, v4  }
0x5d: {  	(erf) = vpow2.f32 v1;
	v1 =	vsub.f32 $0.0e+00, v5  }
0x5e: {  	(erf) = vpow2.f32 v2;
	v2 =	vmul.f32 $1.442695020e+00, v7  }
0x5f: {  	v3 =	vadd.f32 v3, v6;
	(erf) = vpow2.f32 v4;
	v1 =	vmul.f32 $1.442695020e+00, v1  }
0x60: {  	v4 =	vpop (erf);
	(erf) = vpow2.f32 v2  }
0x61: {  	v3 =	vsub.f32 $0.0e+00, v3;
	(erf) = vpow2.f32 v1;
	v1 =	vadd.f32 v8, v9  }
0x62: {  	v4 =	vadd.f32 $1.000000000e+00, v4  }
0x63: {  	v2 =	vmul.f32 $1.442695020e+00, v3;
	v1 =	vsub.f32 $0.0e+00, v1  }
0x64: {  	(erf) = vrcp.f32 v4  }
0x65: {  	(erf) = vpow2.f32 v2;
	v1 =	vmul.f32 $1.442695020e+00, v1;
	_ =	sdelay $0x1  }
0x66: {  	(erf) = vpow2.f32 v1  }
0x67: {  	v5 =	vld [tilespmem:s28+$0x51D0];
	v3 =	vpop (erf)  }
0x68: {  	v2 =	vld [tilespmem:s28+$0x51C0];
	v3 =	vadd.f32 $1.000000000e+00, v3;
	v4 =	vpop (erf)  }
0x69: {  	v1 =	vld [tilespmem:s28+$0x5180];
	v4 =	vadd.f32 $1.000000000e+00, v4;
	v6 =	vpop (erf)  }
0x6a: {  	v6 =	vadd.f32 $1.000000000e+00, v6;
	(erf) = vrcp.f32 v3;
	v3 =	vld [tilespmem:s28+$0x51E0];
	v7 =	vpop (erf)  }
0x6b: {  	(erf) = vrcp.f32 v4;
	v4 =	vld [tilespmem:s28+$0x51A0];
	v10 =	vadd.f32 $1.000000000e+00, v7;
	v7 =	vpop (erf)  }
0x6c: {  	(erf) = vrcp.f32 v6;
	v6 =	vld [tilespmem:s28+$0x5190];
	v8 =	vpop (erf)  }
0x6d: {  	s30 =	simm.s32 $0x200;
	s29 =	simm.s32 $0x400;
	v7 =	vadd.f32 $1.000000000e+00, v7;
	(erf) = vrcp.f32 v10;
	v8 =	vmul.f32 v8, v5;
	v5 =	vld [tilespmem:s28+$0x51F0];
	v9 =	vpop (erf)  }
.LBB2_7:
0x6e: {  	p1 =	sne.s32 s29, $0x9E00  }
0x6f: {  	s31 =	sshra.s32 s30, $0x2;
	v10 =	vld [tilespmem:s28+$0x51B0];
	v9 =	vadd.f32 $1.000000000e+00, v9;
	v11 =	vpop (erf);
	(erf) = vrcp.f32 v7;
	s30 =	smov.u32 s29;
	s29 =	sadd.s32 $0x200, s29  }
0x70: {  	v7 =	vld [tilespmem:s31+$0x29D0];
	v11 =	vadd.f32 $1.000000000e+00, v11;
	[tilespmem:s28+$0x1D0] =	vst v8  }
0x71: {  	v8 =	vld [tilespmem:s31+$0x1D0];
	(erf) = vrcp.f32 v9  }
0x72: {  	v9 =	vld [tilespmem:s31+$0x29C0];
	(erf) = vrcp.f32 v11  }
0x73: {  	v11 =	vld [tilespmem:s31+$0x2980];
	v12 =	vpop (erf)  }
0x74: {  	v13 =	vld [tilespmem:s31+$0x29B0];
	v2 =	vmul.f32 v12, v2;
	v12 =	vpop (erf)  }
0x75: {  	v14 =	vld [tilespmem:s31+$0x29A0];
	v10 =	vmul.f32 v12, v10;
	v12 =	vpop (erf)  }
0x76: {  	v15 =	vld [tilespmem:s31+$0x2990];
	v7 =	vadd.f32 v7, v8;
	v12 =	vmul.f32 v12, v6;
	[tilespmem:s28+$0x1C0] =	vst v2  }
0x77: {  	v2 =	vld [tilespmem:s31+$0x1C0];
	[tilespmem:s28+$0x1B0] =	vst v10;
	v8 =	vpop (erf)  }
0x78: {  	v10 =	vld [tilespmem:s31+$0x1B0];
	v7 =	vsub.f32 $0.0e+00, v7;
	[tilespmem:s28+$0x190] =	vst v12;
	v12 =	vmul.f32 v8, v5;
	v6 =	vpop (erf)  }
0x79: {  	v8 =	vld [tilespmem:s31+$0x190];
	v16 =	vmul.f32 v6, v4  }
0x7a: {  	v6 =	vmul.f32 $1.442695020e+00, v7;
	v7 =	vld [tilespmem:s31+$0x29F0];
	[tilespmem:s28+$0x1F0] =	vst v12;
	v5 =	vpop (erf)  }
0x7b: {  	v12 =	vld [tilespmem:s31+$0x1F0];
	[tilespmem:s28+$0x1A0] =	vst v16;
	v3 =	vmul.f32 v5, v3;
	v4 =	vpop (erf)  }
0x7c: {  	v5 =	vld [tilespmem:s31+$0x1A0];
	v2 =	vadd.f32 v9, v2;
	(erf) = vpow2.f32 v6;
	v1 =	vmul.f32 v4, v1  }
0x7d: {  	v4 =	vadd.f32 v13, v10;
	v6 =	vld [tilespmem:s31+$0x29E0];
	[tilespmem:s28+$0x1E0] =	vst v3  }
0x7e: {  	v3 =	vadd.f32 v15, v8;
	v8 =	vsub.f32 $0.0e+00, v2;
	v9 =	vld [tilespmem:s31+$0x1E0];
	[tilespmem:s28+$0x180] =	vst v1;
	s28 =	smov.u32 s31  }
0x7f: {  	v1 =	vld [tilespmem:s28+$0x180];
	v4 =	vsub.f32 $0.0e+00, v4  }
0x80: {  	v3 =	vsub.f32 $0.0e+00, v3;
	v2 =	vld [tilespmem:s28+$0x51C0];
	v8 =	vmul.f32 $1.442695020e+00, v8;
	v7 =	vadd.f32 v7, v12  }
0x81: {  	v5 =	vadd.f32 v14, v5;
	v4 =	vmul.f32 $1.442695020e+00, v4  }
0x82: {  	v3 =	vmul.f32 $1.442695020e+00, v3;
	v7 =	vsub.f32 $0.0e+00, v7;
	(erf) = vpow2.f32 v8  }
0x83: {  	v5 =	vsub.f32 $0.0e+00, v5;
	v8 =	vadd.f32 v6, v9;
	(erf) = vpow2.f32 v4  }
0x84: {  	v1 =	vadd.f32 v11, v1;
	v4 =	vmul.f32 $1.442695020e+00, v7;
	(erf) = vpow2.f32 v3  }
0x85: {  	v3 =	vmul.f32 $1.442695020e+00, v5;
	v5 =	vsub.f32 $0.0e+00, v8;
	v6 =	vpop (erf)  }
0x86: {  	v1 =	vsub.f32 $0.0e+00, v1;
	v6 =	vadd.f32 $1.000000000e+00, v6;
	(erf) = vpow2.f32 v4  }
0x87: {  	v4 =	vmul.f32 $1.442695020e+00, v5;
	(erf) = vpow2.f32 v3  }
0x88: {  	v3 =	vmul.f32 $1.442695020e+00, v1;
	(erf) = vrcp.f32 v6  }
0x89: {  	(erf) = vpow2.f32 v4  }
0x8a: {  	(erf) = vpow2.f32 v3  }
0x8b: {  	v1 =	vpop (erf)  }
0x8c: {  	v3 =	vadd.f32 $1.000000000e+00, v1;
	v1 =	vpop (erf)  }
0x8d: {  	v4 =	vadd.f32 $1.000000000e+00, v1;
	v5 =	vld [tilespmem:s28+$0x51D0];
	v6 =	vpop (erf)  }
.Ltmp3:
0x8e: {  	v1 =	vld [tilespmem:s28+$0x5180];
	v6 =	vadd.f32 $1.000000000e+00, v6;
	(erf) = vrcp.f32 v3;
	(pc) =	sbr.rel @p1 .LBB2_7-.Ltmp3, $4  }
0x8f: {  	v3 =	vld [tilespmem:s28+$0x51E0];
	(erf) = vrcp.f32 v4;
	v7 =	vpop (erf)  }
0x90: {  	v4 =	vld [tilespmem:s28+$0x51A0];
	v10 =	vadd.f32 $1.000000000e+00, v7;
	(erf) = vrcp.f32 v6;
	v7 =	vpop (erf)  }
0x91: {  	v6 =	vld [tilespmem:s28+$0x5190];
	v7 =	vadd.f32 $1.000000000e+00, v7;
	v8 =	vpop (erf)  }
0x92: {  	v8 =	vmul.f32 v8, v5;
	v5 =	vld [tilespmem:s28+$0x51F0];
	v9 =	vpop (erf);
	(erf) = vrcp.f32 v10  }
0x93: {  	_ =	sdelay $0x1  }
0x94: {  	s29 =	sshra.s32 s30, $0x2;
	v10 =	vld [tilespmem:s28+$0x51B0]  }
0x95: {  	v13 =	vpop (erf);
	v11 =	vld [tilespmem:s29+$0x29D0];
	[tilespmem:s28+$0x1D0] =	vst v8  }
0x96: {  	(erf) = vrcp.f32 v7;
	v9 =	vadd.f32 $1.000000000e+00, v9;
	v8 =	vld [tilespmem:s29+$0x1D0];
	v38 =	vpop (erf)  }
0x97: {  	v40 =	vadd.f32 $1.000000000e+00, v13;
	v12 =	vld [tilespmem:s29+$0x29C0];
	v2 =	vmul.f32 v38, v2  }
0x98: {  	v14 =	vld [tilespmem:s29+$0x2980];
	(erf) = vrcp.f32 v9  }
0x99: {  	v15 =	vld [tilespmem:s29+$0x29B0];
	(erf) = vrcp.f32 v40  }
0x9a: {  	v39 =	vld [tilespmem:s29+$0x29A0];
	v16 =	vpop (erf)  }
0x9b: {  	v17 =	vld [tilespmem:s29+$0x2990];
	v10 =	vmul.f32 v16, v10;
	[tilespmem:s28+$0x1C0] =	vst v2;
	v2 =	vpop (erf)  }
0x9c: {  	v2 =	vmul.f32 v2, v6  }
0x9d: {  	v41 =	vld [tilespmem:s29+$0x1C0];
	[tilespmem:s28+$0x1B0] =	vst v10;
	v43 =	vpop (erf)  }
0x9e: {  	v8 =	vadd.f32 v11, v8;
	v42 =	vld [tilespmem:s29+$0x1B0];
	[tilespmem:s28+$0x190] =	vst v2;
	v2 =	vmul.f32 v43, v5  }
0x9f: {  	v45 =	vpop (erf);
	v44 =	vld [tilespmem:s29+$0x190]  }
0xa0: {  	v4 =	vmul.f32 v45, v4;
	v10 =	vld [tilespmem:s29+$0x29F0];
	[tilespmem:s28+$0x1F0] =	vst v2;
	v2 =	vsub.f32 $0.0e+00, v8  }
0xa1: {  	v47 =	vpop (erf)  }
0xa2: {  	v3 =	vmul.f32 v47, v3;
	v48 =	vpop (erf);
	v46 =	vld [tilespmem:s29+$0x1F0];
	[tilespmem:s28+$0x1A0] =	vst v4;
	v2 =	vmul.f32 $1.442695020e+00, v2  }
0xa3: {  	v1 =	vmul.f32 v48, v1;
	v4 =	vld [tilespmem:s29+$0x1A0]  }
0xa4: {  	v49 =	vld [tilespmem:s29+$0x29E0];
	[tilespmem:s28+$0x1E0] =	vst v3;
	(erf) = vpow2.f32 v2;
	v2 =	vadd.f32 v12, v41  }
0xa5: {  	v3 =	vadd.f32 v15, v42;
	v50 =	vld [tilespmem:s29+$0x1E0];
	[tilespmem:s28+$0x180] =	vst v1;
	v5 =	vadd.f32 v17, v44  }
0xa6: {  	v1 =	vsub.f32 $0.0e+00, v2;
	v2 =	vld [tilespmem:s29+$0x180]  }
0xa7: {  	v3 =	vsub.f32 $0.0e+00, v3;
	v5 =	vsub.f32 $0.0e+00, v5  }
0xa8: {  	v8 =	vadd.f32 v10, v46;
	v1 =	vmul.f32 $1.442695020e+00, v1  }
0xa9: {  	v3 =	vmul.f32 $1.442695020e+00, v3;
	v4 =	vadd.f32 v39, v4;
	v5 =	vmul.f32 $1.442695020e+00, v5  }
0xaa: {  	v51 =	vsub.f32 $0.0e+00, v8;
	v52 =	vadd.f32 v49, v50;
	(erf) = vpow2.f32 v1  }
0xab: {  	v1 =	vsub.f32 $0.0e+00, v4;
	(erf) = vpow2.f32 v3;
	v2 =	vadd.f32 v14, v2  }
0xac: {  	v4 =	vsub.f32 $0.0e+00, v52;
	v3 =	vmul.f32 $1.442695020e+00, v51;
	(erf) = vpow2.f32 v5  }
0xad: {  	v1 =	vmul.f32 $1.442695020e+00, v1;
	v53 =	vpop (erf);
	v2 =	vsub.f32 $0.0e+00, v2  }
0xae: {  	(erf) = vpow2.f32 v3;
	v3 =	vmul.f32 $1.442695020e+00, v4;
	v5 =	vadd.f32 $1.000000000e+00, v53  }
0xaf: {  	(erf) = vpow2.f32 v1;
	v1 =	vmul.f32 $1.442695020e+00, v2  }
0xb0: {  	(erf) = vrcp.f32 v5  }
0xb1: {  	(erf) = vpow2.f32 v3  }
0xb2: {  	(erf) = vpow2.f32 v1  }
0xb3: {  	v1 =	vpop (erf)  }
0xb4: {  	v2 =	vpop (erf);
	v1 =	vadd.f32 $1.000000000e+00, v1  }
0xb5: {  	v3 =	vpop (erf)  }
0xb6: {  	v3 =	vadd.f32 $1.000000000e+00, v3  }
0xb7: {  	v2 =	vadd.f32 $1.000000000e+00, v2;
	v54 =	vpop (erf);
	(erf) = vrcp.f32 v1  }
0xb8: {  	v1 =	vpop (erf)  }
0xb9: {  	(erf) = vrcp.f32 v2;
	v2 =	vadd.f32 $1.000000000e+00, v54;
	v55 =	vpop (erf)  }
0xba: {  	(erf) = vrcp.f32 v3;
	v1 =	vadd.f32 $1.000000000e+00, v1;
	v3 =	vpop (erf)  }
0xbb: {  	(erf) = vrcp.f32 v2;
	v2 =	vadd.f32 $1.000000000e+00, v3;
	v3 =	vpop (erf)  }
0xbc: {  	(erf) = vrcp.f32 v1;
	v1 =	vadd.f32 $1.000000000e+00, v3;
	v3 =	vld [tilespmem:s29+$0x51C0]  }
0xbd: {  	v56 =	vld [tilespmem:s29+$0x51D0]  }
0xbe: {  	(erf) = vrcp.f32 v2  }
0xbf: {  	v2 =	vld [tilespmem:s29+$0x51B0];
	(erf) = vrcp.f32 v1  }
0xc0: {  	v1 =	vld [tilespmem:s29+$0x5190];
	v59 =	vpop (erf)  }
0xc1: {  	v57 =	vld [tilespmem:s29+$0x51F0];
	v3 =	vmul.f32 v59, v3  }
0xc2: {  	v58 =	vld [tilespmem:s29+$0x51A0];
	v4 =	vmul.f32 v55, v56  }
0xc3: {  	v60 =	vld [tilespmem:s29+$0x51E0];
	v61 =	vpop (erf)  }
0xc4: {  	v62 =	vld [tilespmem:s29+$0x5180];
	[tilespmem:s29+$0x1D0] =	vst v4;
	v63 =	vpop (erf);
	v2 =	vmul.f32 v61, v2  }
0xc5: {  	v1 =	vmul.f32 v63, v1;
	[tilespmem:s29+$0x1C0] =	vst v3;
	v3 =	vpop (erf)  }
0xc6: {  	[tilespmem:s29+$0x1B0] =	vst v2;
	v2 =	vmul.f32 v3, v57;
	v3 =	vpop (erf)  }
0xc7: {  	[tilespmem:s29+$0x190] =	vst v1;
	v1 =	vmul.f32 v3, v58;
	v3 =	vpop (erf)  }
0xc8: {  	[tilespmem:s29+$0x1F0] =	vst v2;
	v2 =	vmul.f32 v3, v60;
	v3 =	vpop (erf)  }
0xc9: {  	s26 =	sadd.s32 $0x1, s26;
	[tilespmem:s29+$0x1A0] =	vst v1;
	v1 =	vmul.f32 v3, v62  }
0xca: {  	p1 =	sne.s32 s26, $0x40;
	[tilespmem:s29+$0x1E0] =	vst v2  }
.Ltmp4:
0xcb: {  	[tilespmem:s29+$0x180] =	vst v1;
	(pc) =	sbr.rel @p1 .LBB2_6-.Ltmp4, $4  }
0xcc: {  	[spmem:s1] =	stream.indirect.scatter.add.f32 [tilespmem:s21], [sflag:$0x2], $0x80, s19, s20, $0xb8;
	[tilespmem:$0x1DA40] =	vst v63  }
0xcd: {  	_ =	swait.ge [sflag:s17], $0x2800  }
0xce: {  	[sflag:s17] =	ssyncset.done $0x0  }
0xcf: {  	[sflag:s17] =	ssyncadd.s32 $0xFFFFD800  }
.Ltmp5:
0xd0: {  	(pc) =	sbr.rel @!p0 .LBB2_11-.Ltmp5, $4  }
0xd1: {  	s25 =	sshll.u32 s6, $0x6;
	[bflag:$0x0] =	sbarrier.arrive $0xFFFF  }
0xd2: {  	s26 =	sshrl.u32 s14, $0x3;
	s28 =	sadd.s32 $0x500, s15;
	s25 =	sor.u32 $0x1C02, s25  }
0xd3: {  	[hbm:s15], [sflag:s25] =	dma.local [spmem:s26], $0x500  }
0xd4: {  	s29 =	smov.u32 s14;
	s26 =	sadd.s32 $0xFFFFFFFF, s10;
	_ =	swait.ge [sflag:s17], $0x500  }
.LBB2_10:
0xd5: {  	[sflag:s17] =	ssyncset.done $0x0;
	s29 =	sadd.s32 $0x2800, s29;
	p0 =	sne.s32 s26, $0x1  }
.Ltmp6:
0xd6: {  	s30 =	sshrl.u32 s29, $0x3;
	[sflag:s17] =	ssyncadd.s32 $0xFFFFFB00;
	(pc) =	sbr.rel @p0 .LBB2_10-.Ltmp6, $3  }
0xd7: {  	[hbm:s28], [sflag:s25] =	dma.local [spmem:s30], $0x500  }
0xd8: {  	s26 =	sadd.s32 $0xFFFFFFFF, s26;
	_ =	sdelay $0x1  }
0xd9: {  	s28 =	sadd.s32 $0x500, s28;
	_ =	swait.ge [sflag:s17], $0x500  }
.LBB2_11:
0xda: {  	s2 =	sadd.s32 $0x1, s2  }
0xdb: {  	p0 =	sne.s32 s2, s13  }
.Ltmp7:
0xdc: {  	_ = 	snop;
	(pc) =	sbr.rel @p0 .LBB2_1-.Ltmp7, $3  }
0xdd: {  	_ =	sdelay $0x1  }
0xde: {  	[sflag:s17] =	ssyncset.done $0x0  }
0xdf: {  	[sflag:s17] =	ssyncadd.s32 $0xFFFFFB00  }
0xe0: {  	_ =	sfence.sel $0x180000  }
0xe1: {  	[bflag:$0x0] =	sbarrier.arrive $0xFFFF  }
0xe2: {  	p0 =	sne.s32 s6, $0x0;
	_ =	strace $0x90000050  }
0xe3: {  	s0 =	sadd.s32 @!p0 $0x100000, s0;
	[bflag:$0x2] =	sbarrier.arrive $0xFFFF  }
0xe4: {  	[sflag:s0] =	ssyncadd.tile.s32 @!p0 $0x1;
	_ =	shalt  }
.Lfunc_end2:
_tile_overlayer_lowered:
.L_overlay_start_2:
0xe5: {  	(tag) =	ssettag $0x2  }
0xe6: {  	s0 =	rddreg [dreg:$0x0];
	s2 =	stileid.u32  }
0xe7: {  	s1 =	rddreg [dreg:$0x1];
	p0 =	sne.s32 s2, $0x0  }
0xe8: {  	s3 =	rddreg [dreg:$0x2];
	[bflag:$0x3] =	sbarrier.arrive $0xFFFF;
	s2 =	simm.s32 @!p0 $0x1C02  }
0xe9: {  	[timem:s3], [sflag:s2] =	dma.local @!p0 [hbm:s0], s1  }
0xea: {  	s0 =	simm.s32 @!p0 $0x2  }
0xeb: {  	_ =	swait.ge @!p0 [sflag:s0], s1  }
0xec: {  	s1 =	ssub.s32 @!p0 $0x0, s1;
	[sflag:s0] =	ssyncset.done @!p0 $0x0  }
0xed: {  	[sflag:s0] =	ssyncadd.s32 @!p0 s1  }
0xee: {  	[bflag:$0x3] =	sbarrier.arrive $0xFFFF  }
0xef: {  	_ =	shalt  }

// kernel: kernel.23.cloned.1.call-start
scs
__scs_entry_jumppad:
0x0: {  	(pc) =	sbr.rel $0x88, $3  }
0x1: {  	(tag) =	ssettag $0x0;
	lr =	simm.s32 $0x1  }
0x2: {  	[smem:$0x3F8E] =	sst lr;
	_ =	strace $0xD0000000  }
0x3: {  	_ = 	snop  }
0x4: {  	_ = 	snop  }
0x5: {  	_ = 	snop  }
0x6: {  	_ = 	snop  }
0x7: {  	_ = 	snop  }
__scs_overlays_trampoline_lowered:
0x8: {  	[smem:$0x3F9D] =	sst s0  }
0x9: {  	[smem:$0x3F9E] =	sst s1  }
0xa: {  	[smem:$0x3F9F] =	sst s2  }
0xb: {  	[smem:$0x3FA0] =	sst s3  }
0xc: {  	[smem:$0x3FA1] =	sst s4  }
0xd: {  	[smem:$0x3FA2] =	sst s5  }
0xe: {  	[smem:$0x3FA3] =	sst s6  }
0xf: {  	[smem:$0x3FA4] =	sst s7  }
0x10: {  	[smem:$0x3FA5] =	sst s8  }
0x11: {  	[smem:$0x3FA6] =	sst s9;
	s0 =	simm.s32 @!p0 $0x0  }
0x12: {  	s1 =	sld [smem:$0x3F8C];
	s0 =	simm.s32 @p0 $0x1  }
0x13: {  	[smem:$0x3FA7] =	sst s0;
	s0 =	simm.s32 @!p1 $0x0  }
0x14: {  	s2 =	sld [smem:$0x3F8B];
	s0 =	simm.s32 @p1 $0x1  }
0x15: {  	[smem:$0x3FA8] =	sst s0;
	s0 =	simm.s32 @!p2 $0x0  }
0x16: {  	s3 =	sld [smem:$0x3FDB];
	s0 =	simm.s32 @p2 $0x1  }
0x17: {  	s4 =	simm.s32 $0x1BF5;
	[smem:$0x3FAA] =	sst s0  }
0x18: {  	s0 =	sld [smem:$0x3F8D];
	_ =	swait.ge [sflag:s4], $0x0  }
0x19: {  	s7 =	sld [smem:$0x3F8E]  }
0x1a: {  	s8 =	sadd.s32 $0xFFFFE003, lr  }
0x1b: {  	s9 =	sadd.s32 $0xFFFFFEF7, lr;
	s5 =	simm.s32 $0xFFFFFFFF;
	p2 =	slt.u32 s8, $0xFFFFF086  }
0x1c: {  	p1 =	slt.u32 s9, $0xF7A;
	s5 =	simm.s32 @!p2 $0x0  }
0x1d: {  	s5 =	simm.s32 @p1 $0x1;
	p0 =	seq.s32 s7, s2  }
0x1e: {  	s7 =	smul.u32 @!p0 $0xF7A, s2;
	p2 =	seq.s32 @!p0 s5, $0x0  }
0x1f: {  	s9 =	smul.u32 $0xF7A, s1;
	s8 =	simm.s32 @!p0 $0x1BF5;
	p2 =	por !p2, p0  }
0x20: {  	[sflag:s8] =	ssyncset.s32 @!p0 $0xFFFFF086;
	s6 =	sadd.s32 @!p0 s3, s7;
	s7 =	simm.s32 @!p0 $0x108  }
0x21: {  	s3 =	sadd.s32 s3, s9;
	s6 =	sadd.s32 @!p0 $0x88, s6;
	s7 =	simm.s32 @p2 $0x1082  }
0x22: {  	[simem:s7], [sflag:s8] =	dma.local @!p0 [hbm:s6], $0xF7A  }
0x23: {  	s9 =	sor.u32 $0xD0000000, s2;
	s6 =	simm.s32 $0x108;
	_ =	swait.ge @!p0 [sflag:s8], $0x0  }
0x24: {  	s3 =	sadd.s32 $0x88, s3;
	s6 =	simm.s32 @!p1 $0x1082;
	[sflag:s4] =	ssyncset.s32 $0xFFFFF086  }
0x25: {  	[simem:s6], [sflag:s4] =	dma.local [hbm:s3], $0xF7A  }
0x26: {  	[smem:$0x3F8E] =	sst s1;
	(tag) =	ssettag s2;
	_ =	strace s9  }
0x27: {  	s1 =	sld [smem:$0x3F9E]  }
0x28: {  	s2 =	sld [smem:$0x3F9F]  }
0x29: {  	s4 =	sld [smem:$0x3FA1]  }
0x2a: {  	p0 =	seq.s32 s5, $0x0;
	s5 =	sld [smem:$0x3FA2]  }
0x2b: {  	s6 =	sld [smem:$0x3FA3]  }
0x2c: {  	s7 =	sld [smem:$0x3FA4]  }
0x2d: {  	s3 =	simm.s32 $0x108;
	s8 =	sld [smem:$0x3FA5]  }
0x2e: {  	s3 =	simm.s32 @!p0 $0x1082;
	s9 =	sld [smem:$0x3FA6]  }
0x2f: {  	lr =	sadd.s32 s0, s3;
	s0 =	sld [smem:$0x3F9D]  }
0x30: {  	s3 =	sld [smem:$0x3FA0]  }
0x31: {  	[smem:$0x3FA9] =	sst s10  }
0x32: {  	s10 =	sld [smem:$0x3FA7];
	_ =	sdelay $0x3  }
0x33: {  	p0 =	seq.s32 s10, $0x1;
	s10 =	sld [smem:$0x3FA9];
	_ =	sdelay $0x3  }
0x34: {  	[smem:$0x3FA9] =	sst s10  }
0x35: {  	s10 =	sld [smem:$0x3FA8];
	_ =	sdelay $0x3  }
0x36: {  	p1 =	seq.s32 s10, $0x1;
	s10 =	sld [smem:$0x3FA9];
	_ =	sdelay $0x3  }
0x37: {  	[smem:$0x3FA9] =	sst s10  }
0x38: {  	s10 =	sld [smem:$0x3FAA]  }
0x39: {  	_ = 	snop;
	(pc) =	sbr.ind lr, $3  }
0x3a: {  	_ = 	snop  }
0x3b: {  	_ = 	snop  }
0x3c: {  	p2 =	seq.s32 s10, $0x1;
	s10 =	sld [smem:$0x3FA9]  }
0x3d: {  	_ =	shalt  }
0x3e: {  	_ =	shalt  }
0x3f: {  	_ =	shalt  }
0x40: {  	_ =	shalt  }
0x41: {  	_ =	shalt  }
0x42: {  	_ =	shalt  }
0x43: {  	_ =	shalt  }
0x44: {  	_ =	shalt  }
0x45: {  	_ =	shalt  }
0x46: {  	_ =	shalt  }
0x47: {  	_ =	shalt  }
0x48: {  	_ =	shalt  }
0x49: {  	_ =	shalt  }
0x4a: {  	_ =	shalt  }
0x4b: {  	_ =	shalt  }
0x4c: {  	_ =	shalt  }
0x4d: {  	_ =	shalt  }
0x4e: {  	_ =	shalt  }
0x4f: {  	_ =	shalt  }
0x50: {  	_ =	shalt  }
0x51: {  	_ =	shalt  }
0x52: {  	_ =	shalt  }
0x53: {  	_ =	shalt  }
0x54: {  	_ =	shalt  }
0x55: {  	_ =	shalt  }
0x56: {  	_ =	shalt  }
0x57: {  	_ =	shalt  }
0x58: {  	_ =	shalt  }
0x59: {  	_ =	shalt  }
0x5a: {  	_ =	shalt  }
0x5b: {  	_ =	shalt  }
0x5c: {  	_ =	shalt  }
0x5d: {  	_ =	shalt  }
0x5e: {  	_ =	shalt  }
0x5f: {  	_ =	shalt  }
0x60: {  	_ =	shalt  }
0x61: {  	_ =	shalt  }
0x62: {  	_ =	shalt  }
0x63: {  	_ =	shalt  }
0x64: {  	_ =	shalt  }
0x65: {  	_ =	shalt  }
0x66: {  	_ =	shalt  }
0x67: {  	_ =	shalt  }
0x68: {  	_ =	shalt  }
0x69: {  	_ =	shalt  }
0x6a: {  	_ =	shalt  }
0x6b: {  	_ =	shalt  }
0x6c: {  	_ =	shalt  }
0x6d: {  	_ =	shalt  }
0x6e: {  	_ =	shalt  }
0x6f: {  	_ =	shalt  }
0x70: {  	_ =	shalt  }
0x71: {  	_ =	shalt  }
0x72: {  	_ =	shalt  }
0x73: {  	_ =	shalt  }
0x74: {  	_ =	shalt  }
0x75: {  	_ =	shalt  }
0x76: {  	_ =	shalt  }
0x77: {  	_ =	shalt  }
0x78: {  	_ =	shalt  }
0x79: {  	_ =	shalt  }
0x7a: {  	_ =	shalt  }
0x7b: {  	_ =	shalt  }
0x7c: {  	_ =	shalt  }
0x7d: {  	_ =	shalt  }
0x7e: {  	_ =	shalt  }
0x7f: {  	_ =	shalt  }
0x80: {  	_ =	shalt  }
0x81: {  	_ =	shalt  }
0x82: {  	_ =	shalt  }
0x83: {  	_ =	shalt  }
0x84: {  	_ =	shalt  }
0x85: {  	_ =	shalt  }
0x86: {  	_ =	shalt  }
0x87: {  	_ =	shalt  }
.Lfunc_end0:
.L_simem_size_0:
called_computation.4_lowered:
.L_overlay_start_0:
0x88: {  	s2 =	sld [smem:$0x3FD9]  }
0x89: {  	s3 =	sld [smem:$0x3FFE];
	_ =	sdelay $0x1  }
0x8a: {  	s1 =	srdreg.scid  }
0x8b: {  	s0 =	sand.u32 $0x1, s1  }
0x8c: {  	s17 =	sshll.u32 s0, $0xA;
	s2 =	sadd.s32 s3, s2  }
0x8d: {  	s2 =	sadd.s32 s2, s17  }
0x8e: {  	[smem:$0x3FB5] =	sst s2  }
0x8f: {  	_ = 	snop  }
0x90: {  	(tm) =	ssettm $0x1  }
0x91: {  	s18 =	sld [smem:$0x3FFB];
	_ =	sdelay $0x3  }
0x92: {  	_ =	strace s18  }
0x93: {  	s2 =	sld [smem:$0x3FFC];
	_ =	sdelay $0x3  }
0x94: {  	_ =	strace s2  }
0x95: {  	s2 =	sld [smem:$0x3FFD];
	_ =	sdelay $0x3  }
0x96: {  	_ =	strace s2  }
0x97: {  	_ =	strace $0x8FFFFFFF  }
0x98: {  	s19 =	sld [smem:$0x3FDB];
	_ =	sdelay $0x1  }
0x99: {  	s20 =	simm.s32 $_scs_section_size  }
0x9a: {  	s4 =	simm.s32 $_size__tile_overlayer_lowered;
	s5 =	simm.s32 $_tile_overlayer_lowered  }
0x9b: {  	s6 =	simm.s32 $0x1BFF;
	s21 =	sshll.u32 s5, $0x1;
	s3 =	sadd.s32 s20, s19  }
0x9c: {  	s22 =	simm.s32 $0x0;
	s4 =	sshll.u32 s4, $0x1;
	s5 =	sadd.s32 s21, s3  }
0x9d: {  	[timem:s22], [sflag:s6] =	dma.local [hbm:s5], s4  }
0x9e: {  	_ =	swait.ge [sflag:s6], s4  }
0x9f: {  	s4 =	ssub.s32 $0x0, s4;
	[sflag:s6] =	ssyncset.done $0x0  }
0xa0: {  	[sflag:s6] =	ssyncadd.s32 s4;
	_ =	sdelay $0x1  }
0xa1: {  	s23 =	simm.s32 $0x1B8B  }
0xa2: {  	_ =	swait.ge [sflag:s23], $0x1  }
0xa3: {  	[sflag:s23] =	ssyncset.done $0x0  }
0xa4: {  	[sflag:s23] =	ssyncadd.s32 $0xFFFFFFFF  }
0xa5: {  	s4 =	sld [smem:$0x0]  }
0xa6: {  	s5 =	sand.u32 $0xFFFFFFFE, s1  }
0xa7: {  	p0 =	sne.s32 s1, s5  }
0xa8: {  	s5 =	sshll.u32 @p0 s5, $0xE  }
0xa9: {  	s5 =	sadd.s32 @p0 $0x11B8D, s5;
	s6 =	sshll.u32 @p0 s4, $0x11  }
0xaa: {  	s5 =	sor.u32 @p0 s6, s5  }
0xab: {  	[sflag:s5] =	ssyncadd.remote.s32 @p0 $0x1;
	_ =	sdelay $0x1  }
0xac: {  	s5 =	simm.s32 @p0 $0x1B8D  }
0xad: {  	_ =	swait.eq @p0 [sflag:s5], $0x1  }
0xae: {  	[sflag:s5] =	ssyncadd.s32 @p0 $0xFFFFFFFF  }
0xaf: {  	s6 =	sshll.u32 @!p0 s1, $0xE  }
0xb0: {  	s6 =	sor.u32 @!p0 $0x4000, s6;
	s5 =	simm.s32 @!p0 $0x1B8D  }
0xb1: {  	s4 =	sshll.u32 @!p0 s4, $0x11;
	s6 =	sadd.s32 @!p0 $0x11B8D, s6;
	_ =	swait.eq @!p0 [sflag:s5], $0x1  }
0xb2: {  	s4 =	sor.u32 @!p0 s4, s6;
	[sflag:s5] =	ssyncadd.s32 @!p0 $0xFFFFFFFF  }
0xb3: {  	s25 =	simm.s32 $0x1B8E;
	s24 =	sld [smem:$0x3FFE];
	[sflag:s4] =	ssyncadd.remote.s32 @!p0 $0x1  }
0xb4: {  	s26 =	simm.s32 $execute0_lowered;
	[smem:$0x3FD2] =	sst s25  }
0xb5: {  	s5 =	sshll.u32 s26, $0x1;
	_ =	strace $0x80000052;
	[dreg:$0x1] =	wrdreg $0xFFFFFFFF  }
0xb6: {  	s28 =	simm.s32 $_size_execute0_lowered;
	s3 =	sadd.s32 s3, s5;
	[dreg:$0x0] =	wrdreg $0x0  }
0xb7: {  	s5 =	sshll.u32 s28, $0x1;
	[dreg:$0x2] =	wrdreg s3  }
0xb8: {  	[dreg:$0x3] =	wrdreg s5  }
0xb9: {  	[dreg:$0x4] =	wrdreg $0xC0  }
0xba: {  	_ =	task [dreg:s22], $0x5FFFF  }
0xbb: {  	[dreg:$0x1] =	wrdreg $0xFFFFFFFF  }
0xbc: {  	[dreg:$0x0] =	wrdreg $0x60  }
0xbd: {  	[dreg:$0x2] =	wrdreg s24  }
0xbe: {  	[dreg:$0x3] =	wrdreg $0x51000  }
0xbf: {  	[dreg:$0x4] =	wrdreg $0xA  }
0xc0: {  	_ =	task.clear_ibuf [dreg:s22], $0x5FFFF;
	_ =	strace $0x90000052  }
0xc1: {  	s29 =	simm.s32 $0xA;
	_ =	strace $0x80000054  }
0xc2: {  	_ =	swait.ge [sflag:s29], $0x1  }
0xc3: {  	[sflag:s29] =	ssyncadd.s32 $0xFFFFFFFF  }
0xc4: {  	_ =	strace $0x90000054  }
0xc5: {  	_ =	sfence  }
0xc6: {  	s30 =	sld [smem:$0x0];
	_ =	sdelay $0x2  }
0xc7: {  	s31 =	sshll.u32 s1, $0xD;
	s1 =	sshrl.u32 s1, $0x2  }
0xc8: {  	s4 =	sand.u32 $0x4000, s31;
	s1 =	sadd.s32 s1, s30  }
0xc9: {  	s0 =	sor.u32 s4, s0;
	s1 =	sshll.u32 s1, $0x11  }
0xca: {  	s0 =	sor.u32 s1, s0  }
0xcb: {  	s0 =	sadd.s32 $0x8F2B, s0  }
0xcc: {  	[sflag:s0] =	ssyncadd.remote.s32 $0x1  }
0xcd: {  	_ =	sfence.sel $0xFFFF  }
0xce: {  	[dreg:$0x0] =	wrdreg $0xFFFFFFFF;
	(pc) =	sbr.abs _section_cstart, $3  }
0xcf: {  	[dreg:$0x1] =	wrdreg $0xFFFFFFFF  }
0xd0: {  	_ =	task.clear_ibuf [dreg:s22], $0x2FFFF;
	_ =	strace $0x9FFFFFFF  }
0xd1: {  	(tm) =	ssettm $0x7FFFFFFF  }
tec
execute0_lowered:
.L_overlay_start_1:
0x0: {  	(tag) =	ssettag $0x1  }
0x1: {  	s6 =	rddreg [dreg:$0x0]  }
0x2: {  	s1 =	srdreg.scid;
	s0 =	stileid.u32  }
0x3: {  	s2 =	rddreg [dreg:$0x1];
	s3 =	simm.s32 $0x0;
	s14 =	simm.s32 $0x50  }
0x4: {  	s15 =	simm.s32 $0x100;
	s16 =	simm.s32 $0x1;
	s5 =	smul.u32 $0x2710, s0  }
0x5: {  	s4 =	sand.u32 $0x1, s1;
	s1 =	rddreg [dreg:$0x2];
	s8 =	smul.u32 $0x4E2, s0  }
0x6: {  	s18 =	simm.s32 $0x0;
	[smem:$0x7FF] =	sst s3;
	s11 =	smul.u32 $0x50000, s0  }
0x7: {  	p0 =	seq.s32 s0, $0xF;
	s12 =	smul.u32 $0x2800, s0;
	s17 =	sshll.u32 s0, $0x6  }
0x8: {  	s7 =	smul.u32 $0x27100, s4;
	_ =	strace $0x80000053;
	s9 =	ssub.s32 $0x2, s4  }
0x9: {  	s4 =	sadd.s32 $0x8A00, s6;
	s17 =	sor.u32 $0x1C02, s17;
	s29 =	sshrl.u32 s9, $0x1  }
0xa: {  	s8 =	sadd.s32 s8, s6;
	s30 =	sshrl.u32 s11, $0x2;
	s11 =	simm.s32 $0x2900  }
0xb: {  	s5 =	sadd.s32 s5, s7;
	s9 =	ssub.s32 s9, s29;
	s13 =	sadd.s32 s7, s6  }
0xc: {  	s7 =	sadd.s32 $0x3A00, s8;
	s8 =	sadd.s32 s30, s2;
	s5 =	sshrl.u32 s5, $0x3  }
0xd: {  	s31 =	sadd.s32 s12, s13;
	s12 =	simm.s32 $0x2;
	s13 =	simm.s32 $0x80  }
0xe: {  	s10 =	sadd.s32 s5, s6;
	s5 =	simm.s32 $0x5;
	s6 =	smax.u32 s9, $0x1  }
0xf: {  	v0 =	vimm.f32 $0.0e+00;
	s5 =	simm.s32 @!p0 $0x8;
	s9 =	sadd.s32 $0x228600, s10;
	s10 =	sadd.s32 $0x232400, s31  }
.LBB2_1:
0x10: {  	s19 =	simm.s32 $0x0;
	s20 =	simm.s32 $0x200  }
.LBB2_2:
0x11: {  	p0 =	sne.s32 s20, $0x9E00;
	[tilespmem:s19+$0x2970] =	vst v0  }
0x12: {  	[tilespmem:s19+$0x2900] =	vst v0  }
0x13: {  	[tilespmem:s19+$0x2910] =	vst v0  }
.Ltmp0:
0x14: {  	[tilespmem:s19+$0x2920] =	vst v0;
	(pc) =	sbr.rel @p0 .LBB2_2-.Ltmp0, $4  }
0x15: {  	[tilespmem:s19+$0x2930] =	vst v0  }
0x16: {  	[tilespmem:s19+$0x2940] =	vst v0  }
0x17: {  	[tilespmem:s19+$0x2950] =	vst v0  }
0x18: {  	[tilespmem:s19+$0x2960] =	vst v0;
	s19 =	sshra.s32 s20, $0x2;
	s20 =	sadd.s32 $0x200, s20  }
0x19: {  	[tilespmem:s19+$0x2970] =	vst v0  }
0x1a: {  	[tilespmem:s19+$0x2900] =	vst v0  }
0x1b: {  	[tilespmem:s19+$0x2910] =	vst v0  }
0x1c: {  	[tilespmem:s19+$0x2920] =	vst v0  }
0x1d: {  	[tilespmem:s19+$0x2930] =	vst v0  }
0x1e: {  	[tilespmem:s19+$0x2940] =	vst v0;
	p0 =	sne.s32 s5, $0x1  }
.Ltmp1:
0x1f: {  	[tilespmem:s19+$0x2950] =	vst v0;
	(pc) =	sbr.rel @!p0 .LBB2_5-.Ltmp1, $4  }
0x20: {  	[tilespmem:s19+$0x2960] =	vst v0  }
0x21: {  	[spmem:s8] =	stream.linear.scatter [tilespmem:s11], [sflag:$0x2], $0x2800, $0x38;
	[tilespmem:$0x18980] =	vst v63  }
0x22: {  	_ =	swait.ge [sflag:s12], $0x2800  }
0x23: {  	s19 =	sadd.s32 $0xFFFFFFFF, s5;
	s20 =	smov.u32 s8;
	[sflag:s12] =	ssyncset.done $0x0  }
.LBB2_4:
0x24: {  	p1 =	sne.s32 s19, $0x1;
	[sflag:s12] =	ssyncadd.s32 $0xFFFFD800;
	s20 =	sadd.s32 $0x2800, s20  }
.Ltmp2:
0x25: {  	s19 =	sadd.s32 $0xFFFFFFFF, s19;
	(pc) =	sbr.rel @p1 .LBB2_4-.Ltmp2, $4  }
0x26: {  	_ = 	snop  }
0x27: {  	[spmem:s20] =	stream.linear.scatter [tilespmem:s11], [sflag:$0x2], $0x2800, $0x38;
	[tilespmem:$0x18980] =	vst v63  }
0x28: {  	_ =	swait.ge [sflag:s12], $0x2800  }
0x29: {  	[sflag:s12] =	ssyncset.done $0x0  }
.LBB2_5:
0x2a: {  	[sflag:s12] =	ssyncadd.s32 $0xFFFFD800  }
0x2b: {  	s19 =	sadd.s32 $0x0, s9;
	[bflag:$0x0] =	sbarrier.arrive $0xFFFF  }
0x2c: {  	[tilespmem:s3], [sflag:$0x2] =	stream.linear.gather [hbm4b:s19+s3], $0x50, $0x38;
	[tilespmem:$0x18980] =	vst v63  }
0x2d: {  	_ =	swait.ge [sflag:s12], $0x50  }
0x2e: {  	[sflag:s12] =	ssyncset.done $0x0  }
0x2f: {  	s31 =	sadd.s32 $0x0, s7;
	[sflag:s12] =	ssyncadd.s32 $0xFFFFFFB0  }
0x30: {  	[tilespmem:s13], [sflag:$0x2] =	stream.linear.gather [hbm4b:s31+s3], $0x50, $0x38;
	[tilespmem:$0x18980] =	vst v63  }
0x31: {  	_ =	swait.ge [sflag:s12], $0x50  }
0x32: {  	[sflag:s12] =	ssyncset.done $0x0  }
0x33: {  	[sflag:s12] =	ssyncadd.s32 $0xFFFFFFB0  }
0x34: {  	[tilespmem:s15], [sflag:$0x1] =	stream.indirect.gather [hbm4b:s4+s14], $0x80, s3, s14, $0xb8;
	[tilespmem:$0x18980] =	vst v63  }
0x35: {  	_ =	swait.ge [sflag:s16], $0x2800  }
0x36: {  	[sflag:s16] =	ssyncset.done $0x0  }
0x37: {  	[sflag:s16] =	ssyncadd.s32 $0xFFFFD800  }
0x38: {  	[spmem:s2] =	stream.indirect.scatter.add.f32 [tilespmem:s15], [sflag:$0x2], $0x80, s13, s14, $0xb8;
	[tilespmem:$0x18980] =	vst v63  }
0x39: {  	_ =	swait.ge [sflag:s12], $0x2800  }
0x3a: {  	s20 =	simm.s32 $0x14;
	s19 =	simm.s32 $0xA;
	[sflag:s12] =	ssyncset.done $0x0  }
.LBB2_6:
0x3b: {  	s21 =	sadd.s32 s19, s9  }
0x3c: {  	[sflag:s12] =	ssyncadd.s32 $0xFFFFD800;
	s22 =	smov.u32 s20;
	s23 =	sadd.s32 $0xA, s20  }
0x3d: {  	[tilespmem:s3], [sflag:$0x2] =	stream.linear.gather [hbm4b:s21+s3], $0x50, $0x38;
	[tilespmem:$0x18980] =	vst v63  }
0x3e: {  	p1 =	sne.s32 s20, $0x4D8;
	_ =	swait.ge [sflag:s12], $0x50  }
0x3f: {  	[sflag:s12] =	ssyncset.done $0x0  }
0x40: {  	s20 =	sadd.s32 s19, s7;
	s19 =	smov.u32 s22;
	[sflag:s12] =	ssyncadd.s32 $0xFFFFFFB0  }
0x41: {  	[tilespmem:s13], [sflag:$0x2] =	stream.linear.gather [hbm4b:s20+s3], $0x50, $0x38;
	[tilespmem:$0x18980] =	vst v63  }
0x42: {  	_ =	swait.ge [sflag:s12], $0x50  }
0x43: {  	[sflag:s12] =	ssyncset.done $0x0  }
0x44: {  	[sflag:s12] =	ssyncadd.s32 $0xFFFFFFB0  }
0x45: {  	[tilespmem:s15], [sflag:$0x1] =	stream.indirect.gather [hbm4b:s4+s14], $0x80, s3, s14, $0xb8;
	[tilespmem:$0x18980] =	vst v63  }
0x46: {  	_ =	swait.ge [sflag:s16], $0x2800  }
.Ltmp3:
0x47: {  	[sflag:s16] =	ssyncset.done $0x0;
	(pc) =	sbr.rel @p1 .LBB2_6-.Ltmp3, $4  }
0x48: {  	[sflag:s16] =	ssyncadd.s32 $0xFFFFD800  }
0x49: {  	[spmem:s2] =	stream.indirect.scatter.add.f32 [tilespmem:s15], [sflag:$0x2], $0x80, s13, s14, $0xb8;
	[tilespmem:$0x18980] =	vst v63  }
0x4a: {  	_ =	swait.ge [sflag:s12], $0x2800  }
0x4b: {  	s20 =	smov.u32 s23;
	[sflag:s12] =	ssyncset.done $0x0  }
0x4c: {  	s20 =	sadd.s32 s19, s9;
	[sflag:s12] =	ssyncadd.s32 $0xFFFFD800  }
0x4d: {  	[tilespmem:s3], [sflag:$0x2] =	stream.linear.gather [hbm4b:s20+s3], $0x50, $0x38;
	[tilespmem:$0x18980] =	vst v63  }
0x4e: {  	_ =	swait.ge [sflag:s12], $0x50  }
0x4f: {  	[sflag:s12] =	ssyncset.done $0x0  }
0x50: {  	s30 =	sadd.s32 s19, s7;
	[sflag:s12] =	ssyncadd.s32 $0xFFFFFFB0  }
0x51: {  	[tilespmem:s13], [sflag:$0x2] =	stream.linear.gather [hbm4b:s30+s3], $0x50, $0x38;
	[tilespmem:$0x18980] =	vst v63  }
0x52: {  	_ =	swait.ge [sflag:s12], $0x50  }
0x53: {  	[sflag:s12] =	ssyncset.done $0x0  }
0x54: {  	[sflag:s12] =	ssyncadd.s32 $0xFFFFFFB0  }
0x55: {  	[tilespmem:s15], [sflag:$0x1] =	stream.indirect.gather [hbm4b:s4+s14], $0x80, s3, s14, $0xb8;
	[tilespmem:$0x18980] =	vst v63  }
0x56: {  	_ =	swait.ge [sflag:s16], $0x2800  }
0x57: {  	[sflag:s16] =	ssyncset.done $0x0  }
0x58: {  	[sflag:s16] =	ssyncadd.s32 $0xFFFFD800  }
0x59: {  	[spmem:s2] =	stream.indirect.scatter.add.f32 [tilespmem:s15], [sflag:$0x2], $0x80, s13, s14, $0xb8;
	[tilespmem:$0x18980] =	vst v63  }
0x5a: {  	_ =	swait.ge [sflag:s12], $0x2800  }
0x5b: {  	[sflag:s12] =	ssyncset.done $0x0  }
.Ltmp4:
0x5c: {  	[sflag:s12] =	ssyncadd.s32 $0xFFFFD800;
	(pc) =	sbr.rel @!p0 .LBB2_9-.Ltmp4, $4  }
0x5d: {  	s31 =	sshrl.u32 s8, $0x3;
	[bflag:$0x0] =	sbarrier.arrive $0xFFFF  }
0x5e: {  	[hbm:s10], [sflag:s17] =	dma.local [spmem:s31], $0x500  }
0x5f: {  	s19 =	sadd.s32 $0xFFFFFFFF, s5;
	_ =	swait.ge [sflag:s12], $0x500  }
0x60: {  	s21 =	smov.u32 s10;
	s20 =	sadd.s32 $0x2800, s8;
	[sflag:s12] =	ssyncset.done $0x0  }
.LBB2_8:
0x61: {  	s22 =	sshrl.u32 s20, $0x3  }
0x62: {  	[sflag:s12] =	ssyncadd.s32 $0xFFFFFB00;
	s21 =	sadd.s32 $0x500, s21;
	p0 =	sne.s32 s19, $0x1  }
0x63: {  	[hbm:s21], [sflag:s17] =	dma.local [spmem:s22], $0x500  }
.Ltmp5:
0x64: {  	_ = 	snop;
	(pc) =	sbr.rel @p0 .LBB2_8-.Ltmp5, $4  }
0x65: {  	_ = 	snop  }
0x66: {  	s19 =	sadd.s32 $0xFFFFFFFF, s19  }
0x67: {  	_ =	swait.ge [sflag:s12], $0x500  }
0x68: {  	s20 =	sadd.s32 $0x2800, s20;
	[sflag:s12] =	ssyncset.done $0x0  }
.LBB2_9:
0x69: {  	s18 =	sadd.s32 $0x1, s18  }
0x6a: {  	p0 =	sne.s32 s18, s6  }
.Ltmp6:
0x6b: {  	_ = 	snop;
	(pc) =	sbr.rel @p0 .LBB2_1-.Ltmp6, $2  }
0x6c: {  	_ =	sdelay $0x2  }
0x6d: {  	[sflag:s12] =	ssyncadd.s32 $0xFFFFFB00  }
0x6e: {  	_ =	sfence.sel $0x180000  }
0x6f: {  	[bflag:$0x0] =	sbarrier.arrive $0xFFFF  }
0x70: {  	p0 =	sne.s32 s0, $0x0;
	_ =	strace $0x90000053  }
0x71: {  	s0 =	sadd.s32 @!p0 $0x100000, s1;
	[bflag:$0x2] =	sbarrier.arrive $0xFFFF  }
0x72: {  	[sflag:s0] =	ssyncadd.tile.s32 @!p0 $0x1;
	_ =	shalt  }
.Lfunc_end2:
_tile_overlayer_lowered:
.L_overlay_start_2:
0x73: {  	(tag) =	ssettag $0x2  }
0x74: {  	s0 =	rddreg [dreg:$0x0];
	s2 =	stileid.u32  }
0x75: {  	s1 =	rddreg [dreg:$0x1];
	p0 =	sne.s32 s2, $0x0  }
0x76: {  	s3 =	rddreg [dreg:$0x2];
	[bflag:$0x3] =	sbarrier.arrive $0xFFFF;
	s2 =	simm.s32 @!p0 $0x1C02  }
0x77: {  	[timem:s3], [sflag:s2] =	dma.local @!p0 [hbm:s0], s1  }
0x78: {  	s0 =	simm.s32 @!p0 $0x2  }
0x79: {  	_ =	swait.ge @!p0 [sflag:s0], s1  }
0x7a: {  	s1 =	ssub.s32 @!p0 $0x0, s1;
	[sflag:s0] =	ssyncset.done @!p0 $0x0  }
0x7b: {  	[sflag:s0] =	ssyncadd.s32 @!p0 s1  }
0x7c: {  	[bflag:$0x3] =	sbarrier.arrive $0xFFFF  }
0x7d: {  	_ =	shalt  }

</sc_bundles>
